<compile_context>
chip_gen: v7x
topology: tpu7x:2x2x1
jax: 0.10.2.dev20260603
libtpu: 0.0.44.dev20260713+nightly
codegen_flags: <defaults>
</compile_context>

<pallas_src>
import functools

import jax
import jax.numpy as jnp
from jax import lax
from jax.experimental import pallas as pl
from jax.experimental.pallas import tpu as pltpu
from jax.experimental.pallas import tpu_sc as plsc

N = 10000
E = 320000
D_IN = 128
H = 64
C = 40

NC = 2
NS = 16
NW = NC * NS
CHUNK = 128
NBUF = 8
LOOK = 6
NCH = E // CHUNK
BASE = NCH // NW
EXTRA = NCH - BASE * NW
CH = BASE + 2
CH_MAX = 80
NP = 10112
RPS = NP // NS

_mesh = plsc.VectorSubcoreMesh(core_axis_name="c", subcore_axis_name="s")


@functools.partial(
    pl.kernel,
    out_type=jax.ShapeDtypeStruct((NC, NP, 16), jnp.float32),
    mesh=_mesh,
    compiler_params=pltpu.CompilerParams(use_tc_tiling_on_sc=False),
    scratch_types=[
        pltpu.VMEM((CH, CHUNK), jnp.int32),
        pltpu.VMEM((CHUNK, 16), jnp.float32),
        pltpu.VMEM_SHARED((NP, 16), jnp.float32),
        pltpu.SemaphoreType.DMA,
    ],
)
def _deg_sc(edge_hbm, ones_hbm, zeros_hbm, out_hbm, col_v, ones_v, deg_sh, sem):
    c = lax.axis_index("c")
    s = lax.axis_index("s")
    w = c * NS + s
    pltpu.sync_copy(edge_hbm.at[1, pl.ds(w * BASE, BASE)],
                    col_v.at[pl.ds(0, BASE)])

    @pl.when(w < EXTRA)
    def _():
        pltpu.sync_copy(edge_hbm.at[1, pl.ds(NW * BASE + w, 1)],
                        col_v.at[pl.ds(BASE, 1)])

    pltpu.sync_copy(ones_hbm, ones_v)
    pltpu.sync_copy(zeros_hbm.at[pl.ds(s * RPS, RPS)],
                    deg_sh.at[pl.ds(s * RPS, RPS)])
    plsc.subcore_barrier()

    def fire(j, carry):
        pltpu.async_copy(ones_v, deg_sh.at[col_v.at[j]], sem, add=True)
        return carry

    lax.fori_loop(0, BASE, fire, 0)

    @pl.when(w < EXTRA)
    def _():
        pltpu.async_copy(ones_v, deg_sh.at[col_v.at[BASE]], sem, add=True)

    def drain(j, carry):
        pltpu.make_async_copy(ones_v, deg_sh.at[col_v.at[j]], sem).wait()
        return carry

    lax.fori_loop(0, BASE, drain, 0)

    @pl.when(w < EXTRA)
    def _():
        pltpu.make_async_copy(ones_v, deg_sh.at[col_v.at[BASE]], sem).wait()

    plsc.subcore_barrier()
    pltpu.sync_copy(deg_sh.at[pl.ds(s * RPS, RPS)],
                    out_hbm.at[c, pl.ds(s * RPS, RPS)])


@functools.partial(
    pl.kernel,
    out_type=jax.ShapeDtypeStruct((NC, NP, H), jnp.float32),
    mesh=_mesh,
    compiler_params=pltpu.CompilerParams(use_tc_tiling_on_sc=False),
    scratch_types=[
        pltpu.VMEM((CH, CHUNK), jnp.int32),
        pltpu.VMEM((CH, CHUNK), jnp.int32),
        pltpu.VMEM((NBUF, CHUNK, H), jnp.float32),
        pltpu.VMEM_SHARED((NP, H), jnp.float32),
        pltpu.SemaphoreType.DMA((NBUF,)),
        pltpu.SemaphoreType.DMA((NBUF,)),
    ],
)
def _agg_sc(s_hbm, edge_hbm, zeros_hbm, out_hbm,
            row_v, col_v, bufs, agg_sh, gsem, ssem):
    c = lax.axis_index("c")
    s = lax.axis_index("s")
    w = c * NS + s
    nck = BASE + jnp.where(w < EXTRA, 1, 0)
    pltpu.sync_copy(edge_hbm.at[0, pl.ds(w * BASE, BASE)],
                    row_v.at[pl.ds(0, BASE)])
    pltpu.sync_copy(edge_hbm.at[1, pl.ds(w * BASE, BASE)],
                    col_v.at[pl.ds(0, BASE)])

    @pl.when(w < EXTRA)
    def _():
        pltpu.sync_copy(edge_hbm.at[0, pl.ds(NW * BASE + w, 1)],
                        row_v.at[pl.ds(BASE, 1)])
        pltpu.sync_copy(edge_hbm.at[1, pl.ds(NW * BASE + w, 1)],
                        col_v.at[pl.ds(BASE, 1)])

    pltpu.sync_copy(zeros_hbm.at[pl.ds(s * RPS, RPS)],
                    agg_sh.at[pl.ds(s * RPS, RPS)])
    plsc.subcore_barrier()

    def start_gather(j, b):
        pltpu.async_copy(s_hbm.at[row_v.at[j]], bufs.at[b], gsem.at[b])

    def wait_gather(j, b):
        pltpu.make_async_copy(s_hbm.at[row_v.at[j]], bufs.at[b],
                              gsem.at[b]).wait()

    def start_scatter(j, b):
        pltpu.async_copy(bufs.at[b], agg_sh.at[col_v.at[j]], ssem.at[b],
                         add=True)

    def wait_scatter(j, b):
        pltpu.make_async_copy(bufs.at[b], agg_sh.at[col_v.at[j]],
                              ssem.at[b]).wait()

    for j in range(LOOK):
        start_gather(j, j)

    def group(g, carry):
        i0 = g * NBUF
        for b in range(NBUF):
            i = i0 + b
            bn = (b + LOOK) % NBUF
            prev = i + LOOK - NBUF

            @pl.when((prev >= 0) & (prev < nck))
            def _():
                wait_scatter(prev, bn)

            @pl.when(i + LOOK < nck)
            def _():
                start_gather(i + LOOK, bn)

            @pl.when(i < nck)
            def _():
                wait_gather(i, b)
                start_scatter(i, b)
        return carry

    lax.fori_loop(0, CH_MAX // NBUF, group, 0)
    for j in range(CH_MAX + LOOK - NBUF, CH_MAX):

        @pl.when(j < nck)
        def _():
            wait_scatter(j, j % NBUF)

    plsc.subcore_barrier()
    pltpu.sync_copy(agg_sh.at[pl.ds(s * RPS, RPS)],
                    out_hbm.at[c, pl.ds(s * RPS, RPS)])


def _stage1_body(deg_ref, data_ref, w1_ref, s_ref, dinv_ref):
    cnt = deg_ref[0, 0:N, :] + deg_ref[1, 0:N, :]
    dinv = lax.rsqrt(cnt + 1.0)
    h = jnp.dot(data_ref[...], w1_ref[...], preferred_element_type=jnp.float32)
    s_ref[...] = h * dinv
    dinv_ref[...] = dinv


_stage1 = pl.pallas_call(
    _stage1_body,
    out_shape=(jax.ShapeDtypeStruct((N, H), jnp.float32),
               jax.ShapeDtypeStruct((N, 1), jnp.float32)),
)


def _stage2_body(p_ref, s_ref, dinv_ref, b_ref, g_ref, be_ref, w2_ref, out_ref):
    dinv = dinv_ref[...]
    agg = p_ref[0, 0:N, :] + p_ref[1, 0:N, :] + s_ref[...]
    x = jnp.maximum(agg * dinv + b_ref[...], 0.0)
    m = jnp.mean(x, axis=0, keepdims=True)
    v = jnp.mean((x - m) ** 2, axis=0, keepdims=True)
    x = (x - m) * lax.rsqrt(v + 1e-5) * g_ref[...] + be_ref[...]
    x = jnp.maximum(x, 0.0)
    h = jnp.dot(x, w2_ref[...], preferred_element_type=jnp.float32)
    out_ref[...] = h * dinv


_stage2 = pl.pallas_call(
    _stage2_body,
    out_shape=jax.ShapeDtypeStruct((N, H), jnp.float32),
)


def _stage3_body(p_ref, s_ref, dinv_ref, b_ref, g_ref, be_ref, w3_ref, b3_ref,
                 out_ref):
    dinv = dinv_ref[...]
    agg = p_ref[0, 0:N, :] + p_ref[1, 0:N, :] + s_ref[...]
    x = jnp.maximum(agg * dinv + b_ref[...], 0.0)
    m = jnp.mean(x, axis=0, keepdims=True)
    v = jnp.mean((x - m) ** 2, axis=0, keepdims=True)
    x = (x - m) * lax.rsqrt(v + 1e-5) * g_ref[...] + be_ref[...]
    h = jnp.dot(x, w3_ref[...], preferred_element_type=jnp.float32)
    out_ref[...] = jnp.maximum(h + b3_ref[...], 0.0)


_stage3 = pl.pallas_call(
    _stage3_body,
    out_shape=jax.ShapeDtypeStruct((N, C), jnp.float32),
)


def kernel(data, edge_index, W1, b1, g1, be1, W2, b2, g2, be2, W3, b3):
    edge3 = edge_index.reshape(2, NCH, CHUNK)
    ones16 = jnp.zeros((CHUNK, 16), jnp.float32).at[:, 0].set(1.0)
    zeros16 = jnp.zeros((NP, 16), jnp.float32)
    zeros64 = jnp.zeros((NP, H), jnp.float32)

    deg = _deg_sc(edge3, ones16, zeros16)
    s1, dinv = _stage1(deg[:, :, 0:1], data, W1)
    p1 = _agg_sc(s1, edge3, zeros64)
    s2 = _stage2(p1, s1, dinv, b1.reshape(1, H), g1.reshape(1, H),
                 be1.reshape(1, H), W2)
    p2 = _agg_sc(s2, edge3, zeros64)
    out = _stage3(p2, s2, dinv, b2.reshape(1, H), g2.reshape(1, H),
                  be2.reshape(1, H), W3, b3.reshape(1, C))
    return out

# --- scband reference (transcript-rebuilt; emitter-appended) ---
"""Pipeline reference for scband-encoder-7095285973646 (READ-ONLY COPY).

The authoritative reference and input builder live on the scoring server;
editing this copy changes nothing except your own understanding.
"""

import jax, jax.numpy as jnp
import numpy as np

N = 10000
E = 320000
D_IN = 128
H = 64
C = 40


def gcn_conv(x, edge_index, W, b):
    # PyG GCNConv: add self-loops, symmetric normalization, x @ W then scatter-add
    row = edge_index[0]
    col = edge_index[1]
    loops = jnp.arange(N, dtype=row.dtype)
    row = jnp.concatenate([row, loops])
    col = jnp.concatenate([col, loops])
    deg = jax.ops.segment_sum(jnp.ones_like(col, dtype=x.dtype), col, num_segments=N)
    dinv = jnp.where(deg > 0, 1.0 / jnp.sqrt(deg), 0.0)
    norm = dinv[row] * dinv[col]
    h = x @ W
    msg = h[row] * norm[:, None]
    out = jax.ops.segment_sum(msg, col, num_segments=N)
    return out + b


def batchnorm(x, gamma, beta, eps=1e-5):
    # training-mode BatchNorm1d using batch statistics (biased var)
    mean = jnp.mean(x, axis=0)
    var = jnp.mean((x - mean) ** 2, axis=0)
    return (x - mean) / jnp.sqrt(var + eps) * gamma + beta


def setup_inputs(seed: int = 0):
    key = jax.random.key(seed)
    ks = jax.random.split(key, 8)
    data = jax.random.normal(ks[0], (N, D_IN), dtype=jnp.float32)
    edge_index = jax.random.randint(ks[1], (2, E), 0, N, dtype=jnp.int32)
    W1 = jax.random.normal(ks[2], (D_IN, H), dtype=jnp.float32) * 0.05
    b1 = jnp.zeros((H,), dtype=jnp.float32)
    g1 = jnp.ones((H,), dtype=jnp.float32)
    be1 = jnp.zeros((H,), dtype=jnp.float32)
    W2 = jax.random.normal(ks[3], (H, H), dtype=jnp.float32) * 0.05
    b2 = jnp.zeros((H,), dtype=jnp.float32)
    g2 = jnp.ones((H,), dtype=jnp.float32)
    be2 = jnp.zeros((H,), dtype=jnp.float32)
    W3 = jax.random.normal(ks[4], (H, C), dtype=jnp.float32) * 0.05
    b3 = jnp.zeros((C,), dtype=jnp.float32)
    return {"data": data, "edge_index": edge_index, "W1": W1, "b1": b1, "g1": g1, "be1": be1, "W2": W2, "b2": b2, "g2": g2, "be2": be2, "W3": W3, "b3": b3}


def reference(data, edge_index, W1, b1, g1, be1, W2, b2, g2, be2, W3, b3):
    # Block 0 (outer i=0): relu(GCNConv), then relu(BatchNorm) since i != len(block)-1
    x = jax.nn.relu(gcn_conv(data, edge_index, W1, b1))
    x = jax.nn.relu(batchnorm(x, g1, be1))
    # Block 1 (outer i=1): relu(GCNConv), then BatchNorm WITHOUT relu since i == 1 == len(block)-1
    x = jax.nn.relu(gcn_conv(x, edge_index, W2, b2))
    x = batchnorm(x, g2, be2)
    # Block 2 (outer i=2, single Linear): i != len(block)-1 (=0), so relu(Linear)
    x = jax.nn.relu(x @ W3 + b3)
    # args.simple == True -> return x only
    return x

if __name__ == "__main__":
    import jax
    _d = setup_inputs()
    print(jax.jit(kernel)(*tuple(_d.values())))

</pallas_src>

<mosaic_0001>
#map = affine_map<(d0, d1) -> (0, 0)>
#map1 = affine_map<(d0, d1) -> (0, 0, 0)>
module attributes {stable_mosaic.version = 14 : i64} {
  func.func @_agg_sc(%arg0: i32, %arg1: i32, %arg2: memref<10000x64xf32, #tpu.memory_space<hbm>>, %arg3: memref<2x2500x128xi32, #tpu.memory_space<hbm>>, %arg4: memref<10112x64xf32, #tpu.memory_space<hbm>>, %arg5: memref<2x10112x64xf32, #tpu.memory_space<hbm>>, %arg6: memref<80x128xi32, #tpu.memory_space<vmem>>, %arg7: memref<80x128xi32, #tpu.memory_space<vmem>>, %arg8: memref<8x128x64xf32, #tpu.memory_space<vmem>>, %arg9: memref<10112x64xf32, #tpu.memory_space<vmem_shared>>, %arg10: memref<8x!tpu.dma_semaphore, #tpu.memory_space<semaphore_mem>>, %arg11: memref<8x!tpu.dma_semaphore, #tpu.memory_space<semaphore_mem>>) attributes {dimension_semantics = [#tpu.dimension_semantics<core_parallel>, #tpu.dimension_semantics<subcore_parallel>], iteration_bounds = array<i64: 2, 16>, scalar_prefetch = 0 : i64, scratch_operands = 6 : i64, tpu.core_type = #tpu.core_type<sc_vector_subcore>, window_params = [{transform_indices = #map}, {transform_indices = #map1}, {transform_indices = #map}, {transform_indices = #map1}]} {
    %mul3A = arith.constant 16 : i32
    %mul3A_0 = arith.muli %arg0, %mul3A : i32
    %add3A = arith.addi %mul3A_0, %arg1 : i32
    %lt3A = arith.constant 4 : i32
    %lt3A_1 = arith.cmpi slt, %add3A, %lt3A : i32
    %jit3A = arith.constant 1 : i32
    %jit3A_2 = arith.constant 0 : i32
    %select_n3A = arith.select %lt3A_1, %jit3A, %jit3A_2 : i32
    %add3A_3 = arith.constant 78 : i32
    %add3A_4 = arith.addi %add3A_3, %select_n3A : i32
    %mul3A_5 = arith.constant 78 : i32
    %mul3A_6 = arith.muli %add3A, %mul3A_5 : i32
    %run_scoped3A = arith.constant 0 : i32
    "tpu.region"() ({
      %run_scoped3A_125 = tpu.sem_alloc : memref<!tpu.dma_semaphore, #tpu.memory_space<semaphore_mem>>
      %dma_start3A_126 = arith.constant 0 : i32
      %dma_start3A_127 = arith.constant 0 : i32
      %dma_start3A_128 = tpu.memref_slice %arg6[%dma_start3A_126, %dma_start3A_127] : memref<80x128xi32, #tpu.memory_space<vmem>> -> memref<78x128xi32, #tpu.memory_space<vmem>>
      %dma_start3A_129 = arith.constant 0 : i32
      %dma_start3A_130 = tpu.memref_slice %arg3[%run_scoped3A, %mul3A_6, %dma_start3A_129] : memref<2x2500x128xi32, #tpu.memory_space<hbm>> -> memref<1x78x128xi32, #tpu.memory_space<hbm>>
      %dma_start3A_131 = tpu.memref_squeeze %dma_start3A_130 : memref<1x78x128xi32, #tpu.memory_space<hbm>> -> memref<78x128xi32, #tpu.memory_space<hbm>>
      %dma_start3A_132 = arith.constant 0 : i32
      %dma_start3A_133 = arith.constant 0 : i32
      %dma_start3A_134 = tpu.memref_slice %arg6[%dma_start3A_132, %dma_start3A_133] : memref<80x128xi32, #tpu.memory_space<vmem>> -> memref<78x128xi32, #tpu.memory_space<vmem>>
      %dma_start3A_135 = arith.constant 0 : i32
      %dma_start3A_136 = tpu.memref_slice %arg3[%run_scoped3A, %mul3A_6, %dma_start3A_135] : memref<2x2500x128xi32, #tpu.memory_space<hbm>> -> memref<1x78x128xi32, #tpu.memory_space<hbm>>
      %dma_start3A_137 = tpu.memref_squeeze %dma_start3A_136 : memref<1x78x128xi32, #tpu.memory_space<hbm>> -> memref<78x128xi32, #tpu.memory_space<hbm>>
      tpu.enqueue_dma source(%dma_start3A_137 : memref<78x128xi32, #tpu.memory_space<hbm>>) target(%dma_start3A_134 : memref<78x128xi32, #tpu.memory_space<vmem>>) target_semaphore(%run_scoped3A_125 : memref<!tpu.dma_semaphore, #tpu.memory_space<semaphore_mem>>)
      %dma_wait3A = arith.constant 0 : i32
      %dma_wait3A_138 = arith.constant 0 : i32
      %dma_wait3A_139 = tpu.memref_slice %arg6[%dma_wait3A, %dma_wait3A_138] : memref<80x128xi32, #tpu.memory_space<vmem>> -> memref<78x128xi32, #tpu.memory_space<vmem>>
      %dma_wait3A_140 = arith.constant 0 : i32
      %dma_wait3A_141 = tpu.memref_slice %arg3[%run_scoped3A, %mul3A_6, %dma_wait3A_140] : memref<2x2500x128xi32, #tpu.memory_space<hbm>> -> memref<1x78x128xi32, #tpu.memory_space<hbm>>
      %dma_wait3A_142 = tpu.memref_squeeze %dma_wait3A_141 : memref<1x78x128xi32, #tpu.memory_space<hbm>> -> memref<78x128xi32, #tpu.memory_space<hbm>>
      %dma_wait3A_143 = arith.constant 0 : i32
      %dma_wait3A_144 = arith.constant 0 : i32
      %dma_wait3A_145 = tpu.memref_slice %arg6[%dma_wait3A_143, %dma_wait3A_144] : memref<80x128xi32, #tpu.memory_space<vmem>> -> memref<78x128xi32, #tpu.memory_space<vmem>>
      %dma_wait3A_146 = arith.constant 0 : i32
      %dma_wait3A_147 = tpu.memref_slice %arg3[%run_scoped3A, %mul3A_6, %dma_wait3A_146] : memref<2x2500x128xi32, #tpu.memory_space<hbm>> -> memref<1x78x128xi32, #tpu.memory_space<hbm>>
      %dma_wait3A_148 = tpu.memref_squeeze %dma_wait3A_147 : memref<1x78x128xi32, #tpu.memory_space<hbm>> -> memref<78x128xi32, #tpu.memory_space<hbm>>
      tpu.wait_dma2 semaphore(%run_scoped3A_125 : memref<!tpu.dma_semaphore, #tpu.memory_space<semaphore_mem>>) src(%dma_wait3A_148 : memref<78x128xi32, #tpu.memory_space<hbm>>) dst(%dma_wait3A_145 : memref<78x128xi32, #tpu.memory_space<vmem>>)
      tpu.yield
    }) : () -> ()
    %mul3A_7 = arith.constant 78 : i32
    %mul3A_8 = arith.muli %add3A, %mul3A_7 : i32
    %run_scoped3A_9 = arith.constant 1 : i32
    "tpu.region"() ({
      %run_scoped3A_125 = tpu.sem_alloc : memref<!tpu.dma_semaphore, #tpu.memory_space<semaphore_mem>>
      %dma_start3A_126 = arith.constant 0 : i32
      %dma_start3A_127 = arith.constant 0 : i32
      %dma_start3A_128 = tpu.memref_slice %arg7[%dma_start3A_126, %dma_start3A_127] : memref<80x128xi32, #tpu.memory_space<vmem>> -> memref<78x128xi32, #tpu.memory_space<vmem>>
      %dma_start3A_129 = arith.constant 0 : i32
      %dma_start3A_130 = tpu.memref_slice %arg3[%run_scoped3A_9, %mul3A_8, %dma_start3A_129] : memref<2x2500x128xi32, #tpu.memory_space<hbm>> -> memref<1x78x128xi32, #tpu.memory_space<hbm>>
      %dma_start3A_131 = tpu.memref_squeeze %dma_start3A_130 : memref<1x78x128xi32, #tpu.memory_space<hbm>> -> memref<78x128xi32, #tpu.memory_space<hbm>>
      %dma_start3A_132 = arith.constant 0 : i32
      %dma_start3A_133 = arith.constant 0 : i32
      %dma_start3A_134 = tpu.memref_slice %arg7[%dma_start3A_132, %dma_start3A_133] : memref<80x128xi32, #tpu.memory_space<vmem>> -> memref<78x128xi32, #tpu.memory_space<vmem>>
      %dma_start3A_135 = arith.constant 0 : i32
      %dma_start3A_136 = tpu.memref_slice %arg3[%run_scoped3A_9, %mul3A_8, %dma_start3A_135] : memref<2x2500x128xi32, #tpu.memory_space<hbm>> -> memref<1x78x128xi32, #tpu.memory_space<hbm>>
      %dma_start3A_137 = tpu.memref_squeeze %dma_start3A_136 : memref<1x78x128xi32, #tpu.memory_space<hbm>> -> memref<78x128xi32, #tpu.memory_space<hbm>>
      tpu.enqueue_dma source(%dma_start3A_137 : memref<78x128xi32, #tpu.memory_space<hbm>>) target(%dma_start3A_134 : memref<78x128xi32, #tpu.memory_space<vmem>>) target_semaphore(%run_scoped3A_125 : memref<!tpu.dma_semaphore, #tpu.memory_space<semaphore_mem>>)
      %dma_wait3A = arith.constant 0 : i32
      %dma_wait3A_138 = arith.constant 0 : i32
      %dma_wait3A_139 = tpu.memref_slice %arg7[%dma_wait3A, %dma_wait3A_138] : memref<80x128xi32, #tpu.memory_space<vmem>> -> memref<78x128xi32, #tpu.memory_space<vmem>>
      %dma_wait3A_140 = arith.constant 0 : i32
      %dma_wait3A_141 = tpu.memref_slice %arg3[%run_scoped3A_9, %mul3A_8, %dma_wait3A_140] : memref<2x2500x128xi32, #tpu.memory_space<hbm>> -> memref<1x78x128xi32, #tpu.memory_space<hbm>>
      %dma_wait3A_142 = tpu.memref_squeeze %dma_wait3A_141 : memref<1x78x128xi32, #tpu.memory_space<hbm>> -> memref<78x128xi32, #tpu.memory_space<hbm>>
      %dma_wait3A_143 = arith.constant 0 : i32
      %dma_wait3A_144 = arith.constant 0 : i32
      %dma_wait3A_145 = tpu.memref_slice %arg7[%dma_wait3A_143, %dma_wait3A_144] : memref<80x128xi32, #tpu.memory_space<vmem>> -> memref<78x128xi32, #tpu.memory_space<vmem>>
      %dma_wait3A_146 = arith.constant 0 : i32
      %dma_wait3A_147 = tpu.memref_slice %arg3[%run_scoped3A_9, %mul3A_8, %dma_wait3A_146] : memref<2x2500x128xi32, #tpu.memory_space<hbm>> -> memref<1x78x128xi32, #tpu.memory_space<hbm>>
      %dma_wait3A_148 = tpu.memref_squeeze %dma_wait3A_147 : memref<1x78x128xi32, #tpu.memory_space<hbm>> -> memref<78x128xi32, #tpu.memory_space<hbm>>
      tpu.wait_dma2 semaphore(%run_scoped3A_125 : memref<!tpu.dma_semaphore, #tpu.memory_space<semaphore_mem>>) src(%dma_wait3A_148 : memref<78x128xi32, #tpu.memory_space<hbm>>) dst(%dma_wait3A_145 : memref<78x128xi32, #tpu.memory_space<vmem>>)
      tpu.yield
    }) : () -> ()
    %lt3A_10 = arith.constant 4 : i32
    %lt3A_11 = arith.cmpi slt, %add3A, %lt3A_10 : i32
    %convert_element_type3A = arith.extui %lt3A_11 : i1 to i32
    %cond3A = arith.constant 0 : i32
    %cond3A_12 = arith.cmpi ne, %convert_element_type3A, %cond3A : i32
    scf.if %cond3A_12 {
      %add3A_125 = arith.constant 2496 : i32
      %add3A_126 = arith.addi %add3A_125, %add3A : i32
      %run_scoped3A_127 = arith.constant 0 : i32
      "tpu.region"() ({
        %run_scoped3A_131 = tpu.sem_alloc : memref<!tpu.dma_semaphore, #tpu.memory_space<semaphore_mem>>
        %dma_start3A_132 = arith.constant 78 : i32
        %dma_start3A_133 = arith.constant 0 : i32
        %dma_start3A_134 = tpu.memref_slice %arg6[%dma_start3A_132, %dma_start3A_133] : memref<80x128xi32, #tpu.memory_space<vmem>> -> memref<1x128xi32, #tpu.memory_space<vmem>>
        %dma_start3A_135 = arith.constant 0 : i32
        %dma_start3A_136 = tpu.memref_slice %arg3[%run_scoped3A_127, %add3A_126, %dma_start3A_135] : memref<2x2500x128xi32, #tpu.memory_space<hbm>> -> memref<1x1x128xi32, #tpu.memory_space<hbm>>
        %dma_start3A_137 = tpu.memref_squeeze %dma_start3A_136 : memref<1x1x128xi32, #tpu.memory_space<hbm>> -> memref<1x128xi32, #tpu.memory_space<hbm>>
        %dma_start3A_138 = arith.constant 78 : i32
        %dma_start3A_139 = arith.constant 0 : i32
        %dma_start3A_140 = tpu.memref_slice %arg6[%dma_start3A_138, %dma_start3A_139] : memref<80x128xi32, #tpu.memory_space<vmem>> -> memref<1x128xi32, #tpu.memory_space<vmem>>
        %dma_start3A_141 = arith.constant 0 : i32
        %dma_start3A_142 = tpu.memref_slice %arg3[%run_scoped3A_127, %add3A_126, %dma_start3A_141] : memref<2x2500x128xi32, #tpu.memory_space<hbm>> -> memref<1x1x128xi32, #tpu.memory_space<hbm>>
        %dma_start3A_143 = tpu.memref_squeeze %dma_start3A_142 : memref<1x1x128xi32, #tpu.memory_space<hbm>> -> memref<1x128xi32, #tpu.memory_space<hbm>>
        tpu.enqueue_dma source(%dma_start3A_143 : memref<1x128xi32, #tpu.memory_space<hbm>>) target(%dma_start3A_140 : memref<1x128xi32, #tpu.memory_space<vmem>>) target_semaphore(%run_scoped3A_131 : memref<!tpu.dma_semaphore, #tpu.memory_space<semaphore_mem>>)
        %dma_wait3A = arith.constant 78 : i32
        %dma_wait3A_144 = arith.constant 0 : i32
        %dma_wait3A_145 = tpu.memref_slice %arg6[%dma_wait3A, %dma_wait3A_144] : memref<80x128xi32, #tpu.memory_space<vmem>> -> memref<1x128xi32, #tpu.memory_space<vmem>>
        %dma_wait3A_146 = arith.constant 0 : i32
        %dma_wait3A_147 = tpu.memref_slice %arg3[%run_scoped3A_127, %add3A_126, %dma_wait3A_146] : memref<2x2500x128xi32, #tpu.memory_space<hbm>> -> memref<1x1x128xi32, #tpu.memory_space<hbm>>
        %dma_wait3A_148 = tpu.memref_squeeze %dma_wait3A_147 : memref<1x1x128xi32, #tpu.memory_space<hbm>> -> memref<1x128xi32, #tpu.memory_space<hbm>>
        %dma_wait3A_149 = arith.constant 78 : i32
        %dma_wait3A_150 = arith.constant 0 : i32
        %dma_wait3A_151 = tpu.memref_slice %arg6[%dma_wait3A_149, %dma_wait3A_150] : memref<80x128xi32, #tpu.memory_space<vmem>> -> memref<1x128xi32, #tpu.memory_space<vmem>>
        %dma_wait3A_152 = arith.constant 0 : i32
        %dma_wait3A_153 = tpu.memref_slice %arg3[%run_scoped3A_127, %add3A_126, %dma_wait3A_152] : memref<2x2500x128xi32, #tpu.memory_space<hbm>> -> memref<1x1x128xi32, #tpu.memory_space<hbm>>
        %dma_wait3A_154 = tpu.memref_squeeze %dma_wait3A_153 : memref<1x1x128xi32, #tpu.memory_space<hbm>> -> memref<1x128xi32, #tpu.memory_space<hbm>>
        tpu.wait_dma2 semaphore(%run_scoped3A_131 : memref<!tpu.dma_semaphore, #tpu.memory_space<semaphore_mem>>) src(%dma_wait3A_154 : memref<1x128xi32, #tpu.memory_space<hbm>>) dst(%dma_wait3A_151 : memref<1x128xi32, #tpu.memory_space<vmem>>)
        tpu.yield
      }) : () -> ()
      %add3A_128 = arith.constant 2496 : i32
      %add3A_129 = arith.addi %add3A_128, %add3A : i32
      %run_scoped3A_130 = arith.constant 1 : i32
      "tpu.region"() ({
        %run_scoped3A_131 = tpu.sem_alloc : memref<!tpu.dma_semaphore, #tpu.memory_space<semaphore_mem>>
        %dma_start3A_132 = arith.constant 78 : i32
        %dma_start3A_133 = arith.constant 0 : i32
        %dma_start3A_134 = tpu.memref_slice %arg7[%dma_start3A_132, %dma_start3A_133] : memref<80x128xi32, #tpu.memory_space<vmem>> -> memref<1x128xi32, #tpu.memory_space<vmem>>
        %dma_start3A_135 = arith.constant 0 : i32
        %dma_start3A_136 = tpu.memref_slice %arg3[%run_scoped3A_130, %add3A_129, %dma_start3A_135] : memref<2x2500x128xi32, #tpu.memory_space<hbm>> -> memref<1x1x128xi32, #tpu.memory_space<hbm>>
        %dma_start3A_137 = tpu.memref_squeeze %dma_start3A_136 : memref<1x1x128xi32, #tpu.memory_space<hbm>> -> memref<1x128xi32, #tpu.memory_space<hbm>>
        %dma_start3A_138 = arith.constant 78 : i32
        %dma_start3A_139 = arith.constant 0 : i32
        %dma_start3A_140 = tpu.memref_slice %arg7[%dma_start3A_138, %dma_start3A_139] : memref<80x128xi32, #tpu.memory_space<vmem>> -> memref<1x128xi32, #tpu.memory_space<vmem>>
        %dma_start3A_141 = arith.constant 0 : i32
        %dma_start3A_142 = tpu.memref_slice %arg3[%run_scoped3A_130, %add3A_129, %dma_start3A_141] : memref<2x2500x128xi32, #tpu.memory_space<hbm>> -> memref<1x1x128xi32, #tpu.memory_space<hbm>>
        %dma_start3A_143 = tpu.memref_squeeze %dma_start3A_142 : memref<1x1x128xi32, #tpu.memory_space<hbm>> -> memref<1x128xi32, #tpu.memory_space<hbm>>
        tpu.enqueue_dma source(%dma_start3A_143 : memref<1x128xi32, #tpu.memory_space<hbm>>) target(%dma_start3A_140 : memref<1x128xi32, #tpu.memory_space<vmem>>) target_semaphore(%run_scoped3A_131 : memref<!tpu.dma_semaphore, #tpu.memory_space<semaphore_mem>>)
        %dma_wait3A = arith.constant 78 : i32
        %dma_wait3A_144 = arith.constant 0 : i32
        %dma_wait3A_145 = tpu.memref_slice %arg7[%dma_wait3A, %dma_wait3A_144] : memref<80x128xi32, #tpu.memory_space<vmem>> -> memref<1x128xi32, #tpu.memory_space<vmem>>
        %dma_wait3A_146 = arith.constant 0 : i32
        %dma_wait3A_147 = tpu.memref_slice %arg3[%run_scoped3A_130, %add3A_129, %dma_wait3A_146] : memref<2x2500x128xi32, #tpu.memory_space<hbm>> -> memref<1x1x128xi32, #tpu.memory_space<hbm>>
        %dma_wait3A_148 = tpu.memref_squeeze %dma_wait3A_147 : memref<1x1x128xi32, #tpu.memory_space<hbm>> -> memref<1x128xi32, #tpu.memory_space<hbm>>
        %dma_wait3A_149 = arith.constant 78 : i32
        %dma_wait3A_150 = arith.constant 0 : i32
        %dma_wait3A_151 = tpu.memref_slice %arg7[%dma_wait3A_149, %dma_wait3A_150] : memref<80x128xi32, #tpu.memory_space<vmem>> -> memref<1x128xi32, #tpu.memory_space<vmem>>
        %dma_wait3A_152 = arith.constant 0 : i32
        %dma_wait3A_153 = tpu.memref_slice %arg3[%run_scoped3A_130, %add3A_129, %dma_wait3A_152] : memref<2x2500x128xi32, #tpu.memory_space<hbm>> -> memref<1x1x128xi32, #tpu.memory_space<hbm>>
        %dma_wait3A_154 = tpu.memref_squeeze %dma_wait3A_153 : memref<1x1x128xi32, #tpu.memory_space<hbm>> -> memref<1x128xi32, #tpu.memory_space<hbm>>
        tpu.wait_dma2 semaphore(%run_scoped3A_131 : memref<!tpu.dma_semaphore, #tpu.memory_space<semaphore_mem>>) src(%dma_wait3A_154 : memref<1x128xi32, #tpu.memory_space<hbm>>) dst(%dma_wait3A_151 : memref<1x128xi32, #tpu.memory_space<vmem>>)
        tpu.yield
      }) : () -> ()
    } else {
    }
    %mul3A_13 = arith.constant 632 : i32
    %mul3A_14 = arith.muli %arg1, %mul3A_13 : i32
    %mul3A_15 = arith.constant 632 : i32
    %mul3A_16 = arith.muli %arg1, %mul3A_15 : i32
    "tpu.region"() ({
      %run_scoped3A_125 = tpu.sem_alloc : memref<!tpu.dma_semaphore, #tpu.memory_space<semaphore_mem>>
      %dma_start3A_126 = arith.constant 0 : i32
      %dma_start3A_127 = tpu.memref_slice %arg9[%mul3A_16, %dma_start3A_126] : memref<10112x64xf32, #tpu.memory_space<vmem_shared>> -> memref<632x64xf32, #tpu.memory_space<vmem_shared>>
      %dma_start3A_128 = arith.constant 0 : i32
      %dma_start3A_129 = tpu.memref_slice %arg4[%mul3A_14, %dma_start3A_128] : memref<10112x64xf32, #tpu.memory_space<hbm>> -> memref<632x64xf32, #tpu.memory_space<hbm>>
      tpu.enqueue_dma source(%dma_start3A_129 : memref<632x64xf32, #tpu.memory_space<hbm>>) target(%dma_start3A_127 : memref<632x64xf32, #tpu.memory_space<vmem_shared>>) target_semaphore(%run_scoped3A_125 : memref<!tpu.dma_semaphore, #tpu.memory_space<semaphore_mem>>)
      %dma_wait3A = arith.constant 0 : i32
      %dma_wait3A_130 = tpu.memref_slice %arg9[%mul3A_16, %dma_wait3A] : memref<10112x64xf32, #tpu.memory_space<vmem_shared>> -> memref<632x64xf32, #tpu.memory_space<vmem_shared>>
      %dma_wait3A_131 = arith.constant 0 : i32
      %dma_wait3A_132 = tpu.memref_slice %arg4[%mul3A_14, %dma_wait3A_131] : memref<10112x64xf32, #tpu.memory_space<hbm>> -> memref<632x64xf32, #tpu.memory_space<hbm>>
      tpu.wait_dma2 semaphore(%run_scoped3A_125 : memref<!tpu.dma_semaphore, #tpu.memory_space<semaphore_mem>>) src(%dma_wait3A_132 : memref<632x64xf32, #tpu.memory_space<hbm>>) dst(%dma_wait3A_130 : memref<632x64xf32, #tpu.memory_space<vmem_shared>>)
      tpu.yield
    }) : () -> ()
    %barrier3A = arith.constant 0 : index
    tpu.barrier barrier_id(%barrier3A)
    %dma_start3A = arith.constant 0 : i32
    %dma_start3A_17 = arith.constant 0 : i32
    %dma_start3A_18 = arith.constant 0 : i32
    %dma_start3A_19 = arith.constant 0 : i32
    %dma_start3A_20 = arith.constant 0 : i32
    %dma_start3A_21 = tpu.memref_slice %arg8[%dma_start3A_17, %dma_start3A_19, %dma_start3A_20] : memref<8x128x64xf32, #tpu.memory_space<vmem>> -> memref<1x128x64xf32, #tpu.memory_space<vmem>>
    %dma_start3A_22 = tpu.memref_squeeze %dma_start3A_21 : memref<1x128x64xf32, #tpu.memory_space<vmem>> -> memref<128x64xf32, #tpu.memory_space<vmem>>
    %dma_start3A_23 = arith.constant 0 : i32
    %dma_start3A_24 = tpu.memref_slice %arg6[%dma_start3A, %dma_start3A_23] : memref<80x128xi32, #tpu.memory_space<vmem>> -> memref<1x128xi32, #tpu.memory_space<vmem>>
    %dma_start3A_25 = tpu.memref_squeeze %dma_start3A_24 : memref<1x128xi32, #tpu.memory_space<vmem>> -> memref<128xi32, #tpu.memory_space<vmem>>
    %dma_start3A_26 = arith.constant 0 : i32
    %dma_start3A_27 = arith.constant 0 : i32
    %dma_start3A_28 = tpu.memref_slice %arg2[%dma_start3A_26, %dma_start3A_27] : memref<10000x64xf32, #tpu.memory_space<hbm>> -> memref<10000x64xf32, #tpu.memory_space<hbm>>
    %dma_start3A_29 = tpu.memref_slice %arg10[%dma_start3A_18] : memref<8x!tpu.dma_semaphore, #tpu.memory_space<semaphore_mem>> -> memref<1x!tpu.dma_semaphore, #tpu.memory_space<semaphore_mem>>
    %dma_start3A_30 = tpu.memref_squeeze %dma_start3A_29 : memref<1x!tpu.dma_semaphore, #tpu.memory_space<semaphore_mem>> -> memref<!tpu.dma_semaphore, #tpu.memory_space<semaphore_mem>>
    tpu.enqueue_indirect_dma source(%dma_start3A_28 : memref<10000x64xf32, #tpu.memory_space<hbm>>) target(%dma_start3A_22 : memref<128x64xf32, #tpu.memory_space<vmem>>) offsets(%dma_start3A_25 : memref<128xi32, #tpu.memory_space<vmem>>) semaphore(%dma_start3A_30 : memref<!tpu.dma_semaphore, #tpu.memory_space<semaphore_mem>>)
    %dma_start3A_31 = arith.constant 1 : i32
    %dma_start3A_32 = arith.constant 1 : i32
    %dma_start3A_33 = arith.constant 1 : i32
    %dma_start3A_34 = arith.constant 0 : i32
    %dma_start3A_35 = arith.constant 0 : i32
    %dma_start3A_36 = tpu.memref_slice %arg8[%dma_start3A_32, %dma_start3A_34, %dma_start3A_35] : memref<8x128x64xf32, #tpu.memory_space<vmem>> -> memref<1x128x64xf32, #tpu.memory_space<vmem>>
    %dma_start3A_37 = tpu.memref_squeeze %dma_start3A_36 : memref<1x128x64xf32, #tpu.memory_space<vmem>> -> memref<128x64xf32, #tpu.memory_space<vmem>>
    %dma_start3A_38 = arith.constant 0 : i32
    %dma_start3A_39 = tpu.memref_slice %arg6[%dma_start3A_31, %dma_start3A_38] : memref<80x128xi32, #tpu.memory_space<vmem>> -> memref<1x128xi32, #tpu.memory_space<vmem>>
    %dma_start3A_40 = tpu.memref_squeeze %dma_start3A_39 : memref<1x128xi32, #tpu.memory_space<vmem>> -> memref<128xi32, #tpu.memory_space<vmem>>
    %dma_start3A_41 = arith.constant 0 : i32
    %dma_start3A_42 = arith.constant 0 : i32
    %dma_start3A_43 = tpu.memref_slice %arg2[%dma_start3A_41, %dma_start3A_42] : memref<10000x64xf32, #tpu.memory_space<hbm>> -> memref<10000x64xf32, #tpu.memory_space<hbm>>
    %dma_start3A_44 = tpu.memref_slice %arg10[%dma_start3A_33] : memref<8x!tpu.dma_semaphore, #tpu.memory_space<semaphore_mem>> -> memref<1x!tpu.dma_semaphore, #tpu.memory_space<semaphore_mem>>
    %dma_start3A_45 = tpu.memref_squeeze %dma_start3A_44 : memref<1x!tpu.dma_semaphore, #tpu.memory_space<semaphore_mem>> -> memref<!tpu.dma_semaphore, #tpu.memory_space<semaphore_mem>>
    tpu.enqueue_indirect_dma source(%dma_start3A_43 : memref<10000x64xf32, #tpu.memory_space<hbm>>) target(%dma_start3A_37 : memref<128x64xf32, #tpu.memory_space<vmem>>) offsets(%dma_start3A_40 : memref<128xi32, #tpu.memory_space<vmem>>) semaphore(%dma_start3A_45 : memref<!tpu.dma_semaphore, #tpu.memory_space<semaphore_mem>>)
    %dma_start3A_46 = arith.constant 2 : i32
    %dma_start3A_47 = arith.constant 2 : i32
    %dma_start3A_48 = arith.constant 2 : i32
    %dma_start3A_49 = arith.constant 0 : i32
    %dma_start3A_50 = arith.constant 0 : i32
    %dma_start3A_51 = tpu.memref_slice %arg8[%dma_start3A_47, %dma_start3A_49, %dma_start3A_50] : memref<8x128x64xf32, #tpu.memory_space<vmem>> -> memref<1x128x64xf32, #tpu.memory_space<vmem>>
    %dma_start3A_52 = tpu.memref_squeeze %dma_start3A_51 : memref<1x128x64xf32, #tpu.memory_space<vmem>> -> memref<128x64xf32, #tpu.memory_space<vmem>>
    %dma_start3A_53 = arith.constant 0 : i32
    %dma_start3A_54 = tpu.memref_slice %arg6[%dma_start3A_46, %dma_start3A_53] : memref<80x128xi32, #tpu.memory_space<vmem>> -> memref<1x128xi32, #tpu.memory_space<vmem>>
    %dma_start3A_55 = tpu.memref_squeeze %dma_start3A_54 : memref<1x128xi32, #tpu.memory_space<vmem>> -> memref<128xi32, #tpu.memory_space<vmem>>
    %dma_start3A_56 = arith.constant 0 : i32
    %dma_start3A_57 = arith.constant 0 : i32
    %dma_start3A_58 = tpu.memref_slice %arg2[%dma_start3A_56, %dma_start3A_57] : memref<10000x64xf32, #tpu.memory_space<hbm>> -> memref<10000x64xf32, #tpu.memory_space<hbm>>
    %dma_start3A_59 = tpu.memref_slice %arg10[%dma_start3A_48] : memref<8x!tpu.dma_semaphore, #tpu.memory_space<semaphore_mem>> -> memref<1x!tpu.dma_semaphore, #tpu.memory_space<semaphore_mem>>
    %dma_start3A_60 = tpu.memref_squeeze %dma_start3A_59 : memref<1x!tpu.dma_semaphore, #tpu.memory_space<semaphore_mem>> -> memref<!tpu.dma_semaphore, #tpu.memory_space<semaphore_mem>>
    tpu.enqueue_indirect_dma source(%dma_start3A_58 : memref<10000x64xf32, #tpu.memory_space<hbm>>) target(%dma_start3A_52 : memref<128x64xf32, #tpu.memory_space<vmem>>) offsets(%dma_start3A_55 : memref<128xi32, #tpu.memory_space<vmem>>) semaphore(%dma_start3A_60 : memref<!tpu.dma_semaphore, #tpu.memory_space<semaphore_mem>>)
    %dma_start3A_61 = arith.constant 3 : i32
    %dma_start3A_62 = arith.constant 3 : i32
    %dma_start3A_63 = arith.constant 3 : i32
    %dma_start3A_64 = arith.constant 0 : i32
    %dma_start3A_65 = arith.constant 0 : i32
    %dma_start3A_66 = tpu.memref_slice %arg8[%dma_start3A_62, %dma_start3A_64, %dma_start3A_65] : memref<8x128x64xf32, #tpu.memory_space<vmem>> -> memref<1x128x64xf32, #tpu.memory_space<vmem>>
    %dma_start3A_67 = tpu.memref_squeeze %dma_start3A_66 : memref<1x128x64xf32, #tpu.memory_space<vmem>> -> memref<128x64xf32, #tpu.memory_space<vmem>>
    %dma_start3A_68 = arith.constant 0 : i32
    %dma_start3A_69 = tpu.memref_slice %arg6[%dma_start3A_61, %dma_start3A_68] : memref<80x128xi32, #tpu.memory_space<vmem>> -> memref<1x128xi32, #tpu.memory_space<vmem>>
    %dma_start3A_70 = tpu.memref_squeeze %dma_start3A_69 : memref<1x128xi32, #tpu.memory_space<vmem>> -> memref<128xi32, #tpu.memory_space<vmem>>
    %dma_start3A_71 = arith.constant 0 : i32
    %dma_start3A_72 = arith.constant 0 : i32
    %dma_start3A_73 = tpu.memref_slice %arg2[%dma_start3A_71, %dma_start3A_72] : memref<10000x64xf32, #tpu.memory_space<hbm>> -> memref<10000x64xf32, #tpu.memory_space<hbm>>
    %dma_start3A_74 = tpu.memref_slice %arg10[%dma_start3A_63] : memref<8x!tpu.dma_semaphore, #tpu.memory_space<semaphore_mem>> -> memref<1x!tpu.dma_semaphore, #tpu.memory_space<semaphore_mem>>
    %dma_start3A_75 = tpu.memref_squeeze %dma_start3A_74 : memref<1x!tpu.dma_semaphore, #tpu.memory_space<semaphore_mem>> -> memref<!tpu.dma_semaphore, #tpu.memory_space<semaphore_mem>>
    tpu.enqueue_indirect_dma source(%dma_start3A_73 : memref<10000x64xf32, #tpu.memory_space<hbm>>) target(%dma_start3A_67 : memref<128x64xf32, #tpu.memory_space<vmem>>) offsets(%dma_start3A_70 : memref<128xi32, #tpu.memory_space<vmem>>) semaphore(%dma_start3A_75 : memref<!tpu.dma_semaphore, #tpu.memory_space<semaphore_mem>>)
    %dma_start3A_76 = arith.constant 4 : i32
    %dma_start3A_77 = arith.constant 4 : i32
    %dma_start3A_78 = arith.constant 4 : i32
    %dma_start3A_79 = arith.constant 0 : i32
    %dma_start3A_80 = arith.constant 0 : i32
    %dma_start3A_81 = tpu.memref_slice %arg8[%dma_start3A_77, %dma_start3A_79, %dma_start3A_80] : memref<8x128x64xf32, #tpu.memory_space<vmem>> -> memref<1x128x64xf32, #tpu.memory_space<vmem>>
    %dma_start3A_82 = tpu.memref_squeeze %dma_start3A_81 : memref<1x128x64xf32, #tpu.memory_space<vmem>> -> memref<128x64xf32, #tpu.memory_space<vmem>>
    %dma_start3A_83 = arith.constant 0 : i32
    %dma_start3A_84 = tpu.memref_slice %arg6[%dma_start3A_76, %dma_start3A_83] : memref<80x128xi32, #tpu.memory_space<vmem>> -> memref<1x128xi32, #tpu.memory_space<vmem>>
    %dma_start3A_85 = tpu.memref_squeeze %dma_start3A_84 : memref<1x128xi32, #tpu.memory_space<vmem>> -> memref<128xi32, #tpu.memory_space<vmem>>
    %dma_start3A_86 = arith.constant 0 : i32
    %dma_start3A_87 = arith.constant 0 : i32
    %dma_start3A_88 = tpu.memref_slice %arg2[%dma_start3A_86, %dma_start3A_87] : memref<10000x64xf32, #tpu.memory_space<hbm>> -> memref<10000x64xf32, #tpu.memory_space<hbm>>
    %dma_start3A_89 = tpu.memref_slice %arg10[%dma_start3A_78] : memref<8x!tpu.dma_semaphore, #tpu.memory_space<semaphore_mem>> -> memref<1x!tpu.dma_semaphore, #tpu.memory_space<semaphore_mem>>
    %dma_start3A_90 = tpu.memref_squeeze %dma_start3A_89 : memref<1x!tpu.dma_semaphore, #tpu.memory_space<semaphore_mem>> -> memref<!tpu.dma_semaphore, #tpu.memory_space<semaphore_mem>>
    tpu.enqueue_indirect_dma source(%dma_start3A_88 : memref<10000x64xf32, #tpu.memory_space<hbm>>) target(%dma_start3A_82 : memref<128x64xf32, #tpu.memory_space<vmem>>) offsets(%dma_start3A_85 : memref<128xi32, #tpu.memory_space<vmem>>) semaphore(%dma_start3A_90 : memref<!tpu.dma_semaphore, #tpu.memory_space<semaphore_mem>>)
    %dma_start3A_91 = arith.constant 5 : i32
    %dma_start3A_92 = arith.constant 5 : i32
    %dma_start3A_93 = arith.constant 5 : i32
    %dma_start3A_94 = arith.constant 0 : i32
    %dma_start3A_95 = arith.constant 0 : i32
    %dma_start3A_96 = tpu.memref_slice %arg8[%dma_start3A_92, %dma_start3A_94, %dma_start3A_95] : memref<8x128x64xf32, #tpu.memory_space<vmem>> -> memref<1x128x64xf32, #tpu.memory_space<vmem>>
    %dma_start3A_97 = tpu.memref_squeeze %dma_start3A_96 : memref<1x128x64xf32, #tpu.memory_space<vmem>> -> memref<128x64xf32, #tpu.memory_space<vmem>>
    %dma_start3A_98 = arith.constant 0 : i32
    %dma_start3A_99 = tpu.memref_slice %arg6[%dma_start3A_91, %dma_start3A_98] : memref<80x128xi32, #tpu.memory_space<vmem>> -> memref<1x128xi32, #tpu.memory_space<vmem>>
    %dma_start3A_100 = tpu.memref_squeeze %dma_start3A_99 : memref<1x128xi32, #tpu.memory_space<vmem>> -> memref<128xi32, #tpu.memory_space<vmem>>
    %dma_start3A_101 = arith.constant 0 : i32
    %dma_start3A_102 = arith.constant 0 : i32
    %dma_start3A_103 = tpu.memref_slice %arg2[%dma_start3A_101, %dma_start3A_102] : memref<10000x64xf32, #tpu.memory_space<hbm>> -> memref<10000x64xf32, #tpu.memory_space<hbm>>
    %dma_start3A_104 = tpu.memref_slice %arg10[%dma_start3A_93] : memref<8x!tpu.dma_semaphore, #tpu.memory_space<semaphore_mem>> -> memref<1x!tpu.dma_semaphore, #tpu.memory_space<semaphore_mem>>
    %dma_start3A_105 = tpu.memref_squeeze %dma_start3A_104 : memref<1x!tpu.dma_semaphore, #tpu.memory_space<semaphore_mem>> -> memref<!tpu.dma_semaphore, #tpu.memory_space<semaphore_mem>>
    tpu.enqueue_indirect_dma source(%dma_start3A_103 : memref<10000x64xf32, #tpu.memory_space<hbm>>) target(%dma_start3A_97 : memref<128x64xf32, #tpu.memory_space<vmem>>) offsets(%dma_start3A_100 : memref<128xi32, #tpu.memory_space<vmem>>) semaphore(%dma_start3A_105 : memref<!tpu.dma_semaphore, #tpu.memory_space<semaphore_mem>>)
    %scan3A = arith.constant 0 : i32
    %scan3A_106 = arith.constant 0 : i32
    %scan3A_107 = arith.constant 10 : i32
    %scan3A_108 = arith.addi %scan3A_106, %scan3A_107 : i32
    %scan3A_109 = arith.constant 1 : i32
    scf.for %scan3A_125 = %scan3A_106 to %scan3A_108 step %scan3A_109  : i32 {
      %mul3A_126 = arith.constant 8 : i32
      %mul3A_127 = arith.muli %scan3A_125, %mul3A_126 : i32
      %add3A_128 = arith.constant 0 : i32
      %add3A_129 = arith.addi %mul3A_127, %add3A_128 : i32
      %add3A_130 = arith.constant 6 : i32
      %add3A_131 = arith.addi %add3A_129, %add3A_130 : i32
      %sub3A = arith.constant 8 : i32
      %sub3A_132 = arith.subi %add3A_131, %sub3A : i32
      %ge3A = arith.constant 0 : i32
      %ge3A_133 = arith.cmpi sge, %sub3A_132, %ge3A : i32
      %lt3A_134 = arith.cmpi slt, %sub3A_132, %add3A_4 : i32
      %and3A = arith.andi %ge3A_133, %lt3A_134 : i1
      %convert_element_type3A_135 = arith.extui %and3A : i1 to i32
      %cond3A_136 = arith.constant 0 : i32
      %cond3A_137 = arith.cmpi ne, %convert_element_type3A_135, %cond3A_136 : i32
      scf.if %cond3A_137 {
        %dma_wait3A = arith.constant 6 : i32
        %dma_wait3A_309 = arith.constant 6 : i32
        %dma_wait3A_310 = arith.constant 0 : i32
        %dma_wait3A_311 = arith.constant 0 : i32
        %dma_wait3A_312 = tpu.memref_slice %arg8[%dma_wait3A, %dma_wait3A_310, %dma_wait3A_311] : memref<8x128x64xf32, #tpu.memory_space<vmem>> -> memref<1x128x64xf32, #tpu.memory_space<vmem>>
        %dma_wait3A_313 = tpu.memref_squeeze %dma_wait3A_312 : memref<1x128x64xf32, #tpu.memory_space<vmem>> -> memref<128x64xf32, #tpu.memory_space<vmem>>
        %dma_wait3A_314 = arith.constant 0 : i32
        %dma_wait3A_315 = tpu.memref_slice %arg7[%sub3A_132, %dma_wait3A_314] : memref<80x128xi32, #tpu.memory_space<vmem>> -> memref<1x128xi32, #tpu.memory_space<vmem>>
        %dma_wait3A_316 = tpu.memref_squeeze %dma_wait3A_315 : memref<1x128xi32, #tpu.memory_space<vmem>> -> memref<128xi32, #tpu.memory_space<vmem>>
        %dma_wait3A_317 = arith.constant 0 : i32
        %dma_wait3A_318 = arith.constant 0 : i32
        %dma_wait3A_319 = tpu.memref_slice %arg9[%dma_wait3A_317, %dma_wait3A_318] : memref<10112x64xf32, #tpu.memory_space<vmem_shared>> -> memref<10112x64xf32, #tpu.memory_space<vmem_shared>>
        %dma_wait3A_320 = tpu.memref_slice %arg11[%dma_wait3A_309] : memref<8x!tpu.dma_semaphore, #tpu.memory_space<semaphore_mem>> -> memref<1x!tpu.dma_semaphore, #tpu.memory_space<semaphore_mem>>
        %dma_wait3A_321 = tpu.memref_squeeze %dma_wait3A_320 : memref<1x!tpu.dma_semaphore, #tpu.memory_space<semaphore_mem>> -> memref<!tpu.dma_semaphore, #tpu.memory_space<semaphore_mem>>
        tpu.wait_indirect_dma semaphore(%dma_wait3A_321 : memref<!tpu.dma_semaphore, #tpu.memory_space<semaphore_mem>>) src(%dma_wait3A_313 : memref<128x64xf32, #tpu.memory_space<vmem>>) dst(%dma_wait3A_319 : memref<10112x64xf32, #tpu.memory_space<vmem_shared>>)
      } else {
      }
      %add3A_138 = arith.constant 6 : i32
      %add3A_139 = arith.addi %add3A_129, %add3A_138 : i32
      %lt3A_140 = arith.cmpi slt, %add3A_139, %add3A_4 : i32
      %convert_element_type3A_141 = arith.extui %lt3A_140 : i1 to i32
      %cond3A_142 = arith.constant 0 : i32
      %cond3A_143 = arith.cmpi ne, %convert_element_type3A_141, %cond3A_142 : i32
      scf.if %cond3A_143 {
        %add3A_309 = arith.constant 6 : i32
        %add3A_310 = arith.addi %add3A_129, %add3A_309 : i32
        %dma_start3A_311 = arith.constant 6 : i32
        %dma_start3A_312 = arith.constant 6 : i32
        %dma_start3A_313 = arith.constant 0 : i32
        %dma_start3A_314 = arith.constant 0 : i32
        %dma_start3A_315 = tpu.memref_slice %arg8[%dma_start3A_311, %dma_start3A_313, %dma_start3A_314] : memref<8x128x64xf32, #tpu.memory_space<vmem>> -> memref<1x128x64xf32, #tpu.memory_space<vmem>>
        %dma_start3A_316 = tpu.memref_squeeze %dma_start3A_315 : memref<1x128x64xf32, #tpu.memory_space<vmem>> -> memref<128x64xf32, #tpu.memory_space<vmem>>
        %dma_start3A_317 = arith.constant 0 : i32
        %dma_start3A_318 = tpu.memref_slice %arg6[%add3A_310, %dma_start3A_317] : memref<80x128xi32, #tpu.memory_space<vmem>> -> memref<1x128xi32, #tpu.memory_space<vmem>>
        %dma_start3A_319 = tpu.memref_squeeze %dma_start3A_318 : memref<1x128xi32, #tpu.memory_space<vmem>> -> memref<128xi32, #tpu.memory_space<vmem>>
        %dma_start3A_320 = arith.constant 0 : i32
        %dma_start3A_321 = arith.constant 0 : i32
        %dma_start3A_322 = tpu.memref_slice %arg2[%dma_start3A_320, %dma_start3A_321] : memref<10000x64xf32, #tpu.memory_space<hbm>> -> memref<10000x64xf32, #tpu.memory_space<hbm>>
        %dma_start3A_323 = tpu.memref_slice %arg10[%dma_start3A_312] : memref<8x!tpu.dma_semaphore, #tpu.memory_space<semaphore_mem>> -> memref<1x!tpu.dma_semaphore, #tpu.memory_space<semaphore_mem>>
        %dma_start3A_324 = tpu.memref_squeeze %dma_start3A_323 : memref<1x!tpu.dma_semaphore, #tpu.memory_space<semaphore_mem>> -> memref<!tpu.dma_semaphore, #tpu.memory_space<semaphore_mem>>
        tpu.enqueue_indirect_dma source(%dma_start3A_322 : memref<10000x64xf32, #tpu.memory_space<hbm>>) target(%dma_start3A_316 : memref<128x64xf32, #tpu.memory_space<vmem>>) offsets(%dma_start3A_319 : memref<128xi32, #tpu.memory_space<vmem>>) semaphore(%dma_start3A_324 : memref<!tpu.dma_semaphore, #tpu.memory_space<semaphore_mem>>)
      } else {
      }
      %lt3A_144 = arith.cmpi slt, %add3A_129, %add3A_4 : i32
      %convert_element_type3A_145 = arith.extui %lt3A_144 : i1 to i32
      %cond3A_146 = arith.constant 0 : i32
      %cond3A_147 = arith.cmpi ne, %convert_element_type3A_145, %cond3A_146 : i32
      scf.if %cond3A_147 {
        %dma_wait3A = arith.constant 0 : i32
        %dma_wait3A_309 = arith.constant 0 : i32
        %dma_wait3A_310 = arith.constant 0 : i32
        %dma_wait3A_311 = arith.constant 0 : i32
        %dma_wait3A_312 = tpu.memref_slice %arg8[%dma_wait3A, %dma_wait3A_310, %dma_wait3A_311] : memref<8x128x64xf32, #tpu.memory_space<vmem>> -> memref<1x128x64xf32, #tpu.memory_space<vmem>>
        %dma_wait3A_313 = tpu.memref_squeeze %dma_wait3A_312 : memref<1x128x64xf32, #tpu.memory_space<vmem>> -> memref<128x64xf32, #tpu.memory_space<vmem>>
        %dma_wait3A_314 = arith.constant 0 : i32
        %dma_wait3A_315 = tpu.memref_slice %arg6[%add3A_129, %dma_wait3A_314] : memref<80x128xi32, #tpu.memory_space<vmem>> -> memref<1x128xi32, #tpu.memory_space<vmem>>
        %dma_wait3A_316 = tpu.memref_squeeze %dma_wait3A_315 : memref<1x128xi32, #tpu.memory_space<vmem>> -> memref<128xi32, #tpu.memory_space<vmem>>
        %dma_wait3A_317 = arith.constant 0 : i32
        %dma_wait3A_318 = arith.constant 0 : i32
        %dma_wait3A_319 = tpu.memref_slice %arg2[%dma_wait3A_317, %dma_wait3A_318] : memref<10000x64xf32, #tpu.memory_space<hbm>> -> memref<10000x64xf32, #tpu.memory_space<hbm>>
        %dma_wait3A_320 = tpu.memref_slice %arg10[%dma_wait3A_309] : memref<8x!tpu.dma_semaphore, #tpu.memory_space<semaphore_mem>> -> memref<1x!tpu.dma_semaphore, #tpu.memory_space<semaphore_mem>>
        %dma_wait3A_321 = tpu.memref_squeeze %dma_wait3A_320 : memref<1x!tpu.dma_semaphore, #tpu.memory_space<semaphore_mem>> -> memref<!tpu.dma_semaphore, #tpu.memory_space<semaphore_mem>>
        tpu.wait_indirect_dma semaphore(%dma_wait3A_321 : memref<!tpu.dma_semaphore, #tpu.memory_space<semaphore_mem>>) src(%dma_wait3A_319 : memref<10000x64xf32, #tpu.memory_space<hbm>>) dst(%dma_wait3A_313 : memref<128x64xf32, #tpu.memory_space<vmem>>)
        %dma_start3A_322 = arith.constant 0 : i32
        %dma_start3A_323 = arith.constant 0 : i32
        %dma_start3A_324 = arith.constant 0 : i32
        %dma_start3A_325 = arith.constant 0 : i32
        %dma_start3A_326 = tpu.memref_slice %arg8[%dma_start3A_322, %dma_start3A_324, %dma_start3A_325] : memref<8x128x64xf32, #tpu.memory_space<vmem>> -> memref<1x128x64xf32, #tpu.memory_space<vmem>>
        %dma_start3A_327 = tpu.memref_squeeze %dma_start3A_326 : memref<1x128x64xf32, #tpu.memory_space<vmem>> -> memref<128x64xf32, #tpu.memory_space<vmem>>
        %dma_start3A_328 = arith.constant 0 : i32
        %dma_start3A_329 = tpu.memref_slice %arg7[%add3A_129, %dma_start3A_328] : memref<80x128xi32, #tpu.memory_space<vmem>> -> memref<1x128xi32, #tpu.memory_space<vmem>>
        %dma_start3A_330 = tpu.memref_squeeze %dma_start3A_329 : memref<1x128xi32, #tpu.memory_space<vmem>> -> memref<128xi32, #tpu.memory_space<vmem>>
        %dma_start3A_331 = arith.constant 0 : i32
        %dma_start3A_332 = arith.constant 0 : i32
        %dma_start3A_333 = tpu.memref_slice %arg9[%dma_start3A_331, %dma_start3A_332] : memref<10112x64xf32, #tpu.memory_space<vmem_shared>> -> memref<10112x64xf32, #tpu.memory_space<vmem_shared>>
        %dma_start3A_334 = tpu.memref_slice %arg11[%dma_start3A_323] : memref<8x!tpu.dma_semaphore, #tpu.memory_space<semaphore_mem>> -> memref<1x!tpu.dma_semaphore, #tpu.memory_space<semaphore_mem>>
        %dma_start3A_335 = tpu.memref_squeeze %dma_start3A_334 : memref<1x!tpu.dma_semaphore, #tpu.memory_space<semaphore_mem>> -> memref<!tpu.dma_semaphore, #tpu.memory_space<semaphore_mem>>
        tpu.enqueue_indirect_dma source(%dma_start3A_327 : memref<128x64xf32, #tpu.memory_space<vmem>>) target(%dma_start3A_333 : memref<10112x64xf32, #tpu.memory_space<vmem_shared>>) offsets(%dma_start3A_330 : memref<128xi32, #tpu.memory_space<vmem>>) semaphore(%dma_start3A_335 : memref<!tpu.dma_semaphore, #tpu.memory_space<semaphore_mem>>) {add = true}
      } else {
      }
      %add3A_148 = arith.constant 1 : i32
      %add3A_149 = arith.addi %mul3A_127, %add3A_148 : i32
      %add3A_150 = arith.constant 6 : i32
      %add3A_151 = arith.addi %add3A_149, %add3A_150 : i32
      %sub3A_152 = arith.constant 8 : i32
      %sub3A_153 = arith.subi %add3A_151, %sub3A_152 : i32
      %ge3A_154 = arith.constant 0 : i32
      %ge3A_155 = arith.cmpi sge, %sub3A_153, %ge3A_154 : i32
      %lt3A_156 = arith.cmpi slt, %sub3A_153, %add3A_4 : i32
      %and3A_157 = arith.andi %ge3A_155, %lt3A_156 : i1
      %convert_element_type3A_158 = arith.extui %and3A_157 : i1 to i32
      %cond3A_159 = arith.constant 0 : i32
      %cond3A_160 = arith.cmpi ne, %convert_element_type3A_158, %cond3A_159 : i32
      scf.if %cond3A_160 {
        %dma_wait3A = arith.constant 7 : i32
        %dma_wait3A_309 = arith.constant 7 : i32
        %dma_wait3A_310 = arith.constant 0 : i32
        %dma_wait3A_311 = arith.constant 0 : i32
        %dma_wait3A_312 = tpu.memref_slice %arg8[%dma_wait3A, %dma_wait3A_310, %dma_wait3A_311] : memref<8x128x64xf32, #tpu.memory_space<vmem>> -> memref<1x128x64xf32, #tpu.memory_space<vmem>>
        %dma_wait3A_313 = tpu.memref_squeeze %dma_wait3A_312 : memref<1x128x64xf32, #tpu.memory_space<vmem>> -> memref<128x64xf32, #tpu.memory_space<vmem>>
        %dma_wait3A_314 = arith.constant 0 : i32
        %dma_wait3A_315 = tpu.memref_slice %arg7[%sub3A_153, %dma_wait3A_314] : memref<80x128xi32, #tpu.memory_space<vmem>> -> memref<1x128xi32, #tpu.memory_space<vmem>>
        %dma_wait3A_316 = tpu.memref_squeeze %dma_wait3A_315 : memref<1x128xi32, #tpu.memory_space<vmem>> -> memref<128xi32, #tpu.memory_space<vmem>>
        %dma_wait3A_317 = arith.constant 0 : i32
        %dma_wait3A_318 = arith.constant 0 : i32
        %dma_wait3A_319 = tpu.memref_slice %arg9[%dma_wait3A_317, %dma_wait3A_318] : memref<10112x64xf32, #tpu.memory_space<vmem_shared>> -> memref<10112x64xf32, #tpu.memory_space<vmem_shared>>
        %dma_wait3A_320 = tpu.memref_slice %arg11[%dma_wait3A_309] : memref<8x!tpu.dma_semaphore, #tpu.memory_space<semaphore_mem>> -> memref<1x!tpu.dma_semaphore, #tpu.memory_space<semaphore_mem>>
        %dma_wait3A_321 = tpu.memref_squeeze %dma_wait3A_320 : memref<1x!tpu.dma_semaphore, #tpu.memory_space<semaphore_mem>> -> memref<!tpu.dma_semaphore, #tpu.memory_space<semaphore_mem>>
        tpu.wait_indirect_dma semaphore(%dma_wait3A_321 : memref<!tpu.dma_semaphore, #tpu.memory_space<semaphore_mem>>) src(%dma_wait3A_313 : memref<128x64xf32, #tpu.memory_space<vmem>>) dst(%dma_wait3A_319 : memref<10112x64xf32, #tpu.memory_space<vmem_shared>>)
      } else {
      }
      %add3A_161 = arith.constant 6 : i32
      %add3A_162 = arith.addi %add3A_149, %add3A_161 : i32
      %lt3A_163 = arith.cmpi slt, %add3A_162, %add3A_4 : i32
      %convert_element_type3A_164 = arith.extui %lt3A_163 : i1 to i32
      %cond3A_165 = arith.constant 0 : i32
      %cond3A_166 = arith.cmpi ne, %convert_element_type3A_164, %cond3A_165 : i32
      scf.if %cond3A_166 {
        %add3A_309 = arith.constant 6 : i32
        %add3A_310 = arith.addi %add3A_149, %add3A_309 : i32
        %dma_start3A_311 = arith.constant 7 : i32
        %dma_start3A_312 = arith.constant 7 : i32
        %dma_start3A_313 = arith.constant 0 : i32
        %dma_start3A_314 = arith.constant 0 : i32
        %dma_start3A_315 = tpu.memref_slice %arg8[%dma_start3A_311, %dma_start3A_313, %dma_start3A_314] : memref<8x128x64xf32, #tpu.memory_space<vmem>> -> memref<1x128x64xf32, #tpu.memory_space<vmem>>
        %dma_start3A_316 = tpu.memref_squeeze %dma_start3A_315 : memref<1x128x64xf32, #tpu.memory_space<vmem>> -> memref<128x64xf32, #tpu.memory_space<vmem>>
        %dma_start3A_317 = arith.constant 0 : i32
        %dma_start3A_318 = tpu.memref_slice %arg6[%add3A_310, %dma_start3A_317] : memref<80x128xi32, #tpu.memory_space<vmem>> -> memref<1x128xi32, #tpu.memory_space<vmem>>
        %dma_start3A_319 = tpu.memref_squeeze %dma_start3A_318 : memref<1x128xi32, #tpu.memory_space<vmem>> -> memref<128xi32, #tpu.memory_space<vmem>>
        %dma_start3A_320 = arith.constant 0 : i32
        %dma_start3A_321 = arith.constant 0 : i32
        %dma_start3A_322 = tpu.memref_slice %arg2[%dma_start3A_320, %dma_start3A_321] : memref<10000x64xf32, #tpu.memory_space<hbm>> -> memref<10000x64xf32, #tpu.memory_space<hbm>>
        %dma_start3A_323 = tpu.memref_slice %arg10[%dma_start3A_312] : memref<8x!tpu.dma_semaphore, #tpu.memory_space<semaphore_mem>> -> memref<1x!tpu.dma_semaphore, #tpu.memory_space<semaphore_mem>>
        %dma_start3A_324 = tpu.memref_squeeze %dma_start3A_323 : memref<1x!tpu.dma_semaphore, #tpu.memory_space<semaphore_mem>> -> memref<!tpu.dma_semaphore, #tpu.memory_space<semaphore_mem>>
        tpu.enqueue_indirect_dma source(%dma_start3A_322 : memref<10000x64xf32, #tpu.memory_space<hbm>>) target(%dma_start3A_316 : memref<128x64xf32, #tpu.memory_space<vmem>>) offsets(%dma_start3A_319 : memref<128xi32, #tpu.memory_space<vmem>>) semaphore(%dma_start3A_324 : memref<!tpu.dma_semaphore, #tpu.memory_space<semaphore_mem>>)
      } else {
      }
      %lt3A_167 = arith.cmpi slt, %add3A_149, %add3A_4 : i32
      %convert_element_type3A_168 = arith.extui %lt3A_167 : i1 to i32
      %cond3A_169 = arith.constant 0 : i32
      %cond3A_170 = arith.cmpi ne, %convert_element_type3A_168, %cond3A_169 : i32
      scf.if %cond3A_170 {
        %dma_wait3A = arith.constant 1 : i32
        %dma_wait3A_309 = arith.constant 1 : i32
        %dma_wait3A_310 = arith.constant 0 : i32
        %dma_wait3A_311 = arith.constant 0 : i32
        %dma_wait3A_312 = tpu.memref_slice %arg8[%dma_wait3A, %dma_wait3A_310, %dma_wait3A_311] : memref<8x128x64xf32, #tpu.memory_space<vmem>> -> memref<1x128x64xf32, #tpu.memory_space<vmem>>
        %dma_wait3A_313 = tpu.memref_squeeze %dma_wait3A_312 : memref<1x128x64xf32, #tpu.memory_space<vmem>> -> memref<128x64xf32, #tpu.memory_space<vmem>>
        %dma_wait3A_314 = arith.constant 0 : i32
        %dma_wait3A_315 = tpu.memref_slice %arg6[%add3A_149, %dma_wait3A_314] : memref<80x128xi32, #tpu.memory_space<vmem>> -> memref<1x128xi32, #tpu.memory_space<vmem>>
        %dma_wait3A_316 = tpu.memref_squeeze %dma_wait3A_315 : memref<1x128xi32, #tpu.memory_space<vmem>> -> memref<128xi32, #tpu.memory_space<vmem>>
        %dma_wait3A_317 = arith.constant 0 : i32
        %dma_wait3A_318 = arith.constant 0 : i32
        %dma_wait3A_319 = tpu.memref_slice %arg2[%dma_wait3A_317, %dma_wait3A_318] : memref<10000x64xf32, #tpu.memory_space<hbm>> -> memref<10000x64xf32, #tpu.memory_space<hbm>>
        %dma_wait3A_320 = tpu.memref_slice %arg10[%dma_wait3A_309] : memref<8x!tpu.dma_semaphore, #tpu.memory_space<semaphore_mem>> -> memref<1x!tpu.dma_semaphore, #tpu.memory_space<semaphore_mem>>
        %dma_wait3A_321 = tpu.memref_squeeze %dma_wait3A_320 : memref<1x!tpu.dma_semaphore, #tpu.memory_space<semaphore_mem>> -> memref<!tpu.dma_semaphore, #tpu.memory_space<semaphore_mem>>
        tpu.wait_indirect_dma semaphore(%dma_wait3A_321 : memref<!tpu.dma_semaphore, #tpu.memory_space<semaphore_mem>>) src(%dma_wait3A_319 : memref<10000x64xf32, #tpu.memory_space<hbm>>) dst(%dma_wait3A_313 : memref<128x64xf32, #tpu.memory_space<vmem>>)
        %dma_start3A_322 = arith.constant 1 : i32
        %dma_start3A_323 = arith.constant 1 : i32
        %dma_start3A_324 = arith.constant 0 : i32
        %dma_start3A_325 = arith.constant 0 : i32
        %dma_start3A_326 = tpu.memref_slice %arg8[%dma_start3A_322, %dma_start3A_324, %dma_start3A_325] : memref<8x128x64xf32, #tpu.memory_space<vmem>> -> memref<1x128x64xf32, #tpu.memory_space<vmem>>
        %dma_start3A_327 = tpu.memref_squeeze %dma_start3A_326 : memref<1x128x64xf32, #tpu.memory_space<vmem>> -> memref<128x64xf32, #tpu.memory_space<vmem>>
        %dma_start3A_328 = arith.constant 0 : i32
        %dma_start3A_329 = tpu.memref_slice %arg7[%add3A_149, %dma_start3A_328] : memref<80x128xi32, #tpu.memory_space<vmem>> -> memref<1x128xi32, #tpu.memory_space<vmem>>
        %dma_start3A_330 = tpu.memref_squeeze %dma_start3A_329 : memref<1x128xi32, #tpu.memory_space<vmem>> -> memref<128xi32, #tpu.memory_space<vmem>>
        %dma_start3A_331 = arith.constant 0 : i32
        %dma_start3A_332 = arith.constant 0 : i32
        %dma_start3A_333 = tpu.memref_slice %arg9[%dma_start3A_331, %dma_start3A_332] : memref<10112x64xf32, #tpu.memory_space<vmem_shared>> -> memref<10112x64xf32, #tpu.memory_space<vmem_shared>>
        %dma_start3A_334 = tpu.memref_slice %arg11[%dma_start3A_323] : memref<8x!tpu.dma_semaphore, #tpu.memory_space<semaphore_mem>> -> memref<1x!tpu.dma_semaphore, #tpu.memory_space<semaphore_mem>>
        %dma_start3A_335 = tpu.memref_squeeze %dma_start3A_334 : memref<1x!tpu.dma_semaphore, #tpu.memory_space<semaphore_mem>> -> memref<!tpu.dma_semaphore, #tpu.memory_space<semaphore_mem>>
        tpu.enqueue_indirect_dma source(%dma_start3A_327 : memref<128x64xf32, #tpu.memory_space<vmem>>) target(%dma_start3A_333 : memref<10112x64xf32, #tpu.memory_space<vmem_shared>>) offsets(%dma_start3A_330 : memref<128xi32, #tpu.memory_space<vmem>>) semaphore(%dma_start3A_335 : memref<!tpu.dma_semaphore, #tpu.memory_space<semaphore_mem>>) {add = true}
      } else {
      }
      %add3A_171 = arith.constant 2 : i32
      %add3A_172 = arith.addi %mul3A_127, %add3A_171 : i32
      %add3A_173 = arith.constant 6 : i32
      %add3A_174 = arith.addi %add3A_172, %add3A_173 : i32
      %sub3A_175 = arith.constant 8 : i32
      %sub3A_176 = arith.subi %add3A_174, %sub3A_175 : i32
      %ge3A_177 = arith.constant 0 : i32
      %ge3A_178 = arith.cmpi sge, %sub3A_176, %ge3A_177 : i32
      %lt3A_179 = arith.cmpi slt, %sub3A_176, %add3A_4 : i32
      %and3A_180 = arith.andi %ge3A_178, %lt3A_179 : i1
      %convert_element_type3A_181 = arith.extui %and3A_180 : i1 to i32
      %cond3A_182 = arith.constant 0 : i32
      %cond3A_183 = arith.cmpi ne, %convert_element_type3A_181, %cond3A_182 : i32
      scf.if %cond3A_183 {
        %dma_wait3A = arith.constant 0 : i32
        %dma_wait3A_309 = arith.constant 0 : i32
        %dma_wait3A_310 = arith.constant 0 : i32
        %dma_wait3A_311 = arith.constant 0 : i32
        %dma_wait3A_312 = tpu.memref_slice %arg8[%dma_wait3A, %dma_wait3A_310, %dma_wait3A_311] : memref<8x128x64xf32, #tpu.memory_space<vmem>> -> memref<1x128x64xf32, #tpu.memory_space<vmem>>
        %dma_wait3A_313 = tpu.memref_squeeze %dma_wait3A_312 : memref<1x128x64xf32, #tpu.memory_space<vmem>> -> memref<128x64xf32, #tpu.memory_space<vmem>>
        %dma_wait3A_314 = arith.constant 0 : i32
        %dma_wait3A_315 = tpu.memref_slice %arg7[%sub3A_176, %dma_wait3A_314] : memref<80x128xi32, #tpu.memory_space<vmem>> -> memref<1x128xi32, #tpu.memory_space<vmem>>
        %dma_wait3A_316 = tpu.memref_squeeze %dma_wait3A_315 : memref<1x128xi32, #tpu.memory_space<vmem>> -> memref<128xi32, #tpu.memory_space<vmem>>
        %dma_wait3A_317 = arith.constant 0 : i32
        %dma_wait3A_318 = arith.constant 0 : i32
        %dma_wait3A_319 = tpu.memref_slice %arg9[%dma_wait3A_317, %dma_wait3A_318] : memref<10112x64xf32, #tpu.memory_space<vmem_shared>> -> memref<10112x64xf32, #tpu.memory_space<vmem_shared>>
        %dma_wait3A_320 = tpu.memref_slice %arg11[%dma_wait3A_309] : memref<8x!tpu.dma_semaphore, #tpu.memory_space<semaphore_mem>> -> memref<1x!tpu.dma_semaphore, #tpu.memory_space<semaphore_mem>>
        %dma_wait3A_321 = tpu.memref_squeeze %dma_wait3A_320 : memref<1x!tpu.dma_semaphore, #tpu.memory_space<semaphore_mem>> -> memref<!tpu.dma_semaphore, #tpu.memory_space<semaphore_mem>>
        tpu.wait_indirect_dma semaphore(%dma_wait3A_321 : memref<!tpu.dma_semaphore, #tpu.memory_space<semaphore_mem>>) src(%dma_wait3A_313 : memref<128x64xf32, #tpu.memory_space<vmem>>) dst(%dma_wait3A_319 : memref<10112x64xf32, #tpu.memory_space<vmem_shared>>)
      } else {
      }
      %add3A_184 = arith.constant 6 : i32
      %add3A_185 = arith.addi %add3A_172, %add3A_184 : i32
      %lt3A_186 = arith.cmpi slt, %add3A_185, %add3A_4 : i32
      %convert_element_type3A_187 = arith.extui %lt3A_186 : i1 to i32
      %cond3A_188 = arith.constant 0 : i32
      %cond3A_189 = arith.cmpi ne, %convert_element_type3A_187, %cond3A_188 : i32
      scf.if %cond3A_189 {
        %add3A_309 = arith.constant 6 : i32
        %add3A_310 = arith.addi %add3A_172, %add3A_309 : i32
        %dma_start3A_311 = arith.constant 0 : i32
        %dma_start3A_312 = arith.constant 0 : i32
        %dma_start3A_313 = arith.constant 0 : i32
        %dma_start3A_314 = arith.constant 0 : i32
        %dma_start3A_315 = tpu.memref_slice %arg8[%dma_start3A_311, %dma_start3A_313, %dma_start3A_314] : memref<8x128x64xf32, #tpu.memory_space<vmem>> -> memref<1x128x64xf32, #tpu.memory_space<vmem>>
        %dma_start3A_316 = tpu.memref_squeeze %dma_start3A_315 : memref<1x128x64xf32, #tpu.memory_space<vmem>> -> memref<128x64xf32, #tpu.memory_space<vmem>>
        %dma_start3A_317 = arith.constant 0 : i32
        %dma_start3A_318 = tpu.memref_slice %arg6[%add3A_310, %dma_start3A_317] : memref<80x128xi32, #tpu.memory_space<vmem>> -> memref<1x128xi32, #tpu.memory_space<vmem>>
        %dma_start3A_319 = tpu.memref_squeeze %dma_start3A_318 : memref<1x128xi32, #tpu.memory_space<vmem>> -> memref<128xi32, #tpu.memory_space<vmem>>
        %dma_start3A_320 = arith.constant 0 : i32
        %dma_start3A_321 = arith.constant 0 : i32
        %dma_start3A_322 = tpu.memref_slice %arg2[%dma_start3A_320, %dma_start3A_321] : memref<10000x64xf32, #tpu.memory_space<hbm>> -> memref<10000x64xf32, #tpu.memory_space<hbm>>
        %dma_start3A_323 = tpu.memref_slice %arg10[%dma_start3A_312] : memref<8x!tpu.dma_semaphore, #tpu.memory_space<semaphore_mem>> -> memref<1x!tpu.dma_semaphore, #tpu.memory_space<semaphore_mem>>
        %dma_start3A_324 = tpu.memref_squeeze %dma_start3A_323 : memref<1x!tpu.dma_semaphore, #tpu.memory_space<semaphore_mem>> -> memref<!tpu.dma_semaphore, #tpu.memory_space<semaphore_mem>>
        tpu.enqueue_indirect_dma source(%dma_start3A_322 : memref<10000x64xf32, #tpu.memory_space<hbm>>) target(%dma_start3A_316 : memref<128x64xf32, #tpu.memory_space<vmem>>) offsets(%dma_start3A_319 : memref<128xi32, #tpu.memory_space<vmem>>) semaphore(%dma_start3A_324 : memref<!tpu.dma_semaphore, #tpu.memory_space<semaphore_mem>>)
      } else {
      }
      %lt3A_190 = arith.cmpi slt, %add3A_172, %add3A_4 : i32
      %convert_element_type3A_191 = arith.extui %lt3A_190 : i1 to i32
      %cond3A_192 = arith.constant 0 : i32
      %cond3A_193 = arith.cmpi ne, %convert_element_type3A_191, %cond3A_192 : i32
      scf.if %cond3A_193 {
        %dma_wait3A = arith.constant 2 : i32
        %dma_wait3A_309 = arith.constant 2 : i32
        %dma_wait3A_310 = arith.constant 0 : i32
        %dma_wait3A_311 = arith.constant 0 : i32
        %dma_wait3A_312 = tpu.memref_slice %arg8[%dma_wait3A, %dma_wait3A_310, %dma_wait3A_311] : memref<8x128x64xf32, #tpu.memory_space<vmem>> -> memref<1x128x64xf32, #tpu.memory_space<vmem>>
        %dma_wait3A_313 = tpu.memref_squeeze %dma_wait3A_312 : memref<1x128x64xf32, #tpu.memory_space<vmem>> -> memref<128x64xf32, #tpu.memory_space<vmem>>
        %dma_wait3A_314 = arith.constant 0 : i32
        %dma_wait3A_315 = tpu.memref_slice %arg6[%add3A_172, %dma_wait3A_314] : memref<80x128xi32, #tpu.memory_space<vmem>> -> memref<1x128xi32, #tpu.memory_space<vmem>>
        %dma_wait3A_316 = tpu.memref_squeeze %dma_wait3A_315 : memref<1x128xi32, #tpu.memory_space<vmem>> -> memref<128xi32, #tpu.memory_space<vmem>>
        %dma_wait3A_317 = arith.constant 0 : i32
        %dma_wait3A_318 = arith.constant 0 : i32
        %dma_wait3A_319 = tpu.memref_slice %arg2[%dma_wait3A_317, %dma_wait3A_318] : memref<10000x64xf32, #tpu.memory_space<hbm>> -> memref<10000x64xf32, #tpu.memory_space<hbm>>
        %dma_wait3A_320 = tpu.memref_slice %arg10[%dma_wait3A_309] : memref<8x!tpu.dma_semaphore, #tpu.memory_space<semaphore_mem>> -> memref<1x!tpu.dma_semaphore, #tpu.memory_space<semaphore_mem>>
        %dma_wait3A_321 = tpu.memref_squeeze %dma_wait3A_320 : memref<1x!tpu.dma_semaphore, #tpu.memory_space<semaphore_mem>> -> memref<!tpu.dma_semaphore, #tpu.memory_space<semaphore_mem>>
        tpu.wait_indirect_dma semaphore(%dma_wait3A_321 : memref<!tpu.dma_semaphore, #tpu.memory_space<semaphore_mem>>) src(%dma_wait3A_319 : memref<10000x64xf32, #tpu.memory_space<hbm>>) dst(%dma_wait3A_313 : memref<128x64xf32, #tpu.memory_space<vmem>>)
        %dma_start3A_322 = arith.constant 2 : i32
        %dma_start3A_323 = arith.constant 2 : i32
        %dma_start3A_324 = arith.constant 0 : i32
        %dma_start3A_325 = arith.constant 0 : i32
        %dma_start3A_326 = tpu.memref_slice %arg8[%dma_start3A_322, %dma_start3A_324, %dma_start3A_325] : memref<8x128x64xf32, #tpu.memory_space<vmem>> -> memref<1x128x64xf32, #tpu.memory_space<vmem>>
        %dma_start3A_327 = tpu.memref_squeeze %dma_start3A_326 : memref<1x128x64xf32, #tpu.memory_space<vmem>> -> memref<128x64xf32, #tpu.memory_space<vmem>>
        %dma_start3A_328 = arith.constant 0 : i32
        %dma_start3A_329 = tpu.memref_slice %arg7[%add3A_172, %dma_start3A_328] : memref<80x128xi32, #tpu.memory_space<vmem>> -> memref<1x128xi32, #tpu.memory_space<vmem>>
        %dma_start3A_330 = tpu.memref_squeeze %dma_start3A_329 : memref<1x128xi32, #tpu.memory_space<vmem>> -> memref<128xi32, #tpu.memory_space<vmem>>
        %dma_start3A_331 = arith.constant 0 : i32
        %dma_start3A_332 = arith.constant 0 : i32
        %dma_start3A_333 = tpu.memref_slice %arg9[%dma_start3A_331, %dma_start3A_332] : memref<10112x64xf32, #tpu.memory_space<vmem_shared>> -> memref<10112x64xf32, #tpu.memory_space<vmem_shared>>
        %dma_start3A_334 = tpu.memref_slice %arg11[%dma_start3A_323] : memref<8x!tpu.dma_semaphore, #tpu.memory_space<semaphore_mem>> -> memref<1x!tpu.dma_semaphore, #tpu.memory_space<semaphore_mem>>
        %dma_start3A_335 = tpu.memref_squeeze %dma_start3A_334 : memref<1x!tpu.dma_semaphore, #tpu.memory_space<semaphore_mem>> -> memref<!tpu.dma_semaphore, #tpu.memory_space<semaphore_mem>>
        tpu.enqueue_indirect_dma source(%dma_start3A_327 : memref<128x64xf32, #tpu.memory_space<vmem>>) target(%dma_start3A_333 : memref<10112x64xf32, #tpu.memory_space<vmem_shared>>) offsets(%dma_start3A_330 : memref<128xi32, #tpu.memory_space<vmem>>) semaphore(%dma_start3A_335 : memref<!tpu.dma_semaphore, #tpu.memory_space<semaphore_mem>>) {add = true}
      } else {
      }
      %add3A_194 = arith.constant 3 : i32
      %add3A_195 = arith.addi %mul3A_127, %add3A_194 : i32
      %add3A_196 = arith.constant 6 : i32
      %add3A_197 = arith.addi %add3A_195, %add3A_196 : i32
      %sub3A_198 = arith.constant 8 : i32
      %sub3A_199 = arith.subi %add3A_197, %sub3A_198 : i32
      %ge3A_200 = arith.constant 0 : i32
      %ge3A_201 = arith.cmpi sge, %sub3A_199, %ge3A_200 : i32
      %lt3A_202 = arith.cmpi slt, %sub3A_199, %add3A_4 : i32
      %and3A_203 = arith.andi %ge3A_201, %lt3A_202 : i1
      %convert_element_type3A_204 = arith.extui %and3A_203 : i1 to i32
      %cond3A_205 = arith.constant 0 : i32
      %cond3A_206 = arith.cmpi ne, %convert_element_type3A_204, %cond3A_205 : i32
      scf.if %cond3A_206 {
        %dma_wait3A = arith.constant 1 : i32
        %dma_wait3A_309 = arith.constant 1 : i32
        %dma_wait3A_310 = arith.constant 0 : i32
        %dma_wait3A_311 = arith.constant 0 : i32
        %dma_wait3A_312 = tpu.memref_slice %arg8[%dma_wait3A, %dma_wait3A_310, %dma_wait3A_311] : memref<8x128x64xf32, #tpu.memory_space<vmem>> -> memref<1x128x64xf32, #tpu.memory_space<vmem>>
        %dma_wait3A_313 = tpu.memref_squeeze %dma_wait3A_312 : memref<1x128x64xf32, #tpu.memory_space<vmem>> -> memref<128x64xf32, #tpu.memory_space<vmem>>
        %dma_wait3A_314 = arith.constant 0 : i32
        %dma_wait3A_315 = tpu.memref_slice %arg7[%sub3A_199, %dma_wait3A_314] : memref<80x128xi32, #tpu.memory_space<vmem>> -> memref<1x128xi32, #tpu.memory_space<vmem>>
        %dma_wait3A_316 = tpu.memref_squeeze %dma_wait3A_315 : memref<1x128xi32, #tpu.memory_space<vmem>> -> memref<128xi32, #tpu.memory_space<vmem>>
        %dma_wait3A_317 = arith.constant 0 : i32
        %dma_wait3A_318 = arith.constant 0 : i32
        %dma_wait3A_319 = tpu.memref_slice %arg9[%dma_wait3A_317, %dma_wait3A_318] : memref<10112x64xf32, #tpu.memory_space<vmem_shared>> -> memref<10112x64xf32, #tpu.memory_space<vmem_shared>>
        %dma_wait3A_320 = tpu.memref_slice %arg11[%dma_wait3A_309] : memref<8x!tpu.dma_semaphore, #tpu.memory_space<semaphore_mem>> -> memref<1x!tpu.dma_semaphore, #tpu.memory_space<semaphore_mem>>
        %dma_wait3A_321 = tpu.memref_squeeze %dma_wait3A_320 : memref<1x!tpu.dma_semaphore, #tpu.memory_space<semaphore_mem>> -> memref<!tpu.dma_semaphore, #tpu.memory_space<semaphore_mem>>
        tpu.wait_indirect_dma semaphore(%dma_wait3A_321 : memref<!tpu.dma_semaphore, #tpu.memory_space<semaphore_mem>>) src(%dma_wait3A_313 : memref<128x64xf32, #tpu.memory_space<vmem>>) dst(%dma_wait3A_319 : memref<10112x64xf32, #tpu.memory_space<vmem_shared>>)
      } else {
      }
      %add3A_207 = arith.constant 6 : i32
      %add3A_208 = arith.addi %add3A_195, %add3A_207 : i32
      %lt3A_209 = arith.cmpi slt, %add3A_208, %add3A_4 : i32
      %convert_element_type3A_210 = arith.extui %lt3A_209 : i1 to i32
      %cond3A_211 = arith.constant 0 : i32
      %cond3A_212 = arith.cmpi ne, %convert_element_type3A_210, %cond3A_211 : i32
      scf.if %cond3A_212 {
        %add3A_309 = arith.constant 6 : i32
        %add3A_310 = arith.addi %add3A_195, %add3A_309 : i32
        %dma_start3A_311 = arith.constant 1 : i32
        %dma_start3A_312 = arith.constant 1 : i32
        %dma_start3A_313 = arith.constant 0 : i32
        %dma_start3A_314 = arith.constant 0 : i32
        %dma_start3A_315 = tpu.memref_slice %arg8[%dma_start3A_311, %dma_start3A_313, %dma_start3A_314] : memref<8x128x64xf32, #tpu.memory_space<vmem>> -> memref<1x128x64xf32, #tpu.memory_space<vmem>>
        %dma_start3A_316 = tpu.memref_squeeze %dma_start3A_315 : memref<1x128x64xf32, #tpu.memory_space<vmem>> -> memref<128x64xf32, #tpu.memory_space<vmem>>
        %dma_start3A_317 = arith.constant 0 : i32
        %dma_start3A_318 = tpu.memref_slice %arg6[%add3A_310, %dma_start3A_317] : memref<80x128xi32, #tpu.memory_space<vmem>> -> memref<1x128xi32, #tpu.memory_space<vmem>>
        %dma_start3A_319 = tpu.memref_squeeze %dma_start3A_318 : memref<1x128xi32, #tpu.memory_space<vmem>> -> memref<128xi32, #tpu.memory_space<vmem>>
        %dma_start3A_320 = arith.constant 0 : i32
        %dma_start3A_321 = arith.constant 0 : i32
        %dma_start3A_322 = tpu.memref_slice %arg2[%dma_start3A_320, %dma_start3A_321] : memref<10000x64xf32, #tpu.memory_space<hbm>> -> memref<10000x64xf32, #tpu.memory_space<hbm>>
        %dma_start3A_323 = tpu.memref_slice %arg10[%dma_start3A_312] : memref<8x!tpu.dma_semaphore, #tpu.memory_space<semaphore_mem>> -> memref<1x!tpu.dma_semaphore, #tpu.memory_space<semaphore_mem>>
        %dma_start3A_324 = tpu.memref_squeeze %dma_start3A_323 : memref<1x!tpu.dma_semaphore, #tpu.memory_space<semaphore_mem>> -> memref<!tpu.dma_semaphore, #tpu.memory_space<semaphore_mem>>
        tpu.enqueue_indirect_dma source(%dma_start3A_322 : memref<10000x64xf32, #tpu.memory_space<hbm>>) target(%dma_start3A_316 : memref<128x64xf32, #tpu.memory_space<vmem>>) offsets(%dma_start3A_319 : memref<128xi32, #tpu.memory_space<vmem>>) semaphore(%dma_start3A_324 : memref<!tpu.dma_semaphore, #tpu.memory_space<semaphore_mem>>)
      } else {
      }
      %lt3A_213 = arith.cmpi slt, %add3A_195, %add3A_4 : i32
      %convert_element_type3A_214 = arith.extui %lt3A_213 : i1 to i32
      %cond3A_215 = arith.constant 0 : i32
      %cond3A_216 = arith.cmpi ne, %convert_element_type3A_214, %cond3A_215 : i32
      scf.if %cond3A_216 {
        %dma_wait3A = arith.constant 3 : i32
        %dma_wait3A_309 = arith.constant 3 : i32
        %dma_wait3A_310 = arith.constant 0 : i32
        %dma_wait3A_311 = arith.constant 0 : i32
        %dma_wait3A_312 = tpu.memref_slice %arg8[%dma_wait3A, %dma_wait3A_310, %dma_wait3A_311] : memref<8x128x64xf32, #tpu.memory_space<vmem>> -> memref<1x128x64xf32, #tpu.memory_space<vmem>>
        %dma_wait3A_313 = tpu.memref_squeeze %dma_wait3A_312 : memref<1x128x64xf32, #tpu.memory_space<vmem>> -> memref<128x64xf32, #tpu.memory_space<vmem>>
        %dma_wait3A_314 = arith.constant 0 : i32
        %dma_wait3A_315 = tpu.memref_slice %arg6[%add3A_195, %dma_wait3A_314] : memref<80x128xi32, #tpu.memory_space<vmem>> -> memref<1x128xi32, #tpu.memory_space<vmem>>
        %dma_wait3A_316 = tpu.memref_squeeze %dma_wait3A_315 : memref<1x128xi32, #tpu.memory_space<vmem>> -> memref<128xi32, #tpu.memory_space<vmem>>
        %dma_wait3A_317 = arith.constant 0 : i32
        %dma_wait3A_318 = arith.constant 0 : i32
        %dma_wait3A_319 = tpu.memref_slice %arg2[%dma_wait3A_317, %dma_wait3A_318] : memref<10000x64xf32, #tpu.memory_space<hbm>> -> memref<10000x64xf32, #tpu.memory_space<hbm>>
        %dma_wait3A_320 = tpu.memref_slice %arg10[%dma_wait3A_309] : memref<8x!tpu.dma_semaphore, #tpu.memory_space<semaphore_mem>> -> memref<1x!tpu.dma_semaphore, #tpu.memory_space<semaphore_mem>>
        %dma_wait3A_321 = tpu.memref_squeeze %dma_wait3A_320 : memref<1x!tpu.dma_semaphore, #tpu.memory_space<semaphore_mem>> -> memref<!tpu.dma_semaphore, #tpu.memory_space<semaphore_mem>>
        tpu.wait_indirect_dma semaphore(%dma_wait3A_321 : memref<!tpu.dma_semaphore, #tpu.memory_space<semaphore_mem>>) src(%dma_wait3A_319 : memref<10000x64xf32, #tpu.memory_space<hbm>>) dst(%dma_wait3A_313 : memref<128x64xf32, #tpu.memory_space<vmem>>)
        %dma_start3A_322 = arith.constant 3 : i32
        %dma_start3A_323 = arith.constant 3 : i32
        %dma_start3A_324 = arith.constant 0 : i32
        %dma_start3A_325 = arith.constant 0 : i32
        %dma_start3A_326 = tpu.memref_slice %arg8[%dma_start3A_322, %dma_start3A_324, %dma_start3A_325] : memref<8x128x64xf32, #tpu.memory_space<vmem>> -> memref<1x128x64xf32, #tpu.memory_space<vmem>>
        %dma_start3A_327 = tpu.memref_squeeze %dma_start3A_326 : memref<1x128x64xf32, #tpu.memory_space<vmem>> -> memref<128x64xf32, #tpu.memory_space<vmem>>
        %dma_start3A_328 = arith.constant 0 : i32
        %dma_start3A_329 = tpu.memref_slice %arg7[%add3A_195, %dma_start3A_328] : memref<80x128xi32, #tpu.memory_space<vmem>> -> memref<1x128xi32, #tpu.memory_space<vmem>>
        %dma_start3A_330 = tpu.memref_squeeze %dma_start3A_329 : memref<1x128xi32, #tpu.memory_space<vmem>> -> memref<128xi32, #tpu.memory_space<vmem>>
        %dma_start3A_331 = arith.constant 0 : i32
        %dma_start3A_332 = arith.constant 0 : i32
        %dma_start3A_333 = tpu.memref_slice %arg9[%dma_start3A_331, %dma_start3A_332] : memref<10112x64xf32, #tpu.memory_space<vmem_shared>> -> memref<10112x64xf32, #tpu.memory_space<vmem_shared>>
        %dma_start3A_334 = tpu.memref_slice %arg11[%dma_start3A_323] : memref<8x!tpu.dma_semaphore, #tpu.memory_space<semaphore_mem>> -> memref<1x!tpu.dma_semaphore, #tpu.memory_space<semaphore_mem>>
        %dma_start3A_335 = tpu.memref_squeeze %dma_start3A_334 : memref<1x!tpu.dma_semaphore, #tpu.memory_space<semaphore_mem>> -> memref<!tpu.dma_semaphore, #tpu.memory_space<semaphore_mem>>
        tpu.enqueue_indirect_dma source(%dma_start3A_327 : memref<128x64xf32, #tpu.memory_space<vmem>>) target(%dma_start3A_333 : memref<10112x64xf32, #tpu.memory_space<vmem_shared>>) offsets(%dma_start3A_330 : memref<128xi32, #tpu.memory_space<vmem>>) semaphore(%dma_start3A_335 : memref<!tpu.dma_semaphore, #tpu.memory_space<semaphore_mem>>) {add = true}
      } else {
      }
      %add3A_217 = arith.constant 4 : i32
      %add3A_218 = arith.addi %mul3A_127, %add3A_217 : i32
      %add3A_219 = arith.constant 6 : i32
      %add3A_220 = arith.addi %add3A_218, %add3A_219 : i32
      %sub3A_221 = arith.constant 8 : i32
      %sub3A_222 = arith.subi %add3A_220, %sub3A_221 : i32
      %ge3A_223 = arith.constant 0 : i32
      %ge3A_224 = arith.cmpi sge, %sub3A_222, %ge3A_223 : i32
      %lt3A_225 = arith.cmpi slt, %sub3A_222, %add3A_4 : i32
      %and3A_226 = arith.andi %ge3A_224, %lt3A_225 : i1
      %convert_element_type3A_227 = arith.extui %and3A_226 : i1 to i32
      %cond3A_228 = arith.constant 0 : i32
      %cond3A_229 = arith.cmpi ne, %convert_element_type3A_227, %cond3A_228 : i32
      scf.if %cond3A_229 {
        %dma_wait3A = arith.constant 2 : i32
        %dma_wait3A_309 = arith.constant 2 : i32
        %dma_wait3A_310 = arith.constant 0 : i32
        %dma_wait3A_311 = arith.constant 0 : i32
        %dma_wait3A_312 = tpu.memref_slice %arg8[%dma_wait3A, %dma_wait3A_310, %dma_wait3A_311] : memref<8x128x64xf32, #tpu.memory_space<vmem>> -> memref<1x128x64xf32, #tpu.memory_space<vmem>>
        %dma_wait3A_313 = tpu.memref_squeeze %dma_wait3A_312 : memref<1x128x64xf32, #tpu.memory_space<vmem>> -> memref<128x64xf32, #tpu.memory_space<vmem>>
        %dma_wait3A_314 = arith.constant 0 : i32
        %dma_wait3A_315 = tpu.memref_slice %arg7[%sub3A_222, %dma_wait3A_314] : memref<80x128xi32, #tpu.memory_space<vmem>> -> memref<1x128xi32, #tpu.memory_space<vmem>>
        %dma_wait3A_316 = tpu.memref_squeeze %dma_wait3A_315 : memref<1x128xi32, #tpu.memory_space<vmem>> -> memref<128xi32, #tpu.memory_space<vmem>>
        %dma_wait3A_317 = arith.constant 0 : i32
        %dma_wait3A_318 = arith.constant 0 : i32
        %dma_wait3A_319 = tpu.memref_slice %arg9[%dma_wait3A_317, %dma_wait3A_318] : memref<10112x64xf32, #tpu.memory_space<vmem_shared>> -> memref<10112x64xf32, #tpu.memory_space<vmem_shared>>
        %dma_wait3A_320 = tpu.memref_slice %arg11[%dma_wait3A_309] : memref<8x!tpu.dma_semaphore, #tpu.memory_space<semaphore_mem>> -> memref<1x!tpu.dma_semaphore, #tpu.memory_space<semaphore_mem>>
        %dma_wait3A_321 = tpu.memref_squeeze %dma_wait3A_320 : memref<1x!tpu.dma_semaphore, #tpu.memory_space<semaphore_mem>> -> memref<!tpu.dma_semaphore, #tpu.memory_space<semaphore_mem>>
        tpu.wait_indirect_dma semaphore(%dma_wait3A_321 : memref<!tpu.dma_semaphore, #tpu.memory_space<semaphore_mem>>) src(%dma_wait3A_313 : memref<128x64xf32, #tpu.memory_space<vmem>>) dst(%dma_wait3A_319 : memref<10112x64xf32, #tpu.memory_space<vmem_shared>>)
      } else {
      }
      %add3A_230 = arith.constant 6 : i32
      %add3A_231 = arith.addi %add3A_218, %add3A_230 : i32
      %lt3A_232 = arith.cmpi slt, %add3A_231, %add3A_4 : i32
      %convert_element_type3A_233 = arith.extui %lt3A_232 : i1 to i32
      %cond3A_234 = arith.constant 0 : i32
      %cond3A_235 = arith.cmpi ne, %convert_element_type3A_233, %cond3A_234 : i32
      scf.if %cond3A_235 {
        %add3A_309 = arith.constant 6 : i32
        %add3A_310 = arith.addi %add3A_218, %add3A_309 : i32
        %dma_start3A_311 = arith.constant 2 : i32
        %dma_start3A_312 = arith.constant 2 : i32
        %dma_start3A_313 = arith.constant 0 : i32
        %dma_start3A_314 = arith.constant 0 : i32
        %dma_start3A_315 = tpu.memref_slice %arg8[%dma_start3A_311, %dma_start3A_313, %dma_start3A_314] : memref<8x128x64xf32, #tpu.memory_space<vmem>> -> memref<1x128x64xf32, #tpu.memory_space<vmem>>
        %dma_start3A_316 = tpu.memref_squeeze %dma_start3A_315 : memref<1x128x64xf32, #tpu.memory_space<vmem>> -> memref<128x64xf32, #tpu.memory_space<vmem>>
        %dma_start3A_317 = arith.constant 0 : i32
        %dma_start3A_318 = tpu.memref_slice %arg6[%add3A_310, %dma_start3A_317] : memref<80x128xi32, #tpu.memory_space<vmem>> -> memref<1x128xi32, #tpu.memory_space<vmem>>
        %dma_start3A_319 = tpu.memref_squeeze %dma_start3A_318 : memref<1x128xi32, #tpu.memory_space<vmem>> -> memref<128xi32, #tpu.memory_space<vmem>>
        %dma_start3A_320 = arith.constant 0 : i32
        %dma_start3A_321 = arith.constant 0 : i32
        %dma_start3A_322 = tpu.memref_slice %arg2[%dma_start3A_320, %dma_start3A_321] : memref<10000x64xf32, #tpu.memory_space<hbm>> -> memref<10000x64xf32, #tpu.memory_space<hbm>>
        %dma_start3A_323 = tpu.memref_slice %arg10[%dma_start3A_312] : memref<8x!tpu.dma_semaphore, #tpu.memory_space<semaphore_mem>> -> memref<1x!tpu.dma_semaphore, #tpu.memory_space<semaphore_mem>>
        %dma_start3A_324 = tpu.memref_squeeze %dma_start3A_323 : memref<1x!tpu.dma_semaphore, #tpu.memory_space<semaphore_mem>> -> memref<!tpu.dma_semaphore, #tpu.memory_space<semaphore_mem>>
        tpu.enqueue_indirect_dma source(%dma_start3A_322 : memref<10000x64xf32, #tpu.memory_space<hbm>>) target(%dma_start3A_316 : memref<128x64xf32, #tpu.memory_space<vmem>>) offsets(%dma_start3A_319 : memref<128xi32, #tpu.memory_space<vmem>>) semaphore(%dma_start3A_324 : memref<!tpu.dma_semaphore, #tpu.memory_space<semaphore_mem>>)
      } else {
      }
      %lt3A_236 = arith.cmpi slt, %add3A_218, %add3A_4 : i32
      %convert_element_type3A_237 = arith.extui %lt3A_236 : i1 to i32
      %cond3A_238 = arith.constant 0 : i32
      %cond3A_239 = arith.cmpi ne, %convert_element_type3A_237, %cond3A_238 : i32
      scf.if %cond3A_239 {
        %dma_wait3A = arith.constant 4 : i32
        %dma_wait3A_309 = arith.constant 4 : i32
        %dma_wait3A_310 = arith.constant 0 : i32
        %dma_wait3A_311 = arith.constant 0 : i32
        %dma_wait3A_312 = tpu.memref_slice %arg8[%dma_wait3A, %dma_wait3A_310, %dma_wait3A_311] : memref<8x128x64xf32, #tpu.memory_space<vmem>> -> memref<1x128x64xf32, #tpu.memory_space<vmem>>
        %dma_wait3A_313 = tpu.memref_squeeze %dma_wait3A_312 : memref<1x128x64xf32, #tpu.memory_space<vmem>> -> memref<128x64xf32, #tpu.memory_space<vmem>>
        %dma_wait3A_314 = arith.constant 0 : i32
        %dma_wait3A_315 = tpu.memref_slice %arg6[%add3A_218, %dma_wait3A_314] : memref<80x128xi32, #tpu.memory_space<vmem>> -> memref<1x128xi32, #tpu.memory_space<vmem>>
        %dma_wait3A_316 = tpu.memref_squeeze %dma_wait3A_315 : memref<1x128xi32, #tpu.memory_space<vmem>> -> memref<128xi32, #tpu.memory_space<vmem>>
        %dma_wait3A_317 = arith.constant 0 : i32
        %dma_wait3A_318 = arith.constant 0 : i32
        %dma_wait3A_319 = tpu.memref_slice %arg2[%dma_wait3A_317, %dma_wait3A_318] : memref<10000x64xf32, #tpu.memory_space<hbm>> -> memref<10000x64xf32, #tpu.memory_space<hbm>>
        %dma_wait3A_320 = tpu.memref_slice %arg10[%dma_wait3A_309] : memref<8x!tpu.dma_semaphore, #tpu.memory_space<semaphore_mem>> -> memref<1x!tpu.dma_semaphore, #tpu.memory_space<semaphore_mem>>
        %dma_wait3A_321 = tpu.memref_squeeze %dma_wait3A_320 : memref<1x!tpu.dma_semaphore, #tpu.memory_space<semaphore_mem>> -> memref<!tpu.dma_semaphore, #tpu.memory_space<semaphore_mem>>
        tpu.wait_indirect_dma semaphore(%dma_wait3A_321 : memref<!tpu.dma_semaphore, #tpu.memory_space<semaphore_mem>>) src(%dma_wait3A_319 : memref<10000x64xf32, #tpu.memory_space<hbm>>) dst(%dma_wait3A_313 : memref<128x64xf32, #tpu.memory_space<vmem>>)
        %dma_start3A_322 = arith.constant 4 : i32
        %dma_start3A_323 = arith.constant 4 : i32
        %dma_start3A_324 = arith.constant 0 : i32
        %dma_start3A_325 = arith.constant 0 : i32
        %dma_start3A_326 = tpu.memref_slice %arg8[%dma_start3A_322, %dma_start3A_324, %dma_start3A_325] : memref<8x128x64xf32, #tpu.memory_space<vmem>> -> memref<1x128x64xf32, #tpu.memory_space<vmem>>
        %dma_start3A_327 = tpu.memref_squeeze %dma_start3A_326 : memref<1x128x64xf32, #tpu.memory_space<vmem>> -> memref<128x64xf32, #tpu.memory_space<vmem>>
        %dma_start3A_328 = arith.constant 0 : i32
        %dma_start3A_329 = tpu.memref_slice %arg7[%add3A_218, %dma_start3A_328] : memref<80x128xi32, #tpu.memory_space<vmem>> -> memref<1x128xi32, #tpu.memory_space<vmem>>
        %dma_start3A_330 = tpu.memref_squeeze %dma_start3A_329 : memref<1x128xi32, #tpu.memory_space<vmem>> -> memref<128xi32, #tpu.memory_space<vmem>>
        %dma_start3A_331 = arith.constant 0 : i32
        %dma_start3A_332 = arith.constant 0 : i32
        %dma_start3A_333 = tpu.memref_slice %arg9[%dma_start3A_331, %dma_start3A_332] : memref<10112x64xf32, #tpu.memory_space<vmem_shared>> -> memref<10112x64xf32, #tpu.memory_space<vmem_shared>>
        %dma_start3A_334 = tpu.memref_slice %arg11[%dma_start3A_323] : memref<8x!tpu.dma_semaphore, #tpu.memory_space<semaphore_mem>> -> memref<1x!tpu.dma_semaphore, #tpu.memory_space<semaphore_mem>>
        %dma_start3A_335 = tpu.memref_squeeze %dma_start3A_334 : memref<1x!tpu.dma_semaphore, #tpu.memory_space<semaphore_mem>> -> memref<!tpu.dma_semaphore, #tpu.memory_space<semaphore_mem>>
        tpu.enqueue_indirect_dma source(%dma_start3A_327 : memref<128x64xf32, #tpu.memory_space<vmem>>) target(%dma_start3A_333 : memref<10112x64xf32, #tpu.memory_space<vmem_shared>>) offsets(%dma_start3A_330 : memref<128xi32, #tpu.memory_space<vmem>>) semaphore(%dma_start3A_335 : memref<!tpu.dma_semaphore, #tpu.memory_space<semaphore_mem>>) {add = true}
      } else {
      }
      %add3A_240 = arith.constant 5 : i32
      %add3A_241 = arith.addi %mul3A_127, %add3A_240 : i32
      %add3A_242 = arith.constant 6 : i32
      %add3A_243 = arith.addi %add3A_241, %add3A_242 : i32
      %sub3A_244 = arith.constant 8 : i32
      %sub3A_245 = arith.subi %add3A_243, %sub3A_244 : i32
      %ge3A_246 = arith.constant 0 : i32
      %ge3A_247 = arith.cmpi sge, %sub3A_245, %ge3A_246 : i32
      %lt3A_248 = arith.cmpi slt, %sub3A_245, %add3A_4 : i32
      %and3A_249 = arith.andi %ge3A_247, %lt3A_248 : i1
      %convert_element_type3A_250 = arith.extui %and3A_249 : i1 to i32
      %cond3A_251 = arith.constant 0 : i32
      %cond3A_252 = arith.cmpi ne, %convert_element_type3A_250, %cond3A_251 : i32
      scf.if %cond3A_252 {
        %dma_wait3A = arith.constant 3 : i32
        %dma_wait3A_309 = arith.constant 3 : i32
        %dma_wait3A_310 = arith.constant 0 : i32
        %dma_wait3A_311 = arith.constant 0 : i32
        %dma_wait3A_312 = tpu.memref_slice %arg8[%dma_wait3A, %dma_wait3A_310, %dma_wait3A_311] : memref<8x128x64xf32, #tpu.memory_space<vmem>> -> memref<1x128x64xf32, #tpu.memory_space<vmem>>
        %dma_wait3A_313 = tpu.memref_squeeze %dma_wait3A_312 : memref<1x128x64xf32, #tpu.memory_space<vmem>> -> memref<128x64xf32, #tpu.memory_space<vmem>>
        %dma_wait3A_314 = arith.constant 0 : i32
        %dma_wait3A_315 = tpu.memref_slice %arg7[%sub3A_245, %dma_wait3A_314] : memref<80x128xi32, #tpu.memory_space<vmem>> -> memref<1x128xi32, #tpu.memory_space<vmem>>
        %dma_wait3A_316 = tpu.memref_squeeze %dma_wait3A_315 : memref<1x128xi32, #tpu.memory_space<vmem>> -> memref<128xi32, #tpu.memory_space<vmem>>
        %dma_wait3A_317 = arith.constant 0 : i32
        %dma_wait3A_318 = arith.constant 0 : i32
        %dma_wait3A_319 = tpu.memref_slice %arg9[%dma_wait3A_317, %dma_wait3A_318] : memref<10112x64xf32, #tpu.memory_space<vmem_shared>> -> memref<10112x64xf32, #tpu.memory_space<vmem_shared>>
        %dma_wait3A_320 = tpu.memref_slice %arg11[%dma_wait3A_309] : memref<8x!tpu.dma_semaphore, #tpu.memory_space<semaphore_mem>> -> memref<1x!tpu.dma_semaphore, #tpu.memory_space<semaphore_mem>>
        %dma_wait3A_321 = tpu.memref_squeeze %dma_wait3A_320 : memref<1x!tpu.dma_semaphore, #tpu.memory_space<semaphore_mem>> -> memref<!tpu.dma_semaphore, #tpu.memory_space<semaphore_mem>>
        tpu.wait_indirect_dma semaphore(%dma_wait3A_321 : memref<!tpu.dma_semaphore, #tpu.memory_space<semaphore_mem>>) src(%dma_wait3A_313 : memref<128x64xf32, #tpu.memory_space<vmem>>) dst(%dma_wait3A_319 : memref<10112x64xf32, #tpu.memory_space<vmem_shared>>)
      } else {
      }
      %add3A_253 = arith.constant 6 : i32
      %add3A_254 = arith.addi %add3A_241, %add3A_253 : i32
      %lt3A_255 = arith.cmpi slt, %add3A_254, %add3A_4 : i32
      %convert_element_type3A_256 = arith.extui %lt3A_255 : i1 to i32
      %cond3A_257 = arith.constant 0 : i32
      %cond3A_258 = arith.cmpi ne, %convert_element_type3A_256, %cond3A_257 : i32
      scf.if %cond3A_258 {
        %add3A_309 = arith.constant 6 : i32
        %add3A_310 = arith.addi %add3A_241, %add3A_309 : i32
        %dma_start3A_311 = arith.constant 3 : i32
        %dma_start3A_312 = arith.constant 3 : i32
        %dma_start3A_313 = arith.constant 0 : i32
        %dma_start3A_314 = arith.constant 0 : i32
        %dma_start3A_315 = tpu.memref_slice %arg8[%dma_start3A_311, %dma_start3A_313, %dma_start3A_314] : memref<8x128x64xf32, #tpu.memory_space<vmem>> -> memref<1x128x64xf32, #tpu.memory_space<vmem>>
        %dma_start3A_316 = tpu.memref_squeeze %dma_start3A_315 : memref<1x128x64xf32, #tpu.memory_space<vmem>> -> memref<128x64xf32, #tpu.memory_space<vmem>>
        %dma_start3A_317 = arith.constant 0 : i32
        %dma_start3A_318 = tpu.memref_slice %arg6[%add3A_310, %dma_start3A_317] : memref<80x128xi32, #tpu.memory_space<vmem>> -> memref<1x128xi32, #tpu.memory_space<vmem>>
        %dma_start3A_319 = tpu.memref_squeeze %dma_start3A_318 : memref<1x128xi32, #tpu.memory_space<vmem>> -> memref<128xi32, #tpu.memory_space<vmem>>
        %dma_start3A_320 = arith.constant 0 : i32
        %dma_start3A_321 = arith.constant 0 : i32
        %dma_start3A_322 = tpu.memref_slice %arg2[%dma_start3A_320, %dma_start3A_321] : memref<10000x64xf32, #tpu.memory_space<hbm>> -> memref<10000x64xf32, #tpu.memory_space<hbm>>
        %dma_start3A_323 = tpu.memref_slice %arg10[%dma_start3A_312] : memref<8x!tpu.dma_semaphore, #tpu.memory_space<semaphore_mem>> -> memref<1x!tpu.dma_semaphore, #tpu.memory_space<semaphore_mem>>
        %dma_start3A_324 = tpu.memref_squeeze %dma_start3A_323 : memref<1x!tpu.dma_semaphore, #tpu.memory_space<semaphore_mem>> -> memref<!tpu.dma_semaphore, #tpu.memory_space<semaphore_mem>>
        tpu.enqueue_indirect_dma source(%dma_start3A_322 : memref<10000x64xf32, #tpu.memory_space<hbm>>) target(%dma_start3A_316 : memref<128x64xf32, #tpu.memory_space<vmem>>) offsets(%dma_start3A_319 : memref<128xi32, #tpu.memory_space<vmem>>) semaphore(%dma_start3A_324 : memref<!tpu.dma_semaphore, #tpu.memory_space<semaphore_mem>>)
      } else {
      }
      %lt3A_259 = arith.cmpi slt, %add3A_241, %add3A_4 : i32
      %convert_element_type3A_260 = arith.extui %lt3A_259 : i1 to i32
      %cond3A_261 = arith.constant 0 : i32
      %cond3A_262 = arith.cmpi ne, %convert_element_type3A_260, %cond3A_261 : i32
      scf.if %cond3A_262 {
        %dma_wait3A = arith.constant 5 : i32
        %dma_wait3A_309 = arith.constant 5 : i32
        %dma_wait3A_310 = arith.constant 0 : i32
        %dma_wait3A_311 = arith.constant 0 : i32
        %dma_wait3A_312 = tpu.memref_slice %arg8[%dma_wait3A, %dma_wait3A_310, %dma_wait3A_311] : memref<8x128x64xf32, #tpu.memory_space<vmem>> -> memref<1x128x64xf32, #tpu.memory_space<vmem>>
        %dma_wait3A_313 = tpu.memref_squeeze %dma_wait3A_312 : memref<1x128x64xf32, #tpu.memory_space<vmem>> -> memref<128x64xf32, #tpu.memory_space<vmem>>
        %dma_wait3A_314 = arith.constant 0 : i32
        %dma_wait3A_315 = tpu.memref_slice %arg6[%add3A_241, %dma_wait3A_314] : memref<80x128xi32, #tpu.memory_space<vmem>> -> memref<1x128xi32, #tpu.memory_space<vmem>>
        %dma_wait3A_316 = tpu.memref_squeeze %dma_wait3A_315 : memref<1x128xi32, #tpu.memory_space<vmem>> -> memref<128xi32, #tpu.memory_space<vmem>>
        %dma_wait3A_317 = arith.constant 0 : i32
        %dma_wait3A_318 = arith.constant 0 : i32
        %dma_wait3A_319 = tpu.memref_slice %arg2[%dma_wait3A_317, %dma_wait3A_318] : memref<10000x64xf32, #tpu.memory_space<hbm>> -> memref<10000x64xf32, #tpu.memory_space<hbm>>
        %dma_wait3A_320 = tpu.memref_slice %arg10[%dma_wait3A_309] : memref<8x!tpu.dma_semaphore, #tpu.memory_space<semaphore_mem>> -> memref<1x!tpu.dma_semaphore, #tpu.memory_space<semaphore_mem>>
        %dma_wait3A_321 = tpu.memref_squeeze %dma_wait3A_320 : memref<1x!tpu.dma_semaphore, #tpu.memory_space<semaphore_mem>> -> memref<!tpu.dma_semaphore, #tpu.memory_space<semaphore_mem>>
        tpu.wait_indirect_dma semaphore(%dma_wait3A_321 : memref<!tpu.dma_semaphore, #tpu.memory_space<semaphore_mem>>) src(%dma_wait3A_319 : memref<10000x64xf32, #tpu.memory_space<hbm>>) dst(%dma_wait3A_313 : memref<128x64xf32, #tpu.memory_space<vmem>>)
        %dma_start3A_322 = arith.constant 5 : i32
        %dma_start3A_323 = arith.constant 5 : i32
        %dma_start3A_324 = arith.constant 0 : i32
        %dma_start3A_325 = arith.constant 0 : i32
        %dma_start3A_326 = tpu.memref_slice %arg8[%dma_start3A_322, %dma_start3A_324, %dma_start3A_325] : memref<8x128x64xf32, #tpu.memory_space<vmem>> -> memref<1x128x64xf32, #tpu.memory_space<vmem>>
        %dma_start3A_327 = tpu.memref_squeeze %dma_start3A_326 : memref<1x128x64xf32, #tpu.memory_space<vmem>> -> memref<128x64xf32, #tpu.memory_space<vmem>>
        %dma_start3A_328 = arith.constant 0 : i32
        %dma_start3A_329 = tpu.memref_slice %arg7[%add3A_241, %dma_start3A_328] : memref<80x128xi32, #tpu.memory_space<vmem>> -> memref<1x128xi32, #tpu.memory_space<vmem>>
        %dma_start3A_330 = tpu.memref_squeeze %dma_start3A_329 : memref<1x128xi32, #tpu.memory_space<vmem>> -> memref<128xi32, #tpu.memory_space<vmem>>
        %dma_start3A_331 = arith.constant 0 : i32
        %dma_start3A_332 = arith.constant 0 : i32
        %dma_start3A_333 = tpu.memref_slice %arg9[%dma_start3A_331, %dma_start3A_332] : memref<10112x64xf32, #tpu.memory_space<vmem_shared>> -> memref<10112x64xf32, #tpu.memory_space<vmem_shared>>
        %dma_start3A_334 = tpu.memref_slice %arg11[%dma_start3A_323] : memref<8x!tpu.dma_semaphore, #tpu.memory_space<semaphore_mem>> -> memref<1x!tpu.dma_semaphore, #tpu.memory_space<semaphore_mem>>
        %dma_start3A_335 = tpu.memref_squeeze %dma_start3A_334 : memref<1x!tpu.dma_semaphore, #tpu.memory_space<semaphore_mem>> -> memref<!tpu.dma_semaphore, #tpu.memory_space<semaphore_mem>>
        tpu.enqueue_indirect_dma source(%dma_start3A_327 : memref<128x64xf32, #tpu.memory_space<vmem>>) target(%dma_start3A_333 : memref<10112x64xf32, #tpu.memory_space<vmem_shared>>) offsets(%dma_start3A_330 : memref<128xi32, #tpu.memory_space<vmem>>) semaphore(%dma_start3A_335 : memref<!tpu.dma_semaphore, #tpu.memory_space<semaphore_mem>>) {add = true}
      } else {
      }
      %add3A_263 = arith.constant 6 : i32
      %add3A_264 = arith.addi %mul3A_127, %add3A_263 : i32
      %add3A_265 = arith.constant 6 : i32
      %add3A_266 = arith.addi %add3A_264, %add3A_265 : i32
      %sub3A_267 = arith.constant 8 : i32
      %sub3A_268 = arith.subi %add3A_266, %sub3A_267 : i32
      %ge3A_269 = arith.constant 0 : i32
      %ge3A_270 = arith.cmpi sge, %sub3A_268, %ge3A_269 : i32
      %lt3A_271 = arith.cmpi slt, %sub3A_268, %add3A_4 : i32
      %and3A_272 = arith.andi %ge3A_270, %lt3A_271 : i1
      %convert_element_type3A_273 = arith.extui %and3A_272 : i1 to i32
      %cond3A_274 = arith.constant 0 : i32
      %cond3A_275 = arith.cmpi ne, %convert_element_type3A_273, %cond3A_274 : i32
      scf.if %cond3A_275 {
        %dma_wait3A = arith.constant 4 : i32
        %dma_wait3A_309 = arith.constant 4 : i32
        %dma_wait3A_310 = arith.constant 0 : i32
        %dma_wait3A_311 = arith.constant 0 : i32
        %dma_wait3A_312 = tpu.memref_slice %arg8[%dma_wait3A, %dma_wait3A_310, %dma_wait3A_311] : memref<8x128x64xf32, #tpu.memory_space<vmem>> -> memref<1x128x64xf32, #tpu.memory_space<vmem>>
        %dma_wait3A_313 = tpu.memref_squeeze %dma_wait3A_312 : memref<1x128x64xf32, #tpu.memory_space<vmem>> -> memref<128x64xf32, #tpu.memory_space<vmem>>
        %dma_wait3A_314 = arith.constant 0 : i32
        %dma_wait3A_315 = tpu.memref_slice %arg7[%sub3A_268, %dma_wait3A_314] : memref<80x128xi32, #tpu.memory_space<vmem>> -> memref<1x128xi32, #tpu.memory_space<vmem>>
        %dma_wait3A_316 = tpu.memref_squeeze %dma_wait3A_315 : memref<1x128xi32, #tpu.memory_space<vmem>> -> memref<128xi32, #tpu.memory_space<vmem>>
        %dma_wait3A_317 = arith.constant 0 : i32
        %dma_wait3A_318 = arith.constant 0 : i32
        %dma_wait3A_319 = tpu.memref_slice %arg9[%dma_wait3A_317, %dma_wait3A_318] : memref<10112x64xf32, #tpu.memory_space<vmem_shared>> -> memref<10112x64xf32, #tpu.memory_space<vmem_shared>>
        %dma_wait3A_320 = tpu.memref_slice %arg11[%dma_wait3A_309] : memref<8x!tpu.dma_semaphore, #tpu.memory_space<semaphore_mem>> -> memref<1x!tpu.dma_semaphore, #tpu.memory_space<semaphore_mem>>
        %dma_wait3A_321 = tpu.memref_squeeze %dma_wait3A_320 : memref<1x!tpu.dma_semaphore, #tpu.memory_space<semaphore_mem>> -> memref<!tpu.dma_semaphore, #tpu.memory_space<semaphore_mem>>
        tpu.wait_indirect_dma semaphore(%dma_wait3A_321 : memref<!tpu.dma_semaphore, #tpu.memory_space<semaphore_mem>>) src(%dma_wait3A_313 : memref<128x64xf32, #tpu.memory_space<vmem>>) dst(%dma_wait3A_319 : memref<10112x64xf32, #tpu.memory_space<vmem_shared>>)
      } else {
      }
      %add3A_276 = arith.constant 6 : i32
      %add3A_277 = arith.addi %add3A_264, %add3A_276 : i32
      %lt3A_278 = arith.cmpi slt, %add3A_277, %add3A_4 : i32
      %convert_element_type3A_279 = arith.extui %lt3A_278 : i1 to i32
      %cond3A_280 = arith.constant 0 : i32
      %cond3A_281 = arith.cmpi ne, %convert_element_type3A_279, %cond3A_280 : i32
      scf.if %cond3A_281 {
        %add3A_309 = arith.constant 6 : i32
        %add3A_310 = arith.addi %add3A_264, %add3A_309 : i32
        %dma_start3A_311 = arith.constant 4 : i32
        %dma_start3A_312 = arith.constant 4 : i32
        %dma_start3A_313 = arith.constant 0 : i32
        %dma_start3A_314 = arith.constant 0 : i32
        %dma_start3A_315 = tpu.memref_slice %arg8[%dma_start3A_311, %dma_start3A_313, %dma_start3A_314] : memref<8x128x64xf32, #tpu.memory_space<vmem>> -> memref<1x128x64xf32, #tpu.memory_space<vmem>>
        %dma_start3A_316 = tpu.memref_squeeze %dma_start3A_315 : memref<1x128x64xf32, #tpu.memory_space<vmem>> -> memref<128x64xf32, #tpu.memory_space<vmem>>
        %dma_start3A_317 = arith.constant 0 : i32
        %dma_start3A_318 = tpu.memref_slice %arg6[%add3A_310, %dma_start3A_317] : memref<80x128xi32, #tpu.memory_space<vmem>> -> memref<1x128xi32, #tpu.memory_space<vmem>>
        %dma_start3A_319 = tpu.memref_squeeze %dma_start3A_318 : memref<1x128xi32, #tpu.memory_space<vmem>> -> memref<128xi32, #tpu.memory_space<vmem>>
        %dma_start3A_320 = arith.constant 0 : i32
        %dma_start3A_321 = arith.constant 0 : i32
        %dma_start3A_322 = tpu.memref_slice %arg2[%dma_start3A_320, %dma_start3A_321] : memref<10000x64xf32, #tpu.memory_space<hbm>> -> memref<10000x64xf32, #tpu.memory_space<hbm>>
        %dma_start3A_323 = tpu.memref_slice %arg10[%dma_start3A_312] : memref<8x!tpu.dma_semaphore, #tpu.memory_space<semaphore_mem>> -> memref<1x!tpu.dma_semaphore, #tpu.memory_space<semaphore_mem>>
        %dma_start3A_324 = tpu.memref_squeeze %dma_start3A_323 : memref<1x!tpu.dma_semaphore, #tpu.memory_space<semaphore_mem>> -> memref<!tpu.dma_semaphore, #tpu.memory_space<semaphore_mem>>
        tpu.enqueue_indirect_dma source(%dma_start3A_322 : memref<10000x64xf32, #tpu.memory_space<hbm>>) target(%dma_start3A_316 : memref<128x64xf32, #tpu.memory_space<vmem>>) offsets(%dma_start3A_319 : memref<128xi32, #tpu.memory_space<vmem>>) semaphore(%dma_start3A_324 : memref<!tpu.dma_semaphore, #tpu.memory_space<semaphore_mem>>)
      } else {
      }
      %lt3A_282 = arith.cmpi slt, %add3A_264, %add3A_4 : i32
      %convert_element_type3A_283 = arith.extui %lt3A_282 : i1 to i32
      %cond3A_284 = arith.constant 0 : i32
      %cond3A_285 = arith.cmpi ne, %convert_element_type3A_283, %cond3A_284 : i32
      scf.if %cond3A_285 {
        %dma_wait3A = arith.constant 6 : i32
        %dma_wait3A_309 = arith.constant 6 : i32
        %dma_wait3A_310 = arith.constant 0 : i32
        %dma_wait3A_311 = arith.constant 0 : i32
        %dma_wait3A_312 = tpu.memref_slice %arg8[%dma_wait3A, %dma_wait3A_310, %dma_wait3A_311] : memref<8x128x64xf32, #tpu.memory_space<vmem>> -> memref<1x128x64xf32, #tpu.memory_space<vmem>>
        %dma_wait3A_313 = tpu.memref_squeeze %dma_wait3A_312 : memref<1x128x64xf32, #tpu.memory_space<vmem>> -> memref<128x64xf32, #tpu.memory_space<vmem>>
        %dma_wait3A_314 = arith.constant 0 : i32
        %dma_wait3A_315 = tpu.memref_slice %arg6[%add3A_264, %dma_wait3A_314] : memref<80x128xi32, #tpu.memory_space<vmem>> -> memref<1x128xi32, #tpu.memory_space<vmem>>
        %dma_wait3A_316 = tpu.memref_squeeze %dma_wait3A_315 : memref<1x128xi32, #tpu.memory_space<vmem>> -> memref<128xi32, #tpu.memory_space<vmem>>
        %dma_wait3A_317 = arith.constant 0 : i32
        %dma_wait3A_318 = arith.constant 0 : i32
        %dma_wait3A_319 = tpu.memref_slice %arg2[%dma_wait3A_317, %dma_wait3A_318] : memref<10000x64xf32, #tpu.memory_space<hbm>> -> memref<10000x64xf32, #tpu.memory_space<hbm>>
        %dma_wait3A_320 = tpu.memref_slice %arg10[%dma_wait3A_309] : memref<8x!tpu.dma_semaphore, #tpu.memory_space<semaphore_mem>> -> memref<1x!tpu.dma_semaphore, #tpu.memory_space<semaphore_mem>>
        %dma_wait3A_321 = tpu.memref_squeeze %dma_wait3A_320 : memref<1x!tpu.dma_semaphore, #tpu.memory_space<semaphore_mem>> -> memref<!tpu.dma_semaphore, #tpu.memory_space<semaphore_mem>>
        tpu.wait_indirect_dma semaphore(%dma_wait3A_321 : memref<!tpu.dma_semaphore, #tpu.memory_space<semaphore_mem>>) src(%dma_wait3A_319 : memref<10000x64xf32, #tpu.memory_space<hbm>>) dst(%dma_wait3A_313 : memref<128x64xf32, #tpu.memory_space<vmem>>)
        %dma_start3A_322 = arith.constant 6 : i32
        %dma_start3A_323 = arith.constant 6 : i32
        %dma_start3A_324 = arith.constant 0 : i32
        %dma_start3A_325 = arith.constant 0 : i32
        %dma_start3A_326 = tpu.memref_slice %arg8[%dma_start3A_322, %dma_start3A_324, %dma_start3A_325] : memref<8x128x64xf32, #tpu.memory_space<vmem>> -> memref<1x128x64xf32, #tpu.memory_space<vmem>>
        %dma_start3A_327 = tpu.memref_squeeze %dma_start3A_326 : memref<1x128x64xf32, #tpu.memory_space<vmem>> -> memref<128x64xf32, #tpu.memory_space<vmem>>
        %dma_start3A_328 = arith.constant 0 : i32
        %dma_start3A_329 = tpu.memref_slice %arg7[%add3A_264, %dma_start3A_328] : memref<80x128xi32, #tpu.memory_space<vmem>> -> memref<1x128xi32, #tpu.memory_space<vmem>>
        %dma_start3A_330 = tpu.memref_squeeze %dma_start3A_329 : memref<1x128xi32, #tpu.memory_space<vmem>> -> memref<128xi32, #tpu.memory_space<vmem>>
        %dma_start3A_331 = arith.constant 0 : i32
        %dma_start3A_332 = arith.constant 0 : i32
        %dma_start3A_333 = tpu.memref_slice %arg9[%dma_start3A_331, %dma_start3A_332] : memref<10112x64xf32, #tpu.memory_space<vmem_shared>> -> memref<10112x64xf32, #tpu.memory_space<vmem_shared>>
        %dma_start3A_334 = tpu.memref_slice %arg11[%dma_start3A_323] : memref<8x!tpu.dma_semaphore, #tpu.memory_space<semaphore_mem>> -> memref<1x!tpu.dma_semaphore, #tpu.memory_space<semaphore_mem>>
        %dma_start3A_335 = tpu.memref_squeeze %dma_start3A_334 : memref<1x!tpu.dma_semaphore, #tpu.memory_space<semaphore_mem>> -> memref<!tpu.dma_semaphore, #tpu.memory_space<semaphore_mem>>
        tpu.enqueue_indirect_dma source(%dma_start3A_327 : memref<128x64xf32, #tpu.memory_space<vmem>>) target(%dma_start3A_333 : memref<10112x64xf32, #tpu.memory_space<vmem_shared>>) offsets(%dma_start3A_330 : memref<128xi32, #tpu.memory_space<vmem>>) semaphore(%dma_start3A_335 : memref<!tpu.dma_semaphore, #tpu.memory_space<semaphore_mem>>) {add = true}
      } else {
      }
      %add3A_286 = arith.constant 7 : i32
      %add3A_287 = arith.addi %mul3A_127, %add3A_286 : i32
      %add3A_288 = arith.constant 6 : i32
      %add3A_289 = arith.addi %add3A_287, %add3A_288 : i32
      %sub3A_290 = arith.constant 8 : i32
      %sub3A_291 = arith.subi %add3A_289, %sub3A_290 : i32
      %ge3A_292 = arith.constant 0 : i32
      %ge3A_293 = arith.cmpi sge, %sub3A_291, %ge3A_292 : i32
      %lt3A_294 = arith.cmpi slt, %sub3A_291, %add3A_4 : i32
      %and3A_295 = arith.andi %ge3A_293, %lt3A_294 : i1
      %convert_element_type3A_296 = arith.extui %and3A_295 : i1 to i32
      %cond3A_297 = arith.constant 0 : i32
      %cond3A_298 = arith.cmpi ne, %convert_element_type3A_296, %cond3A_297 : i32
      scf.if %cond3A_298 {
        %dma_wait3A = arith.constant 5 : i32
        %dma_wait3A_309 = arith.constant 5 : i32
        %dma_wait3A_310 = arith.constant 0 : i32
        %dma_wait3A_311 = arith.constant 0 : i32
        %dma_wait3A_312 = tpu.memref_slice %arg8[%dma_wait3A, %dma_wait3A_310, %dma_wait3A_311] : memref<8x128x64xf32, #tpu.memory_space<vmem>> -> memref<1x128x64xf32, #tpu.memory_space<vmem>>
        %dma_wait3A_313 = tpu.memref_squeeze %dma_wait3A_312 : memref<1x128x64xf32, #tpu.memory_space<vmem>> -> memref<128x64xf32, #tpu.memory_space<vmem>>
        %dma_wait3A_314 = arith.constant 0 : i32
        %dma_wait3A_315 = tpu.memref_slice %arg7[%sub3A_291, %dma_wait3A_314] : memref<80x128xi32, #tpu.memory_space<vmem>> -> memref<1x128xi32, #tpu.memory_space<vmem>>
        %dma_wait3A_316 = tpu.memref_squeeze %dma_wait3A_315 : memref<1x128xi32, #tpu.memory_space<vmem>> -> memref<128xi32, #tpu.memory_space<vmem>>
        %dma_wait3A_317 = arith.constant 0 : i32
        %dma_wait3A_318 = arith.constant 0 : i32
        %dma_wait3A_319 = tpu.memref_slice %arg9[%dma_wait3A_317, %dma_wait3A_318] : memref<10112x64xf32, #tpu.memory_space<vmem_shared>> -> memref<10112x64xf32, #tpu.memory_space<vmem_shared>>
        %dma_wait3A_320 = tpu.memref_slice %arg11[%dma_wait3A_309] : memref<8x!tpu.dma_semaphore, #tpu.memory_space<semaphore_mem>> -> memref<1x!tpu.dma_semaphore, #tpu.memory_space<semaphore_mem>>
        %dma_wait3A_321 = tpu.memref_squeeze %dma_wait3A_320 : memref<1x!tpu.dma_semaphore, #tpu.memory_space<semaphore_mem>> -> memref<!tpu.dma_semaphore, #tpu.memory_space<semaphore_mem>>
        tpu.wait_indirect_dma semaphore(%dma_wait3A_321 : memref<!tpu.dma_semaphore, #tpu.memory_space<semaphore_mem>>) src(%dma_wait3A_313 : memref<128x64xf32, #tpu.memory_space<vmem>>) dst(%dma_wait3A_319 : memref<10112x64xf32, #tpu.memory_space<vmem_shared>>)
      } else {
      }
      %add3A_299 = arith.constant 6 : i32
      %add3A_300 = arith.addi %add3A_287, %add3A_299 : i32
      %lt3A_301 = arith.cmpi slt, %add3A_300, %add3A_4 : i32
      %convert_element_type3A_302 = arith.extui %lt3A_301 : i1 to i32
      %cond3A_303 = arith.constant 0 : i32
      %cond3A_304 = arith.cmpi ne, %convert_element_type3A_302, %cond3A_303 : i32
      scf.if %cond3A_304 {
        %add3A_309 = arith.constant 6 : i32
        %add3A_310 = arith.addi %add3A_287, %add3A_309 : i32
        %dma_start3A_311 = arith.constant 5 : i32
        %dma_start3A_312 = arith.constant 5 : i32
        %dma_start3A_313 = arith.constant 0 : i32
        %dma_start3A_314 = arith.constant 0 : i32
        %dma_start3A_315 = tpu.memref_slice %arg8[%dma_start3A_311, %dma_start3A_313, %dma_start3A_314] : memref<8x128x64xf32, #tpu.memory_space<vmem>> -> memref<1x128x64xf32, #tpu.memory_space<vmem>>
        %dma_start3A_316 = tpu.memref_squeeze %dma_start3A_315 : memref<1x128x64xf32, #tpu.memory_space<vmem>> -> memref<128x64xf32, #tpu.memory_space<vmem>>
        %dma_start3A_317 = arith.constant 0 : i32
        %dma_start3A_318 = tpu.memref_slice %arg6[%add3A_310, %dma_start3A_317] : memref<80x128xi32, #tpu.memory_space<vmem>> -> memref<1x128xi32, #tpu.memory_space<vmem>>
        %dma_start3A_319 = tpu.memref_squeeze %dma_start3A_318 : memref<1x128xi32, #tpu.memory_space<vmem>> -> memref<128xi32, #tpu.memory_space<vmem>>
        %dma_start3A_320 = arith.constant 0 : i32
        %dma_start3A_321 = arith.constant 0 : i32
        %dma_start3A_322 = tpu.memref_slice %arg2[%dma_start3A_320, %dma_start3A_321] : memref<10000x64xf32, #tpu.memory_space<hbm>> -> memref<10000x64xf32, #tpu.memory_space<hbm>>
        %dma_start3A_323 = tpu.memref_slice %arg10[%dma_start3A_312] : memref<8x!tpu.dma_semaphore, #tpu.memory_space<semaphore_mem>> -> memref<1x!tpu.dma_semaphore, #tpu.memory_space<semaphore_mem>>
        %dma_start3A_324 = tpu.memref_squeeze %dma_start3A_323 : memref<1x!tpu.dma_semaphore, #tpu.memory_space<semaphore_mem>> -> memref<!tpu.dma_semaphore, #tpu.memory_space<semaphore_mem>>
        tpu.enqueue_indirect_dma source(%dma_start3A_322 : memref<10000x64xf32, #tpu.memory_space<hbm>>) target(%dma_start3A_316 : memref<128x64xf32, #tpu.memory_space<vmem>>) offsets(%dma_start3A_319 : memref<128xi32, #tpu.memory_space<vmem>>) semaphore(%dma_start3A_324 : memref<!tpu.dma_semaphore, #tpu.memory_space<semaphore_mem>>)
      } else {
      }
      %lt3A_305 = arith.cmpi slt, %add3A_287, %add3A_4 : i32
      %convert_element_type3A_306 = arith.extui %lt3A_305 : i1 to i32
      %cond3A_307 = arith.constant 0 : i32
      %cond3A_308 = arith.cmpi ne, %convert_element_type3A_306, %cond3A_307 : i32
      scf.if %cond3A_308 {
        %dma_wait3A = arith.constant 7 : i32
        %dma_wait3A_309 = arith.constant 7 : i32
        %dma_wait3A_310 = arith.constant 0 : i32
        %dma_wait3A_311 = arith.constant 0 : i32
        %dma_wait3A_312 = tpu.memref_slice %arg8[%dma_wait3A, %dma_wait3A_310, %dma_wait3A_311] : memref<8x128x64xf32, #tpu.memory_space<vmem>> -> memref<1x128x64xf32, #tpu.memory_space<vmem>>
        %dma_wait3A_313 = tpu.memref_squeeze %dma_wait3A_312 : memref<1x128x64xf32, #tpu.memory_space<vmem>> -> memref<128x64xf32, #tpu.memory_space<vmem>>
        %dma_wait3A_314 = arith.constant 0 : i32
        %dma_wait3A_315 = tpu.memref_slice %arg6[%add3A_287, %dma_wait3A_314] : memref<80x128xi32, #tpu.memory_space<vmem>> -> memref<1x128xi32, #tpu.memory_space<vmem>>
        %dma_wait3A_316 = tpu.memref_squeeze %dma_wait3A_315 : memref<1x128xi32, #tpu.memory_space<vmem>> -> memref<128xi32, #tpu.memory_space<vmem>>
        %dma_wait3A_317 = arith.constant 0 : i32
        %dma_wait3A_318 = arith.constant 0 : i32
        %dma_wait3A_319 = tpu.memref_slice %arg2[%dma_wait3A_317, %dma_wait3A_318] : memref<10000x64xf32, #tpu.memory_space<hbm>> -> memref<10000x64xf32, #tpu.memory_space<hbm>>
        %dma_wait3A_320 = tpu.memref_slice %arg10[%dma_wait3A_309] : memref<8x!tpu.dma_semaphore, #tpu.memory_space<semaphore_mem>> -> memref<1x!tpu.dma_semaphore, #tpu.memory_space<semaphore_mem>>
        %dma_wait3A_321 = tpu.memref_squeeze %dma_wait3A_320 : memref<1x!tpu.dma_semaphore, #tpu.memory_space<semaphore_mem>> -> memref<!tpu.dma_semaphore, #tpu.memory_space<semaphore_mem>>
        tpu.wait_indirect_dma semaphore(%dma_wait3A_321 : memref<!tpu.dma_semaphore, #tpu.memory_space<semaphore_mem>>) src(%dma_wait3A_319 : memref<10000x64xf32, #tpu.memory_space<hbm>>) dst(%dma_wait3A_313 : memref<128x64xf32, #tpu.memory_space<vmem>>)
        %dma_start3A_322 = arith.constant 7 : i32
        %dma_start3A_323 = arith.constant 7 : i32
        %dma_start3A_324 = arith.constant 0 : i32
        %dma_start3A_325 = arith.constant 0 : i32
        %dma_start3A_326 = tpu.memref_slice %arg8[%dma_start3A_322, %dma_start3A_324, %dma_start3A_325] : memref<8x128x64xf32, #tpu.memory_space<vmem>> -> memref<1x128x64xf32, #tpu.memory_space<vmem>>
        %dma_start3A_327 = tpu.memref_squeeze %dma_start3A_326 : memref<1x128x64xf32, #tpu.memory_space<vmem>> -> memref<128x64xf32, #tpu.memory_space<vmem>>
        %dma_start3A_328 = arith.constant 0 : i32
        %dma_start3A_329 = tpu.memref_slice %arg7[%add3A_287, %dma_start3A_328] : memref<80x128xi32, #tpu.memory_space<vmem>> -> memref<1x128xi32, #tpu.memory_space<vmem>>
        %dma_start3A_330 = tpu.memref_squeeze %dma_start3A_329 : memref<1x128xi32, #tpu.memory_space<vmem>> -> memref<128xi32, #tpu.memory_space<vmem>>
        %dma_start3A_331 = arith.constant 0 : i32
        %dma_start3A_332 = arith.constant 0 : i32
        %dma_start3A_333 = tpu.memref_slice %arg9[%dma_start3A_331, %dma_start3A_332] : memref<10112x64xf32, #tpu.memory_space<vmem_shared>> -> memref<10112x64xf32, #tpu.memory_space<vmem_shared>>
        %dma_start3A_334 = tpu.memref_slice %arg11[%dma_start3A_323] : memref<8x!tpu.dma_semaphore, #tpu.memory_space<semaphore_mem>> -> memref<1x!tpu.dma_semaphore, #tpu.memory_space<semaphore_mem>>
        %dma_start3A_335 = tpu.memref_squeeze %dma_start3A_334 : memref<1x!tpu.dma_semaphore, #tpu.memory_space<semaphore_mem>> -> memref<!tpu.dma_semaphore, #tpu.memory_space<semaphore_mem>>
        tpu.enqueue_indirect_dma source(%dma_start3A_327 : memref<128x64xf32, #tpu.memory_space<vmem>>) target(%dma_start3A_333 : memref<10112x64xf32, #tpu.memory_space<vmem_shared>>) offsets(%dma_start3A_330 : memref<128xi32, #tpu.memory_space<vmem>>) semaphore(%dma_start3A_335 : memref<!tpu.dma_semaphore, #tpu.memory_space<semaphore_mem>>) {add = true}
      } else {
      }
    }
    %scan3A_110 = arith.constant 10 : i32
    %gt3A = arith.constant 78 : i32
    %gt3A_111 = arith.cmpi sgt, %add3A_4, %gt3A : i32
    %convert_element_type3A_112 = arith.extui %gt3A_111 : i1 to i32
    %cond3A_113 = arith.constant 0 : i32
    %cond3A_114 = arith.cmpi ne, %convert_element_type3A_112, %cond3A_113 : i32
    scf.if %cond3A_114 {
      %dma_wait3A = arith.constant 6 : i32
      %dma_wait3A_125 = arith.constant 78 : i32
      %dma_wait3A_126 = arith.constant 6 : i32
      %dma_wait3A_127 = arith.constant 0 : i32
      %dma_wait3A_128 = arith.constant 0 : i32
      %dma_wait3A_129 = tpu.memref_slice %arg8[%dma_wait3A, %dma_wait3A_127, %dma_wait3A_128] : memref<8x128x64xf32, #tpu.memory_space<vmem>> -> memref<1x128x64xf32, #tpu.memory_space<vmem>>
      %dma_wait3A_130 = tpu.memref_squeeze %dma_wait3A_129 : memref<1x128x64xf32, #tpu.memory_space<vmem>> -> memref<128x64xf32, #tpu.memory_space<vmem>>
      %dma_wait3A_131 = arith.constant 0 : i32
      %dma_wait3A_132 = tpu.memref_slice %arg7[%dma_wait3A_125, %dma_wait3A_131] : memref<80x128xi32, #tpu.memory_space<vmem>> -> memref<1x128xi32, #tpu.memory_space<vmem>>
      %dma_wait3A_133 = tpu.memref_squeeze %dma_wait3A_132 : memref<1x128xi32, #tpu.memory_space<vmem>> -> memref<128xi32, #tpu.memory_space<vmem>>
      %dma_wait3A_134 = arith.constant 0 : i32
      %dma_wait3A_135 = arith.constant 0 : i32
      %dma_wait3A_136 = tpu.memref_slice %arg9[%dma_wait3A_134, %dma_wait3A_135] : memref<10112x64xf32, #tpu.memory_space<vmem_shared>> -> memref<10112x64xf32, #tpu.memory_space<vmem_shared>>
      %dma_wait3A_137 = tpu.memref_slice %arg11[%dma_wait3A_126] : memref<8x!tpu.dma_semaphore, #tpu.memory_space<semaphore_mem>> -> memref<1x!tpu.dma_semaphore, #tpu.memory_space<semaphore_mem>>
      %dma_wait3A_138 = tpu.memref_squeeze %dma_wait3A_137 : memref<1x!tpu.dma_semaphore, #tpu.memory_space<semaphore_mem>> -> memref<!tpu.dma_semaphore, #tpu.memory_space<semaphore_mem>>
      tpu.wait_indirect_dma semaphore(%dma_wait3A_138 : memref<!tpu.dma_semaphore, #tpu.memory_space<semaphore_mem>>) src(%dma_wait3A_130 : memref<128x64xf32, #tpu.memory_space<vmem>>) dst(%dma_wait3A_136 : memref<10112x64xf32, #tpu.memory_space<vmem_shared>>)
    } else {
    }
    %gt3A_115 = arith.constant 79 : i32
    %gt3A_116 = arith.cmpi sgt, %add3A_4, %gt3A_115 : i32
    %convert_element_type3A_117 = arith.extui %gt3A_116 : i1 to i32
    %cond3A_118 = arith.constant 0 : i32
    %cond3A_119 = arith.cmpi ne, %convert_element_type3A_117, %cond3A_118 : i32
    scf.if %cond3A_119 {
      %dma_wait3A = arith.constant 7 : i32
      %dma_wait3A_125 = arith.constant 79 : i32
      %dma_wait3A_126 = arith.constant 7 : i32
      %dma_wait3A_127 = arith.constant 0 : i32
      %dma_wait3A_128 = arith.constant 0 : i32
      %dma_wait3A_129 = tpu.memref_slice %arg8[%dma_wait3A, %dma_wait3A_127, %dma_wait3A_128] : memref<8x128x64xf32, #tpu.memory_space<vmem>> -> memref<1x128x64xf32, #tpu.memory_space<vmem>>
      %dma_wait3A_130 = tpu.memref_squeeze %dma_wait3A_129 : memref<1x128x64xf32, #tpu.memory_space<vmem>> -> memref<128x64xf32, #tpu.memory_space<vmem>>
      %dma_wait3A_131 = arith.constant 0 : i32
      %dma_wait3A_132 = tpu.memref_slice %arg7[%dma_wait3A_125, %dma_wait3A_131] : memref<80x128xi32, #tpu.memory_space<vmem>> -> memref<1x128xi32, #tpu.memory_space<vmem>>
      %dma_wait3A_133 = tpu.memref_squeeze %dma_wait3A_132 : memref<1x128xi32, #tpu.memory_space<vmem>> -> memref<128xi32, #tpu.memory_space<vmem>>
      %dma_wait3A_134 = arith.constant 0 : i32
      %dma_wait3A_135 = arith.constant 0 : i32
      %dma_wait3A_136 = tpu.memref_slice %arg9[%dma_wait3A_134, %dma_wait3A_135] : memref<10112x64xf32, #tpu.memory_space<vmem_shared>> -> memref<10112x64xf32, #tpu.memory_space<vmem_shared>>
      %dma_wait3A_137 = tpu.memref_slice %arg11[%dma_wait3A_126] : memref<8x!tpu.dma_semaphore, #tpu.memory_space<semaphore_mem>> -> memref<1x!tpu.dma_semaphore, #tpu.memory_space<semaphore_mem>>
      %dma_wait3A_138 = tpu.memref_squeeze %dma_wait3A_137 : memref<1x!tpu.dma_semaphore, #tpu.memory_space<semaphore_mem>> -> memref<!tpu.dma_semaphore, #tpu.memory_space<semaphore_mem>>
      tpu.wait_indirect_dma semaphore(%dma_wait3A_138 : memref<!tpu.dma_semaphore, #tpu.memory_space<semaphore_mem>>) src(%dma_wait3A_130 : memref<128x64xf32, #tpu.memory_space<vmem>>) dst(%dma_wait3A_136 : memref<10112x64xf32, #tpu.memory_space<vmem_shared>>)
    } else {
    }
    %barrier3A_120 = arith.constant 0 : index
    tpu.barrier barrier_id(%barrier3A_120)
    %mul3A_121 = arith.constant 632 : i32
    %mul3A_122 = arith.muli %arg1, %mul3A_121 : i32
    %mul3A_123 = arith.constant 632 : i32
    %mul3A_124 = arith.muli %arg1, %mul3A_123 : i32
    "tpu.region"() ({
      %run_scoped3A_125 = tpu.sem_alloc : memref<!tpu.dma_semaphore, #tpu.memory_space<semaphore_mem>>
      %dma_start3A_126 = arith.constant 0 : i32
      %dma_start3A_127 = tpu.memref_slice %arg5[%arg0, %mul3A_124, %dma_start3A_126] : memref<2x10112x64xf32, #tpu.memory_space<hbm>> -> memref<1x632x64xf32, #tpu.memory_space<hbm>>
      %dma_start3A_128 = tpu.memref_squeeze %dma_start3A_127 : memref<1x632x64xf32, #tpu.memory_space<hbm>> -> memref<632x64xf32, #tpu.memory_space<hbm>>
      %dma_start3A_129 = arith.constant 0 : i32
      %dma_start3A_130 = tpu.memref_slice %arg9[%mul3A_122, %dma_start3A_129] : memref<10112x64xf32, #tpu.memory_space<vmem_shared>> -> memref<632x64xf32, #tpu.memory_space<vmem_shared>>
      tpu.enqueue_dma source(%dma_start3A_130 : memref<632x64xf32, #tpu.memory_space<vmem_shared>>) target(%dma_start3A_128 : memref<632x64xf32, #tpu.memory_space<hbm>>) target_semaphore(%run_scoped3A_125 : memref<!tpu.dma_semaphore, #tpu.memory_space<semaphore_mem>>)
      %dma_wait3A = arith.constant 0 : i32
      %dma_wait3A_131 = tpu.memref_slice %arg5[%arg0, %mul3A_124, %dma_wait3A] : memref<2x10112x64xf32, #tpu.memory_space<hbm>> -> memref<1x632x64xf32, #tpu.memory_space<hbm>>
      %dma_wait3A_132 = tpu.memref_squeeze %dma_wait3A_131 : memref<1x632x64xf32, #tpu.memory_space<hbm>> -> memref<632x64xf32, #tpu.memory_space<hbm>>
      %dma_wait3A_133 = arith.constant 0 : i32
      %dma_wait3A_134 = tpu.memref_slice %arg9[%mul3A_122, %dma_wait3A_133] : memref<10112x64xf32, #tpu.memory_space<vmem_shared>> -> memref<632x64xf32, #tpu.memory_space<vmem_shared>>
      tpu.wait_dma2 semaphore(%run_scoped3A_125 : memref<!tpu.dma_semaphore, #tpu.memory_space<semaphore_mem>>) src(%dma_wait3A_134 : memref<632x64xf32, #tpu.memory_space<vmem_shared>>) dst(%dma_wait3A_132 : memref<632x64xf32, #tpu.memory_space<hbm>>)
      tpu.yield
    }) : () -> ()
    return
  }
}

#map = affine_map<(d0, d1) -> (0, 0, 0)>
#map1 = affine_map<(d0, d1) -> (0, 0)>
module attributes {stable_mosaic.version = 14 : i64} {
  func.func @_deg_sc(%arg0: i32, %arg1: i32, %arg2: memref<2x2500x128xi32, #tpu.memory_space<hbm>>, %arg3: memref<128x16xf32, #tpu.memory_space<hbm>>, %arg4: memref<10112x16xf32, #tpu.memory_space<hbm>>, %arg5: memref<2x10112x16xf32, #tpu.memory_space<hbm>>, %arg6: memref<80x128xi32, #tpu.memory_space<vmem>>, %arg7: memref<128x16xf32, #tpu.memory_space<vmem>>, %arg8: memref<10112x16xf32, #tpu.memory_space<vmem_shared>>, %arg9: memref<!tpu.dma_semaphore, #tpu.memory_space<semaphore_mem>>) attributes {dimension_semantics = [#tpu.dimension_semantics<core_parallel>, #tpu.dimension_semantics<subcore_parallel>], iteration_bounds = array<i64: 2, 16>, scalar_prefetch = 0 : i64, scratch_operands = 4 : i64, tpu.core_type = #tpu.core_type<sc_vector_subcore>, window_params = [{transform_indices = #map}, {transform_indices = #map1}, {transform_indices = #map1}, {transform_indices = #map}]} {
    %mul3A = arith.constant 16 : i32
    %mul3A_0 = arith.muli %arg0, %mul3A : i32
    %add3A = arith.addi %mul3A_0, %arg1 : i32
    %mul3A_1 = arith.constant 78 : i32
    %mul3A_2 = arith.muli %add3A, %mul3A_1 : i32
    %run_scoped3A = arith.constant 1 : i32
    "tpu.region"() ({
      %run_scoped3A_35 = tpu.sem_alloc : memref<!tpu.dma_semaphore, #tpu.memory_space<semaphore_mem>>
      %dma_start3A = arith.constant 0 : i32
      %dma_start3A_36 = arith.constant 0 : i32
      %dma_start3A_37 = tpu.memref_slice %arg6[%dma_start3A, %dma_start3A_36] : memref<80x128xi32, #tpu.memory_space<vmem>> -> memref<78x128xi32, #tpu.memory_space<vmem>>
      %dma_start3A_38 = arith.constant 0 : i32
      %dma_start3A_39 = tpu.memref_slice %arg2[%run_scoped3A, %mul3A_2, %dma_start3A_38] : memref<2x2500x128xi32, #tpu.memory_space<hbm>> -> memref<1x78x128xi32, #tpu.memory_space<hbm>>
      %dma_start3A_40 = tpu.memref_squeeze %dma_start3A_39 : memref<1x78x128xi32, #tpu.memory_space<hbm>> -> memref<78x128xi32, #tpu.memory_space<hbm>>
      %dma_start3A_41 = arith.constant 0 : i32
      %dma_start3A_42 = arith.constant 0 : i32
      %dma_start3A_43 = tpu.memref_slice %arg6[%dma_start3A_41, %dma_start3A_42] : memref<80x128xi32, #tpu.memory_space<vmem>> -> memref<78x128xi32, #tpu.memory_space<vmem>>
      %dma_start3A_44 = arith.constant 0 : i32
      %dma_start3A_45 = tpu.memref_slice %arg2[%run_scoped3A, %mul3A_2, %dma_start3A_44] : memref<2x2500x128xi32, #tpu.memory_space<hbm>> -> memref<1x78x128xi32, #tpu.memory_space<hbm>>
      %dma_start3A_46 = tpu.memref_squeeze %dma_start3A_45 : memref<1x78x128xi32, #tpu.memory_space<hbm>> -> memref<78x128xi32, #tpu.memory_space<hbm>>
      tpu.enqueue_dma source(%dma_start3A_46 : memref<78x128xi32, #tpu.memory_space<hbm>>) target(%dma_start3A_43 : memref<78x128xi32, #tpu.memory_space<vmem>>) target_semaphore(%run_scoped3A_35 : memref<!tpu.dma_semaphore, #tpu.memory_space<semaphore_mem>>)
      %dma_wait3A = arith.constant 0 : i32
      %dma_wait3A_47 = arith.constant 0 : i32
      %dma_wait3A_48 = tpu.memref_slice %arg6[%dma_wait3A, %dma_wait3A_47] : memref<80x128xi32, #tpu.memory_space<vmem>> -> memref<78x128xi32, #tpu.memory_space<vmem>>
      %dma_wait3A_49 = arith.constant 0 : i32
      %dma_wait3A_50 = tpu.memref_slice %arg2[%run_scoped3A, %mul3A_2, %dma_wait3A_49] : memref<2x2500x128xi32, #tpu.memory_space<hbm>> -> memref<1x78x128xi32, #tpu.memory_space<hbm>>
      %dma_wait3A_51 = tpu.memref_squeeze %dma_wait3A_50 : memref<1x78x128xi32, #tpu.memory_space<hbm>> -> memref<78x128xi32, #tpu.memory_space<hbm>>
      %dma_wait3A_52 = arith.constant 0 : i32
      %dma_wait3A_53 = arith.constant 0 : i32
      %dma_wait3A_54 = tpu.memref_slice %arg6[%dma_wait3A_52, %dma_wait3A_53] : memref<80x128xi32, #tpu.memory_space<vmem>> -> memref<78x128xi32, #tpu.memory_space<vmem>>
      %dma_wait3A_55 = arith.constant 0 : i32
      %dma_wait3A_56 = tpu.memref_slice %arg2[%run_scoped3A, %mul3A_2, %dma_wait3A_55] : memref<2x2500x128xi32, #tpu.memory_space<hbm>> -> memref<1x78x128xi32, #tpu.memory_space<hbm>>
      %dma_wait3A_57 = tpu.memref_squeeze %dma_wait3A_56 : memref<1x78x128xi32, #tpu.memory_space<hbm>> -> memref<78x128xi32, #tpu.memory_space<hbm>>
      tpu.wait_dma2 semaphore(%run_scoped3A_35 : memref<!tpu.dma_semaphore, #tpu.memory_space<semaphore_mem>>) src(%dma_wait3A_57 : memref<78x128xi32, #tpu.memory_space<hbm>>) dst(%dma_wait3A_54 : memref<78x128xi32, #tpu.memory_space<vmem>>)
      tpu.yield
    }) : () -> ()
    %lt3A = arith.constant 4 : i32
    %lt3A_3 = arith.cmpi slt, %add3A, %lt3A : i32
    %convert_element_type3A = arith.extui %lt3A_3 : i1 to i32
    %cond3A = arith.constant 0 : i32
    %cond3A_4 = arith.cmpi ne, %convert_element_type3A, %cond3A : i32
    scf.if %cond3A_4 {
      %add3A_35 = arith.constant 2496 : i32
      %add3A_36 = arith.addi %add3A_35, %add3A : i32
      %run_scoped3A_37 = arith.constant 1 : i32
      "tpu.region"() ({
        %run_scoped3A_38 = tpu.sem_alloc : memref<!tpu.dma_semaphore, #tpu.memory_space<semaphore_mem>>
        %dma_start3A = arith.constant 78 : i32
        %dma_start3A_39 = arith.constant 0 : i32
        %dma_start3A_40 = tpu.memref_slice %arg6[%dma_start3A, %dma_start3A_39] : memref<80x128xi32, #tpu.memory_space<vmem>> -> memref<1x128xi32, #tpu.memory_space<vmem>>
        %dma_start3A_41 = arith.constant 0 : i32
        %dma_start3A_42 = tpu.memref_slice %arg2[%run_scoped3A_37, %add3A_36, %dma_start3A_41] : memref<2x2500x128xi32, #tpu.memory_space<hbm>> -> memref<1x1x128xi32, #tpu.memory_space<hbm>>
        %dma_start3A_43 = tpu.memref_squeeze %dma_start3A_42 : memref<1x1x128xi32, #tpu.memory_space<hbm>> -> memref<1x128xi32, #tpu.memory_space<hbm>>
        %dma_start3A_44 = arith.constant 78 : i32
        %dma_start3A_45 = arith.constant 0 : i32
        %dma_start3A_46 = tpu.memref_slice %arg6[%dma_start3A_44, %dma_start3A_45] : memref<80x128xi32, #tpu.memory_space<vmem>> -> memref<1x128xi32, #tpu.memory_space<vmem>>
        %dma_start3A_47 = arith.constant 0 : i32
        %dma_start3A_48 = tpu.memref_slice %arg2[%run_scoped3A_37, %add3A_36, %dma_start3A_47] : memref<2x2500x128xi32, #tpu.memory_space<hbm>> -> memref<1x1x128xi32, #tpu.memory_space<hbm>>
        %dma_start3A_49 = tpu.memref_squeeze %dma_start3A_48 : memref<1x1x128xi32, #tpu.memory_space<hbm>> -> memref<1x128xi32, #tpu.memory_space<hbm>>
        tpu.enqueue_dma source(%dma_start3A_49 : memref<1x128xi32, #tpu.memory_space<hbm>>) target(%dma_start3A_46 : memref<1x128xi32, #tpu.memory_space<vmem>>) target_semaphore(%run_scoped3A_38 : memref<!tpu.dma_semaphore, #tpu.memory_space<semaphore_mem>>)
        %dma_wait3A = arith.constant 78 : i32
        %dma_wait3A_50 = arith.constant 0 : i32
        %dma_wait3A_51 = tpu.memref_slice %arg6[%dma_wait3A, %dma_wait3A_50] : memref<80x128xi32, #tpu.memory_space<vmem>> -> memref<1x128xi32, #tpu.memory_space<vmem>>
        %dma_wait3A_52 = arith.constant 0 : i32
        %dma_wait3A_53 = tpu.memref_slice %arg2[%run_scoped3A_37, %add3A_36, %dma_wait3A_52] : memref<2x2500x128xi32, #tpu.memory_space<hbm>> -> memref<1x1x128xi32, #tpu.memory_space<hbm>>
        %dma_wait3A_54 = tpu.memref_squeeze %dma_wait3A_53 : memref<1x1x128xi32, #tpu.memory_space<hbm>> -> memref<1x128xi32, #tpu.memory_space<hbm>>
        %dma_wait3A_55 = arith.constant 78 : i32
        %dma_wait3A_56 = arith.constant 0 : i32
        %dma_wait3A_57 = tpu.memref_slice %arg6[%dma_wait3A_55, %dma_wait3A_56] : memref<80x128xi32, #tpu.memory_space<vmem>> -> memref<1x128xi32, #tpu.memory_space<vmem>>
        %dma_wait3A_58 = arith.constant 0 : i32
        %dma_wait3A_59 = tpu.memref_slice %arg2[%run_scoped3A_37, %add3A_36, %dma_wait3A_58] : memref<2x2500x128xi32, #tpu.memory_space<hbm>> -> memref<1x1x128xi32, #tpu.memory_space<hbm>>
        %dma_wait3A_60 = tpu.memref_squeeze %dma_wait3A_59 : memref<1x1x128xi32, #tpu.memory_space<hbm>> -> memref<1x128xi32, #tpu.memory_space<hbm>>
        tpu.wait_dma2 semaphore(%run_scoped3A_38 : memref<!tpu.dma_semaphore, #tpu.memory_space<semaphore_mem>>) src(%dma_wait3A_60 : memref<1x128xi32, #tpu.memory_space<hbm>>) dst(%dma_wait3A_57 : memref<1x128xi32, #tpu.memory_space<vmem>>)
        tpu.yield
      }) : () -> ()
    } else {
    }
    "tpu.region"() ({
      %run_scoped3A_35 = tpu.sem_alloc : memref<!tpu.dma_semaphore, #tpu.memory_space<semaphore_mem>>
      tpu.enqueue_dma source(%arg3 : memref<128x16xf32, #tpu.memory_space<hbm>>) target(%arg7 : memref<128x16xf32, #tpu.memory_space<vmem>>) target_semaphore(%run_scoped3A_35 : memref<!tpu.dma_semaphore, #tpu.memory_space<semaphore_mem>>)
      tpu.wait_dma2 semaphore(%run_scoped3A_35 : memref<!tpu.dma_semaphore, #tpu.memory_space<semaphore_mem>>) src(%arg3 : memref<128x16xf32, #tpu.memory_space<hbm>>) dst(%arg7 : memref<128x16xf32, #tpu.memory_space<vmem>>)
      tpu.yield
    }) : () -> ()
    %mul3A_5 = arith.constant 632 : i32
    %mul3A_6 = arith.muli %arg1, %mul3A_5 : i32
    %mul3A_7 = arith.constant 632 : i32
    %mul3A_8 = arith.muli %arg1, %mul3A_7 : i32
    "tpu.region"() ({
      %run_scoped3A_35 = tpu.sem_alloc : memref<!tpu.dma_semaphore, #tpu.memory_space<semaphore_mem>>
      %dma_start3A = arith.constant 0 : i32
      %dma_start3A_36 = tpu.memref_slice %arg8[%mul3A_8, %dma_start3A] : memref<10112x16xf32, #tpu.memory_space<vmem_shared>> -> memref<632x16xf32, #tpu.memory_space<vmem_shared>>
      %dma_start3A_37 = arith.constant 0 : i32
      %dma_start3A_38 = tpu.memref_slice %arg4[%mul3A_6, %dma_start3A_37] : memref<10112x16xf32, #tpu.memory_space<hbm>> -> memref<632x16xf32, #tpu.memory_space<hbm>>
      tpu.enqueue_dma source(%dma_start3A_38 : memref<632x16xf32, #tpu.memory_space<hbm>>) target(%dma_start3A_36 : memref<632x16xf32, #tpu.memory_space<vmem_shared>>) target_semaphore(%run_scoped3A_35 : memref<!tpu.dma_semaphore, #tpu.memory_space<semaphore_mem>>)
      %dma_wait3A = arith.constant 0 : i32
      %dma_wait3A_39 = tpu.memref_slice %arg8[%mul3A_8, %dma_wait3A] : memref<10112x16xf32, #tpu.memory_space<vmem_shared>> -> memref<632x16xf32, #tpu.memory_space<vmem_shared>>
      %dma_wait3A_40 = arith.constant 0 : i32
      %dma_wait3A_41 = tpu.memref_slice %arg4[%mul3A_6, %dma_wait3A_40] : memref<10112x16xf32, #tpu.memory_space<hbm>> -> memref<632x16xf32, #tpu.memory_space<hbm>>
      tpu.wait_dma2 semaphore(%run_scoped3A_35 : memref<!tpu.dma_semaphore, #tpu.memory_space<semaphore_mem>>) src(%dma_wait3A_41 : memref<632x16xf32, #tpu.memory_space<hbm>>) dst(%dma_wait3A_39 : memref<632x16xf32, #tpu.memory_space<vmem_shared>>)
      tpu.yield
    }) : () -> ()
    %barrier3A = arith.constant 0 : index
    tpu.barrier barrier_id(%barrier3A)
    %scan3A = arith.constant 0 : i32
    %scan3A_9 = arith.constant 0 : i32
    %scan3A_10 = arith.constant 78 : i32
    %scan3A_11 = arith.addi %scan3A_9, %scan3A_10 : i32
    %scan3A_12 = arith.constant 1 : i32
    scf.for %scan3A_35 = %scan3A_9 to %scan3A_11 step %scan3A_12  : i32 {
      %dma_start3A = arith.constant 0 : i32
      %dma_start3A_36 = tpu.memref_slice %arg6[%scan3A_35, %dma_start3A] : memref<80x128xi32, #tpu.memory_space<vmem>> -> memref<1x128xi32, #tpu.memory_space<vmem>>
      %dma_start3A_37 = tpu.memref_squeeze %dma_start3A_36 : memref<1x128xi32, #tpu.memory_space<vmem>> -> memref<128xi32, #tpu.memory_space<vmem>>
      %dma_start3A_38 = arith.constant 0 : i32
      %dma_start3A_39 = arith.constant 0 : i32
      %dma_start3A_40 = tpu.memref_slice %arg8[%dma_start3A_38, %dma_start3A_39] : memref<10112x16xf32, #tpu.memory_space<vmem_shared>> -> memref<10112x16xf32, #tpu.memory_space<vmem_shared>>
      tpu.enqueue_indirect_dma source(%arg7 : memref<128x16xf32, #tpu.memory_space<vmem>>) target(%dma_start3A_40 : memref<10112x16xf32, #tpu.memory_space<vmem_shared>>) offsets(%dma_start3A_37 : memref<128xi32, #tpu.memory_space<vmem>>) semaphore(%arg9 : memref<!tpu.dma_semaphore, #tpu.memory_space<semaphore_mem>>) {add = true}
    }
    %scan3A_13 = arith.constant 78 : i32
    %lt3A_14 = arith.constant 4 : i32
    %lt3A_15 = arith.cmpi slt, %add3A, %lt3A_14 : i32
    %convert_element_type3A_16 = arith.extui %lt3A_15 : i1 to i32
    %cond3A_17 = arith.constant 0 : i32
    %cond3A_18 = arith.cmpi ne, %convert_element_type3A_16, %cond3A_17 : i32
    scf.if %cond3A_18 {
      %dma_start3A = arith.constant 78 : i32
      %dma_start3A_35 = arith.constant 0 : i32
      %dma_start3A_36 = tpu.memref_slice %arg6[%dma_start3A, %dma_start3A_35] : memref<80x128xi32, #tpu.memory_space<vmem>> -> memref<1x128xi32, #tpu.memory_space<vmem>>
      %dma_start3A_37 = tpu.memref_squeeze %dma_start3A_36 : memref<1x128xi32, #tpu.memory_space<vmem>> -> memref<128xi32, #tpu.memory_space<vmem>>
      %dma_start3A_38 = arith.constant 0 : i32
      %dma_start3A_39 = arith.constant 0 : i32
      %dma_start3A_40 = tpu.memref_slice %arg8[%dma_start3A_38, %dma_start3A_39] : memref<10112x16xf32, #tpu.memory_space<vmem_shared>> -> memref<10112x16xf32, #tpu.memory_space<vmem_shared>>
      tpu.enqueue_indirect_dma source(%arg7 : memref<128x16xf32, #tpu.memory_space<vmem>>) target(%dma_start3A_40 : memref<10112x16xf32, #tpu.memory_space<vmem_shared>>) offsets(%dma_start3A_37 : memref<128xi32, #tpu.memory_space<vmem>>) semaphore(%arg9 : memref<!tpu.dma_semaphore, #tpu.memory_space<semaphore_mem>>) {add = true}
    } else {
    }
    %scan3A_19 = arith.constant 0 : i32
    %scan3A_20 = arith.constant 0 : i32
    %scan3A_21 = arith.constant 78 : i32
    %scan3A_22 = arith.addi %scan3A_20, %scan3A_21 : i32
    %scan3A_23 = arith.constant 1 : i32
    scf.for %scan3A_35 = %scan3A_20 to %scan3A_22 step %scan3A_23  : i32 {
      %dma_wait3A = arith.constant 0 : i32
      %dma_wait3A_36 = tpu.memref_slice %arg6[%scan3A_35, %dma_wait3A] : memref<80x128xi32, #tpu.memory_space<vmem>> -> memref<1x128xi32, #tpu.memory_space<vmem>>
      %dma_wait3A_37 = tpu.memref_squeeze %dma_wait3A_36 : memref<1x128xi32, #tpu.memory_space<vmem>> -> memref<128xi32, #tpu.memory_space<vmem>>
      %dma_wait3A_38 = arith.constant 0 : i32
      %dma_wait3A_39 = arith.constant 0 : i32
      %dma_wait3A_40 = tpu.memref_slice %arg8[%dma_wait3A_38, %dma_wait3A_39] : memref<10112x16xf32, #tpu.memory_space<vmem_shared>> -> memref<10112x16xf32, #tpu.memory_space<vmem_shared>>
      tpu.wait_indirect_dma semaphore(%arg9 : memref<!tpu.dma_semaphore, #tpu.memory_space<semaphore_mem>>) src(%arg7 : memref<128x16xf32, #tpu.memory_space<vmem>>) dst(%dma_wait3A_40 : memref<10112x16xf32, #tpu.memory_space<vmem_shared>>)
    }
    %scan3A_24 = arith.constant 78 : i32
    %lt3A_25 = arith.constant 4 : i32
    %lt3A_26 = arith.cmpi slt, %add3A, %lt3A_25 : i32
    %convert_element_type3A_27 = arith.extui %lt3A_26 : i1 to i32
    %cond3A_28 = arith.constant 0 : i32
    %cond3A_29 = arith.cmpi ne, %convert_element_type3A_27, %cond3A_28 : i32
    scf.if %cond3A_29 {
      %dma_wait3A = arith.constant 78 : i32
      %dma_wait3A_35 = arith.constant 0 : i32
      %dma_wait3A_36 = tpu.memref_slice %arg6[%dma_wait3A, %dma_wait3A_35] : memref<80x128xi32, #tpu.memory_space<vmem>> -> memref<1x128xi32, #tpu.memory_space<vmem>>
      %dma_wait3A_37 = tpu.memref_squeeze %dma_wait3A_36 : memref<1x128xi32, #tpu.memory_space<vmem>> -> memref<128xi32, #tpu.memory_space<vmem>>
      %dma_wait3A_38 = arith.constant 0 : i32
      %dma_wait3A_39 = arith.constant 0 : i32
      %dma_wait3A_40 = tpu.memref_slice %arg8[%dma_wait3A_38, %dma_wait3A_39] : memref<10112x16xf32, #tpu.memory_space<vmem_shared>> -> memref<10112x16xf32, #tpu.memory_space<vmem_shared>>
      tpu.wait_indirect_dma semaphore(%arg9 : memref<!tpu.dma_semaphore, #tpu.memory_space<semaphore_mem>>) src(%arg7 : memref<128x16xf32, #tpu.memory_space<vmem>>) dst(%dma_wait3A_40 : memref<10112x16xf32, #tpu.memory_space<vmem_shared>>)
    } else {
    }
    %barrier3A_30 = arith.constant 0 : index
    tpu.barrier barrier_id(%barrier3A_30)
    %mul3A_31 = arith.constant 632 : i32
    %mul3A_32 = arith.muli %arg1, %mul3A_31 : i32
    %mul3A_33 = arith.constant 632 : i32
    %mul3A_34 = arith.muli %arg1, %mul3A_33 : i32
    "tpu.region"() ({
      %run_scoped3A_35 = tpu.sem_alloc : memref<!tpu.dma_semaphore, #tpu.memory_space<semaphore_mem>>
      %dma_start3A = arith.constant 0 : i32
      %dma_start3A_36 = tpu.memref_slice %arg5[%arg0, %mul3A_34, %dma_start3A] : memref<2x10112x16xf32, #tpu.memory_space<hbm>> -> memref<1x632x16xf32, #tpu.memory_space<hbm>>
      %dma_start3A_37 = tpu.memref_squeeze %dma_start3A_36 : memref<1x632x16xf32, #tpu.memory_space<hbm>> -> memref<632x16xf32, #tpu.memory_space<hbm>>
      %dma_start3A_38 = arith.constant 0 : i32
      %dma_start3A_39 = tpu.memref_slice %arg8[%mul3A_32, %dma_start3A_38] : memref<10112x16xf32, #tpu.memory_space<vmem_shared>> -> memref<632x16xf32, #tpu.memory_space<vmem_shared>>
      tpu.enqueue_dma source(%dma_start3A_39 : memref<632x16xf32, #tpu.memory_space<vmem_shared>>) target(%dma_start3A_37 : memref<632x16xf32, #tpu.memory_space<hbm>>) target_semaphore(%run_scoped3A_35 : memref<!tpu.dma_semaphore, #tpu.memory_space<semaphore_mem>>)
      %dma_wait3A = arith.constant 0 : i32
      %dma_wait3A_40 = tpu.memref_slice %arg5[%arg0, %mul3A_34, %dma_wait3A] : memref<2x10112x16xf32, #tpu.memory_space<hbm>> -> memref<1x632x16xf32, #tpu.memory_space<hbm>>
      %dma_wait3A_41 = tpu.memref_squeeze %dma_wait3A_40 : memref<1x632x16xf32, #tpu.memory_space<hbm>> -> memref<632x16xf32, #tpu.memory_space<hbm>>
      %dma_wait3A_42 = arith.constant 0 : i32
      %dma_wait3A_43 = tpu.memref_slice %arg8[%mul3A_32, %dma_wait3A_42] : memref<10112x16xf32, #tpu.memory_space<vmem_shared>> -> memref<632x16xf32, #tpu.memory_space<vmem_shared>>
      tpu.wait_dma2 semaphore(%run_scoped3A_35 : memref<!tpu.dma_semaphore, #tpu.memory_space<semaphore_mem>>) src(%dma_wait3A_43 : memref<632x16xf32, #tpu.memory_space<vmem_shared>>) dst(%dma_wait3A_41 : memref<632x16xf32, #tpu.memory_space<hbm>>)
      tpu.yield
    }) : () -> ()
    return
  }
}

#map = affine_map<(d0, d1) -> (0, 0)>
#map1 = affine_map<(d0, d1) -> (0, 0, 0)>
module attributes {stable_mosaic.version = 14 : i64} {
  func.func @_agg_sc(%arg0: i32, %arg1: i32, %arg2: memref<10000x64xf32, #tpu.memory_space<hbm>>, %arg3: memref<2x2500x128xi32, #tpu.memory_space<hbm>>, %arg4: memref<10112x64xf32, #tpu.memory_space<hbm>>, %arg5: memref<2x10112x64xf32, #tpu.memory_space<hbm>>, %arg6: memref<80x128xi32, #tpu.memory_space<vmem>>, %arg7: memref<80x128xi32, #tpu.memory_space<vmem>>, %arg8: memref<8x128x64xf32, #tpu.memory_space<vmem>>, %arg9: memref<10112x64xf32, #tpu.memory_space<vmem_shared>>, %arg10: memref<8x!tpu.dma_semaphore, #tpu.memory_space<semaphore_mem>>, %arg11: memref<8x!tpu.dma_semaphore, #tpu.memory_space<semaphore_mem>>) attributes {dimension_semantics = [#tpu.dimension_semantics<core_parallel>, #tpu.dimension_semantics<subcore_parallel>], iteration_bounds = array<i64: 2, 16>, scalar_prefetch = 0 : i64, scratch_operands = 6 : i64, tpu.core_type = #tpu.core_type<sc_vector_subcore>, window_params = [{transform_indices = #map}, {transform_indices = #map1}, {transform_indices = #map}, {transform_indices = #map1}]} {
    %mul3A = arith.constant 16 : i32
    %mul3A_0 = arith.muli %arg0, %mul3A : i32
    %add3A = arith.addi %mul3A_0, %arg1 : i32
    %lt3A = arith.constant 4 : i32
    %lt3A_1 = arith.cmpi slt, %add3A, %lt3A : i32
    %jit3A = arith.constant 1 : i32
    %jit3A_2 = arith.constant 0 : i32
    %select_n3A = arith.select %lt3A_1, %jit3A, %jit3A_2 : i32
    %add3A_3 = arith.constant 78 : i32
    %add3A_4 = arith.addi %add3A_3, %select_n3A : i32
    %mul3A_5 = arith.constant 78 : i32
    %mul3A_6 = arith.muli %add3A, %mul3A_5 : i32
    %run_scoped3A = arith.constant 0 : i32
    "tpu.region"() ({
      %run_scoped3A_125 = tpu.sem_alloc : memref<!tpu.dma_semaphore, #tpu.memory_space<semaphore_mem>>
      %dma_start3A_126 = arith.constant 0 : i32
      %dma_start3A_127 = arith.constant 0 : i32
      %dma_start3A_128 = tpu.memref_slice %arg6[%dma_start3A_126, %dma_start3A_127] : memref<80x128xi32, #tpu.memory_space<vmem>> -> memref<78x128xi32, #tpu.memory_space<vmem>>
      %dma_start3A_129 = arith.constant 0 : i32
      %dma_start3A_130 = tpu.memref_slice %arg3[%run_scoped3A, %mul3A_6, %dma_start3A_129] : memref<2x2500x128xi32, #tpu.memory_space<hbm>> -> memref<1x78x128xi32, #tpu.memory_space<hbm>>
      %dma_start3A_131 = tpu.memref_squeeze %dma_start3A_130 : memref<1x78x128xi32, #tpu.memory_space<hbm>> -> memref<78x128xi32, #tpu.memory_space<hbm>>
      %dma_start3A_132 = arith.constant 0 : i32
      %dma_start3A_133 = arith.constant 0 : i32
      %dma_start3A_134 = tpu.memref_slice %arg6[%dma_start3A_132, %dma_start3A_133] : memref<80x128xi32, #tpu.memory_space<vmem>> -> memref<78x128xi32, #tpu.memory_space<vmem>>
      %dma_start3A_135 = arith.constant 0 : i32
      %dma_start3A_136 = tpu.memref_slice %arg3[%run_scoped3A, %mul3A_6, %dma_start3A_135] : memref<2x2500x128xi32, #tpu.memory_space<hbm>> -> memref<1x78x128xi32, #tpu.memory_space<hbm>>
      %dma_start3A_137 = tpu.memref_squeeze %dma_start3A_136 : memref<1x78x128xi32, #tpu.memory_space<hbm>> -> memref<78x128xi32, #tpu.memory_space<hbm>>
      tpu.enqueue_dma source(%dma_start3A_137 : memref<78x128xi32, #tpu.memory_space<hbm>>) target(%dma_start3A_134 : memref<78x128xi32, #tpu.memory_space<vmem>>) target_semaphore(%run_scoped3A_125 : memref<!tpu.dma_semaphore, #tpu.memory_space<semaphore_mem>>)
      %dma_wait3A = arith.constant 0 : i32
      %dma_wait3A_138 = arith.constant 0 : i32
      %dma_wait3A_139 = tpu.memref_slice %arg6[%dma_wait3A, %dma_wait3A_138] : memref<80x128xi32, #tpu.memory_space<vmem>> -> memref<78x128xi32, #tpu.memory_space<vmem>>
      %dma_wait3A_140 = arith.constant 0 : i32
      %dma_wait3A_141 = tpu.memref_slice %arg3[%run_scoped3A, %mul3A_6, %dma_wait3A_140] : memref<2x2500x128xi32, #tpu.memory_space<hbm>> -> memref<1x78x128xi32, #tpu.memory_space<hbm>>
      %dma_wait3A_142 = tpu.memref_squeeze %dma_wait3A_141 : memref<1x78x128xi32, #tpu.memory_space<hbm>> -> memref<78x128xi32, #tpu.memory_space<hbm>>
      %dma_wait3A_143 = arith.constant 0 : i32
      %dma_wait3A_144 = arith.constant 0 : i32
      %dma_wait3A_145 = tpu.memref_slice %arg6[%dma_wait3A_143, %dma_wait3A_144] : memref<80x128xi32, #tpu.memory_space<vmem>> -> memref<78x128xi32, #tpu.memory_space<vmem>>
      %dma_wait3A_146 = arith.constant 0 : i32
      %dma_wait3A_147 = tpu.memref_slice %arg3[%run_scoped3A, %mul3A_6, %dma_wait3A_146] : memref<2x2500x128xi32, #tpu.memory_space<hbm>> -> memref<1x78x128xi32, #tpu.memory_space<hbm>>
      %dma_wait3A_148 = tpu.memref_squeeze %dma_wait3A_147 : memref<1x78x128xi32, #tpu.memory_space<hbm>> -> memref<78x128xi32, #tpu.memory_space<hbm>>
      tpu.wait_dma2 semaphore(%run_scoped3A_125 : memref<!tpu.dma_semaphore, #tpu.memory_space<semaphore_mem>>) src(%dma_wait3A_148 : memref<78x128xi32, #tpu.memory_space<hbm>>) dst(%dma_wait3A_145 : memref<78x128xi32, #tpu.memory_space<vmem>>)
      tpu.yield
    }) : () -> ()
    %mul3A_7 = arith.constant 78 : i32
    %mul3A_8 = arith.muli %add3A, %mul3A_7 : i32
    %run_scoped3A_9 = arith.constant 1 : i32
    "tpu.region"() ({
      %run_scoped3A_125 = tpu.sem_alloc : memref<!tpu.dma_semaphore, #tpu.memory_space<semaphore_mem>>
      %dma_start3A_126 = arith.constant 0 : i32
      %dma_start3A_127 = arith.constant 0 : i32
      %dma_start3A_128 = tpu.memref_slice %arg7[%dma_start3A_126, %dma_start3A_127] : memref<80x128xi32, #tpu.memory_space<vmem>> -> memref<78x128xi32, #tpu.memory_space<vmem>>
      %dma_start3A_129 = arith.constant 0 : i32
      %dma_start3A_130 = tpu.memref_slice %arg3[%run_scoped3A_9, %mul3A_8, %dma_start3A_129] : memref<2x2500x128xi32, #tpu.memory_space<hbm>> -> memref<1x78x128xi32, #tpu.memory_space<hbm>>
      %dma_start3A_131 = tpu.memref_squeeze %dma_start3A_130 : memref<1x78x128xi32, #tpu.memory_space<hbm>> -> memref<78x128xi32, #tpu.memory_space<hbm>>
      %dma_start3A_132 = arith.constant 0 : i32
      %dma_start3A_133 = arith.constant 0 : i32
      %dma_start3A_134 = tpu.memref_slice %arg7[%dma_start3A_132, %dma_start3A_133] : memref<80x128xi32, #tpu.memory_space<vmem>> -> memref<78x128xi32, #tpu.memory_space<vmem>>
      %dma_start3A_135 = arith.constant 0 : i32
      %dma_start3A_136 = tpu.memref_slice %arg3[%run_scoped3A_9, %mul3A_8, %dma_start3A_135] : memref<2x2500x128xi32, #tpu.memory_space<hbm>> -> memref<1x78x128xi32, #tpu.memory_space<hbm>>
      %dma_start3A_137 = tpu.memref_squeeze %dma_start3A_136 : memref<1x78x128xi32, #tpu.memory_space<hbm>> -> memref<78x128xi32, #tpu.memory_space<hbm>>
      tpu.enqueue_dma source(%dma_start3A_137 : memref<78x128xi32, #tpu.memory_space<hbm>>) target(%dma_start3A_134 : memref<78x128xi32, #tpu.memory_space<vmem>>) target_semaphore(%run_scoped3A_125 : memref<!tpu.dma_semaphore, #tpu.memory_space<semaphore_mem>>)
      %dma_wait3A = arith.constant 0 : i32
      %dma_wait3A_138 = arith.constant 0 : i32
      %dma_wait3A_139 = tpu.memref_slice %arg7[%dma_wait3A, %dma_wait3A_138] : memref<80x128xi32, #tpu.memory_space<vmem>> -> memref<78x128xi32, #tpu.memory_space<vmem>>
      %dma_wait3A_140 = arith.constant 0 : i32
      %dma_wait3A_141 = tpu.memref_slice %arg3[%run_scoped3A_9, %mul3A_8, %dma_wait3A_140] : memref<2x2500x128xi32, #tpu.memory_space<hbm>> -> memref<1x78x128xi32, #tpu.memory_space<hbm>>
      %dma_wait3A_142 = tpu.memref_squeeze %dma_wait3A_141 : memref<1x78x128xi32, #tpu.memory_space<hbm>> -> memref<78x128xi32, #tpu.memory_space<hbm>>
      %dma_wait3A_143 = arith.constant 0 : i32
      %dma_wait3A_144 = arith.constant 0 : i32
      %dma_wait3A_145 = tpu.memref_slice %arg7[%dma_wait3A_143, %dma_wait3A_144] : memref<80x128xi32, #tpu.memory_space<vmem>> -> memref<78x128xi32, #tpu.memory_space<vmem>>
      %dma_wait3A_146 = arith.constant 0 : i32
      %dma_wait3A_147 = tpu.memref_slice %arg3[%run_scoped3A_9, %mul3A_8, %dma_wait3A_146] : memref<2x2500x128xi32, #tpu.memory_space<hbm>> -> memref<1x78x128xi32, #tpu.memory_space<hbm>>
      %dma_wait3A_148 = tpu.memref_squeeze %dma_wait3A_147 : memref<1x78x128xi32, #tpu.memory_space<hbm>> -> memref<78x128xi32, #tpu.memory_space<hbm>>
      tpu.wait_dma2 semaphore(%run_scoped3A_125 : memref<!tpu.dma_semaphore, #tpu.memory_space<semaphore_mem>>) src(%dma_wait3A_148 : memref<78x128xi32, #tpu.memory_space<hbm>>) dst(%dma_wait3A_145 : memref<78x128xi32, #tpu.memory_space<vmem>>)
      tpu.yield
    }) : () -> ()
    %lt3A_10 = arith.constant 4 : i32
    %lt3A_11 = arith.cmpi slt, %add3A, %lt3A_10 : i32
    %convert_element_type3A = arith.extui %lt3A_11 : i1 to i32
    %cond3A = arith.constant 0 : i32
    %cond3A_12 = arith.cmpi ne, %convert_element_type3A, %cond3A : i32
    scf.if %cond3A_12 {
      %add3A_125 = arith.constant 2496 : i32
      %add3A_126 = arith.addi %add3A_125, %add3A : i32
      %run_scoped3A_127 = arith.constant 0 : i32
      "tpu.region"() ({
        %run_scoped3A_131 = tpu.sem_alloc : memref<!tpu.dma_semaphore, #tpu.memory_space<semaphore_mem>>
        %dma_start3A_132 = arith.constant 78 : i32
        %dma_start3A_133 = arith.constant 0 : i32
        %dma_start3A_134 = tpu.memref_slice %arg6[%dma_start3A_132, %dma_start3A_133] : memref<80x128xi32, #tpu.memory_space<vmem>> -> memref<1x128xi32, #tpu.memory_space<vmem>>
        %dma_start3A_135 = arith.constant 0 : i32
        %dma_start3A_136 = tpu.memref_slice %arg3[%run_scoped3A_127, %add3A_126, %dma_start3A_135] : memref<2x2500x128xi32, #tpu.memory_space<hbm>> -> memref<1x1x128xi32, #tpu.memory_space<hbm>>
        %dma_start3A_137 = tpu.memref_squeeze %dma_start3A_136 : memref<1x1x128xi32, #tpu.memory_space<hbm>> -> memref<1x128xi32, #tpu.memory_space<hbm>>
        %dma_start3A_138 = arith.constant 78 : i32
        %dma_start3A_139 = arith.constant 0 : i32
        %dma_start3A_140 = tpu.memref_slice %arg6[%dma_start3A_138, %dma_start3A_139] : memref<80x128xi32, #tpu.memory_space<vmem>> -> memref<1x128xi32, #tpu.memory_space<vmem>>
        %dma_start3A_141 = arith.constant 0 : i32
        %dma_start3A_142 = tpu.memref_slice %arg3[%run_scoped3A_127, %add3A_126, %dma_start3A_141] : memref<2x2500x128xi32, #tpu.memory_space<hbm>> -> memref<1x1x128xi32, #tpu.memory_space<hbm>>
        %dma_start3A_143 = tpu.memref_squeeze %dma_start3A_142 : memref<1x1x128xi32, #tpu.memory_space<hbm>> -> memref<1x128xi32, #tpu.memory_space<hbm>>
        tpu.enqueue_dma source(%dma_start3A_143 : memref<1x128xi32, #tpu.memory_space<hbm>>) target(%dma_start3A_140 : memref<1x128xi32, #tpu.memory_space<vmem>>) target_semaphore(%run_scoped3A_131 : memref<!tpu.dma_semaphore, #tpu.memory_space<semaphore_mem>>)
        %dma_wait3A = arith.constant 78 : i32
        %dma_wait3A_144 = arith.constant 0 : i32
        %dma_wait3A_145 = tpu.memref_slice %arg6[%dma_wait3A, %dma_wait3A_144] : memref<80x128xi32, #tpu.memory_space<vmem>> -> memref<1x128xi32, #tpu.memory_space<vmem>>
        %dma_wait3A_146 = arith.constant 0 : i32
        %dma_wait3A_147 = tpu.memref_slice %arg3[%run_scoped3A_127, %add3A_126, %dma_wait3A_146] : memref<2x2500x128xi32, #tpu.memory_space<hbm>> -> memref<1x1x128xi32, #tpu.memory_space<hbm>>
        %dma_wait3A_148 = tpu.memref_squeeze %dma_wait3A_147 : memref<1x1x128xi32, #tpu.memory_space<hbm>> -> memref<1x128xi32, #tpu.memory_space<hbm>>
        %dma_wait3A_149 = arith.constant 78 : i32
        %dma_wait3A_150 = arith.constant 0 : i32
        %dma_wait3A_151 = tpu.memref_slice %arg6[%dma_wait3A_149, %dma_wait3A_150] : memref<80x128xi32, #tpu.memory_space<vmem>> -> memref<1x128xi32, #tpu.memory_space<vmem>>
        %dma_wait3A_152 = arith.constant 0 : i32
        %dma_wait3A_153 = tpu.memref_slice %arg3[%run_scoped3A_127, %add3A_126, %dma_wait3A_152] : memref<2x2500x128xi32, #tpu.memory_space<hbm>> -> memref<1x1x128xi32, #tpu.memory_space<hbm>>
        %dma_wait3A_154 = tpu.memref_squeeze %dma_wait3A_153 : memref<1x1x128xi32, #tpu.memory_space<hbm>> -> memref<1x128xi32, #tpu.memory_space<hbm>>
        tpu.wait_dma2 semaphore(%run_scoped3A_131 : memref<!tpu.dma_semaphore, #tpu.memory_space<semaphore_mem>>) src(%dma_wait3A_154 : memref<1x128xi32, #tpu.memory_space<hbm>>) dst(%dma_wait3A_151 : memref<1x128xi32, #tpu.memory_space<vmem>>)
        tpu.yield
      }) : () -> ()
      %add3A_128 = arith.constant 2496 : i32
      %add3A_129 = arith.addi %add3A_128, %add3A : i32
      %run_scoped3A_130 = arith.constant 1 : i32
      "tpu.region"() ({
        %run_scoped3A_131 = tpu.sem_alloc : memref<!tpu.dma_semaphore, #tpu.memory_space<semaphore_mem>>
        %dma_start3A_132 = arith.constant 78 : i32
        %dma_start3A_133 = arith.constant 0 : i32
        %dma_start3A_134 = tpu.memref_slice %arg7[%dma_start3A_132, %dma_start3A_133] : memref<80x128xi32, #tpu.memory_space<vmem>> -> memref<1x128xi32, #tpu.memory_space<vmem>>
        %dma_start3A_135 = arith.constant 0 : i32
        %dma_start3A_136 = tpu.memref_slice %arg3[%run_scoped3A_130, %add3A_129, %dma_start3A_135] : memref<2x2500x128xi32, #tpu.memory_space<hbm>> -> memref<1x1x128xi32, #tpu.memory_space<hbm>>
        %dma_start3A_137 = tpu.memref_squeeze %dma_start3A_136 : memref<1x1x128xi32, #tpu.memory_space<hbm>> -> memref<1x128xi32, #tpu.memory_space<hbm>>
        %dma_start3A_138 = arith.constant 78 : i32
        %dma_start3A_139 = arith.constant 0 : i32
        %dma_start3A_140 = tpu.memref_slice %arg7[%dma_start3A_138, %dma_start3A_139] : memref<80x128xi32, #tpu.memory_space<vmem>> -> memref<1x128xi32, #tpu.memory_space<vmem>>
        %dma_start3A_141 = arith.constant 0 : i32
        %dma_start3A_142 = tpu.memref_slice %arg3[%run_scoped3A_130, %add3A_129, %dma_start3A_141] : memref<2x2500x128xi32, #tpu.memory_space<hbm>> -> memref<1x1x128xi32, #tpu.memory_space<hbm>>
        %dma_start3A_143 = tpu.memref_squeeze %dma_start3A_142 : memref<1x1x128xi32, #tpu.memory_space<hbm>> -> memref<1x128xi32, #tpu.memory_space<hbm>>
        tpu.enqueue_dma source(%dma_start3A_143 : memref<1x128xi32, #tpu.memory_space<hbm>>) target(%dma_start3A_140 : memref<1x128xi32, #tpu.memory_space<vmem>>) target_semaphore(%run_scoped3A_131 : memref<!tpu.dma_semaphore, #tpu.memory_space<semaphore_mem>>)
        %dma_wait3A = arith.constant 78 : i32
        %dma_wait3A_144 = arith.constant 0 : i32
        %dma_wait3A_145 = tpu.memref_slice %arg7[%dma_wait3A, %dma_wait3A_144] : memref<80x128xi32, #tpu.memory_space<vmem>> -> memref<1x128xi32, #tpu.memory_space<vmem>>
        %dma_wait3A_146 = arith.constant 0 : i32
        %dma_wait3A_147 = tpu.memref_slice %arg3[%run_scoped3A_130, %add3A_129, %dma_wait3A_146] : memref<2x2500x128xi32, #tpu.memory_space<hbm>> -> memref<1x1x128xi32, #tpu.memory_space<hbm>>
        %dma_wait3A_148 = tpu.memref_squeeze %dma_wait3A_147 : memref<1x1x128xi32, #tpu.memory_space<hbm>> -> memref<1x128xi32, #tpu.memory_space<hbm>>
        %dma_wait3A_149 = arith.constant 78 : i32
        %dma_wait3A_150 = arith.constant 0 : i32
        %dma_wait3A_151 = tpu.memref_slice %arg7[%dma_wait3A_149, %dma_wait3A_150] : memref<80x128xi32, #tpu.memory_space<vmem>> -> memref<1x128xi32, #tpu.memory_space<vmem>>
        %dma_wait3A_152 = arith.constant 0 : i32
        %dma_wait3A_153 = tpu.memref_slice %arg3[%run_scoped3A_130, %add3A_129, %dma_wait3A_152] : memref<2x2500x128xi32, #tpu.memory_space<hbm>> -> memref<1x1x128xi32, #tpu.memory_space<hbm>>
        %dma_wait3A_154 = tpu.memref_squeeze %dma_wait3A_153 : memref<1x1x128xi32, #tpu.memory_space<hbm>> -> memref<1x128xi32, #tpu.memory_space<hbm>>
        tpu.wait_dma2 semaphore(%run_scoped3A_131 : memref<!tpu.dma_semaphore, #tpu.memory_space<semaphore_mem>>) src(%dma_wait3A_154 : memref<1x128xi32, #tpu.memory_space<hbm>>) dst(%dma_wait3A_151 : memref<1x128xi32, #tpu.memory_space<vmem>>)
        tpu.yield
      }) : () -> ()
    } else {
    }
    %mul3A_13 = arith.constant 632 : i32
    %mul3A_14 = arith.muli %arg1, %mul3A_13 : i32
    %mul3A_15 = arith.constant 632 : i32
    %mul3A_16 = arith.muli %arg1, %mul3A_15 : i32
    "tpu.region"() ({
      %run_scoped3A_125 = tpu.sem_alloc : memref<!tpu.dma_semaphore, #tpu.memory_space<semaphore_mem>>
      %dma_start3A_126 = arith.constant 0 : i32
      %dma_start3A_127 = tpu.memref_slice %arg9[%mul3A_16, %dma_start3A_126] : memref<10112x64xf32, #tpu.memory_space<vmem_shared>> -> memref<632x64xf32, #tpu.memory_space<vmem_shared>>
      %dma_start3A_128 = arith.constant 0 : i32
      %dma_start3A_129 = tpu.memref_slice %arg4[%mul3A_14, %dma_start3A_128] : memref<10112x64xf32, #tpu.memory_space<hbm>> -> memref<632x64xf32, #tpu.memory_space<hbm>>
      tpu.enqueue_dma source(%dma_start3A_129 : memref<632x64xf32, #tpu.memory_space<hbm>>) target(%dma_start3A_127 : memref<632x64xf32, #tpu.memory_space<vmem_shared>>) target_semaphore(%run_scoped3A_125 : memref<!tpu.dma_semaphore, #tpu.memory_space<semaphore_mem>>)
      %dma_wait3A = arith.constant 0 : i32
      %dma_wait3A_130 = tpu.memref_slice %arg9[%mul3A_16, %dma_wait3A] : memref<10112x64xf32, #tpu.memory_space<vmem_shared>> -> memref<632x64xf32, #tpu.memory_space<vmem_shared>>
      %dma_wait3A_131 = arith.constant 0 : i32
      %dma_wait3A_132 = tpu.memref_slice %arg4[%mul3A_14, %dma_wait3A_131] : memref<10112x64xf32, #tpu.memory_space<hbm>> -> memref<632x64xf32, #tpu.memory_space<hbm>>
      tpu.wait_dma2 semaphore(%run_scoped3A_125 : memref<!tpu.dma_semaphore, #tpu.memory_space<semaphore_mem>>) src(%dma_wait3A_132 : memref<632x64xf32, #tpu.memory_space<hbm>>) dst(%dma_wait3A_130 : memref<632x64xf32, #tpu.memory_space<vmem_shared>>)
      tpu.yield
    }) : () -> ()
    %barrier3A = arith.constant 0 : index
    tpu.barrier barrier_id(%barrier3A)
    %dma_start3A = arith.constant 0 : i32
    %dma_start3A_17 = arith.constant 0 : i32
    %dma_start3A_18 = arith.constant 0 : i32
    %dma_start3A_19 = arith.constant 0 : i32
    %dma_start3A_20 = arith.constant 0 : i32
    %dma_start3A_21 = tpu.memref_slice %arg8[%dma_start3A_17, %dma_start3A_19, %dma_start3A_20] : memref<8x128x64xf32, #tpu.memory_space<vmem>> -> memref<1x128x64xf32, #tpu.memory_space<vmem>>
    %dma_start3A_22 = tpu.memref_squeeze %dma_start3A_21 : memref<1x128x64xf32, #tpu.memory_space<vmem>> -> memref<128x64xf32, #tpu.memory_space<vmem>>
    %dma_start3A_23 = arith.constant 0 : i32
    %dma_start3A_24 = tpu.memref_slice %arg6[%dma_start3A, %dma_start3A_23] : memref<80x128xi32, #tpu.memory_space<vmem>> -> memref<1x128xi32, #tpu.memory_space<vmem>>
    %dma_start3A_25 = tpu.memref_squeeze %dma_start3A_24 : memref<1x128xi32, #tpu.memory_space<vmem>> -> memref<128xi32, #tpu.memory_space<vmem>>
    %dma_start3A_26 = arith.constant 0 : i32
    %dma_start3A_27 = arith.constant 0 : i32
    %dma_start3A_28 = tpu.memref_slice %arg2[%dma_start3A_26, %dma_start3A_27] : memref<10000x64xf32, #tpu.memory_space<hbm>> -> memref<10000x64xf32, #tpu.memory_space<hbm>>
    %dma_start3A_29 = tpu.memref_slice %arg10[%dma_start3A_18] : memref<8x!tpu.dma_semaphore, #tpu.memory_space<semaphore_mem>> -> memref<1x!tpu.dma_semaphore, #tpu.memory_space<semaphore_mem>>
    %dma_start3A_30 = tpu.memref_squeeze %dma_start3A_29 : memref<1x!tpu.dma_semaphore, #tpu.memory_space<semaphore_mem>> -> memref<!tpu.dma_semaphore, #tpu.memory_space<semaphore_mem>>
    tpu.enqueue_indirect_dma source(%dma_start3A_28 : memref<10000x64xf32, #tpu.memory_space<hbm>>) target(%dma_start3A_22 : memref<128x64xf32, #tpu.memory_space<vmem>>) offsets(%dma_start3A_25 : memref<128xi32, #tpu.memory_space<vmem>>) semaphore(%dma_start3A_30 : memref<!tpu.dma_semaphore, #tpu.memory_space<semaphore_mem>>)
    %dma_start3A_31 = arith.constant 1 : i32
    %dma_start3A_32 = arith.constant 1 : i32
    %dma_start3A_33 = arith.constant 1 : i32
    %dma_start3A_34 = arith.constant 0 : i32
    %dma_start3A_35 = arith.constant 0 : i32
    %dma_start3A_36 = tpu.memref_slice %arg8[%dma_start3A_32, %dma_start3A_34, %dma_start3A_35] : memref<8x128x64xf32, #tpu.memory_space<vmem>> -> memref<1x128x64xf32, #tpu.memory_space<vmem>>
    %dma_start3A_37 = tpu.memref_squeeze %dma_start3A_36 : memref<1x128x64xf32, #tpu.memory_space<vmem>> -> memref<128x64xf32, #tpu.memory_space<vmem>>
    %dma_start3A_38 = arith.constant 0 : i32
    %dma_start3A_39 = tpu.memref_slice %arg6[%dma_start3A_31, %dma_start3A_38] : memref<80x128xi32, #tpu.memory_space<vmem>> -> memref<1x128xi32, #tpu.memory_space<vmem>>
    %dma_start3A_40 = tpu.memref_squeeze %dma_start3A_39 : memref<1x128xi32, #tpu.memory_space<vmem>> -> memref<128xi32, #tpu.memory_space<vmem>>
    %dma_start3A_41 = arith.constant 0 : i32
    %dma_start3A_42 = arith.constant 0 : i32
    %dma_start3A_43 = tpu.memref_slice %arg2[%dma_start3A_41, %dma_start3A_42] : memref<10000x64xf32, #tpu.memory_space<hbm>> -> memref<10000x64xf32, #tpu.memory_space<hbm>>
    %dma_start3A_44 = tpu.memref_slice %arg10[%dma_start3A_33] : memref<8x!tpu.dma_semaphore, #tpu.memory_space<semaphore_mem>> -> memref<1x!tpu.dma_semaphore, #tpu.memory_space<semaphore_mem>>
    %dma_start3A_45 = tpu.memref_squeeze %dma_start3A_44 : memref<1x!tpu.dma_semaphore, #tpu.memory_space<semaphore_mem>> -> memref<!tpu.dma_semaphore, #tpu.memory_space<semaphore_mem>>
    tpu.enqueue_indirect_dma source(%dma_start3A_43 : memref<10000x64xf32, #tpu.memory_space<hbm>>) target(%dma_start3A_37 : memref<128x64xf32, #tpu.memory_space<vmem>>) offsets(%dma_start3A_40 : memref<128xi32, #tpu.memory_space<vmem>>) semaphore(%dma_start3A_45 : memref<!tpu.dma_semaphore, #tpu.memory_space<semaphore_mem>>)
    %dma_start3A_46 = arith.constant 2 : i32
    %dma_start3A_47 = arith.constant 2 : i32
    %dma_start3A_48 = arith.constant 2 : i32
    %dma_start3A_49 = arith.constant 0 : i32
    %dma_start3A_50 = arith.constant 0 : i32
    %dma_start3A_51 = tpu.memref_slice %arg8[%dma_start3A_47, %dma_start3A_49, %dma_start3A_50] : memref<8x128x64xf32, #tpu.memory_space<vmem>> -> memref<1x128x64xf32, #tpu.memory_space<vmem>>
    %dma_start3A_52 = tpu.memref_squeeze %dma_start3A_51 : memref<1x128x64xf32, #tpu.memory_space<vmem>> -> memref<128x64xf32, #tpu.memory_space<vmem>>
    %dma_start3A_53 = arith.constant 0 : i32
    %dma_start3A_54 = tpu.memref_slice %arg6[%dma_start3A_46, %dma_start3A_53] : memref<80x128xi32, #tpu.memory_space<vmem>> -> memref<1x128xi32, #tpu.memory_space<vmem>>
    %dma_start3A_55 = tpu.memref_squeeze %dma_start3A_54 : memref<1x128xi32, #tpu.memory_space<vmem>> -> memref<128xi32, #tpu.memory_space<vmem>>
    %dma_start3A_56 = arith.constant 0 : i32
    %dma_start3A_57 = arith.constant 0 : i32
    %dma_start3A_58 = tpu.memref_slice %arg2[%dma_start3A_56, %dma_start3A_57] : memref<10000x64xf32, #tpu.memory_space<hbm>> -> memref<10000x64xf32, #tpu.memory_space<hbm>>
    %dma_start3A_59 = tpu.memref_slice %arg10[%dma_start3A_48] : memref<8x!tpu.dma_semaphore, #tpu.memory_space<semaphore_mem>> -> memref<1x!tpu.dma_semaphore, #tpu.memory_space<semaphore_mem>>
    %dma_start3A_60 = tpu.memref_squeeze %dma_start3A_59 : memref<1x!tpu.dma_semaphore, #tpu.memory_space<semaphore_mem>> -> memref<!tpu.dma_semaphore, #tpu.memory_space<semaphore_mem>>
    tpu.enqueue_indirect_dma source(%dma_start3A_58 : memref<10000x64xf32, #tpu.memory_space<hbm>>) target(%dma_start3A_52 : memref<128x64xf32, #tpu.memory_space<vmem>>) offsets(%dma_start3A_55 : memref<128xi32, #tpu.memory_space<vmem>>) semaphore(%dma_start3A_60 : memref<!tpu.dma_semaphore, #tpu.memory_space<semaphore_mem>>)
    %dma_start3A_61 = arith.constant 3 : i32
    %dma_start3A_62 = arith.constant 3 : i32
    %dma_start3A_63 = arith.constant 3 : i32
    %dma_start3A_64 = arith.constant 0 : i32
    %dma_start3A_65 = arith.constant 0 : i32
    %dma_start3A_66 = tpu.memref_slice %arg8[%dma_start3A_62, %dma_start3A_64, %dma_start3A_65] : memref<8x128x64xf32, #tpu.memory_space<vmem>> -> memref<1x128x64xf32, #tpu.memory_space<vmem>>
    %dma_start3A_67 = tpu.memref_squeeze %dma_start3A_66 : memref<1x128x64xf32, #tpu.memory_space<vmem>> -> memref<128x64xf32, #tpu.memory_space<vmem>>
    %dma_start3A_68 = arith.constant 0 : i32
    %dma_start3A_69 = tpu.memref_slice %arg6[%dma_start3A_61, %dma_start3A_68] : memref<80x128xi32, #tpu.memory_space<vmem>> -> memref<1x128xi32, #tpu.memory_space<vmem>>
    %dma_start3A_70 = tpu.memref_squeeze %dma_start3A_69 : memref<1x128xi32, #tpu.memory_space<vmem>> -> memref<128xi32, #tpu.memory_space<vmem>>
    %dma_start3A_71 = arith.constant 0 : i32
    %dma_start3A_72 = arith.constant 0 : i32
    %dma_start3A_73 = tpu.memref_slice %arg2[%dma_start3A_71, %dma_start3A_72] : memref<10000x64xf32, #tpu.memory_space<hbm>> -> memref<10000x64xf32, #tpu.memory_space<hbm>>
    %dma_start3A_74 = tpu.memref_slice %arg10[%dma_start3A_63] : memref<8x!tpu.dma_semaphore, #tpu.memory_space<semaphore_mem>> -> memref<1x!tpu.dma_semaphore, #tpu.memory_space<semaphore_mem>>
    %dma_start3A_75 = tpu.memref_squeeze %dma_start3A_74 : memref<1x!tpu.dma_semaphore, #tpu.memory_space<semaphore_mem>> -> memref<!tpu.dma_semaphore, #tpu.memory_space<semaphore_mem>>
    tpu.enqueue_indirect_dma source(%dma_start3A_73 : memref<10000x64xf32, #tpu.memory_space<hbm>>) target(%dma_start3A_67 : memref<128x64xf32, #tpu.memory_space<vmem>>) offsets(%dma_start3A_70 : memref<128xi32, #tpu.memory_space<vmem>>) semaphore(%dma_start3A_75 : memref<!tpu.dma_semaphore, #tpu.memory_space<semaphore_mem>>)
    %dma_start3A_76 = arith.constant 4 : i32
    %dma_start3A_77 = arith.constant 4 : i32
    %dma_start3A_78 = arith.constant 4 : i32
    %dma_start3A_79 = arith.constant 0 : i32
    %dma_start3A_80 = arith.constant 0 : i32
    %dma_start3A_81 = tpu.memref_slice %arg8[%dma_start3A_77, %dma_start3A_79, %dma_start3A_80] : memref<8x128x64xf32, #tpu.memory_space<vmem>> -> memref<1x128x64xf32, #tpu.memory_space<vmem>>
    %dma_start3A_82 = tpu.memref_squeeze %dma_start3A_81 : memref<1x128x64xf32, #tpu.memory_space<vmem>> -> memref<128x64xf32, #tpu.memory_space<vmem>>
    %dma_start3A_83 = arith.constant 0 : i32
    %dma_start3A_84 = tpu.memref_slice %arg6[%dma_start3A_76, %dma_start3A_83] : memref<80x128xi32, #tpu.memory_space<vmem>> -> memref<1x128xi32, #tpu.memory_space<vmem>>
    %dma_start3A_85 = tpu.memref_squeeze %dma_start3A_84 : memref<1x128xi32, #tpu.memory_space<vmem>> -> memref<128xi32, #tpu.memory_space<vmem>>
    %dma_start3A_86 = arith.constant 0 : i32
    %dma_start3A_87 = arith.constant 0 : i32
    %dma_start3A_88 = tpu.memref_slice %arg2[%dma_start3A_86, %dma_start3A_87] : memref<10000x64xf32, #tpu.memory_space<hbm>> -> memref<10000x64xf32, #tpu.memory_space<hbm>>
    %dma_start3A_89 = tpu.memref_slice %arg10[%dma_start3A_78] : memref<8x!tpu.dma_semaphore, #tpu.memory_space<semaphore_mem>> -> memref<1x!tpu.dma_semaphore, #tpu.memory_space<semaphore_mem>>
    %dma_start3A_90 = tpu.memref_squeeze %dma_start3A_89 : memref<1x!tpu.dma_semaphore, #tpu.memory_space<semaphore_mem>> -> memref<!tpu.dma_semaphore, #tpu.memory_space<semaphore_mem>>
    tpu.enqueue_indirect_dma source(%dma_start3A_88 : memref<10000x64xf32, #tpu.memory_space<hbm>>) target(%dma_start3A_82 : memref<128x64xf32, #tpu.memory_space<vmem>>) offsets(%dma_start3A_85 : memref<128xi32, #tpu.memory_space<vmem>>) semaphore(%dma_start3A_90 : memref<!tpu.dma_semaphore, #tpu.memory_space<semaphore_mem>>)
    %dma_start3A_91 = arith.constant 5 : i32
    %dma_start3A_92 = arith.constant 5 : i32
    %dma_start3A_93 = arith.constant 5 : i32
    %dma_start3A_94 = arith.constant 0 : i32
    %dma_start3A_95 = arith.constant 0 : i32
    %dma_start3A_96 = tpu.memref_slice %arg8[%dma_start3A_92, %dma_start3A_94, %dma_start3A_95] : memref<8x128x64xf32, #tpu.memory_space<vmem>> -> memref<1x128x64xf32, #tpu.memory_space<vmem>>
    %dma_start3A_97 = tpu.memref_squeeze %dma_start3A_96 : memref<1x128x64xf32, #tpu.memory_space<vmem>> -> memref<128x64xf32, #tpu.memory_space<vmem>>
    %dma_start3A_98 = arith.constant 0 : i32
    %dma_start3A_99 = tpu.memref_slice %arg6[%dma_start3A_91, %dma_start3A_98] : memref<80x128xi32, #tpu.memory_space<vmem>> -> memref<1x128xi32, #tpu.memory_space<vmem>>
    %dma_start3A_100 = tpu.memref_squeeze %dma_start3A_99 : memref<1x128xi32, #tpu.memory_space<vmem>> -> memref<128xi32, #tpu.memory_space<vmem>>
    %dma_start3A_101 = arith.constant 0 : i32
    %dma_start3A_102 = arith.constant 0 : i32
    %dma_start3A_103 = tpu.memref_slice %arg2[%dma_start3A_101, %dma_start3A_102] : memref<10000x64xf32, #tpu.memory_space<hbm>> -> memref<10000x64xf32, #tpu.memory_space<hbm>>
    %dma_start3A_104 = tpu.memref_slice %arg10[%dma_start3A_93] : memref<8x!tpu.dma_semaphore, #tpu.memory_space<semaphore_mem>> -> memref<1x!tpu.dma_semaphore, #tpu.memory_space<semaphore_mem>>
    %dma_start3A_105 = tpu.memref_squeeze %dma_start3A_104 : memref<1x!tpu.dma_semaphore, #tpu.memory_space<semaphore_mem>> -> memref<!tpu.dma_semaphore, #tpu.memory_space<semaphore_mem>>
    tpu.enqueue_indirect_dma source(%dma_start3A_103 : memref<10000x64xf32, #tpu.memory_space<hbm>>) target(%dma_start3A_97 : memref<128x64xf32, #tpu.memory_space<vmem>>) offsets(%dma_start3A_100 : memref<128xi32, #tpu.memory_space<vmem>>) semaphore(%dma_start3A_105 : memref<!tpu.dma_semaphore, #tpu.memory_space<semaphore_mem>>)
    %scan3A = arith.constant 0 : i32
    %scan3A_106 = arith.constant 0 : i32
    %scan3A_107 = arith.constant 10 : i32
    %scan3A_108 = arith.addi %scan3A_106, %scan3A_107 : i32
    %scan3A_109 = arith.constant 1 : i32
    scf.for %scan3A_125 = %scan3A_106 to %scan3A_108 step %scan3A_109  : i32 {
      %mul3A_126 = arith.constant 8 : i32
      %mul3A_127 = arith.muli %scan3A_125, %mul3A_126 : i32
      %add3A_128 = arith.constant 0 : i32
      %add3A_129 = arith.addi %mul3A_127, %add3A_128 : i32
      %add3A_130 = arith.constant 6 : i32
      %add3A_131 = arith.addi %add3A_129, %add3A_130 : i32
      %sub3A = arith.constant 8 : i32
      %sub3A_132 = arith.subi %add3A_131, %sub3A : i32
      %ge3A = arith.constant 0 : i32
      %ge3A_133 = arith.cmpi sge, %sub3A_132, %ge3A : i32
      %lt3A_134 = arith.cmpi slt, %sub3A_132, %add3A_4 : i32
      %and3A = arith.andi %ge3A_133, %lt3A_134 : i1
      %convert_element_type3A_135 = arith.extui %and3A : i1 to i32
      %cond3A_136 = arith.constant 0 : i32
      %cond3A_137 = arith.cmpi ne, %convert_element_type3A_135, %cond3A_136 : i32
      scf.if %cond3A_137 {
        %dma_wait3A = arith.constant 6 : i32
        %dma_wait3A_309 = arith.constant 6 : i32
        %dma_wait3A_310 = arith.constant 0 : i32
        %dma_wait3A_311 = arith.constant 0 : i32
        %dma_wait3A_312 = tpu.memref_slice %arg8[%dma_wait3A, %dma_wait3A_310, %dma_wait3A_311] : memref<8x128x64xf32, #tpu.memory_space<vmem>> -> memref<1x128x64xf32, #tpu.memory_space<vmem>>
        %dma_wait3A_313 = tpu.memref_squeeze %dma_wait3A_312 : memref<1x128x64xf32, #tpu.memory_space<vmem>> -> memref<128x64xf32, #tpu.memory_space<vmem>>
        %dma_wait3A_314 = arith.constant 0 : i32
        %dma_wait3A_315 = tpu.memref_slice %arg7[%sub3A_132, %dma_wait3A_314] : memref<80x128xi32, #tpu.memory_space<vmem>> -> memref<1x128xi32, #tpu.memory_space<vmem>>
        %dma_wait3A_316 = tpu.memref_squeeze %dma_wait3A_315 : memref<1x128xi32, #tpu.memory_space<vmem>> -> memref<128xi32, #tpu.memory_space<vmem>>
        %dma_wait3A_317 = arith.constant 0 : i32
        %dma_wait3A_318 = arith.constant 0 : i32
        %dma_wait3A_319 = tpu.memref_slice %arg9[%dma_wait3A_317, %dma_wait3A_318] : memref<10112x64xf32, #tpu.memory_space<vmem_shared>> -> memref<10112x64xf32, #tpu.memory_space<vmem_shared>>
        %dma_wait3A_320 = tpu.memref_slice %arg11[%dma_wait3A_309] : memref<8x!tpu.dma_semaphore, #tpu.memory_space<semaphore_mem>> -> memref<1x!tpu.dma_semaphore, #tpu.memory_space<semaphore_mem>>
        %dma_wait3A_321 = tpu.memref_squeeze %dma_wait3A_320 : memref<1x!tpu.dma_semaphore, #tpu.memory_space<semaphore_mem>> -> memref<!tpu.dma_semaphore, #tpu.memory_space<semaphore_mem>>
        tpu.wait_indirect_dma semaphore(%dma_wait3A_321 : memref<!tpu.dma_semaphore, #tpu.memory_space<semaphore_mem>>) src(%dma_wait3A_313 : memref<128x64xf32, #tpu.memory_space<vmem>>) dst(%dma_wait3A_319 : memref<10112x64xf32, #tpu.memory_space<vmem_shared>>)
      } else {
      }
      %add3A_138 = arith.constant 6 : i32
      %add3A_139 = arith.addi %add3A_129, %add3A_138 : i32
      %lt3A_140 = arith.cmpi slt, %add3A_139, %add3A_4 : i32
      %convert_element_type3A_141 = arith.extui %lt3A_140 : i1 to i32
      %cond3A_142 = arith.constant 0 : i32
      %cond3A_143 = arith.cmpi ne, %convert_element_type3A_141, %cond3A_142 : i32
      scf.if %cond3A_143 {
        %add3A_309 = arith.constant 6 : i32
        %add3A_310 = arith.addi %add3A_129, %add3A_309 : i32
        %dma_start3A_311 = arith.constant 6 : i32
        %dma_start3A_312 = arith.constant 6 : i32
        %dma_start3A_313 = arith.constant 0 : i32
        %dma_start3A_314 = arith.constant 0 : i32
        %dma_start3A_315 = tpu.memref_slice %arg8[%dma_start3A_311, %dma_start3A_313, %dma_start3A_314] : memref<8x128x64xf32, #tpu.memory_space<vmem>> -> memref<1x128x64xf32, #tpu.memory_space<vmem>>
        %dma_start3A_316 = tpu.memref_squeeze %dma_start3A_315 : memref<1x128x64xf32, #tpu.memory_space<vmem>> -> memref<128x64xf32, #tpu.memory_space<vmem>>
        %dma_start3A_317 = arith.constant 0 : i32
        %dma_start3A_318 = tpu.memref_slice %arg6[%add3A_310, %dma_start3A_317] : memref<80x128xi32, #tpu.memory_space<vmem>> -> memref<1x128xi32, #tpu.memory_space<vmem>>
        %dma_start3A_319 = tpu.memref_squeeze %dma_start3A_318 : memref<1x128xi32, #tpu.memory_space<vmem>> -> memref<128xi32, #tpu.memory_space<vmem>>
        %dma_start3A_320 = arith.constant 0 : i32
        %dma_start3A_321 = arith.constant 0 : i32
        %dma_start3A_322 = tpu.memref_slice %arg2[%dma_start3A_320, %dma_start3A_321] : memref<10000x64xf32, #tpu.memory_space<hbm>> -> memref<10000x64xf32, #tpu.memory_space<hbm>>
        %dma_start3A_323 = tpu.memref_slice %arg10[%dma_start3A_312] : memref<8x!tpu.dma_semaphore, #tpu.memory_space<semaphore_mem>> -> memref<1x!tpu.dma_semaphore, #tpu.memory_space<semaphore_mem>>
        %dma_start3A_324 = tpu.memref_squeeze %dma_start3A_323 : memref<1x!tpu.dma_semaphore, #tpu.memory_space<semaphore_mem>> -> memref<!tpu.dma_semaphore, #tpu.memory_space<semaphore_mem>>
        tpu.enqueue_indirect_dma source(%dma_start3A_322 : memref<10000x64xf32, #tpu.memory_space<hbm>>) target(%dma_start3A_316 : memref<128x64xf32, #tpu.memory_space<vmem>>) offsets(%dma_start3A_319 : memref<128xi32, #tpu.memory_space<vmem>>) semaphore(%dma_start3A_324 : memref<!tpu.dma_semaphore, #tpu.memory_space<semaphore_mem>>)
      } else {
      }
      %lt3A_144 = arith.cmpi slt, %add3A_129, %add3A_4 : i32
      %convert_element_type3A_145 = arith.extui %lt3A_144 : i1 to i32
      %cond3A_146 = arith.constant 0 : i32
      %cond3A_147 = arith.cmpi ne, %convert_element_type3A_145, %cond3A_146 : i32
      scf.if %cond3A_147 {
        %dma_wait3A = arith.constant 0 : i32
        %dma_wait3A_309 = arith.constant 0 : i32
        %dma_wait3A_310 = arith.constant 0 : i32
        %dma_wait3A_311 = arith.constant 0 : i32
        %dma_wait3A_312 = tpu.memref_slice %arg8[%dma_wait3A, %dma_wait3A_310, %dma_wait3A_311] : memref<8x128x64xf32, #tpu.memory_space<vmem>> -> memref<1x128x64xf32, #tpu.memory_space<vmem>>
        %dma_wait3A_313 = tpu.memref_squeeze %dma_wait3A_312 : memref<1x128x64xf32, #tpu.memory_space<vmem>> -> memref<128x64xf32, #tpu.memory_space<vmem>>
        %dma_wait3A_314 = arith.constant 0 : i32
        %dma_wait3A_315 = tpu.memref_slice %arg6[%add3A_129, %dma_wait3A_314] : memref<80x128xi32, #tpu.memory_space<vmem>> -> memref<1x128xi32, #tpu.memory_space<vmem>>
        %dma_wait3A_316 = tpu.memref_squeeze %dma_wait3A_315 : memref<1x128xi32, #tpu.memory_space<vmem>> -> memref<128xi32, #tpu.memory_space<vmem>>
        %dma_wait3A_317 = arith.constant 0 : i32
        %dma_wait3A_318 = arith.constant 0 : i32
        %dma_wait3A_319 = tpu.memref_slice %arg2[%dma_wait3A_317, %dma_wait3A_318] : memref<10000x64xf32, #tpu.memory_space<hbm>> -> memref<10000x64xf32, #tpu.memory_space<hbm>>
        %dma_wait3A_320 = tpu.memref_slice %arg10[%dma_wait3A_309] : memref<8x!tpu.dma_semaphore, #tpu.memory_space<semaphore_mem>> -> memref<1x!tpu.dma_semaphore, #tpu.memory_space<semaphore_mem>>
        %dma_wait3A_321 = tpu.memref_squeeze %dma_wait3A_320 : memref<1x!tpu.dma_semaphore, #tpu.memory_space<semaphore_mem>> -> memref<!tpu.dma_semaphore, #tpu.memory_space<semaphore_mem>>
        tpu.wait_indirect_dma semaphore(%dma_wait3A_321 : memref<!tpu.dma_semaphore, #tpu.memory_space<semaphore_mem>>) src(%dma_wait3A_319 : memref<10000x64xf32, #tpu.memory_space<hbm>>) dst(%dma_wait3A_313 : memref<128x64xf32, #tpu.memory_space<vmem>>)
        %dma_start3A_322 = arith.constant 0 : i32
        %dma_start3A_323 = arith.constant 0 : i32
        %dma_start3A_324 = arith.constant 0 : i32
        %dma_start3A_325 = arith.constant 0 : i32
        %dma_start3A_326 = tpu.memref_slice %arg8[%dma_start3A_322, %dma_start3A_324, %dma_start3A_325] : memref<8x128x64xf32, #tpu.memory_space<vmem>> -> memref<1x128x64xf32, #tpu.memory_space<vmem>>
        %dma_start3A_327 = tpu.memref_squeeze %dma_start3A_326 : memref<1x128x64xf32, #tpu.memory_space<vmem>> -> memref<128x64xf32, #tpu.memory_space<vmem>>
        %dma_start3A_328 = arith.constant 0 : i32
        %dma_start3A_329 = tpu.memref_slice %arg7[%add3A_129, %dma_start3A_328] : memref<80x128xi32, #tpu.memory_space<vmem>> -> memref<1x128xi32, #tpu.memory_space<vmem>>
        %dma_start3A_330 = tpu.memref_squeeze %dma_start3A_329 : memref<1x128xi32, #tpu.memory_space<vmem>> -> memref<128xi32, #tpu.memory_space<vmem>>
        %dma_start3A_331 = arith.constant 0 : i32
        %dma_start3A_332 = arith.constant 0 : i32
        %dma_start3A_333 = tpu.memref_slice %arg9[%dma_start3A_331, %dma_start3A_332] : memref<10112x64xf32, #tpu.memory_space<vmem_shared>> -> memref<10112x64xf32, #tpu.memory_space<vmem_shared>>
        %dma_start3A_334 = tpu.memref_slice %arg11[%dma_start3A_323] : memref<8x!tpu.dma_semaphore, #tpu.memory_space<semaphore_mem>> -> memref<1x!tpu.dma_semaphore, #tpu.memory_space<semaphore_mem>>
        %dma_start3A_335 = tpu.memref_squeeze %dma_start3A_334 : memref<1x!tpu.dma_semaphore, #tpu.memory_space<semaphore_mem>> -> memref<!tpu.dma_semaphore, #tpu.memory_space<semaphore_mem>>
        tpu.enqueue_indirect_dma source(%dma_start3A_327 : memref<128x64xf32, #tpu.memory_space<vmem>>) target(%dma_start3A_333 : memref<10112x64xf32, #tpu.memory_space<vmem_shared>>) offsets(%dma_start3A_330 : memref<128xi32, #tpu.memory_space<vmem>>) semaphore(%dma_start3A_335 : memref<!tpu.dma_semaphore, #tpu.memory_space<semaphore_mem>>) {add = true}
      } else {
      }
      %add3A_148 = arith.constant 1 : i32
      %add3A_149 = arith.addi %mul3A_127, %add3A_148 : i32
      %add3A_150 = arith.constant 6 : i32
      %add3A_151 = arith.addi %add3A_149, %add3A_150 : i32
      %sub3A_152 = arith.constant 8 : i32
      %sub3A_153 = arith.subi %add3A_151, %sub3A_152 : i32
      %ge3A_154 = arith.constant 0 : i32
      %ge3A_155 = arith.cmpi sge, %sub3A_153, %ge3A_154 : i32
      %lt3A_156 = arith.cmpi slt, %sub3A_153, %add3A_4 : i32
      %and3A_157 = arith.andi %ge3A_155, %lt3A_156 : i1
      %convert_element_type3A_158 = arith.extui %and3A_157 : i1 to i32
      %cond3A_159 = arith.constant 0 : i32
      %cond3A_160 = arith.cmpi ne, %convert_element_type3A_158, %cond3A_159 : i32
      scf.if %cond3A_160 {
        %dma_wait3A = arith.constant 7 : i32
        %dma_wait3A_309 = arith.constant 7 : i32
        %dma_wait3A_310 = arith.constant 0 : i32
        %dma_wait3A_311 = arith.constant 0 : i32
        %dma_wait3A_312 = tpu.memref_slice %arg8[%dma_wait3A, %dma_wait3A_310, %dma_wait3A_311] : memref<8x128x64xf32, #tpu.memory_space<vmem>> -> memref<1x128x64xf32, #tpu.memory_space<vmem>>
        %dma_wait3A_313 = tpu.memref_squeeze %dma_wait3A_312 : memref<1x128x64xf32, #tpu.memory_space<vmem>> -> memref<128x64xf32, #tpu.memory_space<vmem>>
        %dma_wait3A_314 = arith.constant 0 : i32
        %dma_wait3A_315 = tpu.memref_slice %arg7[%sub3A_153, %dma_wait3A_314] : memref<80x128xi32, #tpu.memory_space<vmem>> -> memref<1x128xi32, #tpu.memory_space<vmem>>
        %dma_wait3A_316 = tpu.memref_squeeze %dma_wait3A_315 : memref<1x128xi32, #tpu.memory_space<vmem>> -> memref<128xi32, #tpu.memory_space<vmem>>
        %dma_wait3A_317 = arith.constant 0 : i32
        %dma_wait3A_318 = arith.constant 0 : i32
        %dma_wait3A_319 = tpu.memref_slice %arg9[%dma_wait3A_317, %dma_wait3A_318] : memref<10112x64xf32, #tpu.memory_space<vmem_shared>> -> memref<10112x64xf32, #tpu.memory_space<vmem_shared>>
        %dma_wait3A_320 = tpu.memref_slice %arg11[%dma_wait3A_309] : memref<8x!tpu.dma_semaphore, #tpu.memory_space<semaphore_mem>> -> memref<1x!tpu.dma_semaphore, #tpu.memory_space<semaphore_mem>>
        %dma_wait3A_321 = tpu.memref_squeeze %dma_wait3A_320 : memref<1x!tpu.dma_semaphore, #tpu.memory_space<semaphore_mem>> -> memref<!tpu.dma_semaphore, #tpu.memory_space<semaphore_mem>>
        tpu.wait_indirect_dma semaphore(%dma_wait3A_321 : memref<!tpu.dma_semaphore, #tpu.memory_space<semaphore_mem>>) src(%dma_wait3A_313 : memref<128x64xf32, #tpu.memory_space<vmem>>) dst(%dma_wait3A_319 : memref<10112x64xf32, #tpu.memory_space<vmem_shared>>)
      } else {
      }
      %add3A_161 = arith.constant 6 : i32
      %add3A_162 = arith.addi %add3A_149, %add3A_161 : i32
      %lt3A_163 = arith.cmpi slt, %add3A_162, %add3A_4 : i32
      %convert_element_type3A_164 = arith.extui %lt3A_163 : i1 to i32
      %cond3A_165 = arith.constant 0 : i32
      %cond3A_166 = arith.cmpi ne, %convert_element_type3A_164, %cond3A_165 : i32
      scf.if %cond3A_166 {
        %add3A_309 = arith.constant 6 : i32
        %add3A_310 = arith.addi %add3A_149, %add3A_309 : i32
        %dma_start3A_311 = arith.constant 7 : i32
        %dma_start3A_312 = arith.constant 7 : i32
        %dma_start3A_313 = arith.constant 0 : i32
        %dma_start3A_314 = arith.constant 0 : i32
        %dma_start3A_315 = tpu.memref_slice %arg8[%dma_start3A_311, %dma_start3A_313, %dma_start3A_314] : memref<8x128x64xf32, #tpu.memory_space<vmem>> -> memref<1x128x64xf32, #tpu.memory_space<vmem>>
        %dma_start3A_316 = tpu.memref_squeeze %dma_start3A_315 : memref<1x128x64xf32, #tpu.memory_space<vmem>> -> memref<128x64xf32, #tpu.memory_space<vmem>>
        %dma_start3A_317 = arith.constant 0 : i32
        %dma_start3A_318 = tpu.memref_slice %arg6[%add3A_310, %dma_start3A_317] : memref<80x128xi32, #tpu.memory_space<vmem>> -> memref<1x128xi32, #tpu.memory_space<vmem>>
        %dma_start3A_319 = tpu.memref_squeeze %dma_start3A_318 : memref<1x128xi32, #tpu.memory_space<vmem>> -> memref<128xi32, #tpu.memory_space<vmem>>
        %dma_start3A_320 = arith.constant 0 : i32
        %dma_start3A_321 = arith.constant 0 : i32
        %dma_start3A_322 = tpu.memref_slice %arg2[%dma_start3A_320, %dma_start3A_321] : memref<10000x64xf32, #tpu.memory_space<hbm>> -> memref<10000x64xf32, #tpu.memory_space<hbm>>
        %dma_start3A_323 = tpu.memref_slice %arg10[%dma_start3A_312] : memref<8x!tpu.dma_semaphore, #tpu.memory_space<semaphore_mem>> -> memref<1x!tpu.dma_semaphore, #tpu.memory_space<semaphore_mem>>
        %dma_start3A_324 = tpu.memref_squeeze %dma_start3A_323 : memref<1x!tpu.dma_semaphore, #tpu.memory_space<semaphore_mem>> -> memref<!tpu.dma_semaphore, #tpu.memory_space<semaphore_mem>>
        tpu.enqueue_indirect_dma source(%dma_start3A_322 : memref<10000x64xf32, #tpu.memory_space<hbm>>) target(%dma_start3A_316 : memref<128x64xf32, #tpu.memory_space<vmem>>) offsets(%dma_start3A_319 : memref<128xi32, #tpu.memory_space<vmem>>) semaphore(%dma_start3A_324 : memref<!tpu.dma_semaphore, #tpu.memory_space<semaphore_mem>>)
      } else {
      }
      %lt3A_167 = arith.cmpi slt, %add3A_149, %add3A_4 : i32
      %convert_element_type3A_168 = arith.extui %lt3A_167 : i1 to i32
      %cond3A_169 = arith.constant 0 : i32
      %cond3A_170 = arith.cmpi ne, %convert_element_type3A_168, %cond3A_169 : i32
      scf.if %cond3A_170 {
        %dma_wait3A = arith.constant 1 : i32
        %dma_wait3A_309 = arith.constant 1 : i32
        %dma_wait3A_310 = arith.constant 0 : i32
        %dma_wait3A_311 = arith.constant 0 : i32
        %dma_wait3A_312 = tpu.memref_slice %arg8[%dma_wait3A, %dma_wait3A_310, %dma_wait3A_311] : memref<8x128x64xf32, #tpu.memory_space<vmem>> -> memref<1x128x64xf32, #tpu.memory_space<vmem>>
        %dma_wait3A_313 = tpu.memref_squeeze %dma_wait3A_312 : memref<1x128x64xf32, #tpu.memory_space<vmem>> -> memref<128x64xf32, #tpu.memory_space<vmem>>
        %dma_wait3A_314 = arith.constant 0 : i32
        %dma_wait3A_315 = tpu.memref_slice %arg6[%add3A_149, %dma_wait3A_314] : memref<80x128xi32, #tpu.memory_space<vmem>> -> memref<1x128xi32, #tpu.memory_space<vmem>>
        %dma_wait3A_316 = tpu.memref_squeeze %dma_wait3A_315 : memref<1x128xi32, #tpu.memory_space<vmem>> -> memref<128xi32, #tpu.memory_space<vmem>>
        %dma_wait3A_317 = arith.constant 0 : i32
        %dma_wait3A_318 = arith.constant 0 : i32
        %dma_wait3A_319 = tpu.memref_slice %arg2[%dma_wait3A_317, %dma_wait3A_318] : memref<10000x64xf32, #tpu.memory_space<hbm>> -> memref<10000x64xf32, #tpu.memory_space<hbm>>
        %dma_wait3A_320 = tpu.memref_slice %arg10[%dma_wait3A_309] : memref<8x!tpu.dma_semaphore, #tpu.memory_space<semaphore_mem>> -> memref<1x!tpu.dma_semaphore, #tpu.memory_space<semaphore_mem>>
        %dma_wait3A_321 = tpu.memref_squeeze %dma_wait3A_320 : memref<1x!tpu.dma_semaphore, #tpu.memory_space<semaphore_mem>> -> memref<!tpu.dma_semaphore, #tpu.memory_space<semaphore_mem>>
        tpu.wait_indirect_dma semaphore(%dma_wait3A_321 : memref<!tpu.dma_semaphore, #tpu.memory_space<semaphore_mem>>) src(%dma_wait3A_319 : memref<10000x64xf32, #tpu.memory_space<hbm>>) dst(%dma_wait3A_313 : memref<128x64xf32, #tpu.memory_space<vmem>>)
        %dma_start3A_322 = arith.constant 1 : i32
        %dma_start3A_323 = arith.constant 1 : i32
        %dma_start3A_324 = arith.constant 0 : i32
        %dma_start3A_325 = arith.constant 0 : i32
        %dma_start3A_326 = tpu.memref_slice %arg8[%dma_start3A_322, %dma_start3A_324, %dma_start3A_325] : memref<8x128x64xf32, #tpu.memory_space<vmem>> -> memref<1x128x64xf32, #tpu.memory_space<vmem>>
        %dma_start3A_327 = tpu.memref_squeeze %dma_start3A_326 : memref<1x128x64xf32, #tpu.memory_space<vmem>> -> memref<128x64xf32, #tpu.memory_space<vmem>>
        %dma_start3A_328 = arith.constant 0 : i32
        %dma_start3A_329 = tpu.memref_slice %arg7[%add3A_149, %dma_start3A_328] : memref<80x128xi32, #tpu.memory_space<vmem>> -> memref<1x128xi32, #tpu.memory_space<vmem>>
        %dma_start3A_330 = tpu.memref_squeeze %dma_start3A_329 : memref<1x128xi32, #tpu.memory_space<vmem>> -> memref<128xi32, #tpu.memory_space<vmem>>
        %dma_start3A_331 = arith.constant 0 : i32
        %dma_start3A_332 = arith.constant 0 : i32
        %dma_start3A_333 = tpu.memref_slice %arg9[%dma_start3A_331, %dma_start3A_332] : memref<10112x64xf32, #tpu.memory_space<vmem_shared>> -> memref<10112x64xf32, #tpu.memory_space<vmem_shared>>
        %dma_start3A_334 = tpu.memref_slice %arg11[%dma_start3A_323] : memref<8x!tpu.dma_semaphore, #tpu.memory_space<semaphore_mem>> -> memref<1x!tpu.dma_semaphore, #tpu.memory_space<semaphore_mem>>
        %dma_start3A_335 = tpu.memref_squeeze %dma_start3A_334 : memref<1x!tpu.dma_semaphore, #tpu.memory_space<semaphore_mem>> -> memref<!tpu.dma_semaphore, #tpu.memory_space<semaphore_mem>>
        tpu.enqueue_indirect_dma source(%dma_start3A_327 : memref<128x64xf32, #tpu.memory_space<vmem>>) target(%dma_start3A_333 : memref<10112x64xf32, #tpu.memory_space<vmem_shared>>) offsets(%dma_start3A_330 : memref<128xi32, #tpu.memory_space<vmem>>) semaphore(%dma_start3A_335 : memref<!tpu.dma_semaphore, #tpu.memory_space<semaphore_mem>>) {add = true}
      } else {
      }
      %add3A_171 = arith.constant 2 : i32
      %add3A_172 = arith.addi %mul3A_127, %add3A_171 : i32
      %add3A_173 = arith.constant 6 : i32
      %add3A_174 = arith.addi %add3A_172, %add3A_173 : i32
      %sub3A_175 = arith.constant 8 : i32
      %sub3A_176 = arith.subi %add3A_174, %sub3A_175 : i32
      %ge3A_177 = arith.constant 0 : i32
      %ge3A_178 = arith.cmpi sge, %sub3A_176, %ge3A_177 : i32
      %lt3A_179 = arith.cmpi slt, %sub3A_176, %add3A_4 : i32
      %and3A_180 = arith.andi %ge3A_178, %lt3A_179 : i1
      %convert_element_type3A_181 = arith.extui %and3A_180 : i1 to i32
      %cond3A_182 = arith.constant 0 : i32
      %cond3A_183 = arith.cmpi ne, %convert_element_type3A_181, %cond3A_182 : i32
      scf.if %cond3A_183 {
        %dma_wait3A = arith.constant 0 : i32
        %dma_wait3A_309 = arith.constant 0 : i32
        %dma_wait3A_310 = arith.constant 0 : i32
        %dma_wait3A_311 = arith.constant 0 : i32
        %dma_wait3A_312 = tpu.memref_slice %arg8[%dma_wait3A, %dma_wait3A_310, %dma_wait3A_311] : memref<8x128x64xf32, #tpu.memory_space<vmem>> -> memref<1x128x64xf32, #tpu.memory_space<vmem>>
        %dma_wait3A_313 = tpu.memref_squeeze %dma_wait3A_312 : memref<1x128x64xf32, #tpu.memory_space<vmem>> -> memref<128x64xf32, #tpu.memory_space<vmem>>
        %dma_wait3A_314 = arith.constant 0 : i32
        %dma_wait3A_315 = tpu.memref_slice %arg7[%sub3A_176, %dma_wait3A_314] : memref<80x128xi32, #tpu.memory_space<vmem>> -> memref<1x128xi32, #tpu.memory_space<vmem>>
        %dma_wait3A_316 = tpu.memref_squeeze %dma_wait3A_315 : memref<1x128xi32, #tpu.memory_space<vmem>> -> memref<128xi32, #tpu.memory_space<vmem>>
        %dma_wait3A_317 = arith.constant 0 : i32
        %dma_wait3A_318 = arith.constant 0 : i32
        %dma_wait3A_319 = tpu.memref_slice %arg9[%dma_wait3A_317, %dma_wait3A_318] : memref<10112x64xf32, #tpu.memory_space<vmem_shared>> -> memref<10112x64xf32, #tpu.memory_space<vmem_shared>>
        %dma_wait3A_320 = tpu.memref_slice %arg11[%dma_wait3A_309] : memref<8x!tpu.dma_semaphore, #tpu.memory_space<semaphore_mem>> -> memref<1x!tpu.dma_semaphore, #tpu.memory_space<semaphore_mem>>
        %dma_wait3A_321 = tpu.memref_squeeze %dma_wait3A_320 : memref<1x!tpu.dma_semaphore, #tpu.memory_space<semaphore_mem>> -> memref<!tpu.dma_semaphore, #tpu.memory_space<semaphore_mem>>
        tpu.wait_indirect_dma semaphore(%dma_wait3A_321 : memref<!tpu.dma_semaphore, #tpu.memory_space<semaphore_mem>>) src(%dma_wait3A_313 : memref<128x64xf32, #tpu.memory_space<vmem>>) dst(%dma_wait3A_319 : memref<10112x64xf32, #tpu.memory_space<vmem_shared>>)
      } else {
      }
      %add3A_184 = arith.constant 6 : i32
      %add3A_185 = arith.addi %add3A_172, %add3A_184 : i32
      %lt3A_186 = arith.cmpi slt, %add3A_185, %add3A_4 : i32
      %convert_element_type3A_187 = arith.extui %lt3A_186 : i1 to i32
      %cond3A_188 = arith.constant 0 : i32
      %cond3A_189 = arith.cmpi ne, %convert_element_type3A_187, %cond3A_188 : i32
      scf.if %cond3A_189 {
        %add3A_309 = arith.constant 6 : i32
        %add3A_310 = arith.addi %add3A_172, %add3A_309 : i32
        %dma_start3A_311 = arith.constant 0 : i32
        %dma_start3A_312 = arith.constant 0 : i32
        %dma_start3A_313 = arith.constant 0 : i32
        %dma_start3A_314 = arith.constant 0 : i32
        %dma_start3A_315 = tpu.memref_slice %arg8[%dma_start3A_311, %dma_start3A_313, %dma_start3A_314] : memref<8x128x64xf32, #tpu.memory_space<vmem>> -> memref<1x128x64xf32, #tpu.memory_space<vmem>>
        %dma_start3A_316 = tpu.memref_squeeze %dma_start3A_315 : memref<1x128x64xf32, #tpu.memory_space<vmem>> -> memref<128x64xf32, #tpu.memory_space<vmem>>
        %dma_start3A_317 = arith.constant 0 : i32
        %dma_start3A_318 = tpu.memref_slice %arg6[%add3A_310, %dma_start3A_317] : memref<80x128xi32, #tpu.memory_space<vmem>> -> memref<1x128xi32, #tpu.memory_space<vmem>>
        %dma_start3A_319 = tpu.memref_squeeze %dma_start3A_318 : memref<1x128xi32, #tpu.memory_space<vmem>> -> memref<128xi32, #tpu.memory_space<vmem>>
        %dma_start3A_320 = arith.constant 0 : i32
        %dma_start3A_321 = arith.constant 0 : i32
        %dma_start3A_322 = tpu.memref_slice %arg2[%dma_start3A_320, %dma_start3A_321] : memref<10000x64xf32, #tpu.memory_space<hbm>> -> memref<10000x64xf32, #tpu.memory_space<hbm>>
        %dma_start3A_323 = tpu.memref_slice %arg10[%dma_start3A_312] : memref<8x!tpu.dma_semaphore, #tpu.memory_space<semaphore_mem>> -> memref<1x!tpu.dma_semaphore, #tpu.memory_space<semaphore_mem>>
        %dma_start3A_324 = tpu.memref_squeeze %dma_start3A_323 : memref<1x!tpu.dma_semaphore, #tpu.memory_space<semaphore_mem>> -> memref<!tpu.dma_semaphore, #tpu.memory_space<semaphore_mem>>
        tpu.enqueue_indirect_dma source(%dma_start3A_322 : memref<10000x64xf32, #tpu.memory_space<hbm>>) target(%dma_start3A_316 : memref<128x64xf32, #tpu.memory_space<vmem>>) offsets(%dma_start3A_319 : memref<128xi32, #tpu.memory_space<vmem>>) semaphore(%dma_start3A_324 : memref<!tpu.dma_semaphore, #tpu.memory_space<semaphore_mem>>)
      } else {
      }
      %lt3A_190 = arith.cmpi slt, %add3A_172, %add3A_4 : i32
      %convert_element_type3A_191 = arith.extui %lt3A_190 : i1 to i32
      %cond3A_192 = arith.constant 0 : i32
      %cond3A_193 = arith.cmpi ne, %convert_element_type3A_191, %cond3A_192 : i32
      scf.if %cond3A_193 {
        %dma_wait3A = arith.constant 2 : i32
        %dma_wait3A_309 = arith.constant 2 : i32
        %dma_wait3A_310 = arith.constant 0 : i32
        %dma_wait3A_311 = arith.constant 0 : i32
        %dma_wait3A_312 = tpu.memref_slice %arg8[%dma_wait3A, %dma_wait3A_310, %dma_wait3A_311] : memref<8x128x64xf32, #tpu.memory_space<vmem>> -> memref<1x128x64xf32, #tpu.memory_space<vmem>>
        %dma_wait3A_313 = tpu.memref_squeeze %dma_wait3A_312 : memref<1x128x64xf32, #tpu.memory_space<vmem>> -> memref<128x64xf32, #tpu.memory_space<vmem>>
        %dma_wait3A_314 = arith.constant 0 : i32
        %dma_wait3A_315 = tpu.memref_slice %arg6[%add3A_172, %dma_wait3A_314] : memref<80x128xi32, #tpu.memory_space<vmem>> -> memref<1x128xi32, #tpu.memory_space<vmem>>
        %dma_wait3A_316 = tpu.memref_squeeze %dma_wait3A_315 : memref<1x128xi32, #tpu.memory_space<vmem>> -> memref<128xi32, #tpu.memory_space<vmem>>
        %dma_wait3A_317 = arith.constant 0 : i32
        %dma_wait3A_318 = arith.constant 0 : i32
        %dma_wait3A_319 = tpu.memref_slice %arg2[%dma_wait3A_317, %dma_wait3A_318] : memref<10000x64xf32, #tpu.memory_space<hbm>> -> memref<10000x64xf32, #tpu.memory_space<hbm>>
        %dma_wait3A_320 = tpu.memref_slice %arg10[%dma_wait3A_309] : memref<8x!tpu.dma_semaphore, #tpu.memory_space<semaphore_mem>> -> memref<1x!tpu.dma_semaphore, #tpu.memory_space<semaphore_mem>>
        %dma_wait3A_321 = tpu.memref_squeeze %dma_wait3A_320 : memref<1x!tpu.dma_semaphore, #tpu.memory_space<semaphore_mem>> -> memref<!tpu.dma_semaphore, #tpu.memory_space<semaphore_mem>>
        tpu.wait_indirect_dma semaphore(%dma_wait3A_321 : memref<!tpu.dma_semaphore, #tpu.memory_space<semaphore_mem>>) src(%dma_wait3A_319 : memref<10000x64xf32, #tpu.memory_space<hbm>>) dst(%dma_wait3A_313 : memref<128x64xf32, #tpu.memory_space<vmem>>)
        %dma_start3A_322 = arith.constant 2 : i32
        %dma_start3A_323 = arith.constant 2 : i32
        %dma_start3A_324 = arith.constant 0 : i32
        %dma_start3A_325 = arith.constant 0 : i32
        %dma_start3A_326 = tpu.memref_slice %arg8[%dma_start3A_322, %dma_start3A_324, %dma_start3A_325] : memref<8x128x64xf32, #tpu.memory_space<vmem>> -> memref<1x128x64xf32, #tpu.memory_space<vmem>>
        %dma_start3A_327 = tpu.memref_squeeze %dma_start3A_326 : memref<1x128x64xf32, #tpu.memory_space<vmem>> -> memref<128x64xf32, #tpu.memory_space<vmem>>
        %dma_start3A_328 = arith.constant 0 : i32
        %dma_start3A_329 = tpu.memref_slice %arg7[%add3A_172, %dma_start3A_328] : memref<80x128xi32, #tpu.memory_space<vmem>> -> memref<1x128xi32, #tpu.memory_space<vmem>>
        %dma_start3A_330 = tpu.memref_squeeze %dma_start3A_329 : memref<1x128xi32, #tpu.memory_space<vmem>> -> memref<128xi32, #tpu.memory_space<vmem>>
        %dma_start3A_331 = arith.constant 0 : i32
        %dma_start3A_332 = arith.constant 0 : i32
        %dma_start3A_333 = tpu.memref_slice %arg9[%dma_start3A_331, %dma_start3A_332] : memref<10112x64xf32, #tpu.memory_space<vmem_shared>> -> memref<10112x64xf32, #tpu.memory_space<vmem_shared>>
        %dma_start3A_334 = tpu.memref_slice %arg11[%dma_start3A_323] : memref<8x!tpu.dma_semaphore, #tpu.memory_space<semaphore_mem>> -> memref<1x!tpu.dma_semaphore, #tpu.memory_space<semaphore_mem>>
        %dma_start3A_335 = tpu.memref_squeeze %dma_start3A_334 : memref<1x!tpu.dma_semaphore, #tpu.memory_space<semaphore_mem>> -> memref<!tpu.dma_semaphore, #tpu.memory_space<semaphore_mem>>
        tpu.enqueue_indirect_dma source(%dma_start3A_327 : memref<128x64xf32, #tpu.memory_space<vmem>>) target(%dma_start3A_333 : memref<10112x64xf32, #tpu.memory_space<vmem_shared>>) offsets(%dma_start3A_330 : memref<128xi32, #tpu.memory_space<vmem>>) semaphore(%dma_start3A_335 : memref<!tpu.dma_semaphore, #tpu.memory_space<semaphore_mem>>) {add = true}
      } else {
      }
      %add3A_194 = arith.constant 3 : i32
      %add3A_195 = arith.addi %mul3A_127, %add3A_194 : i32
      %add3A_196 = arith.constant 6 : i32
      %add3A_197 = arith.addi %add3A_195, %add3A_196 : i32
      %sub3A_198 = arith.constant 8 : i32
      %sub3A_199 = arith.subi %add3A_197, %sub3A_198 : i32
      %ge3A_200 = arith.constant 0 : i32
      %ge3A_201 = arith.cmpi sge, %sub3A_199, %ge3A_200 : i32
      %lt3A_202 = arith.cmpi slt, %sub3A_199, %add3A_4 : i32
      %and3A_203 = arith.andi %ge3A_201, %lt3A_202 : i1
      %convert_element_type3A_204 = arith.extui %and3A_203 : i1 to i32
      %cond3A_205 = arith.constant 0 : i32
      %cond3A_206 = arith.cmpi ne, %convert_element_type3A_204, %cond3A_205 : i32
      scf.if %cond3A_206 {
        %dma_wait3A = arith.constant 1 : i32
        %dma_wait3A_309 = arith.constant 1 : i32
        %dma_wait3A_310 = arith.constant 0 : i32
        %dma_wait3A_311 = arith.constant 0 : i32
        %dma_wait3A_312 = tpu.memref_slice %arg8[%dma_wait3A, %dma_wait3A_310, %dma_wait3A_311] : memref<8x128x64xf32, #tpu.memory_space<vmem>> -> memref<1x128x64xf32, #tpu.memory_space<vmem>>
        %dma_wait3A_313 = tpu.memref_squeeze %dma_wait3A_312 : memref<1x128x64xf32, #tpu.memory_space<vmem>> -> memref<128x64xf32, #tpu.memory_space<vmem>>
        %dma_wait3A_314 = arith.constant 0 : i32
        %dma_wait3A_315 = tpu.memref_slice %arg7[%sub3A_199, %dma_wait3A_314] : memref<80x128xi32, #tpu.memory_space<vmem>> -> memref<1x128xi32, #tpu.memory_space<vmem>>
        %dma_wait3A_316 = tpu.memref_squeeze %dma_wait3A_315 : memref<1x128xi32, #tpu.memory_space<vmem>> -> memref<128xi32, #tpu.memory_space<vmem>>
        %dma_wait3A_317 = arith.constant 0 : i32
        %dma_wait3A_318 = arith.constant 0 : i32
        %dma_wait3A_319 = tpu.memref_slice %arg9[%dma_wait3A_317, %dma_wait3A_318] : memref<10112x64xf32, #tpu.memory_space<vmem_shared>> -> memref<10112x64xf32, #tpu.memory_space<vmem_shared>>
        %dma_wait3A_320 = tpu.memref_slice %arg11[%dma_wait3A_309] : memref<8x!tpu.dma_semaphore, #tpu.memory_space<semaphore_mem>> -> memref<1x!tpu.dma_semaphore, #tpu.memory_space<semaphore_mem>>
        %dma_wait3A_321 = tpu.memref_squeeze %dma_wait3A_320 : memref<1x!tpu.dma_semaphore, #tpu.memory_space<semaphore_mem>> -> memref<!tpu.dma_semaphore, #tpu.memory_space<semaphore_mem>>
        tpu.wait_indirect_dma semaphore(%dma_wait3A_321 : memref<!tpu.dma_semaphore, #tpu.memory_space<semaphore_mem>>) src(%dma_wait3A_313 : memref<128x64xf32, #tpu.memory_space<vmem>>) dst(%dma_wait3A_319 : memref<10112x64xf32, #tpu.memory_space<vmem_shared>>)
      } else {
      }
      %add3A_207 = arith.constant 6 : i32
      %add3A_208 = arith.addi %add3A_195, %add3A_207 : i32
      %lt3A_209 = arith.cmpi slt, %add3A_208, %add3A_4 : i32
      %convert_element_type3A_210 = arith.extui %lt3A_209 : i1 to i32
      %cond3A_211 = arith.constant 0 : i32
      %cond3A_212 = arith.cmpi ne, %convert_element_type3A_210, %cond3A_211 : i32
      scf.if %cond3A_212 {
        %add3A_309 = arith.constant 6 : i32
        %add3A_310 = arith.addi %add3A_195, %add3A_309 : i32
        %dma_start3A_311 = arith.constant 1 : i32
        %dma_start3A_312 = arith.constant 1 : i32
        %dma_start3A_313 = arith.constant 0 : i32
        %dma_start3A_314 = arith.constant 0 : i32
        %dma_start3A_315 = tpu.memref_slice %arg8[%dma_start3A_311, %dma_start3A_313, %dma_start3A_314] : memref<8x128x64xf32, #tpu.memory_space<vmem>> -> memref<1x128x64xf32, #tpu.memory_space<vmem>>
        %dma_start3A_316 = tpu.memref_squeeze %dma_start3A_315 : memref<1x128x64xf32, #tpu.memory_space<vmem>> -> memref<128x64xf32, #tpu.memory_space<vmem>>
        %dma_start3A_317 = arith.constant 0 : i32
        %dma_start3A_318 = tpu.memref_slice %arg6[%add3A_310, %dma_start3A_317] : memref<80x128xi32, #tpu.memory_space<vmem>> -> memref<1x128xi32, #tpu.memory_space<vmem>>
        %dma_start3A_319 = tpu.memref_squeeze %dma_start3A_318 : memref<1x128xi32, #tpu.memory_space<vmem>> -> memref<128xi32, #tpu.memory_space<vmem>>
        %dma_start3A_320 = arith.constant 0 : i32
        %dma_start3A_321 = arith.constant 0 : i32
        %dma_start3A_322 = tpu.memref_slice %arg2[%dma_start3A_320, %dma_start3A_321] : memref<10000x64xf32, #tpu.memory_space<hbm>> -> memref<10000x64xf32, #tpu.memory_space<hbm>>
        %dma_start3A_323 = tpu.memref_slice %arg10[%dma_start3A_312] : memref<8x!tpu.dma_semaphore, #tpu.memory_space<semaphore_mem>> -> memref<1x!tpu.dma_semaphore, #tpu.memory_space<semaphore_mem>>
        %dma_start3A_324 = tpu.memref_squeeze %dma_start3A_323 : memref<1x!tpu.dma_semaphore, #tpu.memory_space<semaphore_mem>> -> memref<!tpu.dma_semaphore, #tpu.memory_space<semaphore_mem>>
        tpu.enqueue_indirect_dma source(%dma_start3A_322 : memref<10000x64xf32, #tpu.memory_space<hbm>>) target(%dma_start3A_316 : memref<128x64xf32, #tpu.memory_space<vmem>>) offsets(%dma_start3A_319 : memref<128xi32, #tpu.memory_space<vmem>>) semaphore(%dma_start3A_324 : memref<!tpu.dma_semaphore, #tpu.memory_space<semaphore_mem>>)
      } else {
      }
      %lt3A_213 = arith.cmpi slt, %add3A_195, %add3A_4 : i32
      %convert_element_type3A_214 = arith.extui %lt3A_213 : i1 to i32
      %cond3A_215 = arith.constant 0 : i32
      %cond3A_216 = arith.cmpi ne, %convert_element_type3A_214, %cond3A_215 : i32
      scf.if %cond3A_216 {
        %dma_wait3A = arith.constant 3 : i32
        %dma_wait3A_309 = arith.constant 3 : i32
        %dma_wait3A_310 = arith.constant 0 : i32
        %dma_wait3A_311 = arith.constant 0 : i32
        %dma_wait3A_312 = tpu.memref_slice %arg8[%dma_wait3A, %dma_wait3A_310, %dma_wait3A_311] : memref<8x128x64xf32, #tpu.memory_space<vmem>> -> memref<1x128x64xf32, #tpu.memory_space<vmem>>
        %dma_wait3A_313 = tpu.memref_squeeze %dma_wait3A_312 : memref<1x128x64xf32, #tpu.memory_space<vmem>> -> memref<128x64xf32, #tpu.memory_space<vmem>>
        %dma_wait3A_314 = arith.constant 0 : i32
        %dma_wait3A_315 = tpu.memref_slice %arg6[%add3A_195, %dma_wait3A_314] : memref<80x128xi32, #tpu.memory_space<vmem>> -> memref<1x128xi32, #tpu.memory_space<vmem>>
        %dma_wait3A_316 = tpu.memref_squeeze %dma_wait3A_315 : memref<1x128xi32, #tpu.memory_space<vmem>> -> memref<128xi32, #tpu.memory_space<vmem>>
        %dma_wait3A_317 = arith.constant 0 : i32
        %dma_wait3A_318 = arith.constant 0 : i32
        %dma_wait3A_319 = tpu.memref_slice %arg2[%dma_wait3A_317, %dma_wait3A_318] : memref<10000x64xf32, #tpu.memory_space<hbm>> -> memref<10000x64xf32, #tpu.memory_space<hbm>>
        %dma_wait3A_320 = tpu.memref_slice %arg10[%dma_wait3A_309] : memref<8x!tpu.dma_semaphore, #tpu.memory_space<semaphore_mem>> -> memref<1x!tpu.dma_semaphore, #tpu.memory_space<semaphore_mem>>
        %dma_wait3A_321 = tpu.memref_squeeze %dma_wait3A_320 : memref<1x!tpu.dma_semaphore, #tpu.memory_space<semaphore_mem>> -> memref<!tpu.dma_semaphore, #tpu.memory_space<semaphore_mem>>
        tpu.wait_indirect_dma semaphore(%dma_wait3A_321 : memref<!tpu.dma_semaphore, #tpu.memory_space<semaphore_mem>>) src(%dma_wait3A_319 : memref<10000x64xf32, #tpu.memory_space<hbm>>) dst(%dma_wait3A_313 : memref<128x64xf32, #tpu.memory_space<vmem>>)
        %dma_start3A_322 = arith.constant 3 : i32
        %dma_start3A_323 = arith.constant 3 : i32
        %dma_start3A_324 = arith.constant 0 : i32
        %dma_start3A_325 = arith.constant 0 : i32
        %dma_start3A_326 = tpu.memref_slice %arg8[%dma_start3A_322, %dma_start3A_324, %dma_start3A_325] : memref<8x128x64xf32, #tpu.memory_space<vmem>> -> memref<1x128x64xf32, #tpu.memory_space<vmem>>
        %dma_start3A_327 = tpu.memref_squeeze %dma_start3A_326 : memref<1x128x64xf32, #tpu.memory_space<vmem>> -> memref<128x64xf32, #tpu.memory_space<vmem>>
        %dma_start3A_328 = arith.constant 0 : i32
        %dma_start3A_329 = tpu.memref_slice %arg7[%add3A_195, %dma_start3A_328] : memref<80x128xi32, #tpu.memory_space<vmem>> -> memref<1x128xi32, #tpu.memory_space<vmem>>
        %dma_start3A_330 = tpu.memref_squeeze %dma_start3A_329 : memref<1x128xi32, #tpu.memory_space<vmem>> -> memref<128xi32, #tpu.memory_space<vmem>>
        %dma_start3A_331 = arith.constant 0 : i32
        %dma_start3A_332 = arith.constant 0 : i32
        %dma_start3A_333 = tpu.memref_slice %arg9[%dma_start3A_331, %dma_start3A_332] : memref<10112x64xf32, #tpu.memory_space<vmem_shared>> -> memref<10112x64xf32, #tpu.memory_space<vmem_shared>>
        %dma_start3A_334 = tpu.memref_slice %arg11[%dma_start3A_323] : memref<8x!tpu.dma_semaphore, #tpu.memory_space<semaphore_mem>> -> memref<1x!tpu.dma_semaphore, #tpu.memory_space<semaphore_mem>>
        %dma_start3A_335 = tpu.memref_squeeze %dma_start3A_334 : memref<1x!tpu.dma_semaphore, #tpu.memory_space<semaphore_mem>> -> memref<!tpu.dma_semaphore, #tpu.memory_space<semaphore_mem>>
        tpu.enqueue_indirect_dma source(%dma_start3A_327 : memref<128x64xf32, #tpu.memory_space<vmem>>) target(%dma_start3A_333 : memref<10112x64xf32, #tpu.memory_space<vmem_shared>>) offsets(%dma_start3A_330 : memref<128xi32, #tpu.memory_space<vmem>>) semaphore(%dma_start3A_335 : memref<!tpu.dma_semaphore, #tpu.memory_space<semaphore_mem>>) {add = true}
      } else {
      }
      %add3A_217 = arith.constant 4 : i32
      %add3A_218 = arith.addi %mul3A_127, %add3A_217 : i32
      %add3A_219 = arith.constant 6 : i32
      %add3A_220 = arith.addi %add3A_218, %add3A_219 : i32
      %sub3A_221 = arith.constant 8 : i32
      %sub3A_222 = arith.subi %add3A_220, %sub3A_221 : i32
      %ge3A_223 = arith.constant 0 : i32
      %ge3A_224 = arith.cmpi sge, %sub3A_222, %ge3A_223 : i32
      %lt3A_225 = arith.cmpi slt, %sub3A_222, %add3A_4 : i32
      %and3A_226 = arith.andi %ge3A_224, %lt3A_225 : i1
      %convert_element_type3A_227 = arith.extui %and3A_226 : i1 to i32
      %cond3A_228 = arith.constant 0 : i32
      %cond3A_229 = arith.cmpi ne, %convert_element_type3A_227, %cond3A_228 : i32
      scf.if %cond3A_229 {
        %dma_wait3A = arith.constant 2 : i32
        %dma_wait3A_309 = arith.constant 2 : i32
        %dma_wait3A_310 = arith.constant 0 : i32
        %dma_wait3A_311 = arith.constant 0 : i32
        %dma_wait3A_312 = tpu.memref_slice %arg8[%dma_wait3A, %dma_wait3A_310, %dma_wait3A_311] : memref<8x128x64xf32, #tpu.memory_space<vmem>> -> memref<1x128x64xf32, #tpu.memory_space<vmem>>
        %dma_wait3A_313 = tpu.memref_squeeze %dma_wait3A_312 : memref<1x128x64xf32, #tpu.memory_space<vmem>> -> memref<128x64xf32, #tpu.memory_space<vmem>>
        %dma_wait3A_314 = arith.constant 0 : i32
        %dma_wait3A_315 = tpu.memref_slice %arg7[%sub3A_222, %dma_wait3A_314] : memref<80x128xi32, #tpu.memory_space<vmem>> -> memref<1x128xi32, #tpu.memory_space<vmem>>
        %dma_wait3A_316 = tpu.memref_squeeze %dma_wait3A_315 : memref<1x128xi32, #tpu.memory_space<vmem>> -> memref<128xi32, #tpu.memory_space<vmem>>
        %dma_wait3A_317 = arith.constant 0 : i32
        %dma_wait3A_318 = arith.constant 0 : i32
        %dma_wait3A_319 = tpu.memref_slice %arg9[%dma_wait3A_317, %dma_wait3A_318] : memref<10112x64xf32, #tpu.memory_space<vmem_shared>> -> memref<10112x64xf32, #tpu.memory_space<vmem_shared>>
        %dma_wait3A_320 = tpu.memref_slice %arg11[%dma_wait3A_309] : memref<8x!tpu.dma_semaphore, #tpu.memory_space<semaphore_mem>> -> memref<1x!tpu.dma_semaphore, #tpu.memory_space<semaphore_mem>>
        %dma_wait3A_321 = tpu.memref_squeeze %dma_wait3A_320 : memref<1x!tpu.dma_semaphore, #tpu.memory_space<semaphore_mem>> -> memref<!tpu.dma_semaphore, #tpu.memory_space<semaphore_mem>>
        tpu.wait_indirect_dma semaphore(%dma_wait3A_321 : memref<!tpu.dma_semaphore, #tpu.memory_space<semaphore_mem>>) src(%dma_wait3A_313 : memref<128x64xf32, #tpu.memory_space<vmem>>) dst(%dma_wait3A_319 : memref<10112x64xf32, #tpu.memory_space<vmem_shared>>)
      } else {
      }
      %add3A_230 = arith.constant 6 : i32
      %add3A_231 = arith.addi %add3A_218, %add3A_230 : i32
      %lt3A_232 = arith.cmpi slt, %add3A_231, %add3A_4 : i32
      %convert_element_type3A_233 = arith.extui %lt3A_232 : i1 to i32
      %cond3A_234 = arith.constant 0 : i32
      %cond3A_235 = arith.cmpi ne, %convert_element_type3A_233, %cond3A_234 : i32
      scf.if %cond3A_235 {
        %add3A_309 = arith.constant 6 : i32
        %add3A_310 = arith.addi %add3A_218, %add3A_309 : i32
        %dma_start3A_311 = arith.constant 2 : i32
        %dma_start3A_312 = arith.constant 2 : i32
        %dma_start3A_313 = arith.constant 0 : i32
        %dma_start3A_314 = arith.constant 0 : i32
        %dma_start3A_315 = tpu.memref_slice %arg8[%dma_start3A_311, %dma_start3A_313, %dma_start3A_314] : memref<8x128x64xf32, #tpu.memory_space<vmem>> -> memref<1x128x64xf32, #tpu.memory_space<vmem>>
        %dma_start3A_316 = tpu.memref_squeeze %dma_start3A_315 : memref<1x128x64xf32, #tpu.memory_space<vmem>> -> memref<128x64xf32, #tpu.memory_space<vmem>>
        %dma_start3A_317 = arith.constant 0 : i32
        %dma_start3A_318 = tpu.memref_slice %arg6[%add3A_310, %dma_start3A_317] : memref<80x128xi32, #tpu.memory_space<vmem>> -> memref<1x128xi32, #tpu.memory_space<vmem>>
        %dma_start3A_319 = tpu.memref_squeeze %dma_start3A_318 : memref<1x128xi32, #tpu.memory_space<vmem>> -> memref<128xi32, #tpu.memory_space<vmem>>
        %dma_start3A_320 = arith.constant 0 : i32
        %dma_start3A_321 = arith.constant 0 : i32
        %dma_start3A_322 = tpu.memref_slice %arg2[%dma_start3A_320, %dma_start3A_321] : memref<10000x64xf32, #tpu.memory_space<hbm>> -> memref<10000x64xf32, #tpu.memory_space<hbm>>
        %dma_start3A_323 = tpu.memref_slice %arg10[%dma_start3A_312] : memref<8x!tpu.dma_semaphore, #tpu.memory_space<semaphore_mem>> -> memref<1x!tpu.dma_semaphore, #tpu.memory_space<semaphore_mem>>
        %dma_start3A_324 = tpu.memref_squeeze %dma_start3A_323 : memref<1x!tpu.dma_semaphore, #tpu.memory_space<semaphore_mem>> -> memref<!tpu.dma_semaphore, #tpu.memory_space<semaphore_mem>>
        tpu.enqueue_indirect_dma source(%dma_start3A_322 : memref<10000x64xf32, #tpu.memory_space<hbm>>) target(%dma_start3A_316 : memref<128x64xf32, #tpu.memory_space<vmem>>) offsets(%dma_start3A_319 : memref<128xi32, #tpu.memory_space<vmem>>) semaphore(%dma_start3A_324 : memref<!tpu.dma_semaphore, #tpu.memory_space<semaphore_mem>>)
      } else {
      }
      %lt3A_236 = arith.cmpi slt, %add3A_218, %add3A_4 : i32
      %convert_element_type3A_237 = arith.extui %lt3A_236 : i1 to i32
      %cond3A_238 = arith.constant 0 : i32
      %cond3A_239 = arith.cmpi ne, %convert_element_type3A_237, %cond3A_238 : i32
      scf.if %cond3A_239 {
        %dma_wait3A = arith.constant 4 : i32
        %dma_wait3A_309 = arith.constant 4 : i32
        %dma_wait3A_310 = arith.constant 0 : i32
        %dma_wait3A_311 = arith.constant 0 : i32
        %dma_wait3A_312 = tpu.memref_slice %arg8[%dma_wait3A, %dma_wait3A_310, %dma_wait3A_311] : memref<8x128x64xf32, #tpu.memory_space<vmem>> -> memref<1x128x64xf32, #tpu.memory_space<vmem>>
        %dma_wait3A_313 = tpu.memref_squeeze %dma_wait3A_312 : memref<1x128x64xf32, #tpu.memory_space<vmem>> -> memref<128x64xf32, #tpu.memory_space<vmem>>
        %dma_wait3A_314 = arith.constant 0 : i32
        %dma_wait3A_315 = tpu.memref_slice %arg6[%add3A_218, %dma_wait3A_314] : memref<80x128xi32, #tpu.memory_space<vmem>> -> memref<1x128xi32, #tpu.memory_space<vmem>>
        %dma_wait3A_316 = tpu.memref_squeeze %dma_wait3A_315 : memref<1x128xi32, #tpu.memory_space<vmem>> -> memref<128xi32, #tpu.memory_space<vmem>>
        %dma_wait3A_317 = arith.constant 0 : i32
        %dma_wait3A_318 = arith.constant 0 : i32
        %dma_wait3A_319 = tpu.memref_slice %arg2[%dma_wait3A_317, %dma_wait3A_318] : memref<10000x64xf32, #tpu.memory_space<hbm>> -> memref<10000x64xf32, #tpu.memory_space<hbm>>
        %dma_wait3A_320 = tpu.memref_slice %arg10[%dma_wait3A_309] : memref<8x!tpu.dma_semaphore, #tpu.memory_space<semaphore_mem>> -> memref<1x!tpu.dma_semaphore, #tpu.memory_space<semaphore_mem>>
        %dma_wait3A_321 = tpu.memref_squeeze %dma_wait3A_320 : memref<1x!tpu.dma_semaphore, #tpu.memory_space<semaphore_mem>> -> memref<!tpu.dma_semaphore, #tpu.memory_space<semaphore_mem>>
        tpu.wait_indirect_dma semaphore(%dma_wait3A_321 : memref<!tpu.dma_semaphore, #tpu.memory_space<semaphore_mem>>) src(%dma_wait3A_319 : memref<10000x64xf32, #tpu.memory_space<hbm>>) dst(%dma_wait3A_313 : memref<128x64xf32, #tpu.memory_space<vmem>>)
        %dma_start3A_322 = arith.constant 4 : i32
        %dma_start3A_323 = arith.constant 4 : i32
        %dma_start3A_324 = arith.constant 0 : i32
        %dma_start3A_325 = arith.constant 0 : i32
        %dma_start3A_326 = tpu.memref_slice %arg8[%dma_start3A_322, %dma_start3A_324, %dma_start3A_325] : memref<8x128x64xf32, #tpu.memory_space<vmem>> -> memref<1x128x64xf32, #tpu.memory_space<vmem>>
        %dma_start3A_327 = tpu.memref_squeeze %dma_start3A_326 : memref<1x128x64xf32, #tpu.memory_space<vmem>> -> memref<128x64xf32, #tpu.memory_space<vmem>>
        %dma_start3A_328 = arith.constant 0 : i32
        %dma_start3A_329 = tpu.memref_slice %arg7[%add3A_218, %dma_start3A_328] : memref<80x128xi32, #tpu.memory_space<vmem>> -> memref<1x128xi32, #tpu.memory_space<vmem>>
        %dma_start3A_330 = tpu.memref_squeeze %dma_start3A_329 : memref<1x128xi32, #tpu.memory_space<vmem>> -> memref<128xi32, #tpu.memory_space<vmem>>
        %dma_start3A_331 = arith.constant 0 : i32
        %dma_start3A_332 = arith.constant 0 : i32
        %dma_start3A_333 = tpu.memref_slice %arg9[%dma_start3A_331, %dma_start3A_332] : memref<10112x64xf32, #tpu.memory_space<vmem_shared>> -> memref<10112x64xf32, #tpu.memory_space<vmem_shared>>
        %dma_start3A_334 = tpu.memref_slice %arg11[%dma_start3A_323] : memref<8x!tpu.dma_semaphore, #tpu.memory_space<semaphore_mem>> -> memref<1x!tpu.dma_semaphore, #tpu.memory_space<semaphore_mem>>
        %dma_start3A_335 = tpu.memref_squeeze %dma_start3A_334 : memref<1x!tpu.dma_semaphore, #tpu.memory_space<semaphore_mem>> -> memref<!tpu.dma_semaphore, #tpu.memory_space<semaphore_mem>>
        tpu.enqueue_indirect_dma source(%dma_start3A_327 : memref<128x64xf32, #tpu.memory_space<vmem>>) target(%dma_start3A_333 : memref<10112x64xf32, #tpu.memory_space<vmem_shared>>) offsets(%dma_start3A_330 : memref<128xi32, #tpu.memory_space<vmem>>) semaphore(%dma_start3A_335 : memref<!tpu.dma_semaphore, #tpu.memory_space<semaphore_mem>>) {add = true}
      } else {
      }
      %add3A_240 = arith.constant 5 : i32
      %add3A_241 = arith.addi %mul3A_127, %add3A_240 : i32
      %add3A_242 = arith.constant 6 : i32
      %add3A_243 = arith.addi %add3A_241, %add3A_242 : i32
      %sub3A_244 = arith.constant 8 : i32
      %sub3A_245 = arith.subi %add3A_243, %sub3A_244 : i32
      %ge3A_246 = arith.constant 0 : i32
      %ge3A_247 = arith.cmpi sge, %sub3A_245, %ge3A_246 : i32
      %lt3A_248 = arith.cmpi slt, %sub3A_245, %add3A_4 : i32
      %and3A_249 = arith.andi %ge3A_247, %lt3A_248 : i1
      %convert_element_type3A_250 = arith.extui %and3A_249 : i1 to i32
      %cond3A_251 = arith.constant 0 : i32
      %cond3A_252 = arith.cmpi ne, %convert_element_type3A_250, %cond3A_251 : i32
      scf.if %cond3A_252 {
        %dma_wait3A = arith.constant 3 : i32
        %dma_wait3A_309 = arith.constant 3 : i32
        %dma_wait3A_310 = arith.constant 0 : i32
        %dma_wait3A_311 = arith.constant 0 : i32
        %dma_wait3A_312 = tpu.memref_slice %arg8[%dma_wait3A, %dma_wait3A_310, %dma_wait3A_311] : memref<8x128x64xf32, #tpu.memory_space<vmem>> -> memref<1x128x64xf32, #tpu.memory_space<vmem>>
        %dma_wait3A_313 = tpu.memref_squeeze %dma_wait3A_312 : memref<1x128x64xf32, #tpu.memory_space<vmem>> -> memref<128x64xf32, #tpu.memory_space<vmem>>
        %dma_wait3A_314 = arith.constant 0 : i32
        %dma_wait3A_315 = tpu.memref_slice %arg7[%sub3A_245, %dma_wait3A_314] : memref<80x128xi32, #tpu.memory_space<vmem>> -> memref<1x128xi32, #tpu.memory_space<vmem>>
        %dma_wait3A_316 = tpu.memref_squeeze %dma_wait3A_315 : memref<1x128xi32, #tpu.memory_space<vmem>> -> memref<128xi32, #tpu.memory_space<vmem>>
        %dma_wait3A_317 = arith.constant 0 : i32
        %dma_wait3A_318 = arith.constant 0 : i32
        %dma_wait3A_319 = tpu.memref_slice %arg9[%dma_wait3A_317, %dma_wait3A_318] : memref<10112x64xf32, #tpu.memory_space<vmem_shared>> -> memref<10112x64xf32, #tpu.memory_space<vmem_shared>>
        %dma_wait3A_320 = tpu.memref_slice %arg11[%dma_wait3A_309] : memref<8x!tpu.dma_semaphore, #tpu.memory_space<semaphore_mem>> -> memref<1x!tpu.dma_semaphore, #tpu.memory_space<semaphore_mem>>
        %dma_wait3A_321 = tpu.memref_squeeze %dma_wait3A_320 : memref<1x!tpu.dma_semaphore, #tpu.memory_space<semaphore_mem>> -> memref<!tpu.dma_semaphore, #tpu.memory_space<semaphore_mem>>
        tpu.wait_indirect_dma semaphore(%dma_wait3A_321 : memref<!tpu.dma_semaphore, #tpu.memory_space<semaphore_mem>>) src(%dma_wait3A_313 : memref<128x64xf32, #tpu.memory_space<vmem>>) dst(%dma_wait3A_319 : memref<10112x64xf32, #tpu.memory_space<vmem_shared>>)
      } else {
      }
      %add3A_253 = arith.constant 6 : i32
      %add3A_254 = arith.addi %add3A_241, %add3A_253 : i32
      %lt3A_255 = arith.cmpi slt, %add3A_254, %add3A_4 : i32
      %convert_element_type3A_256 = arith.extui %lt3A_255 : i1 to i32
      %cond3A_257 = arith.constant 0 : i32
      %cond3A_258 = arith.cmpi ne, %convert_element_type3A_256, %cond3A_257 : i32
      scf.if %cond3A_258 {
        %add3A_309 = arith.constant 6 : i32
        %add3A_310 = arith.addi %add3A_241, %add3A_309 : i32
        %dma_start3A_311 = arith.constant 3 : i32
        %dma_start3A_312 = arith.constant 3 : i32
        %dma_start3A_313 = arith.constant 0 : i32
        %dma_start3A_314 = arith.constant 0 : i32
        %dma_start3A_315 = tpu.memref_slice %arg8[%dma_start3A_311, %dma_start3A_313, %dma_start3A_314] : memref<8x128x64xf32, #tpu.memory_space<vmem>> -> memref<1x128x64xf32, #tpu.memory_space<vmem>>
        %dma_start3A_316 = tpu.memref_squeeze %dma_start3A_315 : memref<1x128x64xf32, #tpu.memory_space<vmem>> -> memref<128x64xf32, #tpu.memory_space<vmem>>
        %dma_start3A_317 = arith.constant 0 : i32
        %dma_start3A_318 = tpu.memref_slice %arg6[%add3A_310, %dma_start3A_317] : memref<80x128xi32, #tpu.memory_space<vmem>> -> memref<1x128xi32, #tpu.memory_space<vmem>>
        %dma_start3A_319 = tpu.memref_squeeze %dma_start3A_318 : memref<1x128xi32, #tpu.memory_space<vmem>> -> memref<128xi32, #tpu.memory_space<vmem>>
        %dma_start3A_320 = arith.constant 0 : i32
        %dma_start3A_321 = arith.constant 0 : i32
        %dma_start3A_322 = tpu.memref_slice %arg2[%dma_start3A_320, %dma_start3A_321] : memref<10000x64xf32, #tpu.memory_space<hbm>> -> memref<10000x64xf32, #tpu.memory_space<hbm>>
        %dma_start3A_323 = tpu.memref_slice %arg10[%dma_start3A_312] : memref<8x!tpu.dma_semaphore, #tpu.memory_space<semaphore_mem>> -> memref<1x!tpu.dma_semaphore, #tpu.memory_space<semaphore_mem>>
        %dma_start3A_324 = tpu.memref_squeeze %dma_start3A_323 : memref<1x!tpu.dma_semaphore, #tpu.memory_space<semaphore_mem>> -> memref<!tpu.dma_semaphore, #tpu.memory_space<semaphore_mem>>
        tpu.enqueue_indirect_dma source(%dma_start3A_322 : memref<10000x64xf32, #tpu.memory_space<hbm>>) target(%dma_start3A_316 : memref<128x64xf32, #tpu.memory_space<vmem>>) offsets(%dma_start3A_319 : memref<128xi32, #tpu.memory_space<vmem>>) semaphore(%dma_start3A_324 : memref<!tpu.dma_semaphore, #tpu.memory_space<semaphore_mem>>)
      } else {
      }
      %lt3A_259 = arith.cmpi slt, %add3A_241, %add3A_4 : i32
      %convert_element_type3A_260 = arith.extui %lt3A_259 : i1 to i32
      %cond3A_261 = arith.constant 0 : i32
      %cond3A_262 = arith.cmpi ne, %convert_element_type3A_260, %cond3A_261 : i32
      scf.if %cond3A_262 {
        %dma_wait3A = arith.constant 5 : i32
        %dma_wait3A_309 = arith.constant 5 : i32
        %dma_wait3A_310 = arith.constant 0 : i32
        %dma_wait3A_311 = arith.constant 0 : i32
        %dma_wait3A_312 = tpu.memref_slice %arg8[%dma_wait3A, %dma_wait3A_310, %dma_wait3A_311] : memref<8x128x64xf32, #tpu.memory_space<vmem>> -> memref<1x128x64xf32, #tpu.memory_space<vmem>>
        %dma_wait3A_313 = tpu.memref_squeeze %dma_wait3A_312 : memref<1x128x64xf32, #tpu.memory_space<vmem>> -> memref<128x64xf32, #tpu.memory_space<vmem>>
        %dma_wait3A_314 = arith.constant 0 : i32
        %dma_wait3A_315 = tpu.memref_slice %arg6[%add3A_241, %dma_wait3A_314] : memref<80x128xi32, #tpu.memory_space<vmem>> -> memref<1x128xi32, #tpu.memory_space<vmem>>
        %dma_wait3A_316 = tpu.memref_squeeze %dma_wait3A_315 : memref<1x128xi32, #tpu.memory_space<vmem>> -> memref<128xi32, #tpu.memory_space<vmem>>
        %dma_wait3A_317 = arith.constant 0 : i32
        %dma_wait3A_318 = arith.constant 0 : i32
        %dma_wait3A_319 = tpu.memref_slice %arg2[%dma_wait3A_317, %dma_wait3A_318] : memref<10000x64xf32, #tpu.memory_space<hbm>> -> memref<10000x64xf32, #tpu.memory_space<hbm>>
        %dma_wait3A_320 = tpu.memref_slice %arg10[%dma_wait3A_309] : memref<8x!tpu.dma_semaphore, #tpu.memory_space<semaphore_mem>> -> memref<1x!tpu.dma_semaphore, #tpu.memory_space<semaphore_mem>>
        %dma_wait3A_321 = tpu.memref_squeeze %dma_wait3A_320 : memref<1x!tpu.dma_semaphore, #tpu.memory_space<semaphore_mem>> -> memref<!tpu.dma_semaphore, #tpu.memory_space<semaphore_mem>>
        tpu.wait_indirect_dma semaphore(%dma_wait3A_321 : memref<!tpu.dma_semaphore, #tpu.memory_space<semaphore_mem>>) src(%dma_wait3A_319 : memref<10000x64xf32, #tpu.memory_space<hbm>>) dst(%dma_wait3A_313 : memref<128x64xf32, #tpu.memory_space<vmem>>)
        %dma_start3A_322 = arith.constant 5 : i32
        %dma_start3A_323 = arith.constant 5 : i32
        %dma_start3A_324 = arith.constant 0 : i32
        %dma_start3A_325 = arith.constant 0 : i32
        %dma_start3A_326 = tpu.memref_slice %arg8[%dma_start3A_322, %dma_start3A_324, %dma_start3A_325] : memref<8x128x64xf32, #tpu.memory_space<vmem>> -> memref<1x128x64xf32, #tpu.memory_space<vmem>>
        %dma_start3A_327 = tpu.memref_squeeze %dma_start3A_326 : memref<1x128x64xf32, #tpu.memory_space<vmem>> -> memref<128x64xf32, #tpu.memory_space<vmem>>
        %dma_start3A_328 = arith.constant 0 : i32
        %dma_start3A_329 = tpu.memref_slice %arg7[%add3A_241, %dma_start3A_328] : memref<80x128xi32, #tpu.memory_space<vmem>> -> memref<1x128xi32, #tpu.memory_space<vmem>>
        %dma_start3A_330 = tpu.memref_squeeze %dma_start3A_329 : memref<1x128xi32, #tpu.memory_space<vmem>> -> memref<128xi32, #tpu.memory_space<vmem>>
        %dma_start3A_331 = arith.constant 0 : i32
        %dma_start3A_332 = arith.constant 0 : i32
        %dma_start3A_333 = tpu.memref_slice %arg9[%dma_start3A_331, %dma_start3A_332] : memref<10112x64xf32, #tpu.memory_space<vmem_shared>> -> memref<10112x64xf32, #tpu.memory_space<vmem_shared>>
        %dma_start3A_334 = tpu.memref_slice %arg11[%dma_start3A_323] : memref<8x!tpu.dma_semaphore, #tpu.memory_space<semaphore_mem>> -> memref<1x!tpu.dma_semaphore, #tpu.memory_space<semaphore_mem>>
        %dma_start3A_335 = tpu.memref_squeeze %dma_start3A_334 : memref<1x!tpu.dma_semaphore, #tpu.memory_space<semaphore_mem>> -> memref<!tpu.dma_semaphore, #tpu.memory_space<semaphore_mem>>
        tpu.enqueue_indirect_dma source(%dma_start3A_327 : memref<128x64xf32, #tpu.memory_space<vmem>>) target(%dma_start3A_333 : memref<10112x64xf32, #tpu.memory_space<vmem_shared>>) offsets(%dma_start3A_330 : memref<128xi32, #tpu.memory_space<vmem>>) semaphore(%dma_start3A_335 : memref<!tpu.dma_semaphore, #tpu.memory_space<semaphore_mem>>) {add = true}
      } else {
      }
      %add3A_263 = arith.constant 6 : i32
      %add3A_264 = arith.addi %mul3A_127, %add3A_263 : i32
      %add3A_265 = arith.constant 6 : i32
      %add3A_266 = arith.addi %add3A_264, %add3A_265 : i32
      %sub3A_267 = arith.constant 8 : i32
      %sub3A_268 = arith.subi %add3A_266, %sub3A_267 : i32
      %ge3A_269 = arith.constant 0 : i32
      %ge3A_270 = arith.cmpi sge, %sub3A_268, %ge3A_269 : i32
      %lt3A_271 = arith.cmpi slt, %sub3A_268, %add3A_4 : i32
      %and3A_272 = arith.andi %ge3A_270, %lt3A_271 : i1
      %convert_element_type3A_273 = arith.extui %and3A_272 : i1 to i32
      %cond3A_274 = arith.constant 0 : i32
      %cond3A_275 = arith.cmpi ne, %convert_element_type3A_273, %cond3A_274 : i32
      scf.if %cond3A_275 {
        %dma_wait3A = arith.constant 4 : i32
        %dma_wait3A_309 = arith.constant 4 : i32
        %dma_wait3A_310 = arith.constant 0 : i32
        %dma_wait3A_311 = arith.constant 0 : i32
        %dma_wait3A_312 = tpu.memref_slice %arg8[%dma_wait3A, %dma_wait3A_310, %dma_wait3A_311] : memref<8x128x64xf32, #tpu.memory_space<vmem>> -> memref<1x128x64xf32, #tpu.memory_space<vmem>>
        %dma_wait3A_313 = tpu.memref_squeeze %dma_wait3A_312 : memref<1x128x64xf32, #tpu.memory_space<vmem>> -> memref<128x64xf32, #tpu.memory_space<vmem>>
        %dma_wait3A_314 = arith.constant 0 : i32
        %dma_wait3A_315 = tpu.memref_slice %arg7[%sub3A_268, %dma_wait3A_314] : memref<80x128xi32, #tpu.memory_space<vmem>> -> memref<1x128xi32, #tpu.memory_space<vmem>>
        %dma_wait3A_316 = tpu.memref_squeeze %dma_wait3A_315 : memref<1x128xi32, #tpu.memory_space<vmem>> -> memref<128xi32, #tpu.memory_space<vmem>>
        %dma_wait3A_317 = arith.constant 0 : i32
        %dma_wait3A_318 = arith.constant 0 : i32
        %dma_wait3A_319 = tpu.memref_slice %arg9[%dma_wait3A_317, %dma_wait3A_318] : memref<10112x64xf32, #tpu.memory_space<vmem_shared>> -> memref<10112x64xf32, #tpu.memory_space<vmem_shared>>
        %dma_wait3A_320 = tpu.memref_slice %arg11[%dma_wait3A_309] : memref<8x!tpu.dma_semaphore, #tpu.memory_space<semaphore_mem>> -> memref<1x!tpu.dma_semaphore, #tpu.memory_space<semaphore_mem>>
        %dma_wait3A_321 = tpu.memref_squeeze %dma_wait3A_320 : memref<1x!tpu.dma_semaphore, #tpu.memory_space<semaphore_mem>> -> memref<!tpu.dma_semaphore, #tpu.memory_space<semaphore_mem>>
        tpu.wait_indirect_dma semaphore(%dma_wait3A_321 : memref<!tpu.dma_semaphore, #tpu.memory_space<semaphore_mem>>) src(%dma_wait3A_313 : memref<128x64xf32, #tpu.memory_space<vmem>>) dst(%dma_wait3A_319 : memref<10112x64xf32, #tpu.memory_space<vmem_shared>>)
      } else {
      }
      %add3A_276 = arith.constant 6 : i32
      %add3A_277 = arith.addi %add3A_264, %add3A_276 : i32
      %lt3A_278 = arith.cmpi slt, %add3A_277, %add3A_4 : i32
      %convert_element_type3A_279 = arith.extui %lt3A_278 : i1 to i32
      %cond3A_280 = arith.constant 0 : i32
      %cond3A_281 = arith.cmpi ne, %convert_element_type3A_279, %cond3A_280 : i32
      scf.if %cond3A_281 {
        %add3A_309 = arith.constant 6 : i32
        %add3A_310 = arith.addi %add3A_264, %add3A_309 : i32
        %dma_start3A_311 = arith.constant 4 : i32
        %dma_start3A_312 = arith.constant 4 : i32
        %dma_start3A_313 = arith.constant 0 : i32
        %dma_start3A_314 = arith.constant 0 : i32
        %dma_start3A_315 = tpu.memref_slice %arg8[%dma_start3A_311, %dma_start3A_313, %dma_start3A_314] : memref<8x128x64xf32, #tpu.memory_space<vmem>> -> memref<1x128x64xf32, #tpu.memory_space<vmem>>
        %dma_start3A_316 = tpu.memref_squeeze %dma_start3A_315 : memref<1x128x64xf32, #tpu.memory_space<vmem>> -> memref<128x64xf32, #tpu.memory_space<vmem>>
        %dma_start3A_317 = arith.constant 0 : i32
        %dma_start3A_318 = tpu.memref_slice %arg6[%add3A_310, %dma_start3A_317] : memref<80x128xi32, #tpu.memory_space<vmem>> -> memref<1x128xi32, #tpu.memory_space<vmem>>
        %dma_start3A_319 = tpu.memref_squeeze %dma_start3A_318 : memref<1x128xi32, #tpu.memory_space<vmem>> -> memref<128xi32, #tpu.memory_space<vmem>>
        %dma_start3A_320 = arith.constant 0 : i32
        %dma_start3A_321 = arith.constant 0 : i32
        %dma_start3A_322 = tpu.memref_slice %arg2[%dma_start3A_320, %dma_start3A_321] : memref<10000x64xf32, #tpu.memory_space<hbm>> -> memref<10000x64xf32, #tpu.memory_space<hbm>>
        %dma_start3A_323 = tpu.memref_slice %arg10[%dma_start3A_312] : memref<8x!tpu.dma_semaphore, #tpu.memory_space<semaphore_mem>> -> memref<1x!tpu.dma_semaphore, #tpu.memory_space<semaphore_mem>>
        %dma_start3A_324 = tpu.memref_squeeze %dma_start3A_323 : memref<1x!tpu.dma_semaphore, #tpu.memory_space<semaphore_mem>> -> memref<!tpu.dma_semaphore, #tpu.memory_space<semaphore_mem>>
        tpu.enqueue_indirect_dma source(%dma_start3A_322 : memref<10000x64xf32, #tpu.memory_space<hbm>>) target(%dma_start3A_316 : memref<128x64xf32, #tpu.memory_space<vmem>>) offsets(%dma_start3A_319 : memref<128xi32, #tpu.memory_space<vmem>>) semaphore(%dma_start3A_324 : memref<!tpu.dma_semaphore, #tpu.memory_space<semaphore_mem>>)
      } else {
      }
      %lt3A_282 = arith.cmpi slt, %add3A_264, %add3A_4 : i32
      %convert_element_type3A_283 = arith.extui %lt3A_282 : i1 to i32
      %cond3A_284 = arith.constant 0 : i32
      %cond3A_285 = arith.cmpi ne, %convert_element_type3A_283, %cond3A_284 : i32
      scf.if %cond3A_285 {
        %dma_wait3A = arith.constant 6 : i32
        %dma_wait3A_309 = arith.constant 6 : i32
        %dma_wait3A_310 = arith.constant 0 : i32
        %dma_wait3A_311 = arith.constant 0 : i32
        %dma_wait3A_312 = tpu.memref_slice %arg8[%dma_wait3A, %dma_wait3A_310, %dma_wait3A_311] : memref<8x128x64xf32, #tpu.memory_space<vmem>> -> memref<1x128x64xf32, #tpu.memory_space<vmem>>
        %dma_wait3A_313 = tpu.memref_squeeze %dma_wait3A_312 : memref<1x128x64xf32, #tpu.memory_space<vmem>> -> memref<128x64xf32, #tpu.memory_space<vmem>>
        %dma_wait3A_314 = arith.constant 0 : i32
        %dma_wait3A_315 = tpu.memref_slice %arg6[%add3A_264, %dma_wait3A_314] : memref<80x128xi32, #tpu.memory_space<vmem>> -> memref<1x128xi32, #tpu.memory_space<vmem>>
        %dma_wait3A_316 = tpu.memref_squeeze %dma_wait3A_315 : memref<1x128xi32, #tpu.memory_space<vmem>> -> memref<128xi32, #tpu.memory_space<vmem>>
        %dma_wait3A_317 = arith.constant 0 : i32
        %dma_wait3A_318 = arith.constant 0 : i32
        %dma_wait3A_319 = tpu.memref_slice %arg2[%dma_wait3A_317, %dma_wait3A_318] : memref<10000x64xf32, #tpu.memory_space<hbm>> -> memref<10000x64xf32, #tpu.memory_space<hbm>>
        %dma_wait3A_320 = tpu.memref_slice %arg10[%dma_wait3A_309] : memref<8x!tpu.dma_semaphore, #tpu.memory_space<semaphore_mem>> -> memref<1x!tpu.dma_semaphore, #tpu.memory_space<semaphore_mem>>
        %dma_wait3A_321 = tpu.memref_squeeze %dma_wait3A_320 : memref<1x!tpu.dma_semaphore, #tpu.memory_space<semaphore_mem>> -> memref<!tpu.dma_semaphore, #tpu.memory_space<semaphore_mem>>
        tpu.wait_indirect_dma semaphore(%dma_wait3A_321 : memref<!tpu.dma_semaphore, #tpu.memory_space<semaphore_mem>>) src(%dma_wait3A_319 : memref<10000x64xf32, #tpu.memory_space<hbm>>) dst(%dma_wait3A_313 : memref<128x64xf32, #tpu.memory_space<vmem>>)
        %dma_start3A_322 = arith.constant 6 : i32
        %dma_start3A_323 = arith.constant 6 : i32
        %dma_start3A_324 = arith.constant 0 : i32
        %dma_start3A_325 = arith.constant 0 : i32
        %dma_start3A_326 = tpu.memref_slice %arg8[%dma_start3A_322, %dma_start3A_324, %dma_start3A_325] : memref<8x128x64xf32, #tpu.memory_space<vmem>> -> memref<1x128x64xf32, #tpu.memory_space<vmem>>
        %dma_start3A_327 = tpu.memref_squeeze %dma_start3A_326 : memref<1x128x64xf32, #tpu.memory_space<vmem>> -> memref<128x64xf32, #tpu.memory_space<vmem>>
        %dma_start3A_328 = arith.constant 0 : i32
        %dma_start3A_329 = tpu.memref_slice %arg7[%add3A_264, %dma_start3A_328] : memref<80x128xi32, #tpu.memory_space<vmem>> -> memref<1x128xi32, #tpu.memory_space<vmem>>
        %dma_start3A_330 = tpu.memref_squeeze %dma_start3A_329 : memref<1x128xi32, #tpu.memory_space<vmem>> -> memref<128xi32, #tpu.memory_space<vmem>>
        %dma_start3A_331 = arith.constant 0 : i32
        %dma_start3A_332 = arith.constant 0 : i32
        %dma_start3A_333 = tpu.memref_slice %arg9[%dma_start3A_331, %dma_start3A_332] : memref<10112x64xf32, #tpu.memory_space<vmem_shared>> -> memref<10112x64xf32, #tpu.memory_space<vmem_shared>>
        %dma_start3A_334 = tpu.memref_slice %arg11[%dma_start3A_323] : memref<8x!tpu.dma_semaphore, #tpu.memory_space<semaphore_mem>> -> memref<1x!tpu.dma_semaphore, #tpu.memory_space<semaphore_mem>>
        %dma_start3A_335 = tpu.memref_squeeze %dma_start3A_334 : memref<1x!tpu.dma_semaphore, #tpu.memory_space<semaphore_mem>> -> memref<!tpu.dma_semaphore, #tpu.memory_space<semaphore_mem>>
        tpu.enqueue_indirect_dma source(%dma_start3A_327 : memref<128x64xf32, #tpu.memory_space<vmem>>) target(%dma_start3A_333 : memref<10112x64xf32, #tpu.memory_space<vmem_shared>>) offsets(%dma_start3A_330 : memref<128xi32, #tpu.memory_space<vmem>>) semaphore(%dma_start3A_335 : memref<!tpu.dma_semaphore, #tpu.memory_space<semaphore_mem>>) {add = true}
      } else {
      }
      %add3A_286 = arith.constant 7 : i32
      %add3A_287 = arith.addi %mul3A_127, %add3A_286 : i32
      %add3A_288 = arith.constant 6 : i32
      %add3A_289 = arith.addi %add3A_287, %add3A_288 : i32
      %sub3A_290 = arith.constant 8 : i32
      %sub3A_291 = arith.subi %add3A_289, %sub3A_290 : i32
      %ge3A_292 = arith.constant 0 : i32
      %ge3A_293 = arith.cmpi sge, %sub3A_291, %ge3A_292 : i32
      %lt3A_294 = arith.cmpi slt, %sub3A_291, %add3A_4 : i32
      %and3A_295 = arith.andi %ge3A_293, %lt3A_294 : i1
      %convert_element_type3A_296 = arith.extui %and3A_295 : i1 to i32
      %cond3A_297 = arith.constant 0 : i32
      %cond3A_298 = arith.cmpi ne, %convert_element_type3A_296, %cond3A_297 : i32
      scf.if %cond3A_298 {
        %dma_wait3A = arith.constant 5 : i32
        %dma_wait3A_309 = arith.constant 5 : i32
        %dma_wait3A_310 = arith.constant 0 : i32
        %dma_wait3A_311 = arith.constant 0 : i32
        %dma_wait3A_312 = tpu.memref_slice %arg8[%dma_wait3A, %dma_wait3A_310, %dma_wait3A_311] : memref<8x128x64xf32, #tpu.memory_space<vmem>> -> memref<1x128x64xf32, #tpu.memory_space<vmem>>
        %dma_wait3A_313 = tpu.memref_squeeze %dma_wait3A_312 : memref<1x128x64xf32, #tpu.memory_space<vmem>> -> memref<128x64xf32, #tpu.memory_space<vmem>>
        %dma_wait3A_314 = arith.constant 0 : i32
        %dma_wait3A_315 = tpu.memref_slice %arg7[%sub3A_291, %dma_wait3A_314] : memref<80x128xi32, #tpu.memory_space<vmem>> -> memref<1x128xi32, #tpu.memory_space<vmem>>
        %dma_wait3A_316 = tpu.memref_squeeze %dma_wait3A_315 : memref<1x128xi32, #tpu.memory_space<vmem>> -> memref<128xi32, #tpu.memory_space<vmem>>
        %dma_wait3A_317 = arith.constant 0 : i32
        %dma_wait3A_318 = arith.constant 0 : i32
        %dma_wait3A_319 = tpu.memref_slice %arg9[%dma_wait3A_317, %dma_wait3A_318] : memref<10112x64xf32, #tpu.memory_space<vmem_shared>> -> memref<10112x64xf32, #tpu.memory_space<vmem_shared>>
        %dma_wait3A_320 = tpu.memref_slice %arg11[%dma_wait3A_309] : memref<8x!tpu.dma_semaphore, #tpu.memory_space<semaphore_mem>> -> memref<1x!tpu.dma_semaphore, #tpu.memory_space<semaphore_mem>>
        %dma_wait3A_321 = tpu.memref_squeeze %dma_wait3A_320 : memref<1x!tpu.dma_semaphore, #tpu.memory_space<semaphore_mem>> -> memref<!tpu.dma_semaphore, #tpu.memory_space<semaphore_mem>>
        tpu.wait_indirect_dma semaphore(%dma_wait3A_321 : memref<!tpu.dma_semaphore, #tpu.memory_space<semaphore_mem>>) src(%dma_wait3A_313 : memref<128x64xf32, #tpu.memory_space<vmem>>) dst(%dma_wait3A_319 : memref<10112x64xf32, #tpu.memory_space<vmem_shared>>)
      } else {
      }
      %add3A_299 = arith.constant 6 : i32
      %add3A_300 = arith.addi %add3A_287, %add3A_299 : i32
      %lt3A_301 = arith.cmpi slt, %add3A_300, %add3A_4 : i32
      %convert_element_type3A_302 = arith.extui %lt3A_301 : i1 to i32
      %cond3A_303 = arith.constant 0 : i32
      %cond3A_304 = arith.cmpi ne, %convert_element_type3A_302, %cond3A_303 : i32
      scf.if %cond3A_304 {
        %add3A_309 = arith.constant 6 : i32
        %add3A_310 = arith.addi %add3A_287, %add3A_309 : i32
        %dma_start3A_311 = arith.constant 5 : i32
        %dma_start3A_312 = arith.constant 5 : i32
        %dma_start3A_313 = arith.constant 0 : i32
        %dma_start3A_314 = arith.constant 0 : i32
        %dma_start3A_315 = tpu.memref_slice %arg8[%dma_start3A_311, %dma_start3A_313, %dma_start3A_314] : memref<8x128x64xf32, #tpu.memory_space<vmem>> -> memref<1x128x64xf32, #tpu.memory_space<vmem>>
        %dma_start3A_316 = tpu.memref_squeeze %dma_start3A_315 : memref<1x128x64xf32, #tpu.memory_space<vmem>> -> memref<128x64xf32, #tpu.memory_space<vmem>>
        %dma_start3A_317 = arith.constant 0 : i32
        %dma_start3A_318 = tpu.memref_slice %arg6[%add3A_310, %dma_start3A_317] : memref<80x128xi32, #tpu.memory_space<vmem>> -> memref<1x128xi32, #tpu.memory_space<vmem>>
        %dma_start3A_319 = tpu.memref_squeeze %dma_start3A_318 : memref<1x128xi32, #tpu.memory_space<vmem>> -> memref<128xi32, #tpu.memory_space<vmem>>
        %dma_start3A_320 = arith.constant 0 : i32
        %dma_start3A_321 = arith.constant 0 : i32
        %dma_start3A_322 = tpu.memref_slice %arg2[%dma_start3A_320, %dma_start3A_321] : memref<10000x64xf32, #tpu.memory_space<hbm>> -> memref<10000x64xf32, #tpu.memory_space<hbm>>
        %dma_start3A_323 = tpu.memref_slice %arg10[%dma_start3A_312] : memref<8x!tpu.dma_semaphore, #tpu.memory_space<semaphore_mem>> -> memref<1x!tpu.dma_semaphore, #tpu.memory_space<semaphore_mem>>
        %dma_start3A_324 = tpu.memref_squeeze %dma_start3A_323 : memref<1x!tpu.dma_semaphore, #tpu.memory_space<semaphore_mem>> -> memref<!tpu.dma_semaphore, #tpu.memory_space<semaphore_mem>>
        tpu.enqueue_indirect_dma source(%dma_start3A_322 : memref<10000x64xf32, #tpu.memory_space<hbm>>) target(%dma_start3A_316 : memref<128x64xf32, #tpu.memory_space<vmem>>) offsets(%dma_start3A_319 : memref<128xi32, #tpu.memory_space<vmem>>) semaphore(%dma_start3A_324 : memref<!tpu.dma_semaphore, #tpu.memory_space<semaphore_mem>>)
      } else {
      }
      %lt3A_305 = arith.cmpi slt, %add3A_287, %add3A_4 : i32
      %convert_element_type3A_306 = arith.extui %lt3A_305 : i1 to i32
      %cond3A_307 = arith.constant 0 : i32
      %cond3A_308 = arith.cmpi ne, %convert_element_type3A_306, %cond3A_307 : i32
      scf.if %cond3A_308 {
        %dma_wait3A = arith.constant 7 : i32
        %dma_wait3A_309 = arith.constant 7 : i32
        %dma_wait3A_310 = arith.constant 0 : i32
        %dma_wait3A_311 = arith.constant 0 : i32
        %dma_wait3A_312 = tpu.memref_slice %arg8[%dma_wait3A, %dma_wait3A_310, %dma_wait3A_311] : memref<8x128x64xf32, #tpu.memory_space<vmem>> -> memref<1x128x64xf32, #tpu.memory_space<vmem>>
        %dma_wait3A_313 = tpu.memref_squeeze %dma_wait3A_312 : memref<1x128x64xf32, #tpu.memory_space<vmem>> -> memref<128x64xf32, #tpu.memory_space<vmem>>
        %dma_wait3A_314 = arith.constant 0 : i32
        %dma_wait3A_315 = tpu.memref_slice %arg6[%add3A_287, %dma_wait3A_314] : memref<80x128xi32, #tpu.memory_space<vmem>> -> memref<1x128xi32, #tpu.memory_space<vmem>>
        %dma_wait3A_316 = tpu.memref_squeeze %dma_wait3A_315 : memref<1x128xi32, #tpu.memory_space<vmem>> -> memref<128xi32, #tpu.memory_space<vmem>>
        %dma_wait3A_317 = arith.constant 0 : i32
        %dma_wait3A_318 = arith.constant 0 : i32
        %dma_wait3A_319 = tpu.memref_slice %arg2[%dma_wait3A_317, %dma_wait3A_318] : memref<10000x64xf32, #tpu.memory_space<hbm>> -> memref<10000x64xf32, #tpu.memory_space<hbm>>
        %dma_wait3A_320 = tpu.memref_slice %arg10[%dma_wait3A_309] : memref<8x!tpu.dma_semaphore, #tpu.memory_space<semaphore_mem>> -> memref<1x!tpu.dma_semaphore, #tpu.memory_space<semaphore_mem>>
        %dma_wait3A_321 = tpu.memref_squeeze %dma_wait3A_320 : memref<1x!tpu.dma_semaphore, #tpu.memory_space<semaphore_mem>> -> memref<!tpu.dma_semaphore, #tpu.memory_space<semaphore_mem>>
        tpu.wait_indirect_dma semaphore(%dma_wait3A_321 : memref<!tpu.dma_semaphore, #tpu.memory_space<semaphore_mem>>) src(%dma_wait3A_319 : memref<10000x64xf32, #tpu.memory_space<hbm>>) dst(%dma_wait3A_313 : memref<128x64xf32, #tpu.memory_space<vmem>>)
        %dma_start3A_322 = arith.constant 7 : i32
        %dma_start3A_323 = arith.constant 7 : i32
        %dma_start3A_324 = arith.constant 0 : i32
        %dma_start3A_325 = arith.constant 0 : i32
        %dma_start3A_326 = tpu.memref_slice %arg8[%dma_start3A_322, %dma_start3A_324, %dma_start3A_325] : memref<8x128x64xf32, #tpu.memory_space<vmem>> -> memref<1x128x64xf32, #tpu.memory_space<vmem>>
        %dma_start3A_327 = tpu.memref_squeeze %dma_start3A_326 : memref<1x128x64xf32, #tpu.memory_space<vmem>> -> memref<128x64xf32, #tpu.memory_space<vmem>>
        %dma_start3A_328 = arith.constant 0 : i32
        %dma_start3A_329 = tpu.memref_slice %arg7[%add3A_287, %dma_start3A_328] : memref<80x128xi32, #tpu.memory_space<vmem>> -> memref<1x128xi32, #tpu.memory_space<vmem>>
        %dma_start3A_330 = tpu.memref_squeeze %dma_start3A_329 : memref<1x128xi32, #tpu.memory_space<vmem>> -> memref<128xi32, #tpu.memory_space<vmem>>
        %dma_start3A_331 = arith.constant 0 : i32
        %dma_start3A_332 = arith.constant 0 : i32
        %dma_start3A_333 = tpu.memref_slice %arg9[%dma_start3A_331, %dma_start3A_332] : memref<10112x64xf32, #tpu.memory_space<vmem_shared>> -> memref<10112x64xf32, #tpu.memory_space<vmem_shared>>
        %dma_start3A_334 = tpu.memref_slice %arg11[%dma_start3A_323] : memref<8x!tpu.dma_semaphore, #tpu.memory_space<semaphore_mem>> -> memref<1x!tpu.dma_semaphore, #tpu.memory_space<semaphore_mem>>
        %dma_start3A_335 = tpu.memref_squeeze %dma_start3A_334 : memref<1x!tpu.dma_semaphore, #tpu.memory_space<semaphore_mem>> -> memref<!tpu.dma_semaphore, #tpu.memory_space<semaphore_mem>>
        tpu.enqueue_indirect_dma source(%dma_start3A_327 : memref<128x64xf32, #tpu.memory_space<vmem>>) target(%dma_start3A_333 : memref<10112x64xf32, #tpu.memory_space<vmem_shared>>) offsets(%dma_start3A_330 : memref<128xi32, #tpu.memory_space<vmem>>) semaphore(%dma_start3A_335 : memref<!tpu.dma_semaphore, #tpu.memory_space<semaphore_mem>>) {add = true}
      } else {
      }
    }
    %scan3A_110 = arith.constant 10 : i32
    %gt3A = arith.constant 78 : i32
    %gt3A_111 = arith.cmpi sgt, %add3A_4, %gt3A : i32
    %convert_element_type3A_112 = arith.extui %gt3A_111 : i1 to i32
    %cond3A_113 = arith.constant 0 : i32
    %cond3A_114 = arith.cmpi ne, %convert_element_type3A_112, %cond3A_113 : i32
    scf.if %cond3A_114 {
      %dma_wait3A = arith.constant 6 : i32
      %dma_wait3A_125 = arith.constant 78 : i32
      %dma_wait3A_126 = arith.constant 6 : i32
      %dma_wait3A_127 = arith.constant 0 : i32
      %dma_wait3A_128 = arith.constant 0 : i32
      %dma_wait3A_129 = tpu.memref_slice %arg8[%dma_wait3A, %dma_wait3A_127, %dma_wait3A_128] : memref<8x128x64xf32, #tpu.memory_space<vmem>> -> memref<1x128x64xf32, #tpu.memory_space<vmem>>
      %dma_wait3A_130 = tpu.memref_squeeze %dma_wait3A_129 : memref<1x128x64xf32, #tpu.memory_space<vmem>> -> memref<128x64xf32, #tpu.memory_space<vmem>>
      %dma_wait3A_131 = arith.constant 0 : i32
      %dma_wait3A_132 = tpu.memref_slice %arg7[%dma_wait3A_125, %dma_wait3A_131] : memref<80x128xi32, #tpu.memory_space<vmem>> -> memref<1x128xi32, #tpu.memory_space<vmem>>
      %dma_wait3A_133 = tpu.memref_squeeze %dma_wait3A_132 : memref<1x128xi32, #tpu.memory_space<vmem>> -> memref<128xi32, #tpu.memory_space<vmem>>
      %dma_wait3A_134 = arith.constant 0 : i32
      %dma_wait3A_135 = arith.constant 0 : i32
      %dma_wait3A_136 = tpu.memref_slice %arg9[%dma_wait3A_134, %dma_wait3A_135] : memref<10112x64xf32, #tpu.memory_space<vmem_shared>> -> memref<10112x64xf32, #tpu.memory_space<vmem_shared>>
      %dma_wait3A_137 = tpu.memref_slice %arg11[%dma_wait3A_126] : memref<8x!tpu.dma_semaphore, #tpu.memory_space<semaphore_mem>> -> memref<1x!tpu.dma_semaphore, #tpu.memory_space<semaphore_mem>>
      %dma_wait3A_138 = tpu.memref_squeeze %dma_wait3A_137 : memref<1x!tpu.dma_semaphore, #tpu.memory_space<semaphore_mem>> -> memref<!tpu.dma_semaphore, #tpu.memory_space<semaphore_mem>>
      tpu.wait_indirect_dma semaphore(%dma_wait3A_138 : memref<!tpu.dma_semaphore, #tpu.memory_space<semaphore_mem>>) src(%dma_wait3A_130 : memref<128x64xf32, #tpu.memory_space<vmem>>) dst(%dma_wait3A_136 : memref<10112x64xf32, #tpu.memory_space<vmem_shared>>)
    } else {
    }
    %gt3A_115 = arith.constant 79 : i32
    %gt3A_116 = arith.cmpi sgt, %add3A_4, %gt3A_115 : i32
    %convert_element_type3A_117 = arith.extui %gt3A_116 : i1 to i32
    %cond3A_118 = arith.constant 0 : i32
    %cond3A_119 = arith.cmpi ne, %convert_element_type3A_117, %cond3A_118 : i32
    scf.if %cond3A_119 {
      %dma_wait3A = arith.constant 7 : i32
      %dma_wait3A_125 = arith.constant 79 : i32
      %dma_wait3A_126 = arith.constant 7 : i32
      %dma_wait3A_127 = arith.constant 0 : i32
      %dma_wait3A_128 = arith.constant 0 : i32
      %dma_wait3A_129 = tpu.memref_slice %arg8[%dma_wait3A, %dma_wait3A_127, %dma_wait3A_128] : memref<8x128x64xf32, #tpu.memory_space<vmem>> -> memref<1x128x64xf32, #tpu.memory_space<vmem>>
      %dma_wait3A_130 = tpu.memref_squeeze %dma_wait3A_129 : memref<1x128x64xf32, #tpu.memory_space<vmem>> -> memref<128x64xf32, #tpu.memory_space<vmem>>
      %dma_wait3A_131 = arith.constant 0 : i32
      %dma_wait3A_132 = tpu.memref_slice %arg7[%dma_wait3A_125, %dma_wait3A_131] : memref<80x128xi32, #tpu.memory_space<vmem>> -> memref<1x128xi32, #tpu.memory_space<vmem>>
      %dma_wait3A_133 = tpu.memref_squeeze %dma_wait3A_132 : memref<1x128xi32, #tpu.memory_space<vmem>> -> memref<128xi32, #tpu.memory_space<vmem>>
      %dma_wait3A_134 = arith.constant 0 : i32
      %dma_wait3A_135 = arith.constant 0 : i32
      %dma_wait3A_136 = tpu.memref_slice %arg9[%dma_wait3A_134, %dma_wait3A_135] : memref<10112x64xf32, #tpu.memory_space<vmem_shared>> -> memref<10112x64xf32, #tpu.memory_space<vmem_shared>>
      %dma_wait3A_137 = tpu.memref_slice %arg11[%dma_wait3A_126] : memref<8x!tpu.dma_semaphore, #tpu.memory_space<semaphore_mem>> -> memref<1x!tpu.dma_semaphore, #tpu.memory_space<semaphore_mem>>
      %dma_wait3A_138 = tpu.memref_squeeze %dma_wait3A_137 : memref<1x!tpu.dma_semaphore, #tpu.memory_space<semaphore_mem>> -> memref<!tpu.dma_semaphore, #tpu.memory_space<semaphore_mem>>
      tpu.wait_indirect_dma semaphore(%dma_wait3A_138 : memref<!tpu.dma_semaphore, #tpu.memory_space<semaphore_mem>>) src(%dma_wait3A_130 : memref<128x64xf32, #tpu.memory_space<vmem>>) dst(%dma_wait3A_136 : memref<10112x64xf32, #tpu.memory_space<vmem_shared>>)
    } else {
    }
    %barrier3A_120 = arith.constant 0 : index
    tpu.barrier barrier_id(%barrier3A_120)
    %mul3A_121 = arith.constant 632 : i32
    %mul3A_122 = arith.muli %arg1, %mul3A_121 : i32
    %mul3A_123 = arith.constant 632 : i32
    %mul3A_124 = arith.muli %arg1, %mul3A_123 : i32
    "tpu.region"() ({
      %run_scoped3A_125 = tpu.sem_alloc : memref<!tpu.dma_semaphore, #tpu.memory_space<semaphore_mem>>
      %dma_start3A_126 = arith.constant 0 : i32
      %dma_start3A_127 = tpu.memref_slice %arg5[%arg0, %mul3A_124, %dma_start3A_126] : memref<2x10112x64xf32, #tpu.memory_space<hbm>> -> memref<1x632x64xf32, #tpu.memory_space<hbm>>
      %dma_start3A_128 = tpu.memref_squeeze %dma_start3A_127 : memref<1x632x64xf32, #tpu.memory_space<hbm>> -> memref<632x64xf32, #tpu.memory_space<hbm>>
      %dma_start3A_129 = arith.constant 0 : i32
      %dma_start3A_130 = tpu.memref_slice %arg9[%mul3A_122, %dma_start3A_129] : memref<10112x64xf32, #tpu.memory_space<vmem_shared>> -> memref<632x64xf32, #tpu.memory_space<vmem_shared>>
      tpu.enqueue_dma source(%dma_start3A_130 : memref<632x64xf32, #tpu.memory_space<vmem_shared>>) target(%dma_start3A_128 : memref<632x64xf32, #tpu.memory_space<hbm>>) target_semaphore(%run_scoped3A_125 : memref<!tpu.dma_semaphore, #tpu.memory_space<semaphore_mem>>)
      %dma_wait3A = arith.constant 0 : i32
      %dma_wait3A_131 = tpu.memref_slice %arg5[%arg0, %mul3A_124, %dma_wait3A] : memref<2x10112x64xf32, #tpu.memory_space<hbm>> -> memref<1x632x64xf32, #tpu.memory_space<hbm>>
      %dma_wait3A_132 = tpu.memref_squeeze %dma_wait3A_131 : memref<1x632x64xf32, #tpu.memory_space<hbm>> -> memref<632x64xf32, #tpu.memory_space<hbm>>
      %dma_wait3A_133 = arith.constant 0 : i32
      %dma_wait3A_134 = tpu.memref_slice %arg9[%mul3A_122, %dma_wait3A_133] : memref<10112x64xf32, #tpu.memory_space<vmem_shared>> -> memref<632x64xf32, #tpu.memory_space<vmem_shared>>
      tpu.wait_dma2 semaphore(%run_scoped3A_125 : memref<!tpu.dma_semaphore, #tpu.memory_space<semaphore_mem>>) src(%dma_wait3A_134 : memref<632x64xf32, #tpu.memory_space<vmem_shared>>) dst(%dma_wait3A_132 : memref<632x64xf32, #tpu.memory_space<hbm>>)
      tpu.yield
    }) : () -> ()
    return
  }
}

module attributes {stable_mosaic.version = 14 : i64} {
  func.func @_stage1_body(%arg0: memref<2x10112x1xf32, #tpu.memory_space<vmem>>, %arg1: memref<10000x128xf32, #tpu.memory_space<vmem>>, %arg2: memref<128x64xf32, #tpu.memory_space<vmem>>, %arg3: memref<10000x64xf32, #tpu.memory_space<vmem>>, %arg4: memref<10000x1xf32, #tpu.memory_space<vmem>>) attributes {dimension_semantics = [], scalar_prefetch = 0 : i64, scratch_operands = 0 : i64, tpu.core_type = #tpu.core_type<tc>} {
    %get3A = arith.constant 0 : index
    %get3A_0 = arith.constant 0 : index
    %get3A_1 = arith.constant 0 : index
    %get3A_2 = vector.load %arg0[%get3A, %get3A_0, %get3A_1] : memref<2x10112x1xf32, #tpu.memory_space<vmem>>, vector<1x10000x1xf32>
    %get3A_3 = vector.shape_cast %get3A_2 : vector<1x10000x1xf32> to vector<10000x1xf32>
    %get3A_4 = arith.constant 1 : index
    %get3A_5 = arith.constant 0 : index
    %get3A_6 = arith.constant 0 : index
    %get3A_7 = vector.load %arg0[%get3A_4, %get3A_5, %get3A_6] : memref<2x10112x1xf32, #tpu.memory_space<vmem>>, vector<1x10000x1xf32>
    %get3A_8 = vector.shape_cast %get3A_7 : vector<1x10000x1xf32> to vector<10000x1xf32>
    %add3A = arith.addf %get3A_3, %get3A_8 : vector<10000x1xf32>
    %add3A_9 = arith.constant 1.000000e+00 : f32
    %add3A_10 = vector.broadcast %add3A_9 : f32 to vector<10000x1xf32>
    %add3A_11 = arith.addf %add3A, %add3A_10 : vector<10000x1xf32>
    %rsqrt3A = math.rsqrt %add3A_11 : vector<10000x1xf32>
    %get3A_12 = arith.constant 0 : index
    %get3A_13 = arith.constant 0 : index
    %get3A_14 = vector.load %arg1[%get3A_12, %get3A_13] : memref<10000x128xf32, #tpu.memory_space<vmem>>, vector<10000x128xf32>
    %get3A_15 = arith.constant 0 : index
    %get3A_16 = arith.constant 0 : index
    %get3A_17 = vector.load %arg2[%get3A_15, %get3A_16] : memref<128x64xf32, #tpu.memory_space<vmem>>, vector<128x64xf32>
    %dot_general3A = arith.constant dense<0.000000e+00> : vector<10000x64xf32>
    %dot_general3A_18 = tpu.matmul %get3A_14, %get3A_17, %dot_general3A {dimension_numbers = #tpu.dot_dimension_numbers<[1], [0], [0], [1], [0, 0, 1, 1], [], []>, transpose_lhs_hint = false} : vector<10000x128xf32>, vector<128x64xf32>, vector<10000x64xf32> -> vector<10000x64xf32>
    %mul3A = vector.broadcast %rsqrt3A : vector<10000x1xf32> to vector<10000x64xf32>
    %mul3A_19 = arith.mulf %dot_general3A_18, %mul3A : vector<10000x64xf32>
    %swap3A = arith.constant 0 : index
    %swap3A_20 = arith.constant 0 : index
    %swap3A_21 = vector.load %arg3[%swap3A, %swap3A_20] : memref<10000x64xf32, #tpu.memory_space<vmem>>, vector<10000x64xf32>
    tpu.vector_store %arg3[%swap3A, %swap3A_20], %mul3A_19 {strides = array<i32>} : memref<10000x64xf32, #tpu.memory_space<vmem>>, vector<10000x64xf32>,
    %swap3A_22 = arith.constant 0 : index
    %swap3A_23 = arith.constant 0 : index
    %swap3A_24 = vector.load %arg4[%swap3A_22, %swap3A_23] : memref<10000x1xf32, #tpu.memory_space<vmem>>, vector<10000x1xf32>
    tpu.vector_store %arg4[%swap3A_22, %swap3A_23], %rsqrt3A {strides = array<i32>} : memref<10000x1xf32, #tpu.memory_space<vmem>>, vector<10000x1xf32>,
    return
  }
}

module attributes {stable_mosaic.version = 14 : i64} {
  func.func @_stage2_body(%arg0: memref<2x10112x64xf32, #tpu.memory_space<vmem>>, %arg1: memref<10000x64xf32, #tpu.memory_space<vmem>>, %arg2: memref<10000x1xf32, #tpu.memory_space<vmem>>, %arg3: memref<1x64xf32, #tpu.memory_space<vmem>>, %arg4: memref<1x64xf32, #tpu.memory_space<vmem>>, %arg5: memref<1x64xf32, #tpu.memory_space<vmem>>, %arg6: memref<64x64xf32, #tpu.memory_space<vmem>>, %arg7: memref<10000x64xf32, #tpu.memory_space<vmem>>) attributes {dimension_semantics = [], scalar_prefetch = 0 : i64, scratch_operands = 0 : i64, tpu.core_type = #tpu.core_type<tc>} {
    %get3A = arith.constant 0 : index
    %get3A_0 = arith.constant 0 : index
    %get3A_1 = vector.load %arg2[%get3A, %get3A_0] : memref<10000x1xf32, #tpu.memory_space<vmem>>, vector<10000x1xf32>
    %get3A_2 = arith.constant 0 : index
    %get3A_3 = arith.constant 0 : index
    %get3A_4 = arith.constant 0 : index
    %get3A_5 = vector.load %arg0[%get3A_2, %get3A_3, %get3A_4] : memref<2x10112x64xf32, #tpu.memory_space<vmem>>, vector<1x10000x64xf32>
    %get3A_6 = vector.shape_cast %get3A_5 : vector<1x10000x64xf32> to vector<10000x64xf32>
    %get3A_7 = arith.constant 1 : index
    %get3A_8 = arith.constant 0 : index
    %get3A_9 = arith.constant 0 : index
    %get3A_10 = vector.load %arg0[%get3A_7, %get3A_8, %get3A_9] : memref<2x10112x64xf32, #tpu.memory_space<vmem>>, vector<1x10000x64xf32>
    %get3A_11 = vector.shape_cast %get3A_10 : vector<1x10000x64xf32> to vector<10000x64xf32>
    %add3A = arith.addf %get3A_6, %get3A_11 : vector<10000x64xf32>
    %get3A_12 = arith.constant 0 : index
    %get3A_13 = arith.constant 0 : index
    %get3A_14 = vector.load %arg1[%get3A_12, %get3A_13] : memref<10000x64xf32, #tpu.memory_space<vmem>>, vector<10000x64xf32>
    %add3A_15 = arith.addf %add3A, %get3A_14 : vector<10000x64xf32>
    %mul3A = vector.broadcast %get3A_1 : vector<10000x1xf32> to vector<10000x64xf32>
    %mul3A_16 = arith.mulf %add3A_15, %mul3A : vector<10000x64xf32>
    %get3A_17 = arith.constant 0 : index
    %get3A_18 = arith.constant 0 : index
    %get3A_19 = vector.load %arg3[%get3A_17, %get3A_18] : memref<1x64xf32, #tpu.memory_space<vmem>>, vector<1x64xf32>
    %add3A_20 = vector.broadcast %get3A_19 : vector<1x64xf32> to vector<10000x64xf32>
    %add3A_21 = arith.addf %mul3A_16, %add3A_20 : vector<10000x64xf32>
    %max3A = arith.constant 0.000000e+00 : f32
    %max3A_22 = vector.broadcast %max3A : f32 to vector<10000x64xf32>
    %max3A_23 = arith.maximumf %add3A_21, %max3A_22 : vector<10000x64xf32>
    %reduce_sum3A = arith.constant dense<0.000000e+00> : vector<64xf32>
    %reduce_sum3A_24 = vector.multi_reduction <add>, %max3A_23, %reduce_sum3A [0] : vector<10000x64xf32> to vector<64xf32>
    %broadcast_in_dim3A = vector.shape_cast %reduce_sum3A_24 : vector<64xf32> to vector<1x64xf32>
    %div3A = arith.constant 1.000000e+04 : f32
    %div3A_25 = vector.broadcast %div3A : f32 to vector<1x64xf32>
    %div3A_26 = arith.divf %broadcast_in_dim3A, %div3A_25 : vector<1x64xf32>
    %sub3A = vector.broadcast %div3A_26 : vector<1x64xf32> to vector<10000x64xf32>
    %sub3A_27 = arith.subf %max3A_23, %sub3A : vector<10000x64xf32>
    %integer_pow3A = arith.mulf %sub3A_27, %sub3A_27 : vector<10000x64xf32>
    %reduce_sum3A_28 = arith.constant dense<0.000000e+00> : vector<64xf32>
    %reduce_sum3A_29 = vector.multi_reduction <add>, %integer_pow3A, %reduce_sum3A_28 [0] : vector<10000x64xf32> to vector<64xf32>
    %broadcast_in_dim3A_30 = vector.shape_cast %reduce_sum3A_29 : vector<64xf32> to vector<1x64xf32>
    %div3A_31 = arith.constant 1.000000e+04 : f32
    %div3A_32 = vector.broadcast %div3A_31 : f32 to vector<1x64xf32>
    %div3A_33 = arith.divf %broadcast_in_dim3A_30, %div3A_32 : vector<1x64xf32>
    %sub3A_34 = vector.broadcast %div3A_26 : vector<1x64xf32> to vector<10000x64xf32>
    %sub3A_35 = arith.subf %max3A_23, %sub3A_34 : vector<10000x64xf32>
    %add3A_36 = arith.constant 9.99999974E-6 : f32
    %add3A_37 = vector.broadcast %add3A_36 : f32 to vector<1x64xf32>
    %add3A_38 = arith.addf %div3A_33, %add3A_37 : vector<1x64xf32>
    %rsqrt3A = math.rsqrt %add3A_38 : vector<1x64xf32>
    %mul3A_39 = vector.broadcast %rsqrt3A : vector<1x64xf32> to vector<10000x64xf32>
    %mul3A_40 = arith.mulf %sub3A_35, %mul3A_39 : vector<10000x64xf32>
    %get3A_41 = arith.constant 0 : index
    %get3A_42 = arith.constant 0 : index
    %get3A_43 = vector.load %arg4[%get3A_41, %get3A_42] : memref<1x64xf32, #tpu.memory_space<vmem>>, vector<1x64xf32>
    %mul3A_44 = vector.broadcast %get3A_43 : vector<1x64xf32> to vector<10000x64xf32>
    %mul3A_45 = arith.mulf %mul3A_40, %mul3A_44 : vector<10000x64xf32>
    %get3A_46 = arith.constant 0 : index
    %get3A_47 = arith.constant 0 : index
    %get3A_48 = vector.load %arg5[%get3A_46, %get3A_47] : memref<1x64xf32, #tpu.memory_space<vmem>>, vector<1x64xf32>
    %add3A_49 = vector.broadcast %get3A_48 : vector<1x64xf32> to vector<10000x64xf32>
    %add3A_50 = arith.addf %mul3A_45, %add3A_49 : vector<10000x64xf32>
    %max3A_51 = arith.constant 0.000000e+00 : f32
    %max3A_52 = vector.broadcast %max3A_51 : f32 to vector<10000x64xf32>
    %max3A_53 = arith.maximumf %add3A_50, %max3A_52 : vector<10000x64xf32>
    %get3A_54 = arith.constant 0 : index
    %get3A_55 = arith.constant 0 : index
    %get3A_56 = vector.load %arg6[%get3A_54, %get3A_55] : memref<64x64xf32, #tpu.memory_space<vmem>>, vector<64x64xf32>
    %dot_general3A = arith.constant dense<0.000000e+00> : vector<10000x64xf32>
    %dot_general3A_57 = tpu.matmul %max3A_53, %get3A_56, %dot_general3A {dimension_numbers = #tpu.dot_dimension_numbers<[1], [0], [0], [1], [0, 0, 1, 1], [], []>, transpose_lhs_hint = false} : vector<10000x64xf32>, vector<64x64xf32>, vector<10000x64xf32> -> vector<10000x64xf32>
    %mul3A_58 = vector.broadcast %get3A_1 : vector<10000x1xf32> to vector<10000x64xf32>
    %mul3A_59 = arith.mulf %dot_general3A_57, %mul3A_58 : vector<10000x64xf32>
    %swap3A = arith.constant 0 : index
    %swap3A_60 = arith.constant 0 : index
    %swap3A_61 = vector.load %arg7[%swap3A, %swap3A_60] : memref<10000x64xf32, #tpu.memory_space<vmem>>, vector<10000x64xf32>
    tpu.vector_store %arg7[%swap3A, %swap3A_60], %mul3A_59 {strides = array<i32>} : memref<10000x64xf32, #tpu.memory_space<vmem>>, vector<10000x64xf32>,
    return
  }
}

module attributes {stable_mosaic.version = 14 : i64} {
  func.func @_stage3_body(%arg0: memref<2x10112x64xf32, #tpu.memory_space<vmem>>, %arg1: memref<10000x64xf32, #tpu.memory_space<vmem>>, %arg2: memref<10000x1xf32, #tpu.memory_space<vmem>>, %arg3: memref<1x64xf32, #tpu.memory_space<vmem>>, %arg4: memref<1x64xf32, #tpu.memory_space<vmem>>, %arg5: memref<1x64xf32, #tpu.memory_space<vmem>>, %arg6: memref<64x40xf32, #tpu.memory_space<vmem>>, %arg7: memref<1x40xf32, #tpu.memory_space<vmem>>, %arg8: memref<10000x40xf32, #tpu.memory_space<vmem>>) attributes {dimension_semantics = [], scalar_prefetch = 0 : i64, scratch_operands = 0 : i64, tpu.core_type = #tpu.core_type<tc>} {
    %get3A = arith.constant 0 : index
    %get3A_0 = arith.constant 0 : index
    %get3A_1 = vector.load %arg2[%get3A, %get3A_0] : memref<10000x1xf32, #tpu.memory_space<vmem>>, vector<10000x1xf32>
    %get3A_2 = arith.constant 0 : index
    %get3A_3 = arith.constant 0 : index
    %get3A_4 = arith.constant 0 : index
    %get3A_5 = vector.load %arg0[%get3A_2, %get3A_3, %get3A_4] : memref<2x10112x64xf32, #tpu.memory_space<vmem>>, vector<1x10000x64xf32>
    %get3A_6 = vector.shape_cast %get3A_5 : vector<1x10000x64xf32> to vector<10000x64xf32>
    %get3A_7 = arith.constant 1 : index
    %get3A_8 = arith.constant 0 : index
    %get3A_9 = arith.constant 0 : index
    %get3A_10 = vector.load %arg0[%get3A_7, %get3A_8, %get3A_9] : memref<2x10112x64xf32, #tpu.memory_space<vmem>>, vector<1x10000x64xf32>
    %get3A_11 = vector.shape_cast %get3A_10 : vector<1x10000x64xf32> to vector<10000x64xf32>
    %add3A = arith.addf %get3A_6, %get3A_11 : vector<10000x64xf32>
    %get3A_12 = arith.constant 0 : index
    %get3A_13 = arith.constant 0 : index
    %get3A_14 = vector.load %arg1[%get3A_12, %get3A_13] : memref<10000x64xf32, #tpu.memory_space<vmem>>, vector<10000x64xf32>
    %add3A_15 = arith.addf %add3A, %get3A_14 : vector<10000x64xf32>
    %mul3A = vector.broadcast %get3A_1 : vector<10000x1xf32> to vector<10000x64xf32>
    %mul3A_16 = arith.mulf %add3A_15, %mul3A : vector<10000x64xf32>
    %get3A_17 = arith.constant 0 : index
    %get3A_18 = arith.constant 0 : index
    %get3A_19 = vector.load %arg3[%get3A_17, %get3A_18] : memref<1x64xf32, #tpu.memory_space<vmem>>, vector<1x64xf32>
    %add3A_20 = vector.broadcast %get3A_19 : vector<1x64xf32> to vector<10000x64xf32>
    %add3A_21 = arith.addf %mul3A_16, %add3A_20 : vector<10000x64xf32>
    %max3A = arith.constant 0.000000e+00 : f32
    %max3A_22 = vector.broadcast %max3A : f32 to vector<10000x64xf32>
    %max3A_23 = arith.maximumf %add3A_21, %max3A_22 : vector<10000x64xf32>
    %reduce_sum3A = arith.constant dense<0.000000e+00> : vector<64xf32>
    %reduce_sum3A_24 = vector.multi_reduction <add>, %max3A_23, %reduce_sum3A [0] : vector<10000x64xf32> to vector<64xf32>
    %broadcast_in_dim3A = vector.shape_cast %reduce_sum3A_24 : vector<64xf32> to vector<1x64xf32>
    %div3A = arith.constant 1.000000e+04 : f32
    %div3A_25 = vector.broadcast %div3A : f32 to vector<1x64xf32>
    %div3A_26 = arith.divf %broadcast_in_dim3A, %div3A_25 : vector<1x64xf32>
    %sub3A = vector.broadcast %div3A_26 : vector<1x64xf32> to vector<10000x64xf32>
    %sub3A_27 = arith.subf %max3A_23, %sub3A : vector<10000x64xf32>
    %integer_pow3A = arith.mulf %sub3A_27, %sub3A_27 : vector<10000x64xf32>
    %reduce_sum3A_28 = arith.constant dense<0.000000e+00> : vector<64xf32>
    %reduce_sum3A_29 = vector.multi_reduction <add>, %integer_pow3A, %reduce_sum3A_28 [0] : vector<10000x64xf32> to vector<64xf32>
    %broadcast_in_dim3A_30 = vector.shape_cast %reduce_sum3A_29 : vector<64xf32> to vector<1x64xf32>
    %div3A_31 = arith.constant 1.000000e+04 : f32
    %div3A_32 = vector.broadcast %div3A_31 : f32 to vector<1x64xf32>
    %div3A_33 = arith.divf %broadcast_in_dim3A_30, %div3A_32 : vector<1x64xf32>
    %sub3A_34 = vector.broadcast %div3A_26 : vector<1x64xf32> to vector<10000x64xf32>
    %sub3A_35 = arith.subf %max3A_23, %sub3A_34 : vector<10000x64xf32>
    %add3A_36 = arith.constant 9.99999974E-6 : f32
    %add3A_37 = vector.broadcast %add3A_36 : f32 to vector<1x64xf32>
    %add3A_38 = arith.addf %div3A_33, %add3A_37 : vector<1x64xf32>
    %rsqrt3A = math.rsqrt %add3A_38 : vector<1x64xf32>
    %mul3A_39 = vector.broadcast %rsqrt3A : vector<1x64xf32> to vector<10000x64xf32>
    %mul3A_40 = arith.mulf %sub3A_35, %mul3A_39 : vector<10000x64xf32>
    %get3A_41 = arith.constant 0 : index
    %get3A_42 = arith.constant 0 : index
    %get3A_43 = vector.load %arg4[%get3A_41, %get3A_42] : memref<1x64xf32, #tpu.memory_space<vmem>>, vector<1x64xf32>
    %mul3A_44 = vector.broadcast %get3A_43 : vector<1x64xf32> to vector<10000x64xf32>
    %mul3A_45 = arith.mulf %mul3A_40, %mul3A_44 : vector<10000x64xf32>
    %get3A_46 = arith.constant 0 : index
    %get3A_47 = arith.constant 0 : index
    %get3A_48 = vector.load %arg5[%get3A_46, %get3A_47] : memref<1x64xf32, #tpu.memory_space<vmem>>, vector<1x64xf32>
    %add3A_49 = vector.broadcast %get3A_48 : vector<1x64xf32> to vector<10000x64xf32>
    %add3A_50 = arith.addf %mul3A_45, %add3A_49 : vector<10000x64xf32>
    %get3A_51 = arith.constant 0 : index
    %get3A_52 = arith.constant 0 : index
    %get3A_53 = vector.load %arg6[%get3A_51, %get3A_52] : memref<64x40xf32, #tpu.memory_space<vmem>>, vector<64x40xf32>
    %dot_general3A = arith.constant dense<0.000000e+00> : vector<10000x40xf32>
    %dot_general3A_54 = tpu.matmul %add3A_50, %get3A_53, %dot_general3A {dimension_numbers = #tpu.dot_dimension_numbers<[1], [0], [0], [1], [0, 0, 1, 1], [], []>, transpose_lhs_hint = false} : vector<10000x64xf32>, vector<64x40xf32>, vector<10000x40xf32> -> vector<10000x40xf32>
    %get3A_55 = arith.constant 0 : index
    %get3A_56 = arith.constant 0 : index
    %get3A_57 = vector.load %arg7[%get3A_55, %get3A_56] : memref<1x40xf32, #tpu.memory_space<vmem>>, vector<1x40xf32>
    %add3A_58 = vector.broadcast %get3A_57 : vector<1x40xf32> to vector<10000x40xf32>
    %add3A_59 = arith.addf %dot_general3A_54, %add3A_58 : vector<10000x40xf32>
    %max3A_60 = arith.constant 0.000000e+00 : f32
    %max3A_61 = vector.broadcast %max3A_60 : f32 to vector<10000x40xf32>
    %max3A_62 = arith.maximumf %add3A_59, %max3A_61 : vector<10000x40xf32>
    %swap3A = arith.constant 0 : index
    %swap3A_63 = arith.constant 0 : index
    %swap3A_64 = vector.load %arg8[%swap3A, %swap3A_63] : memref<10000x40xf32, #tpu.memory_space<vmem>>, vector<10000x40xf32>
    tpu.vector_store %arg8[%swap3A, %swap3A_63], %max3A_62 {strides = array<i32>} : memref<10000x40xf32, #tpu.memory_space<vmem>>, vector<10000x40xf32>,
    return
  }
}

</mosaic_0001>

<sc_bundles>
// kernel: kernel.11.cloned.1.call-start
scs
__scs_entry_jumppad:
0x0: {  	(pc) =	sbr.rel $0x88, $3  }
0x1: {  	(tag) =	ssettag $0x0;
	lr =	simm.s32 $0x1  }
0x2: {  	[smem:$0x3F95] =	sst lr;
	_ =	strace $0xD0000000  }
0x3: {  	_ = 	snop  }
0x4: {  	_ = 	snop  }
0x5: {  	_ = 	snop  }
0x6: {  	_ = 	snop  }
0x7: {  	_ = 	snop  }
__scs_overlays_trampoline_lowered:
0x8: {  	[smem:$0x3FA4] =	sst s0  }
0x9: {  	[smem:$0x3FA5] =	sst s1  }
0xa: {  	[smem:$0x3FA6] =	sst s2  }
0xb: {  	[smem:$0x3FA7] =	sst s3  }
0xc: {  	[smem:$0x3FA8] =	sst s4  }
0xd: {  	[smem:$0x3FA9] =	sst s5  }
0xe: {  	[smem:$0x3FAA] =	sst s6  }
0xf: {  	[smem:$0x3FAB] =	sst s7  }
0x10: {  	[smem:$0x3FAC] =	sst s8  }
0x11: {  	[smem:$0x3FAD] =	sst s9;
	s0 =	simm.s32 @!p0 $0x0  }
0x12: {  	s1 =	sld [smem:$0x3F93];
	s0 =	simm.s32 @p0 $0x1  }
0x13: {  	[smem:$0x3FAE] =	sst s0;
	s0 =	simm.s32 @!p1 $0x0  }
0x14: {  	s2 =	sld [smem:$0x3F92];
	s0 =	simm.s32 @p1 $0x1  }
0x15: {  	[smem:$0x3FAF] =	sst s0;
	s0 =	simm.s32 @!p2 $0x0  }
0x16: {  	s3 =	sld [smem:$0x3FDB];
	s0 =	simm.s32 @p2 $0x1  }
0x17: {  	s4 =	simm.s32 $0x1BF5;
	[smem:$0x3FB1] =	sst s0  }
0x18: {  	s0 =	sld [smem:$0x3F94];
	_ =	swait.ge [sflag:s4], $0x0  }
0x19: {  	s7 =	sld [smem:$0x3F95]  }
0x1a: {  	s8 =	sadd.s32 $0xFFFFE003, lr  }
0x1b: {  	s9 =	sadd.s32 $0xFFFFFEF7, lr;
	s5 =	simm.s32 $0xFFFFFFFF;
	p2 =	slt.u32 s8, $0xFFFFF086  }
0x1c: {  	p1 =	slt.u32 s9, $0xF7A;
	s5 =	simm.s32 @!p2 $0x0  }
0x1d: {  	s5 =	simm.s32 @p1 $0x1;
	p0 =	seq.s32 s7, s2  }
0x1e: {  	s7 =	smul.u32 @!p0 $0xF7A, s2;
	p2 =	seq.s32 @!p0 s5, $0x0  }
0x1f: {  	s9 =	smul.u32 $0xF7A, s1;
	s8 =	simm.s32 @!p0 $0x1BF5;
	p2 =	por !p2, p0  }
0x20: {  	[sflag:s8] =	ssyncset.s32 @!p0 $0xFFFFF086;
	s6 =	sadd.s32 @!p0 s3, s7;
	s7 =	simm.s32 @!p0 $0x108  }
0x21: {  	s3 =	sadd.s32 s3, s9;
	s6 =	sadd.s32 @!p0 $0x88, s6;
	s7 =	simm.s32 @p2 $0x1082  }
0x22: {  	[simem:s7], [sflag:s8] =	dma.local @!p0 [hbm:s6], $0xF7A  }
0x23: {  	s9 =	sor.u32 $0xD0000000, s2;
	s6 =	simm.s32 $0x108;
	_ =	swait.ge @!p0 [sflag:s8], $0x0  }
0x24: {  	s3 =	sadd.s32 $0x88, s3;
	s6 =	simm.s32 @!p1 $0x1082;
	[sflag:s4] =	ssyncset.s32 $0xFFFFF086  }
0x25: {  	[simem:s6], [sflag:s4] =	dma.local [hbm:s3], $0xF7A  }
0x26: {  	[smem:$0x3F95] =	sst s1;
	(tag) =	ssettag s2;
	_ =	strace s9  }
0x27: {  	s1 =	sld [smem:$0x3FA5]  }
0x28: {  	s2 =	sld [smem:$0x3FA6]  }
0x29: {  	s4 =	sld [smem:$0x3FA8]  }
0x2a: {  	p0 =	seq.s32 s5, $0x0;
	s5 =	sld [smem:$0x3FA9]  }
0x2b: {  	s6 =	sld [smem:$0x3FAA]  }
0x2c: {  	s7 =	sld [smem:$0x3FAB]  }
0x2d: {  	s3 =	simm.s32 $0x108;
	s8 =	sld [smem:$0x3FAC]  }
0x2e: {  	s3 =	simm.s32 @!p0 $0x1082;
	s9 =	sld [smem:$0x3FAD]  }
0x2f: {  	lr =	sadd.s32 s0, s3;
	s0 =	sld [smem:$0x3FA4]  }
0x30: {  	s3 =	sld [smem:$0x3FA7]  }
0x31: {  	[smem:$0x3FB0] =	sst s10  }
0x32: {  	s10 =	sld [smem:$0x3FAE];
	_ =	sdelay $0x3  }
0x33: {  	p0 =	seq.s32 s10, $0x1;
	s10 =	sld [smem:$0x3FB0];
	_ =	sdelay $0x3  }
0x34: {  	[smem:$0x3FB0] =	sst s10  }
0x35: {  	s10 =	sld [smem:$0x3FAF];
	_ =	sdelay $0x3  }
0x36: {  	p1 =	seq.s32 s10, $0x1;
	s10 =	sld [smem:$0x3FB0];
	_ =	sdelay $0x3  }
0x37: {  	[smem:$0x3FB0] =	sst s10  }
0x38: {  	s10 =	sld [smem:$0x3FB1]  }
0x39: {  	_ = 	snop;
	(pc) =	sbr.ind lr, $3  }
0x3a: {  	_ = 	snop  }
0x3b: {  	_ = 	snop  }
0x3c: {  	p2 =	seq.s32 s10, $0x1;
	s10 =	sld [smem:$0x3FB0]  }
0x3d: {  	_ =	shalt  }
0x3e: {  	_ =	shalt  }
0x3f: {  	_ =	shalt  }
0x40: {  	_ =	shalt  }
0x41: {  	_ =	shalt  }
0x42: {  	_ =	shalt  }
0x43: {  	_ =	shalt  }
0x44: {  	_ =	shalt  }
0x45: {  	_ =	shalt  }
0x46: {  	_ =	shalt  }
0x47: {  	_ =	shalt  }
0x48: {  	_ =	shalt  }
0x49: {  	_ =	shalt  }
0x4a: {  	_ =	shalt  }
0x4b: {  	_ =	shalt  }
0x4c: {  	_ =	shalt  }
0x4d: {  	_ =	shalt  }
0x4e: {  	_ =	shalt  }
0x4f: {  	_ =	shalt  }
0x50: {  	_ =	shalt  }
0x51: {  	_ =	shalt  }
0x52: {  	_ =	shalt  }
0x53: {  	_ =	shalt  }
0x54: {  	_ =	shalt  }
0x55: {  	_ =	shalt  }
0x56: {  	_ =	shalt  }
0x57: {  	_ =	shalt  }
0x58: {  	_ =	shalt  }
0x59: {  	_ =	shalt  }
0x5a: {  	_ =	shalt  }
0x5b: {  	_ =	shalt  }
0x5c: {  	_ =	shalt  }
0x5d: {  	_ =	shalt  }
0x5e: {  	_ =	shalt  }
0x5f: {  	_ =	shalt  }
0x60: {  	_ =	shalt  }
0x61: {  	_ =	shalt  }
0x62: {  	_ =	shalt  }
0x63: {  	_ =	shalt  }
0x64: {  	_ =	shalt  }
0x65: {  	_ =	shalt  }
0x66: {  	_ =	shalt  }
0x67: {  	_ =	shalt  }
0x68: {  	_ =	shalt  }
0x69: {  	_ =	shalt  }
0x6a: {  	_ =	shalt  }
0x6b: {  	_ =	shalt  }
0x6c: {  	_ =	shalt  }
0x6d: {  	_ =	shalt  }
0x6e: {  	_ =	shalt  }
0x6f: {  	_ =	shalt  }
0x70: {  	_ =	shalt  }
0x71: {  	_ =	shalt  }
0x72: {  	_ =	shalt  }
0x73: {  	_ =	shalt  }
0x74: {  	_ =	shalt  }
0x75: {  	_ =	shalt  }
0x76: {  	_ =	shalt  }
0x77: {  	_ =	shalt  }
0x78: {  	_ =	shalt  }
0x79: {  	_ =	shalt  }
0x7a: {  	_ =	shalt  }
0x7b: {  	_ =	shalt  }
0x7c: {  	_ =	shalt  }
0x7d: {  	_ =	shalt  }
0x7e: {  	_ =	shalt  }
0x7f: {  	_ =	shalt  }
0x80: {  	_ =	shalt  }
0x81: {  	_ =	shalt  }
0x82: {  	_ =	shalt  }
0x83: {  	_ =	shalt  }
0x84: {  	_ =	shalt  }
0x85: {  	_ =	shalt  }
0x86: {  	_ =	shalt  }
0x87: {  	_ =	shalt  }
.Lfunc_end0:
.L_simem_size_0:
called_computation.1_lowered:
.L_overlay_start_0:
0x88: {  	s2 =	sld [smem:$0x3FD9]  }
0x89: {  	s3 =	sld [smem:$0x3FFE];
	_ =	sdelay $0x1  }
0x8a: {  	s1 =	srdreg.scid  }
0x8b: {  	s0 =	sand.u32 $0x1, s1  }
0x8c: {  	s16 =	sshll.u32 s0, $0xA;
	s2 =	sadd.s32 s3, s2  }
0x8d: {  	s2 =	sadd.s32 s2, s16  }
0x8e: {  	[smem:$0x3FBC] =	sst s2  }
0x8f: {  	_ = 	snop  }
0x90: {  	(tm) =	ssettm $0x1  }
0x91: {  	s17 =	sld [smem:$0x3FFB];
	_ =	sdelay $0x3  }
0x92: {  	_ =	strace s17  }
0x93: {  	s2 =	sld [smem:$0x3FFC];
	_ =	sdelay $0x3  }
0x94: {  	_ =	strace s2  }
0x95: {  	s2 =	sld [smem:$0x3FFD];
	_ =	sdelay $0x3  }
0x96: {  	_ =	strace s2  }
0x97: {  	_ =	strace $0x8FFFFFFF  }
0x98: {  	s18 =	sld [smem:$0x3FDB];
	_ =	sdelay $0x1  }
0x99: {  	s19 =	simm.s32 $_scs_section_size  }
0x9a: {  	s4 =	simm.s32 $_size__tile_overlayer_lowered;
	s5 =	simm.s32 $_tile_overlayer_lowered  }
0x9b: {  	s22 =	simm.s32 $0x1BFF;
	s21 =	sshll.u32 s5, $0x1;
	s2 =	sadd.s32 s19, s18  }
0x9c: {  	s6 =	simm.s32 $0x0;
	s20 =	sshll.u32 s4, $0x1;
	s4 =	sadd.s32 s21, s2  }
0x9d: {  	[timem:s6], [sflag:s22] =	dma.local [hbm:s4], s20  }
0x9e: {  	_ =	swait.ge [sflag:s22], s20  }
0x9f: {  	s3 =	ssub.s32 $0x0, s20;
	[sflag:s22] =	ssyncset.done $0x0  }
0xa0: {  	[sflag:s22] =	ssyncadd.s32 s3;
	_ =	sdelay $0x1  }
0xa1: {  	s23 =	simm.s32 $0x1B8B  }
0xa2: {  	_ =	swait.ge [sflag:s23], $0x1  }
0xa3: {  	[sflag:s23] =	ssyncset.done $0x0  }
0xa4: {  	s25 =	simm.s32 $0x1B8E;
	s24 =	sld [smem:$0x3FFE];
	[sflag:s23] =	ssyncadd.s32 $0xFFFFFFFF  }
0xa5: {  	s26 =	simm.s32 $execute0_lowered;
	[smem:$0x3FD2] =	sst s25  }
0xa6: {  	s4 =	sshll.u32 s26, $0x1;
	_ =	strace $0x80000049;
	[dreg:$0x1] =	wrdreg $0xFFFFFFFF  }
0xa7: {  	s28 =	simm.s32 $_size_execute0_lowered;
	s2 =	sadd.s32 s2, s4;
	[dreg:$0x0] =	wrdreg $0x0  }
0xa8: {  	s4 =	sshll.u32 s28, $0x1;
	[dreg:$0x2] =	wrdreg s2  }
0xa9: {  	[dreg:$0x3] =	wrdreg s4  }
0xaa: {  	[dreg:$0x4] =	wrdreg $0xC0  }
0xab: {  	_ =	task [dreg:s6], $0x5FFFF  }
0xac: {  	[dreg:$0x1] =	wrdreg $0xFFFFFFFF  }
0xad: {  	[dreg:$0x0] =	wrdreg $0x60  }
0xae: {  	[dreg:$0x2] =	wrdreg s24  }
0xaf: {  	[dreg:$0x3] =	wrdreg $0x150000  }
0xb0: {  	[dreg:$0x4] =	wrdreg $0x9  }
0xb1: {  	_ =	task.clear_ibuf [dreg:s6], $0x5FFFF;
	_ =	strace $0x90000049  }
0xb2: {  	s29 =	simm.s32 $0x9;
	_ =	strace $0x8000004B  }
0xb3: {  	_ =	swait.ge [sflag:s29], $0x1  }
0xb4: {  	[sflag:s29] =	ssyncadd.s32 $0xFFFFFFFF  }
0xb5: {  	_ =	strace $0x9000004B  }
0xb6: {  	_ =	sfence  }
0xb7: {  	s30 =	sld [smem:$0x0];
	_ =	sdelay $0x2  }
0xb8: {  	s31 =	sshll.u32 s1, $0xD;
	s1 =	sshrl.u32 s1, $0x2  }
0xb9: {  	s3 =	sand.u32 $0x4000, s31;
	s1 =	sadd.s32 s1, s30  }
0xba: {  	s0 =	sor.u32 s3, s0;
	s1 =	sshll.u32 s1, $0x11  }
0xbb: {  	s0 =	sor.u32 s1, s0  }
0xbc: {  	s0 =	sadd.s32 $0x8F2B, s0  }
0xbd: {  	[sflag:s0] =	ssyncadd.remote.s32 $0x1  }
0xbe: {  	_ =	sfence.sel $0xFFFF  }
0xbf: {  	[dreg:$0x0] =	wrdreg $0xFFFFFFFF;
	(pc) =	sbr.abs _section_cstart, $3  }
0xc0: {  	[dreg:$0x1] =	wrdreg $0xFFFFFFFF  }
0xc1: {  	_ =	task.clear_ibuf [dreg:s6], $0x2FFFF;
	_ =	strace $0x9FFFFFFF  }
0xc2: {  	(tm) =	ssettm $0x7FFFFFFF  }
0xc3: {  	_ =	shalt  }
tec
execute0_lowered:
.L_overlay_start_1:
0x0: {  	(tag) =	ssettag $0x1  }
0x1: {  	s0 =	rddreg [dreg:$0x0]  }
0x2: {  	s2 =	rddreg [dreg:$0x1]  }
0x3: {  	s3 =	simm.s32 $0x0;
	s10 =	stileid.u32;
	s1 =	srdreg.scid  }
0x4: {  	[smem:$0x7FF] =	sst s3;
	s25 =	smul.u32 $0x9E00, s10  }
0x5: {  	s1 =	sand.u32 $0x1, s1;
	s4 =	sadd.s32 $0x16000, s0;
	s6 =	sadd.s32 $0x2600, s0  }
0x6: {  	s28 =	sshll.u32 s10, $0x4;
	s31 =	sshll.u32 s10, $0x6;
	_ =	strace $0x8000004A  }
0x7: {  	s5 =	smul.u32 $0x9E000, s1;
	s7 =	sshll.u32 s1, $0x4;
	s1 =	ssub.s32 $0x2, s1  }
0x8: {  	s8 =	sshrl.u32 s25, $0x3;
	s7 =	sor.u32 s10, s7;
	s26 =	sshrl.u32 s1, $0x1  }
0x9: {  	s3 =	sadd.s32 s25, s2;
	s5 =	sadd.s32 s25, s5;
	s9 =	smul.u32 $0x2700, s7  }
0xa: {  	s8 =	sadd.s32 s8, s0;
	s1 =	ssub.s32 s1, s26;
	s10 =	sshrl.u32 s3, $0x3  }
0xb: {  	s5 =	sshrl.u32 s5, $0x3;
	s29 =	sadd.s32 $0x29A00, s8;
	[dreg:$0xb] =	wrdreg s10  }
0xc: {  	s30 =	smax.u32 s1, $0x1;
	s9 =	sshrl.u32 s9, $0x3;
	[dreg:$0x7] =	wrdreg s29  }
0xd: {  	s0 =	sadd.s32 s5, s0;
	[dreg:$0x9] =	wrdreg s30;
	s11 =	sadd.s32 s6, s9  }
0xe: {  	p0 =	slt.u32 s7, $0x4;
	s0 =	sadd.s32 $0x3D600, s0;
	[dreg:$0x3] =	wrdreg s11  }
0xf: {  	s6 =	sadd.s32 s28, s6;
	s11 =	sadd.s32 $0x9C40, s11;
	[dreg:$0x8] =	wrdreg s0  }
0x10: {  	s8 =	simm.s32 $0x11;
	s9 =	sadd.s32 $0x9C00, s6;
	[dreg:$0x4] =	wrdreg s11  }
0x11: {  	s1 =	simm.s32 $0x0;
	s6 =	sadd.s32 $0x13840, s6;
	[dreg:$0x5] =	wrdreg s9  }
0x12: {  	s5 =	simm.s32 $0x4F;
	[dreg:$0x6] =	wrdreg s6;
	s9 =	sor.u32 $0x1C11, s31  }
0x13: {  	s5 =	simm.s32 @!p0 $0x4E;
	p0 =	sgt.u32 s7, $0x3;
	[dreg:$0xa] =	wrdreg s9  }
.LBB2_1:
0x14: {  	[dreg:$0xc] =	wrdreg s1  }
0x15: {  	s6 =	simm.s32 $0x0;
	s0 =	rddreg [dreg:$0x3]  }
0x16: {  	[tilespmem:s6], [sflag:$0x11] =	stream.linear.gather [hbm4b:s0+s6], $0x2700, $0x38;
	[tilespmem:$0x1EE00] =	vst v63  }
0x17: {  	_ =	swait.ge [sflag:s8], $0x2700  }
0x18: {  	[sflag:s8] =	ssyncset.done $0x0  }
0x19: {  	s18 =	simm.s32 $0x2800;
	s17 =	rddreg [dreg:$0x4];
	[sflag:s8] =	ssyncadd.s32 $0xFFFFD900  }
0x1a: {  	[tilespmem:s18], [sflag:$0x11] =	stream.linear.gather [hbm4b:s17+s6], $0x2700, $0x38;
	[tilespmem:$0x1EE00] =	vst v63  }
0x1b: {  	_ =	swait.ge [sflag:s8], $0x2700  }
0x1c: {  	s1 =	simm.s32 @!p0 $0x2700;
	[sflag:s8] =	ssyncset.done $0x0  }
0x1d: {  	s0 =	simm.s32 @!p0 $0x0;
	s3 =	rddreg [dreg:$0x5];
	[sflag:s8] =	ssyncadd.s32 $0xFFFFD900  }
0x1e: {  	[tilespmem:s1], [sflag:$0x11] =	stream.linear.gather @!p0 [hbm4b:s3+s0], $0x80, $0x38;
	[tilespmem:$0x1EE00] =	vst v63  }
0x1f: {  	s1 =	simm.s32 @!p0 $0x11  }
0x20: {  	_ =	swait.ge @!p0 [sflag:s1], $0x80  }
0x21: {  	[sflag:s1] =	ssyncset.done @!p0 $0x0  }
0x22: {  	s3 =	simm.s32 @!p0 $0x4F00;
	s7 =	rddreg [dreg:$0x6];
	[sflag:s1] =	ssyncadd.s32 @!p0 $0xFFFFFF80  }
0x23: {  	[tilespmem:s3], [sflag:$0x11] =	stream.linear.gather @!p0 [hbm4b:s7+s0], $0x80, $0x38;
	[tilespmem:$0x1EE00] =	vst v63  }
0x24: {  	_ =	swait.ge @!p0 [sflag:s1], $0x80  }
0x25: {  	[sflag:s1] =	ssyncset.done @!p0 $0x0  }
0x26: {  	s19 =	rddreg [dreg:$0x7];
	[sflag:s1] =	ssyncadd.s32 @!p0 $0xFFFFFF80  }
0x27: {  	[spmem:s10], [sflag:s9] =	dma.local [hbm:s19], $0x13C0  }
0x28: {  	_ =	swait.ge [sflag:s8], $0x13C0  }
0x29: {  	[sflag:s8] =	ssyncset.done $0x0  }
0x2a: {  	[sflag:s8] =	ssyncadd.s32 $0xFFFFEC40  }
0x2b: {  	s20 =	simm.s32 $0x5000;
	s2 =	simm.s32 $0x80;
	[bflag:$0x0] =	sbarrier.arrive $0xFFFF  }
0x2c: {  	[tilespmem:s20], [sflag:$0x1] =	stream.indirect.gather [hbm4b:s4+s2], $0x40, s6, s2, $0xb8;
	[tilespmem:$0x1EE00] =	vst v63  }
0x2d: {  	s21 =	simm.s32 $0x7000  }
0x2e: {  	[tilespmem:s21], [sflag:$0x2] =	stream.indirect.gather [hbm4b:s4+s2], $0x40, s2, s2, $0xb8;
	[tilespmem:$0x1EE00] =	vst v63  }
0x2f: {  	s22 =	simm.s32 $0x100;
	s23 =	simm.s32 $0x9000  }
0x30: {  	[tilespmem:s23], [sflag:$0x3] =	stream.indirect.gather [hbm4b:s4+s2], $0x40, s22, s2, $0xb8;
	[tilespmem:$0x1EE00] =	vst v63  }
0x31: {  	s24 =	simm.s32 $0x180;
	s11 =	simm.s32 $0xB000  }
0x32: {  	[tilespmem:s11], [sflag:$0x4] =	stream.indirect.gather [hbm4b:s4+s2], $0x40, s24, s2, $0xb8;
	[tilespmem:$0x1EE00] =	vst v63  }
0x33: {  	s25 =	simm.s32 $0x200;
	s12 =	simm.s32 $0xD000;
	p2 =	sle.u32 s5, $0xFFFFFFFE  }
0x34: {  	[tilespmem:s12], [sflag:$0x5] =	stream.indirect.gather [hbm4b:s4+s2], $0x40, s25, s2, $0xb8;
	[tilespmem:$0x1EE00] =	vst v63  }
0x35: {  	s26 =	simm.s32 $0x280;
	s14 =	simm.s32 $0xF000;
	s3 =	simm.s32 @!p2 $0xF  }
0x36: {  	[tilespmem:s14], [sflag:$0x6] =	stream.indirect.gather [hbm4b:s4+s2], $0x40, s26, s2, $0xb8;
	[tilespmem:$0x1EE00] =	vst v63  }
0x37: {  	p1 =	sle.u32 s5, $0x6;
	_ =	swait.ge @!p2 [sflag:s3], $0x2000  }
0x38: {  	s30 =	simm.s32 $0x1;
	s0 =	simm.s32 @!p1 $0x11000;
	[sflag:s3] =	ssyncset.done @!p2 $0x0  }
0x39: {  	s1 =	simm.s32 @!p1 $0x80;
	s6 =	simm.s32 @!p1 $0x300;
	[sflag:s3] =	ssyncadd.s32 @!p2 $0xFFFFE000  }
0x3a: {  	[tilespmem:s0], [sflag:$0x7] =	stream.indirect.gather @!p1 [hbm4b:s4+s1], $0x40, s6, s1, $0xb8;
	[tilespmem:$0x1EE00] =	vst v63  }
0x3b: {  	_ =	swait.ge [sflag:s30], $0x2000  }
0x3c: {  	[sflag:s30] =	ssyncset.done $0x0  }
0x3d: {  	p3 =	sle.u32 s5, $0xFFFFFFFF;
	[sflag:s30] =	ssyncadd.s32 $0xFFFFE000  }
0x3e: {  	s31 =	simm.s32 $0x2800;
	s6 =	simm.s32 @!p3 $0x10;
	s17 =	rddreg [dreg:$0x1]  }
0x3f: {  	[spmem:s17] =	stream.indirect.scatter.add.f32 [tilespmem:s20], [sflag:$0x9], $0x40, s31, s2, $0xb8;
	[tilespmem:$0x1EE00] =	vst v63  }
0x40: {  	p2 =	sle.u32 s5, $0x7;
	_ =	swait.ge @!p3 [sflag:s6], $0x2000  }
0x41: {  	s15 =	simm.s32 @!p2 $0x13000;
	[sflag:s6] =	ssyncset.done @!p3 $0x0  }
0x42: {  	s3 =	simm.s32 @!p2 $0x380;
	s13 =	simm.s32 @!p2 $0x80;
	[sflag:s6] =	ssyncadd.s32 @!p3 $0xFFFFE000  }
0x43: {  	[tilespmem:s15], [sflag:$0x8] =	stream.indirect.gather @!p2 [hbm4b:s4+s13], $0x40, s3, s13, $0xb8;
	[tilespmem:$0x1EE00] =	vst v63  }
0x44: {  	s3 =	simm.s32 $0x2  }
0x45: {  	_ =	swait.ge [sflag:s3], $0x2000  }
0x46: {  	[sflag:s3] =	ssyncset.done $0x0  }
0x47: {  	s7 =	simm.s32 $0x2880;
	s8 =	simm.s32 $0x9;
	[sflag:s3] =	ssyncadd.s32 $0xFFFFE000  }
0x48: {  	[spmem:s17] =	stream.indirect.scatter.add.f32 [tilespmem:s21], [sflag:$0xA], $0x40, s7, s2, $0xb8;
	[tilespmem:$0x1EE00] =	vst v63  }
0x49: {  	p3 =	sle.u32 s5, $0x8;
	_ =	swait.ge [sflag:s8], $0x2000  }
0x4a: {  	s6 =	simm.s32 @!p3 $0x400;
	[sflag:s8] =	ssyncset.done $0x0  }
0x4b: {  	s9 =	simm.s32 @!p3 $0x80;
	s3 =	simm.s32 @!p3 $0x5000;
	[sflag:s8] =	ssyncadd.s32 $0xFFFFE000  }
0x4c: {  	[tilespmem:s3], [sflag:$0x1] =	stream.indirect.gather @!p3 [hbm4b:s4+s9], $0x40, s6, s9, $0xb8;
	[tilespmem:$0x1EE00] =	vst v63  }
0x4d: {  	s9 =	simm.s32 $0x3  }
0x4e: {  	_ =	swait.ge [sflag:s9], $0x2000  }
0x4f: {  	[sflag:s9] =	ssyncset.done $0x0  }
0x50: {  	s16 =	simm.s32 $0x2900;
	s18 =	simm.s32 $0xA;
	[sflag:s9] =	ssyncadd.s32 $0xFFFFE000  }
0x51: {  	[spmem:s17] =	stream.indirect.scatter.add.f32 [tilespmem:s23], [sflag:$0xB], $0x40, s16, s2, $0xb8;
	[tilespmem:$0x1EE00] =	vst v63  }
0x52: {  	p3 =	sle.u32 s5, $0x9;
	_ =	swait.ge [sflag:s18], $0x2000  }
0x53: {  	s19 =	simm.s32 $0x4;
	s3 =	simm.s32 @!p3 $0x7000;
	[sflag:s18] =	ssyncset.done $0x0  }
0x54: {  	s6 =	simm.s32 @!p3 $0x480;
	s9 =	simm.s32 @!p3 $0x80;
	[sflag:s18] =	ssyncadd.s32 $0xFFFFE000  }
0x55: {  	[tilespmem:s3], [sflag:$0x2] =	stream.indirect.gather @!p3 [hbm4b:s4+s9], $0x40, s6, s9, $0xb8;
	[tilespmem:$0x1EE00] =	vst v63  }
0x56: {  	_ =	swait.ge [sflag:s19], $0x2000  }
0x57: {  	[sflag:s19] =	ssyncset.done $0x0  }
0x58: {  	s20 =	simm.s32 $0x2980;
	s21 =	simm.s32 $0xB;
	[sflag:s19] =	ssyncadd.s32 $0xFFFFE000  }
0x59: {  	[spmem:s17] =	stream.indirect.scatter.add.f32 [tilespmem:s11], [sflag:$0xC], $0x40, s20, s2, $0xb8;
	[tilespmem:$0x1EE00] =	vst v63  }
0x5a: {  	p3 =	sle.u32 s5, $0xA;
	_ =	swait.ge [sflag:s21], $0x2000  }
0x5b: {  	s22 =	simm.s32 $0x5;
	s3 =	simm.s32 @!p3 $0x9000;
	[sflag:s21] =	ssyncset.done $0x0  }
0x5c: {  	s6 =	simm.s32 @!p3 $0x500;
	s9 =	simm.s32 @!p3 $0x80;
	[sflag:s21] =	ssyncadd.s32 $0xFFFFE000  }
0x5d: {  	[tilespmem:s3], [sflag:$0x3] =	stream.indirect.gather @!p3 [hbm4b:s4+s9], $0x40, s6, s9, $0xb8;
	[tilespmem:$0x1EE00] =	vst v63  }
0x5e: {  	_ =	swait.ge [sflag:s22], $0x2000  }
0x5f: {  	[sflag:s22] =	ssyncset.done $0x0  }
0x60: {  	s24 =	simm.s32 $0xC;
	s23 =	simm.s32 $0x2A00;
	[sflag:s22] =	ssyncadd.s32 $0xFFFFE000  }
0x61: {  	[spmem:s17] =	stream.indirect.scatter.add.f32 [tilespmem:s12], [sflag:$0xD], $0x40, s23, s2, $0xb8;
	[tilespmem:$0x1EE00] =	vst v63  }
0x62: {  	p3 =	sle.u32 s5, $0xB;
	_ =	swait.ge [sflag:s24], $0x2000  }
0x63: {  	s25 =	simm.s32 $0x6;
	s3 =	simm.s32 @!p3 $0xB000;
	[sflag:s24] =	ssyncset.done $0x0  }
0x64: {  	s6 =	simm.s32 @!p3 $0x580;
	s9 =	simm.s32 @!p3 $0x80;
	[sflag:s24] =	ssyncadd.s32 $0xFFFFE000  }
0x65: {  	[tilespmem:s3], [sflag:$0x4] =	stream.indirect.gather @!p3 [hbm4b:s4+s9], $0x40, s6, s9, $0xb8;
	[tilespmem:$0x1EE00] =	vst v63  }
0x66: {  	_ =	swait.ge [sflag:s25], $0x2000  }
0x67: {  	s29 =	simm.s32 $0x15;
	[sflag:s25] =	ssyncset.done $0x0  }
0x68: {  	s26 =	simm.s32 $0x2A80;
	s30 =	simm.s32 $0xD;
	[sflag:s25] =	ssyncadd.s32 $0xFFFFE000  }
0x69: {  	[spmem:s17] =	stream.indirect.scatter.add.f32 [tilespmem:s14], [sflag:$0xE], $0x40, s26, s2, $0xb8;
	[tilespmem:$0x1EE00] =	vst v63  }
0x6a: {  	s28 =	simm.s32 $0x6;
	p3 =	sle.u32 s5, $0xC;
	_ =	swait.ge [sflag:s30], $0x2000  }
0x6b: {  	s11 =	simm.s32 @!p1 $0x7;
	s3 =	simm.s32 @!p3 $0xD000;
	[sflag:s30] =	ssyncset.done $0x0  }
0x6c: {  	s6 =	simm.s32 @!p3 $0x600;
	s9 =	simm.s32 @!p3 $0x80;
	[sflag:s30] =	ssyncadd.s32 $0xFFFFE000  }
0x6d: {  	[tilespmem:s3], [sflag:$0x5] =	stream.indirect.gather @!p3 [hbm4b:s4+s9], $0x40, s6, s9, $0xb8;
	[tilespmem:$0x1EE00] =	vst v63  }
0x6e: {  	s10 =	simm.s32 $0x1000;
	s31 =	simm.s32 $0xE;
	_ =	swait.ge @!p1 [sflag:s11], $0x2000  }
0x6f: {  	s16 =	simm.s32 $0x11;
	s18 =	simm.s32 $0x6;
	[sflag:s11] =	ssyncset.done @!p1 $0x0  }
0x70: {  	s19 =	simm.s32 $0x2000;
	s3 =	simm.s32 @!p1 $0x2B00;
	[sflag:s11] =	ssyncadd.s32 @!p1 $0xFFFFE000  }
0x71: {  	[spmem:s17] =	stream.indirect.scatter.add.f32 @!p1 [tilespmem:s0], [sflag:$0xF], $0x40, s3, s1, $0xb8;
	[tilespmem:$0x1EE00] =	vst v63  }
0x72: {  	s21 =	simm.s32 $0xF;
	p3 =	sle.u32 s5, $0xD;
	_ =	swait.ge [sflag:s31], $0x2000  }
0x73: {  	s12 =	simm.s32 $0x14;
	s11 =	simm.s32 @!p3 $0xF000;
	[sflag:s31] =	ssyncset.done $0x0  }
0x74: {  	s0 =	simm.s32 @!p3 $0x680;
	s1 =	simm.s32 @!p3 $0x80;
	[sflag:s31] =	ssyncadd.s32 $0xFFFFE000  }
0x75: {  	[tilespmem:s11], [sflag:$0x6] =	stream.indirect.gather @!p3 [hbm4b:s4+s1], $0x40, s0, s1, $0xb8;
	[tilespmem:$0x1EE00] =	vst v63  }
0x76: {  	s25 =	simm.s32 @!p2 $0x2B80;
	s9 =	simm.s32 $0x10;
	s0 =	simm.s32 @!p2 $0x8  }
0x77: {  	s6 =	simm.s32 $0x13;
	s3 =	simm.s32 $0x12;
	_ =	swait.ge @!p2 [sflag:s0], $0x2000  }
.LBB2_2:
0x78: {  	p3 =	por p1, p1;
	s1 =	simm.s32 @!p1 $0xF;
	[sflag:s0] =	ssyncset.done @!p2 $0x0  }
0x79: {  	s18 =	sadd.s32 $0x8, s18;
	s7 =	simm.s32 $0x1;
	[sflag:s0] =	ssyncadd.s32 @!p2 $0xFFFFE000  }
0x7a: {  	s8 =	simm.s32 $0x2;
	p1 =	sge.u32 s18, s5;
	s11 =	rddreg [dreg:$0x1]  }
0x7b: {  	[spmem:s11] =	stream.indirect.scatter.add.f32 @!p2 [tilespmem:s15], [sflag:$0x10], $0x40, s25, s13, $0xb8;
	[tilespmem:$0x1EE00] =	vst v63  }
0x7c: {  	s0 =	sshra.s32 @!p1 s10, $0x2;
	s2 =	simm.s32 @!p1 $0x11000;
	_ =	swait.ge @!p3 [sflag:s1], $0x2000  }
0x7d: {  	s30 =	simm.s32 @!p1 $0x80;
	s13 =	sadd.s32 @!p1 $0x300, s0;
	[sflag:s1] =	ssyncset.done @!p3 $0x0  }
0x7e: {  	s31 =	sadd.s32 @!p1 $0x2B00, s0;
	s0 =	sshra.s32 s10, $0x2;
	[sflag:s1] =	ssyncadd.s32 @!p3 $0xFFFFE000  }
0x7f: {  	[tilespmem:s2], [sflag:$0x7] =	stream.indirect.gather @!p1 [hbm4b:s4+s30], $0x40, s13, s30, $0xb8;
	[tilespmem:$0x1EE00] =	vst v63  }
0x80: {  	s15 =	simm.s32 $0x5000;
	s13 =	sadd.s32 $0x1, s28;
	_ =	swait.ge [sflag:s7], $0x2000  }
0x81: {  	s14 =	sadd.s32 $0x2800, s0;
	p3 =	sge.u32 s13, s5;
	[sflag:s7] =	ssyncset.done $0x0  }
0x82: {  	s2 =	simm.s32 $0x80;
	s1 =	simm.s32 @!p3 $0x10;
	[sflag:s7] =	ssyncadd.s32 $0xFFFFE000  }
0x83: {  	[spmem:s11] =	stream.indirect.scatter.add.f32 [tilespmem:s15], [sflag:$0x9], $0x40, s14, s2, $0xb8;
	[tilespmem:$0x1EE00] =	vst v63  }
0x84: {  	s17 =	simm.s32 $0x7000;
	p2 =	sge.u32 s21, s5;
	_ =	swait.ge @!p3 [sflag:s1], $0x2000  }
0x85: {  	s13 =	simm.s32 @!p2 $0x80;
	s14 =	sshra.s32 @!p2 s10, $0x2;
	[sflag:s1] =	ssyncset.done @!p3 $0x0  }
0x86: {  	s15 =	simm.s32 @!p2 $0x13000;
	s20 =	sadd.s32 @!p2 $0x380, s14;
	[sflag:s1] =	ssyncadd.s32 @!p3 $0xFFFFE000  }
0x87: {  	[tilespmem:s15], [sflag:$0x8] =	stream.indirect.gather @!p2 [hbm4b:s4+s13], $0x40, s20, s13, $0xb8;
	[tilespmem:$0x1EE00] =	vst v63  }
0x88: {  	p4 =	sge.u32 s16, s5;
	s22 =	sadd.s32 $0x9, s18;
	_ =	swait.ge [sflag:s8], $0x2000  }
0x89: {  	s24 =	sadd.s32 $0xA, s18;
	s21 =	sadd.s32 $0x2880, s0;
	[sflag:s8] =	ssyncset.done $0x0  }
0x8a: {  	s28 =	simm.s32 $0x9;
	p3 =	sge.u32 s9, s5;
	[sflag:s8] =	ssyncadd.s32 $0xFFFFE000  }
0x8b: {  	[spmem:s11] =	stream.indirect.scatter.add.f32 [tilespmem:s17], [sflag:$0xA], $0x40, s21, s2, $0xb8;
	[tilespmem:$0x1EE00] =	vst v63  }
0x8c: {  	s26 =	sadd.s32 $0xB, s18;
	s9 =	sshra.s32 @!p3 s10, $0x2;
	_ =	swait.ge [sflag:s28], $0x2000  }
0x8d: {  	s9 =	sadd.s32 @!p3 $0x400, s9;
	s8 =	simm.s32 @!p3 $0x80;
	[sflag:s28] =	ssyncset.done $0x0  }
0x8e: {  	s21 =	simm.s32 @!p3 $0x5000;
	s17 =	simm.s32 $0x3;
	[sflag:s28] =	ssyncadd.s32 $0xFFFFE000  }
0x8f: {  	[tilespmem:s21], [sflag:$0x1] =	stream.indirect.gather @!p3 [hbm4b:s4+s8], $0x40, s9, s8, $0xb8;
	[tilespmem:$0x1EE00] =	vst v63  }
0x90: {  	s16 =	smov.u32 s26;
	s26 =	simm.s32 $0xA;
	_ =	swait.ge [sflag:s17], $0x2000  }
0x91: {  	s21 =	smov.u32 s22;
	s22 =	sadd.s32 $0x2900, s0;
	[sflag:s17] =	ssyncset.done $0x0  }
0x92: {  	s9 =	smov.u32 s24;
	s24 =	simm.s32 $0x9000;
	[sflag:s17] =	ssyncadd.s32 $0xFFFFE000  }
0x93: {  	[spmem:s11] =	stream.indirect.scatter.add.f32 [tilespmem:s24], [sflag:$0xB], $0x40, s22, s2, $0xb8;
	[tilespmem:$0x1EE00] =	vst v63  }
0x94: {  	s8 =	sshra.s32 @!p4 s10, $0x2;
	_ =	swait.ge [sflag:s26], $0x2000  }
0x95: {  	s8 =	sadd.s32 @!p4 $0x480, s8;
	[sflag:s26] =	ssyncset.done $0x0  }
0x96: {  	s22 =	simm.s32 @!p4 $0x7000;
	s24 =	simm.s32 @!p4 $0x80;
	[sflag:s26] =	ssyncadd.s32 $0xFFFFE000  }
0x97: {  	[tilespmem:s22], [sflag:$0x2] =	stream.indirect.gather @!p4 [hbm4b:s4+s24], $0x40, s8, s24, $0xb8;
	[tilespmem:$0x1EE00] =	vst v63  }
0x98: {  	s8 =	simm.s32 $0x4  }
0x99: {  	s7 =	sadd.s32 $0xC, s18;
	_ =	swait.ge [sflag:s8], $0x2000  }
0x9a: {  	s26 =	simm.s32 $0xB;
	s22 =	sadd.s32 $0x2980, s0;
	[sflag:s8] =	ssyncset.done $0x0  }
0x9b: {  	p4 =	sge.u32 s3, s5;
	s24 =	simm.s32 $0xB000;
	[sflag:s8] =	ssyncadd.s32 $0xFFFFE000  }
0x9c: {  	[spmem:s11] =	stream.indirect.scatter.add.f32 [tilespmem:s24], [sflag:$0xC], $0x40, s22, s2, $0xb8;
	[tilespmem:$0x1EE00] =	vst v63  }
0x9d: {  	s3 =	smov.u32 s7;
	s7 =	sshra.s32 @!p4 s10, $0x2;
	_ =	swait.ge [sflag:s26], $0x2000  }
0x9e: {  	s17 =	simm.s32 $0x5;
	s7 =	sadd.s32 @!p4 $0x500, s7;
	[sflag:s26] =	ssyncset.done $0x0  }
0x9f: {  	s8 =	simm.s32 @!p4 $0x9000;
	s22 =	simm.s32 @!p4 $0x80;
	[sflag:s26] =	ssyncadd.s32 $0xFFFFE000  }
0xa0: {  	[tilespmem:s8], [sflag:$0x3] =	stream.indirect.gather @!p4 [hbm4b:s4+s22], $0x40, s7, s22, $0xb8;
	[tilespmem:$0x1EE00] =	vst v63  }
0xa1: {  	s20 =	sadd.s32 $0xD, s18;
	_ =	swait.ge [sflag:s17], $0x2000  }
0xa2: {  	s24 =	simm.s32 $0xD000;
	s26 =	simm.s32 $0xC;
	[sflag:s17] =	ssyncset.done $0x0  }
0xa3: {  	s22 =	sadd.s32 $0x2A00, s0;
	p4 =	sge.u32 s6, s5;
	[sflag:s17] =	ssyncadd.s32 $0xFFFFE000  }
0xa4: {  	[spmem:s11] =	stream.indirect.scatter.add.f32 [tilespmem:s24], [sflag:$0xD], $0x40, s22, s2, $0xb8;
	[tilespmem:$0x1EE00] =	vst v63  }
0xa5: {  	s6 =	smov.u32 s20;
	s7 =	sshra.s32 @!p4 s10, $0x2;
	_ =	swait.ge [sflag:s26], $0x2000  }
0xa6: {  	s8 =	simm.s32 @!p4 $0xB000;
	s20 =	simm.s32 @!p4 $0x80;
	[sflag:s26] =	ssyncset.done $0x0  }
0xa7: {  	s7 =	sadd.s32 @!p4 $0x580, s7;
	s22 =	simm.s32 $0x6;
	[sflag:s26] =	ssyncadd.s32 $0xFFFFE000  }
0xa8: {  	[tilespmem:s8], [sflag:$0x4] =	stream.indirect.gather @!p4 [hbm4b:s4+s20], $0x40, s7, s20, $0xb8;
	[tilespmem:$0x1EE00] =	vst v63  }
0xa9: {  	s25 =	sadd.s32 @!p2 $0x2B80, s14;
	s14 =	sadd.s32 $0xE, s18;
	_ =	swait.ge [sflag:s22], $0x2000  }
0xaa: {  	s0 =	sadd.s32 $0x2A80, s0;
	s24 =	simm.s32 $0xF000;
	[sflag:s22] =	ssyncset.done $0x0  }
0xab: {  	s26 =	simm.s32 $0xD;
	p4 =	sge.u32 s12, s5;
	[sflag:s22] =	ssyncadd.s32 $0xFFFFE000  }
0xac: {  	[spmem:s11] =	stream.indirect.scatter.add.f32 [tilespmem:s24], [sflag:$0xE], $0x40, s0, s2, $0xb8;
	[tilespmem:$0x1EE00] =	vst v63  }
0xad: {  	s12 =	smov.u32 s14;
	s14 =	simm.s32 @!p1 $0x7;
	_ =	swait.ge [sflag:s26], $0x2000  }
0xae: {  	s7 =	simm.s32 @!p4 $0xD000;
	s0 =	sshra.s32 @!p4 s10, $0x2;
	[sflag:s26] =	ssyncset.done $0x0  }
0xaf: {  	s8 =	simm.s32 @!p4 $0x80;
	s0 =	sadd.s32 @!p4 $0x600, s0;
	[sflag:s26] =	ssyncadd.s32 $0xFFFFE000  }
0xb0: {  	[tilespmem:s7], [sflag:$0x5] =	stream.indirect.gather @!p4 [hbm4b:s4+s8], $0x40, s0, s8, $0xb8;
	[tilespmem:$0x1EE00] =	vst v63  }
0xb1: {  	s23 =	smov.u32 s19;
	_ =	swait.ge @!p1 [sflag:s14], $0x2000  }
0xb2: {  	s19 =	sadd.s32 $0x1000, s19;
	s1 =	sadd.s32 $0xF, s18;
	[sflag:s14] =	ssyncset.done @!p1 $0x0  }
0xb3: {  	p3 =	sne.s32 s19, $0xA000;
	s0 =	simm.s32 @!p1 $0x11000;
	[sflag:s14] =	ssyncadd.s32 @!p1 $0xFFFFE000  }
0xb4: {  	[spmem:s11] =	stream.indirect.scatter.add.f32 @!p1 [tilespmem:s0], [sflag:$0xF], $0x40, s31, s30, $0xb8;
	[tilespmem:$0x1EE00] =	vst v63  }
0xb5: {  	p4 =	sge.u32 s29, s5;
	s29 =	smov.u32 s1;
	s31 =	simm.s32 $0xE  }
.Ltmp0:
0xb6: {  	s7 =	simm.s32 @!p4 $0x80;
	_ =	swait.ge [sflag:s31], $0x2000;
	(pc) =	sbr.rel @p3 .LBB2_2-.Ltmp0, $4  }
0xb7: {  	s8 =	simm.s32 @!p4 $0xF000;
	s0 =	sshra.s32 @!p4 s10, $0x2;
	[sflag:s31] =	ssyncset.done $0x0  }
0xb8: {  	s1 =	sadd.s32 @!p4 $0x680, s0;
	s0 =	simm.s32 @!p2 $0x8;
	[sflag:s31] =	ssyncadd.s32 $0xFFFFE000  }
0xb9: {  	[tilespmem:s8], [sflag:$0x6] =	stream.indirect.gather @!p4 [hbm4b:s4+s7], $0x40, s1, s7, $0xb8;
	[tilespmem:$0x1EE00] =	vst v63  }
0xba: {  	s28 =	smov.u32 s18;
	s10 =	smov.u32 s23;
	_ =	swait.ge @!p2 [sflag:s0], $0x2000  }
0xbb: {  	[sflag:s0] =	ssyncset.done @!p2 $0x0  }
0xbc: {  	s7 =	simm.s32 @!p1 $0xF;
	[sflag:s0] =	ssyncadd.s32 @!p2 $0xFFFFE000  }
0xbd: {  	s1 =	sadd.s32 $0x8, s18;
	s17 =	simm.s32 $0x1;
	s11 =	rddreg [dreg:$0x1]  }
0xbe: {  	[spmem:s11] =	stream.indirect.scatter.add.f32 @!p2 [tilespmem:s15], [sflag:$0x10], $0x40, s25, s13, $0xb8;
	[tilespmem:$0x1EE00] =	vst v63  }
0xbf: {  	s18 =	sadd.s32 $0x1, s28;
	p2 =	sge.u32 s1, s5;
	_ =	swait.ge @!p1 [sflag:s7], $0x2000  }
0xc0: {  	s0 =	sshra.s32 @!p2 s10, $0x2;
	s1 =	simm.s32 @!p2 $0x11000;
	[sflag:s7] =	ssyncset.done @!p1 $0x0  }
0xc1: {  	s13 =	simm.s32 @!p2 $0x80;
	s8 =	sadd.s32 @!p2 $0x300, s0;
	[sflag:s7] =	ssyncadd.s32 @!p1 $0xFFFFE000  }
0xc2: {  	[tilespmem:s1], [sflag:$0x7] =	stream.indirect.gather @!p2 [hbm4b:s4+s13], $0x40, s8, s13, $0xb8;
	[tilespmem:$0x1EE00] =	vst v63  }
0xc3: {  	s19 =	sshra.s32 s10, $0x2;
	s14 =	simm.s32 $0x5000;
	_ =	swait.ge [sflag:s17], $0x2000  }
0xc4: {  	s2 =	simm.s32 $0x80;
	p3 =	sge.u32 s18, s5;
	[sflag:s17] =	ssyncset.done $0x0  }
0xc5: {  	s20 =	sadd.s32 $0x2800, s19;
	s8 =	simm.s32 @!p3 $0x10;
	[sflag:s17] =	ssyncadd.s32 $0xFFFFE000  }
0xc6: {  	[spmem:s11] =	stream.indirect.scatter.add.f32 [tilespmem:s14], [sflag:$0x9], $0x40, s20, s2, $0xb8;
	[tilespmem:$0x1EE00] =	vst v63  }
0xc7: {  	p1 =	sge.u32 s21, s5;
	s21 =	simm.s32 $0x2;
	_ =	swait.ge @!p3 [sflag:s8], $0x2000  }
0xc8: {  	s15 =	simm.s32 @!p1 $0x13000;
	s14 =	sshra.s32 @!p1 s10, $0x2;
	[sflag:s8] =	ssyncset.done @!p3 $0x0  }
0xc9: {  	s18 =	simm.s32 @!p1 $0x80;
	s7 =	sadd.s32 @!p1 $0x380, s14;
	[sflag:s8] =	ssyncadd.s32 @!p3 $0xFFFFE000  }
0xca: {  	[tilespmem:s15], [sflag:$0x8] =	stream.indirect.gather @!p1 [hbm4b:s4+s18], $0x40, s7, s18, $0xb8;
	[tilespmem:$0x1EE00] =	vst v63  }
0xcb: {  	_ =	swait.ge [sflag:s21], $0x2000  }
0xcc: {  	s23 =	simm.s32 $0x7000;
	[sflag:s21] =	ssyncset.done $0x0  }
0xcd: {  	s22 =	sadd.s32 $0x2880, s19;
	s20 =	simm.s32 $0x9;
	[sflag:s21] =	ssyncadd.s32 $0xFFFFE000  }
0xce: {  	[spmem:s11] =	stream.indirect.scatter.add.f32 [tilespmem:s23], [sflag:$0xA], $0x40, s22, s2, $0xb8;
	[tilespmem:$0x1EE00] =	vst v63  }
0xcf: {  	s24 =	simm.s32 $0x3;
	p3 =	sge.u32 s9, s5;
	_ =	swait.ge [sflag:s20], $0x2000  }
0xd0: {  	s7 =	sshra.s32 @!p3 s10, $0x2;
	s8 =	simm.s32 @!p3 $0x5000;
	[sflag:s20] =	ssyncset.done $0x0  }
0xd1: {  	s9 =	simm.s32 @!p3 $0x80;
	s7 =	sadd.s32 @!p3 $0x400, s7;
	[sflag:s20] =	ssyncadd.s32 $0xFFFFE000  }
0xd2: {  	[tilespmem:s8], [sflag:$0x1] =	stream.indirect.gather @!p3 [hbm4b:s4+s9], $0x40, s7, s9, $0xb8;
	[tilespmem:$0x1EE00] =	vst v63  }
0xd3: {  	_ =	swait.ge [sflag:s24], $0x2000  }
0xd4: {  	s26 =	simm.s32 $0x9000;
	[sflag:s24] =	ssyncset.done $0x0  }
0xd5: {  	s28 =	simm.s32 $0xA;
	s25 =	sadd.s32 $0x2900, s19;
	[sflag:s24] =	ssyncadd.s32 $0xFFFFE000  }
0xd6: {  	[spmem:s11] =	stream.indirect.scatter.add.f32 [tilespmem:s26], [sflag:$0xB], $0x40, s25, s2, $0xb8;
	[tilespmem:$0x1EE00] =	vst v63  }
0xd7: {  	s30 =	simm.s32 $0x4;
	p3 =	sge.u32 s16, s5;
	_ =	swait.ge [sflag:s28], $0x2000  }
0xd8: {  	s7 =	sshra.s32 @!p3 s10, $0x2;
	s8 =	simm.s32 @!p3 $0x7000;
	[sflag:s28] =	ssyncset.done $0x0  }
0xd9: {  	s9 =	simm.s32 @!p3 $0x80;
	s7 =	sadd.s32 @!p3 $0x480, s7;
	[sflag:s28] =	ssyncadd.s32 $0xFFFFE000  }
0xda: {  	[tilespmem:s8], [sflag:$0x2] =	stream.indirect.gather @!p3 [hbm4b:s4+s9], $0x40, s7, s9, $0xb8;
	[tilespmem:$0x1EE00] =	vst v63  }
0xdb: {  	_ =	swait.ge [sflag:s30], $0x2000  }
0xdc: {  	s31 =	sadd.s32 $0x2980, s19;
	[sflag:s30] =	ssyncset.done $0x0  }
0xdd: {  	s16 =	simm.s32 $0xB;
	s9 =	simm.s32 $0xB000;
	[sflag:s30] =	ssyncadd.s32 $0xFFFFE000  }
0xde: {  	[spmem:s11] =	stream.indirect.scatter.add.f32 [tilespmem:s9], [sflag:$0xC], $0x40, s31, s2, $0xb8;
	[tilespmem:$0x1EE00] =	vst v63  }
0xdf: {  	s17 =	simm.s32 $0x5;
	p3 =	sge.u32 s3, s5;
	_ =	swait.ge [sflag:s16], $0x2000  }
0xe0: {  	s3 =	sshra.s32 @!p3 s10, $0x2;
	s7 =	simm.s32 @!p3 $0x9000;
	[sflag:s16] =	ssyncset.done $0x0  }
0xe1: {  	s8 =	simm.s32 @!p3 $0x80;
	s3 =	sadd.s32 @!p3 $0x500, s3;
	[sflag:s16] =	ssyncadd.s32 $0xFFFFE000  }
0xe2: {  	[tilespmem:s7], [sflag:$0x3] =	stream.indirect.gather @!p3 [hbm4b:s4+s8], $0x40, s3, s8, $0xb8;
	[tilespmem:$0x1EE00] =	vst v63  }
0xe3: {  	_ =	swait.ge [sflag:s17], $0x2000  }
0xe4: {  	s21 =	simm.s32 $0xD000;
	[sflag:s17] =	ssyncset.done $0x0  }
0xe5: {  	s22 =	simm.s32 $0xC;
	s20 =	sadd.s32 $0x2A00, s19;
	[sflag:s17] =	ssyncadd.s32 $0xFFFFE000  }
0xe6: {  	[spmem:s11] =	stream.indirect.scatter.add.f32 [tilespmem:s21], [sflag:$0xD], $0x40, s20, s2, $0xb8;
	[tilespmem:$0x1EE00] =	vst v63  }
0xe7: {  	s23 =	simm.s32 $0x6;
	p3 =	sge.u32 s6, s5;
	_ =	swait.ge [sflag:s22], $0x2000  }
0xe8: {  	s3 =	sshra.s32 @!p3 s10, $0x2;
	s6 =	simm.s32 @!p3 $0xB000;
	[sflag:s22] =	ssyncset.done $0x0  }
0xe9: {  	s7 =	simm.s32 @!p3 $0x80;
	s3 =	sadd.s32 @!p3 $0x580, s3;
	[sflag:s22] =	ssyncadd.s32 $0xFFFFE000  }
0xea: {  	[tilespmem:s6], [sflag:$0x4] =	stream.indirect.gather @!p3 [hbm4b:s4+s7], $0x40, s3, s7, $0xb8;
	[tilespmem:$0x1EE00] =	vst v63  }
0xeb: {  	_ =	swait.ge [sflag:s23], $0x2000  }
0xec: {  	s24 =	sadd.s32 $0x2A80, s19;
	[sflag:s23] =	ssyncset.done $0x0  }
0xed: {  	s25 =	simm.s32 $0xF000;
	s26 =	simm.s32 $0xD;
	[sflag:s23] =	ssyncadd.s32 $0xFFFFE000  }
0xee: {  	[spmem:s11] =	stream.indirect.scatter.add.f32 [tilespmem:s25], [sflag:$0xE], $0x40, s24, s2, $0xb8;
	[tilespmem:$0x1EE00] =	vst v63  }
0xef: {  	p3 =	sge.u32 s12, s5;
	_ =	swait.ge [sflag:s26], $0x2000  }
0xf0: {  	s3 =	sshra.s32 @!p3 s10, $0x2;
	s6 =	simm.s32 @!p3 $0xD000;
	[sflag:s26] =	ssyncset.done $0x0  }
0xf1: {  	s7 =	simm.s32 @!p3 $0x80;
	s3 =	sadd.s32 @!p3 $0x600, s3;
	[sflag:s26] =	ssyncadd.s32 $0xFFFFE000  }
0xf2: {  	[tilespmem:s6], [sflag:$0x5] =	stream.indirect.gather @!p3 [hbm4b:s4+s7], $0x40, s3, s7, $0xb8;
	[tilespmem:$0x1EE00] =	vst v63  }
0xf3: {  	s3 =	simm.s32 @!p2 $0x7  }
0xf4: {  	_ =	swait.ge @!p2 [sflag:s3], $0x2000  }
0xf5: {  	[sflag:s3] =	ssyncset.done @!p2 $0x0  }
0xf6: {  	s0 =	sadd.s32 @!p2 $0x2B00, s0;
	s28 =	simm.s32 $0xE;
	[sflag:s3] =	ssyncadd.s32 @!p2 $0xFFFFE000  }
0xf7: {  	[spmem:s11] =	stream.indirect.scatter.add.f32 @!p2 [tilespmem:s1], [sflag:$0xF], $0x40, s0, s13, $0xb8;
	[tilespmem:$0x1EE00] =	vst v63  }
0xf8: {  	p2 =	sge.u32 s29, s5;
	_ =	swait.ge [sflag:s28], $0x2000  }
0xf9: {  	s0 =	sshra.s32 @!p2 s10, $0x2;
	s1 =	simm.s32 @!p2 $0x80;
	[sflag:s28] =	ssyncset.done $0x0  }
0xfa: {  	s3 =	simm.s32 @!p2 $0xF000;
	s0 =	sadd.s32 @!p2 $0x680, s0;
	[sflag:s28] =	ssyncadd.s32 $0xFFFFE000  }
0xfb: {  	[tilespmem:s3], [sflag:$0x6] =	stream.indirect.gather @!p2 [hbm4b:s4+s1], $0x40, s0, s1, $0xb8;
	[tilespmem:$0x1EE00] =	vst v63  }
0xfc: {  	s0 =	simm.s32 @!p1 $0x8  }
0xfd: {  	_ =	swait.ge @!p1 [sflag:s0], $0x2000  }
0xfe: {  	[sflag:s0] =	ssyncset.done @!p1 $0x0  }
0xff: {  	[sflag:s0] =	ssyncadd.s32 @!p1 $0xFFFFE000;
	s0 =	sadd.s32 @!p1 $0x2B80, s14  }
0x100: {  	[spmem:s11] =	stream.indirect.scatter.add.f32 @!p1 [tilespmem:s15], [sflag:$0x10], $0x40, s0, s18, $0xb8;
	[tilespmem:$0x1EE00] =	vst v63  }
0x101: {  	s0 =	simm.s32 @!p0 $0xF  }
0x102: {  	_ =	swait.ge @!p0 [sflag:s0], $0x2000  }
0x103: {  	[sflag:s0] =	ssyncset.done @!p0 $0x0  }
0x104: {  	[sflag:s0] =	ssyncadd.s32 @!p0 $0xFFFFE000  }
0x105: {  	[bflag:$0x0] =	sbarrier.arrive $0xFFFF  }
0x106: {  	s29 =	rddreg [dreg:$0x8]  }
0x107: {  	s9 =	rddreg [dreg:$0xa]  }
0x108: {  	s8 =	simm.s32 $0x11;
	s10 =	rddreg [dreg:$0xb]  }
0x109: {  	[hbm:s29], [sflag:s9] =	dma.local [spmem:s10], $0x13C0  }
0x10a: {  	_ =	swait.ge [sflag:s8], $0x13C0  }
0x10b: {  	s30 =	rddreg [dreg:$0xc]  }
0x10c: {  	s31 =	rddreg [dreg:$0x9];
	s1 =	sadd.s32 $0x1, s30  }
0x10d: {  	p1 =	sne.s32 s1, s31  }
.Ltmp1:
0x10e: {  	_ = 	snop;
	(pc) =	sbr.rel @p1 .LBB2_1-.Ltmp1, $3  }
0x10f: {  	_ =	sdelay $0x1  }
0x110: {  	[sflag:s8] =	ssyncset.done $0x0  }
0x111: {  	[sflag:s8] =	ssyncadd.s32 $0xFFFFEC40  }
0x112: {  	_ =	sfence.sel $0x180000  }
0x113: {  	[bflag:$0x0] =	sbarrier.arrive $0xFFFF  }
0x114: {  	_ =	strace $0x9000004A  }
0x115: {  	s0 =	stileid.u32;
	[bflag:$0x2] =	sbarrier.arrive $0xFFFF  }
0x116: {  	p0 =	sne.s32 s0, $0x0;
	s0 =	rddreg [dreg:$0x2]  }
0x117: {  	s0 =	sadd.s32 @!p0 $0x100000, s0  }
0x118: {  	[sflag:s0] =	ssyncadd.tile.s32 @!p0 $0x1;
	_ =	shalt  }
.Lfunc_end2:
_tile_overlayer_lowered:
.L_overlay_start_2:
0x119: {  	(tag) =	ssettag $0x2  }
0x11a: {  	s0 =	rddreg [dreg:$0x0];
	s2 =	stileid.u32  }
0x11b: {  	s1 =	rddreg [dreg:$0x1];
	p0 =	sne.s32 s2, $0x0  }
0x11c: {  	s3 =	rddreg [dreg:$0x2];
	[bflag:$0x3] =	sbarrier.arrive $0xFFFF;
	s2 =	simm.s32 @!p0 $0x1C11  }
0x11d: {  	[timem:s3], [sflag:s2] =	dma.local @!p0 [hbm:s0], s1  }
0x11e: {  	s0 =	simm.s32 @!p0 $0x11  }
0x11f: {  	_ =	swait.ge @!p0 [sflag:s0], s1  }
0x120: {  	s1 =	ssub.s32 @!p0 $0x0, s1;
	[sflag:s0] =	ssyncset.done @!p0 $0x0  }
0x121: {  	[sflag:s0] =	ssyncadd.s32 @!p0 s1  }
0x122: {  	[bflag:$0x3] =	sbarrier.arrive $0xFFFF  }
0x123: {  	_ =	shalt  }

// kernel: kernel.14.cloned.1.call-start
scs
__scs_entry_jumppad:
0x0: {  	(pc) =	sbr.rel $0x88, $3  }
0x1: {  	(tag) =	ssettag $0x0;
	lr =	simm.s32 $0x1  }
0x2: {  	[smem:$0x3F95] =	sst lr;
	_ =	strace $0xD0000000  }
0x3: {  	_ = 	snop  }
0x4: {  	_ = 	snop  }
0x5: {  	_ = 	snop  }
0x6: {  	_ = 	snop  }
0x7: {  	_ = 	snop  }
__scs_overlays_trampoline_lowered:
0x8: {  	[smem:$0x3FA4] =	sst s0  }
0x9: {  	[smem:$0x3FA5] =	sst s1  }
0xa: {  	[smem:$0x3FA6] =	sst s2  }
0xb: {  	[smem:$0x3FA7] =	sst s3  }
0xc: {  	[smem:$0x3FA8] =	sst s4  }
0xd: {  	[smem:$0x3FA9] =	sst s5  }
0xe: {  	[smem:$0x3FAA] =	sst s6  }
0xf: {  	[smem:$0x3FAB] =	sst s7  }
0x10: {  	[smem:$0x3FAC] =	sst s8  }
0x11: {  	[smem:$0x3FAD] =	sst s9;
	s0 =	simm.s32 @!p0 $0x0  }
0x12: {  	s1 =	sld [smem:$0x3F93];
	s0 =	simm.s32 @p0 $0x1  }
0x13: {  	[smem:$0x3FAE] =	sst s0;
	s0 =	simm.s32 @!p1 $0x0  }
0x14: {  	s2 =	sld [smem:$0x3F92];
	s0 =	simm.s32 @p1 $0x1  }
0x15: {  	[smem:$0x3FAF] =	sst s0;
	s0 =	simm.s32 @!p2 $0x0  }
0x16: {  	s3 =	sld [smem:$0x3FDB];
	s0 =	simm.s32 @p2 $0x1  }
0x17: {  	s4 =	simm.s32 $0x1BF5;
	[smem:$0x3FB1] =	sst s0  }
0x18: {  	s0 =	sld [smem:$0x3F94];
	_ =	swait.ge [sflag:s4], $0x0  }
0x19: {  	s7 =	sld [smem:$0x3F95]  }
0x1a: {  	s8 =	sadd.s32 $0xFFFFE003, lr  }
0x1b: {  	s9 =	sadd.s32 $0xFFFFFEF7, lr;
	s5 =	simm.s32 $0xFFFFFFFF;
	p2 =	slt.u32 s8, $0xFFFFF086  }
0x1c: {  	p1 =	slt.u32 s9, $0xF7A;
	s5 =	simm.s32 @!p2 $0x0  }
0x1d: {  	s5 =	simm.s32 @p1 $0x1;
	p0 =	seq.s32 s7, s2  }
0x1e: {  	s7 =	smul.u32 @!p0 $0xF7A, s2;
	p2 =	seq.s32 @!p0 s5, $0x0  }
0x1f: {  	s9 =	smul.u32 $0xF7A, s1;
	s8 =	simm.s32 @!p0 $0x1BF5;
	p2 =	por !p2, p0  }
0x20: {  	[sflag:s8] =	ssyncset.s32 @!p0 $0xFFFFF086;
	s6 =	sadd.s32 @!p0 s3, s7;
	s7 =	simm.s32 @!p0 $0x108  }
0x21: {  	s3 =	sadd.s32 s3, s9;
	s6 =	sadd.s32 @!p0 $0x88, s6;
	s7 =	simm.s32 @p2 $0x1082  }
0x22: {  	[simem:s7], [sflag:s8] =	dma.local @!p0 [hbm:s6], $0xF7A  }
0x23: {  	s9 =	sor.u32 $0xD0000000, s2;
	s6 =	simm.s32 $0x108;
	_ =	swait.ge @!p0 [sflag:s8], $0x0  }
0x24: {  	s3 =	sadd.s32 $0x88, s3;
	s6 =	simm.s32 @!p1 $0x1082;
	[sflag:s4] =	ssyncset.s32 $0xFFFFF086  }
0x25: {  	[simem:s6], [sflag:s4] =	dma.local [hbm:s3], $0xF7A  }
0x26: {  	[smem:$0x3F95] =	sst s1;
	(tag) =	ssettag s2;
	_ =	strace s9  }
0x27: {  	s1 =	sld [smem:$0x3FA5]  }
0x28: {  	s2 =	sld [smem:$0x3FA6]  }
0x29: {  	s4 =	sld [smem:$0x3FA8]  }
0x2a: {  	p0 =	seq.s32 s5, $0x0;
	s5 =	sld [smem:$0x3FA9]  }
0x2b: {  	s6 =	sld [smem:$0x3FAA]  }
0x2c: {  	s7 =	sld [smem:$0x3FAB]  }
0x2d: {  	s3 =	simm.s32 $0x108;
	s8 =	sld [smem:$0x3FAC]  }
0x2e: {  	s3 =	simm.s32 @!p0 $0x1082;
	s9 =	sld [smem:$0x3FAD]  }
0x2f: {  	lr =	sadd.s32 s0, s3;
	s0 =	sld [smem:$0x3FA4]  }
0x30: {  	s3 =	sld [smem:$0x3FA7]  }
0x31: {  	[smem:$0x3FB0] =	sst s10  }
0x32: {  	s10 =	sld [smem:$0x3FAE];
	_ =	sdelay $0x3  }
0x33: {  	p0 =	seq.s32 s10, $0x1;
	s10 =	sld [smem:$0x3FB0];
	_ =	sdelay $0x3  }
0x34: {  	[smem:$0x3FB0] =	sst s10  }
0x35: {  	s10 =	sld [smem:$0x3FAF];
	_ =	sdelay $0x3  }
0x36: {  	p1 =	seq.s32 s10, $0x1;
	s10 =	sld [smem:$0x3FB0];
	_ =	sdelay $0x3  }
0x37: {  	[smem:$0x3FB0] =	sst s10  }
0x38: {  	s10 =	sld [smem:$0x3FB1]  }
0x39: {  	_ = 	snop;
	(pc) =	sbr.ind lr, $3  }
0x3a: {  	_ = 	snop  }
0x3b: {  	_ = 	snop  }
0x3c: {  	p2 =	seq.s32 s10, $0x1;
	s10 =	sld [smem:$0x3FB0]  }
0x3d: {  	_ =	shalt  }
0x3e: {  	_ =	shalt  }
0x3f: {  	_ =	shalt  }
0x40: {  	_ =	shalt  }
0x41: {  	_ =	shalt  }
0x42: {  	_ =	shalt  }
0x43: {  	_ =	shalt  }
0x44: {  	_ =	shalt  }
0x45: {  	_ =	shalt  }
0x46: {  	_ =	shalt  }
0x47: {  	_ =	shalt  }
0x48: {  	_ =	shalt  }
0x49: {  	_ =	shalt  }
0x4a: {  	_ =	shalt  }
0x4b: {  	_ =	shalt  }
0x4c: {  	_ =	shalt  }
0x4d: {  	_ =	shalt  }
0x4e: {  	_ =	shalt  }
0x4f: {  	_ =	shalt  }
0x50: {  	_ =	shalt  }
0x51: {  	_ =	shalt  }
0x52: {  	_ =	shalt  }
0x53: {  	_ =	shalt  }
0x54: {  	_ =	shalt  }
0x55: {  	_ =	shalt  }
0x56: {  	_ =	shalt  }
0x57: {  	_ =	shalt  }
0x58: {  	_ =	shalt  }
0x59: {  	_ =	shalt  }
0x5a: {  	_ =	shalt  }
0x5b: {  	_ =	shalt  }
0x5c: {  	_ =	shalt  }
0x5d: {  	_ =	shalt  }
0x5e: {  	_ =	shalt  }
0x5f: {  	_ =	shalt  }
0x60: {  	_ =	shalt  }
0x61: {  	_ =	shalt  }
0x62: {  	_ =	shalt  }
0x63: {  	_ =	shalt  }
0x64: {  	_ =	shalt  }
0x65: {  	_ =	shalt  }
0x66: {  	_ =	shalt  }
0x67: {  	_ =	shalt  }
0x68: {  	_ =	shalt  }
0x69: {  	_ =	shalt  }
0x6a: {  	_ =	shalt  }
0x6b: {  	_ =	shalt  }
0x6c: {  	_ =	shalt  }
0x6d: {  	_ =	shalt  }
0x6e: {  	_ =	shalt  }
0x6f: {  	_ =	shalt  }
0x70: {  	_ =	shalt  }
0x71: {  	_ =	shalt  }
0x72: {  	_ =	shalt  }
0x73: {  	_ =	shalt  }
0x74: {  	_ =	shalt  }
0x75: {  	_ =	shalt  }
0x76: {  	_ =	shalt  }
0x77: {  	_ =	shalt  }
0x78: {  	_ =	shalt  }
0x79: {  	_ =	shalt  }
0x7a: {  	_ =	shalt  }
0x7b: {  	_ =	shalt  }
0x7c: {  	_ =	shalt  }
0x7d: {  	_ =	shalt  }
0x7e: {  	_ =	shalt  }
0x7f: {  	_ =	shalt  }
0x80: {  	_ =	shalt  }
0x81: {  	_ =	shalt  }
0x82: {  	_ =	shalt  }
0x83: {  	_ =	shalt  }
0x84: {  	_ =	shalt  }
0x85: {  	_ =	shalt  }
0x86: {  	_ =	shalt  }
0x87: {  	_ =	shalt  }
.Lfunc_end0:
.L_simem_size_0:
called_computation.2_lowered:
.L_overlay_start_0:
0x88: {  	s2 =	sld [smem:$0x3FD9]  }
0x89: {  	s3 =	sld [smem:$0x3FFE];
	_ =	sdelay $0x1  }
0x8a: {  	s1 =	srdreg.scid  }
0x8b: {  	s0 =	sand.u32 $0x1, s1  }
0x8c: {  	s16 =	sshll.u32 s0, $0xA;
	s2 =	sadd.s32 s3, s2  }
0x8d: {  	s2 =	sadd.s32 s2, s16  }
0x8e: {  	[smem:$0x3FBC] =	sst s2  }
0x8f: {  	_ = 	snop  }
0x90: {  	(tm) =	ssettm $0x1  }
0x91: {  	s17 =	sld [smem:$0x3FFB];
	_ =	sdelay $0x3  }
0x92: {  	_ =	strace s17  }
0x93: {  	s2 =	sld [smem:$0x3FFC];
	_ =	sdelay $0x3  }
0x94: {  	_ =	strace s2  }
0x95: {  	s2 =	sld [smem:$0x3FFD];
	_ =	sdelay $0x3  }
0x96: {  	_ =	strace s2  }
0x97: {  	_ =	strace $0x8FFFFFFF  }
0x98: {  	s18 =	sld [smem:$0x3FDB];
	_ =	sdelay $0x1  }
0x99: {  	s19 =	simm.s32 $_scs_section_size  }
0x9a: {  	s4 =	simm.s32 $_size__tile_overlayer_lowered;
	s5 =	simm.s32 $_tile_overlayer_lowered  }
0x9b: {  	s22 =	simm.s32 $0x1BFF;
	s21 =	sshll.u32 s5, $0x1;
	s2 =	sadd.s32 s19, s18  }
0x9c: {  	s6 =	simm.s32 $0x0;
	s20 =	sshll.u32 s4, $0x1;
	s4 =	sadd.s32 s21, s2  }
0x9d: {  	[timem:s6], [sflag:s22] =	dma.local [hbm:s4], s20  }
0x9e: {  	_ =	swait.ge [sflag:s22], s20  }
0x9f: {  	s3 =	ssub.s32 $0x0, s20;
	[sflag:s22] =	ssyncset.done $0x0  }
0xa0: {  	[sflag:s22] =	ssyncadd.s32 s3;
	_ =	sdelay $0x1  }
0xa1: {  	s23 =	simm.s32 $0x1B8B  }
0xa2: {  	_ =	swait.ge [sflag:s23], $0x1  }
0xa3: {  	[sflag:s23] =	ssyncset.done $0x0  }
0xa4: {  	s25 =	simm.s32 $0x1B8E;
	s24 =	sld [smem:$0x3FFE];
	[sflag:s23] =	ssyncadd.s32 $0xFFFFFFFF  }
0xa5: {  	s26 =	simm.s32 $execute0_lowered;
	[smem:$0x3FD2] =	sst s25  }
0xa6: {  	s4 =	sshll.u32 s26, $0x1;
	_ =	strace $0x8000004C;
	[dreg:$0x1] =	wrdreg $0xFFFFFFFF  }
0xa7: {  	s28 =	simm.s32 $_size_execute0_lowered;
	s2 =	sadd.s32 s2, s4;
	[dreg:$0x0] =	wrdreg $0x0  }
0xa8: {  	s4 =	sshll.u32 s28, $0x1;
	[dreg:$0x2] =	wrdreg s2  }
0xa9: {  	[dreg:$0x3] =	wrdreg s4  }
0xaa: {  	[dreg:$0x4] =	wrdreg $0xC0  }
0xab: {  	_ =	task [dreg:s6], $0x5FFFF  }
0xac: {  	[dreg:$0x1] =	wrdreg $0xFFFFFFFF  }
0xad: {  	[dreg:$0x0] =	wrdreg $0x60  }
0xae: {  	[dreg:$0x2] =	wrdreg s24  }
0xaf: {  	[dreg:$0x3] =	wrdreg $0x150000  }
0xb0: {  	[dreg:$0x4] =	wrdreg $0x9  }
0xb1: {  	_ =	task.clear_ibuf [dreg:s6], $0x5FFFF;
	_ =	strace $0x9000004C  }
0xb2: {  	s29 =	simm.s32 $0x9;
	_ =	strace $0x8000004E  }
0xb3: {  	_ =	swait.ge [sflag:s29], $0x1  }
0xb4: {  	[sflag:s29] =	ssyncadd.s32 $0xFFFFFFFF  }
0xb5: {  	_ =	strace $0x9000004E  }
0xb6: {  	_ =	sfence  }
0xb7: {  	s30 =	sld [smem:$0x0];
	_ =	sdelay $0x2  }
0xb8: {  	s31 =	sshll.u32 s1, $0xD;
	s1 =	sshrl.u32 s1, $0x2  }
0xb9: {  	s3 =	sand.u32 $0x4000, s31;
	s1 =	sadd.s32 s1, s30  }
0xba: {  	s0 =	sor.u32 s3, s0;
	s1 =	sshll.u32 s1, $0x11  }
0xbb: {  	s0 =	sor.u32 s1, s0  }
0xbc: {  	s0 =	sadd.s32 $0x8F2B, s0  }
0xbd: {  	[sflag:s0] =	ssyncadd.remote.s32 $0x1  }
0xbe: {  	_ =	sfence.sel $0xFFFF  }
0xbf: {  	[dreg:$0x0] =	wrdreg $0xFFFFFFFF;
	(pc) =	sbr.abs _section_cstart, $3  }
0xc0: {  	[dreg:$0x1] =	wrdreg $0xFFFFFFFF  }
0xc1: {  	_ =	task.clear_ibuf [dreg:s6], $0x2FFFF;
	_ =	strace $0x9FFFFFFF  }
0xc2: {  	(tm) =	ssettm $0x7FFFFFFF  }
0xc3: {  	_ =	shalt  }
tec
execute0_lowered:
.L_overlay_start_1:
0x0: {  	(tag) =	ssettag $0x1  }
0x1: {  	s0 =	rddreg [dreg:$0x0]  }
0x2: {  	s2 =	rddreg [dreg:$0x1]  }
0x3: {  	s3 =	simm.s32 $0x0;
	s10 =	stileid.u32;
	s1 =	srdreg.scid  }
0x4: {  	[smem:$0x7FF] =	sst s3;
	s25 =	smul.u32 $0x9E00, s10  }
0x5: {  	s1 =	sand.u32 $0x1, s1;
	s4 =	sadd.s32 $0x16000, s0;
	s6 =	sadd.s32 $0x2600, s0  }
0x6: {  	s28 =	sshll.u32 s10, $0x4;
	s31 =	sshll.u32 s10, $0x6;
	_ =	strace $0x8000004D  }
0x7: {  	s5 =	smul.u32 $0x9E000, s1;
	s7 =	sshll.u32 s1, $0x4;
	s1 =	ssub.s32 $0x2, s1  }
0x8: {  	s8 =	sshrl.u32 s25, $0x3;
	s7 =	sor.u32 s10, s7;
	s26 =	sshrl.u32 s1, $0x1  }
0x9: {  	s3 =	sadd.s32 s25, s2;
	s5 =	sadd.s32 s25, s5;
	s9 =	smul.u32 $0x2700, s7  }
0xa: {  	s8 =	sadd.s32 s8, s0;
	s1 =	ssub.s32 s1, s26;
	s10 =	sshrl.u32 s3, $0x3  }
0xb: {  	s5 =	sshrl.u32 s5, $0x3;
	s29 =	sadd.s32 $0x29A00, s8;
	[dreg:$0xb] =	wrdreg s10  }
0xc: {  	s30 =	smax.u32 s1, $0x1;
	s9 =	sshrl.u32 s9, $0x3;
	[dreg:$0x7] =	wrdreg s29  }
0xd: {  	s0 =	sadd.s32 s5, s0;
	[dreg:$0x9] =	wrdreg s30;
	s11 =	sadd.s32 s6, s9  }
0xe: {  	p0 =	slt.u32 s7, $0x4;
	s0 =	sadd.s32 $0x3D600, s0;
	[dreg:$0x3] =	wrdreg s11  }
0xf: {  	s6 =	sadd.s32 s28, s6;
	s11 =	sadd.s32 $0x9C40, s11;
	[dreg:$0x8] =	wrdreg s0  }
0x10: {  	s8 =	simm.s32 $0x11;
	s9 =	sadd.s32 $0x9C00, s6;
	[dreg:$0x4] =	wrdreg s11  }
0x11: {  	s1 =	simm.s32 $0x0;
	s6 =	sadd.s32 $0x13840, s6;
	[dreg:$0x5] =	wrdreg s9  }
0x12: {  	s5 =	simm.s32 $0x4F;
	[dreg:$0x6] =	wrdreg s6;
	s9 =	sor.u32 $0x1C11, s31  }
0x13: {  	s5 =	simm.s32 @!p0 $0x4E;
	p0 =	sgt.u32 s7, $0x3;
	[dreg:$0xa] =	wrdreg s9  }
.LBB2_1:
0x14: {  	[dreg:$0xc] =	wrdreg s1  }
0x15: {  	s6 =	simm.s32 $0x0;
	s0 =	rddreg [dreg:$0x3]  }
0x16: {  	[tilespmem:s6], [sflag:$0x11] =	stream.linear.gather [hbm4b:s0+s6], $0x2700, $0x38;
	[tilespmem:$0x1EE00] =	vst v63  }
0x17: {  	_ =	swait.ge [sflag:s8], $0x2700  }
0x18: {  	[sflag:s8] =	ssyncset.done $0x0  }
0x19: {  	s18 =	simm.s32 $0x2800;
	s17 =	rddreg [dreg:$0x4];
	[sflag:s8] =	ssyncadd.s32 $0xFFFFD900  }
0x1a: {  	[tilespmem:s18], [sflag:$0x11] =	stream.linear.gather [hbm4b:s17+s6], $0x2700, $0x38;
	[tilespmem:$0x1EE00] =	vst v63  }
0x1b: {  	_ =	swait.ge [sflag:s8], $0x2700  }
0x1c: {  	s1 =	simm.s32 @!p0 $0x2700;
	[sflag:s8] =	ssyncset.done $0x0  }
0x1d: {  	s0 =	simm.s32 @!p0 $0x0;
	s3 =	rddreg [dreg:$0x5];
	[sflag:s8] =	ssyncadd.s32 $0xFFFFD900  }
0x1e: {  	[tilespmem:s1], [sflag:$0x11] =	stream.linear.gather @!p0 [hbm4b:s3+s0], $0x80, $0x38;
	[tilespmem:$0x1EE00] =	vst v63  }
0x1f: {  	s1 =	simm.s32 @!p0 $0x11  }
0x20: {  	_ =	swait.ge @!p0 [sflag:s1], $0x80  }
0x21: {  	[sflag:s1] =	ssyncset.done @!p0 $0x0  }
0x22: {  	s3 =	simm.s32 @!p0 $0x4F00;
	s7 =	rddreg [dreg:$0x6];
	[sflag:s1] =	ssyncadd.s32 @!p0 $0xFFFFFF80  }
0x23: {  	[tilespmem:s3], [sflag:$0x11] =	stream.linear.gather @!p0 [hbm4b:s7+s0], $0x80, $0x38;
	[tilespmem:$0x1EE00] =	vst v63  }
0x24: {  	_ =	swait.ge @!p0 [sflag:s1], $0x80  }
0x25: {  	[sflag:s1] =	ssyncset.done @!p0 $0x0  }
0x26: {  	s19 =	rddreg [dreg:$0x7];
	[sflag:s1] =	ssyncadd.s32 @!p0 $0xFFFFFF80  }
0x27: {  	[spmem:s10], [sflag:s9] =	dma.local [hbm:s19], $0x13C0  }
0x28: {  	_ =	swait.ge [sflag:s8], $0x13C0  }
0x29: {  	[sflag:s8] =	ssyncset.done $0x0  }
0x2a: {  	[sflag:s8] =	ssyncadd.s32 $0xFFFFEC40  }
0x2b: {  	s20 =	simm.s32 $0x5000;
	s2 =	simm.s32 $0x80;
	[bflag:$0x0] =	sbarrier.arrive $0xFFFF  }
0x2c: {  	[tilespmem:s20], [sflag:$0x1] =	stream.indirect.gather [hbm4b:s4+s2], $0x40, s6, s2, $0xb8;
	[tilespmem:$0x1EE00] =	vst v63  }
0x2d: {  	s21 =	simm.s32 $0x7000  }
0x2e: {  	[tilespmem:s21], [sflag:$0x2] =	stream.indirect.gather [hbm4b:s4+s2], $0x40, s2, s2, $0xb8;
	[tilespmem:$0x1EE00] =	vst v63  }
0x2f: {  	s22 =	simm.s32 $0x100;
	s23 =	simm.s32 $0x9000  }
0x30: {  	[tilespmem:s23], [sflag:$0x3] =	stream.indirect.gather [hbm4b:s4+s2], $0x40, s22, s2, $0xb8;
	[tilespmem:$0x1EE00] =	vst v63  }
0x31: {  	s24 =	simm.s32 $0x180;
	s11 =	simm.s32 $0xB000  }
0x32: {  	[tilespmem:s11], [sflag:$0x4] =	stream.indirect.gather [hbm4b:s4+s2], $0x40, s24, s2, $0xb8;
	[tilespmem:$0x1EE00] =	vst v63  }
0x33: {  	s25 =	simm.s32 $0x200;
	s12 =	simm.s32 $0xD000;
	p2 =	sle.u32 s5, $0xFFFFFFFE  }
0x34: {  	[tilespmem:s12], [sflag:$0x5] =	stream.indirect.gather [hbm4b:s4+s2], $0x40, s25, s2, $0xb8;
	[tilespmem:$0x1EE00] =	vst v63  }
0x35: {  	s26 =	simm.s32 $0x280;
	s14 =	simm.s32 $0xF000;
	s3 =	simm.s32 @!p2 $0xF  }
0x36: {  	[tilespmem:s14], [sflag:$0x6] =	stream.indirect.gather [hbm4b:s4+s2], $0x40, s26, s2, $0xb8;
	[tilespmem:$0x1EE00] =	vst v63  }
0x37: {  	p1 =	sle.u32 s5, $0x6;
	_ =	swait.ge @!p2 [sflag:s3], $0x2000  }
0x38: {  	s30 =	simm.s32 $0x1;
	s0 =	simm.s32 @!p1 $0x11000;
	[sflag:s3] =	ssyncset.done @!p2 $0x0  }
0x39: {  	s1 =	simm.s32 @!p1 $0x80;
	s6 =	simm.s32 @!p1 $0x300;
	[sflag:s3] =	ssyncadd.s32 @!p2 $0xFFFFE000  }
0x3a: {  	[tilespmem:s0], [sflag:$0x7] =	stream.indirect.gather @!p1 [hbm4b:s4+s1], $0x40, s6, s1, $0xb8;
	[tilespmem:$0x1EE00] =	vst v63  }
0x3b: {  	_ =	swait.ge [sflag:s30], $0x2000  }
0x3c: {  	[sflag:s30] =	ssyncset.done $0x0  }
0x3d: {  	p3 =	sle.u32 s5, $0xFFFFFFFF;
	[sflag:s30] =	ssyncadd.s32 $0xFFFFE000  }
0x3e: {  	s31 =	simm.s32 $0x2800;
	s6 =	simm.s32 @!p3 $0x10;
	s17 =	rddreg [dreg:$0x1]  }
0x3f: {  	[spmem:s17] =	stream.indirect.scatter.add.f32 [tilespmem:s20], [sflag:$0x9], $0x40, s31, s2, $0xb8;
	[tilespmem:$0x1EE00] =	vst v63  }
0x40: {  	p2 =	sle.u32 s5, $0x7;
	_ =	swait.ge @!p3 [sflag:s6], $0x2000  }
0x41: {  	s15 =	simm.s32 @!p2 $0x13000;
	[sflag:s6] =	ssyncset.done @!p3 $0x0  }
0x42: {  	s3 =	simm.s32 @!p2 $0x380;
	s13 =	simm.s32 @!p2 $0x80;
	[sflag:s6] =	ssyncadd.s32 @!p3 $0xFFFFE000  }
0x43: {  	[tilespmem:s15], [sflag:$0x8] =	stream.indirect.gather @!p2 [hbm4b:s4+s13], $0x40, s3, s13, $0xb8;
	[tilespmem:$0x1EE00] =	vst v63  }
0x44: {  	s3 =	simm.s32 $0x2  }
0x45: {  	_ =	swait.ge [sflag:s3], $0x2000  }
0x46: {  	[sflag:s3] =	ssyncset.done $0x0  }
0x47: {  	s7 =	simm.s32 $0x2880;
	s8 =	simm.s32 $0x9;
	[sflag:s3] =	ssyncadd.s32 $0xFFFFE000  }
0x48: {  	[spmem:s17] =	stream.indirect.scatter.add.f32 [tilespmem:s21], [sflag:$0xA], $0x40, s7, s2, $0xb8;
	[tilespmem:$0x1EE00] =	vst v63  }
0x49: {  	p3 =	sle.u32 s5, $0x8;
	_ =	swait.ge [sflag:s8], $0x2000  }
0x4a: {  	s6 =	simm.s32 @!p3 $0x400;
	[sflag:s8] =	ssyncset.done $0x0  }
0x4b: {  	s9 =	simm.s32 @!p3 $0x80;
	s3 =	simm.s32 @!p3 $0x5000;
	[sflag:s8] =	ssyncadd.s32 $0xFFFFE000  }
0x4c: {  	[tilespmem:s3], [sflag:$0x1] =	stream.indirect.gather @!p3 [hbm4b:s4+s9], $0x40, s6, s9, $0xb8;
	[tilespmem:$0x1EE00] =	vst v63  }
0x4d: {  	s9 =	simm.s32 $0x3  }
0x4e: {  	_ =	swait.ge [sflag:s9], $0x2000  }
0x4f: {  	[sflag:s9] =	ssyncset.done $0x0  }
0x50: {  	s16 =	simm.s32 $0x2900;
	s18 =	simm.s32 $0xA;
	[sflag:s9] =	ssyncadd.s32 $0xFFFFE000  }
0x51: {  	[spmem:s17] =	stream.indirect.scatter.add.f32 [tilespmem:s23], [sflag:$0xB], $0x40, s16, s2, $0xb8;
	[tilespmem:$0x1EE00] =	vst v63  }
0x52: {  	p3 =	sle.u32 s5, $0x9;
	_ =	swait.ge [sflag:s18], $0x2000  }
0x53: {  	s19 =	simm.s32 $0x4;
	s3 =	simm.s32 @!p3 $0x7000;
	[sflag:s18] =	ssyncset.done $0x0  }
0x54: {  	s6 =	simm.s32 @!p3 $0x480;
	s9 =	simm.s32 @!p3 $0x80;
	[sflag:s18] =	ssyncadd.s32 $0xFFFFE000  }
0x55: {  	[tilespmem:s3], [sflag:$0x2] =	stream.indirect.gather @!p3 [hbm4b:s4+s9], $0x40, s6, s9, $0xb8;
	[tilespmem:$0x1EE00] =	vst v63  }
0x56: {  	_ =	swait.ge [sflag:s19], $0x2000  }
0x57: {  	[sflag:s19] =	ssyncset.done $0x0  }
0x58: {  	s20 =	simm.s32 $0x2980;
	s21 =	simm.s32 $0xB;
	[sflag:s19] =	ssyncadd.s32 $0xFFFFE000  }
0x59: {  	[spmem:s17] =	stream.indirect.scatter.add.f32 [tilespmem:s11], [sflag:$0xC], $0x40, s20, s2, $0xb8;
	[tilespmem:$0x1EE00] =	vst v63  }
0x5a: {  	p3 =	sle.u32 s5, $0xA;
	_ =	swait.ge [sflag:s21], $0x2000  }
0x5b: {  	s22 =	simm.s32 $0x5;
	s3 =	simm.s32 @!p3 $0x9000;
	[sflag:s21] =	ssyncset.done $0x0  }
0x5c: {  	s6 =	simm.s32 @!p3 $0x500;
	s9 =	simm.s32 @!p3 $0x80;
	[sflag:s21] =	ssyncadd.s32 $0xFFFFE000  }
0x5d: {  	[tilespmem:s3], [sflag:$0x3] =	stream.indirect.gather @!p3 [hbm4b:s4+s9], $0x40, s6, s9, $0xb8;
	[tilespmem:$0x1EE00] =	vst v63  }
0x5e: {  	_ =	swait.ge [sflag:s22], $0x2000  }
0x5f: {  	[sflag:s22] =	ssyncset.done $0x0  }
0x60: {  	s24 =	simm.s32 $0xC;
	s23 =	simm.s32 $0x2A00;
	[sflag:s22] =	ssyncadd.s32 $0xFFFFE000  }
0x61: {  	[spmem:s17] =	stream.indirect.scatter.add.f32 [tilespmem:s12], [sflag:$0xD], $0x40, s23, s2, $0xb8;
	[tilespmem:$0x1EE00] =	vst v63  }
0x62: {  	p3 =	sle.u32 s5, $0xB;
	_ =	swait.ge [sflag:s24], $0x2000  }
0x63: {  	s25 =	simm.s32 $0x6;
	s3 =	simm.s32 @!p3 $0xB000;
	[sflag:s24] =	ssyncset.done $0x0  }
0x64: {  	s6 =	simm.s32 @!p3 $0x580;
	s9 =	simm.s32 @!p3 $0x80;
	[sflag:s24] =	ssyncadd.s32 $0xFFFFE000  }
0x65: {  	[tilespmem:s3], [sflag:$0x4] =	stream.indirect.gather @!p3 [hbm4b:s4+s9], $0x40, s6, s9, $0xb8;
	[tilespmem:$0x1EE00] =	vst v63  }
0x66: {  	_ =	swait.ge [sflag:s25], $0x2000  }
0x67: {  	s29 =	simm.s32 $0x15;
	[sflag:s25] =	ssyncset.done $0x0  }
0x68: {  	s26 =	simm.s32 $0x2A80;
	s30 =	simm.s32 $0xD;
	[sflag:s25] =	ssyncadd.s32 $0xFFFFE000  }
0x69: {  	[spmem:s17] =	stream.indirect.scatter.add.f32 [tilespmem:s14], [sflag:$0xE], $0x40, s26, s2, $0xb8;
	[tilespmem:$0x1EE00] =	vst v63  }
0x6a: {  	s28 =	simm.s32 $0x6;
	p3 =	sle.u32 s5, $0xC;
	_ =	swait.ge [sflag:s30], $0x2000  }
0x6b: {  	s11 =	simm.s32 @!p1 $0x7;
	s3 =	simm.s32 @!p3 $0xD000;
	[sflag:s30] =	ssyncset.done $0x0  }
0x6c: {  	s6 =	simm.s32 @!p3 $0x600;
	s9 =	simm.s32 @!p3 $0x80;
	[sflag:s30] =	ssyncadd.s32 $0xFFFFE000  }
0x6d: {  	[tilespmem:s3], [sflag:$0x5] =	stream.indirect.gather @!p3 [hbm4b:s4+s9], $0x40, s6, s9, $0xb8;
	[tilespmem:$0x1EE00] =	vst v63  }
0x6e: {  	s10 =	simm.s32 $0x1000;
	s31 =	simm.s32 $0xE;
	_ =	swait.ge @!p1 [sflag:s11], $0x2000  }
0x6f: {  	s16 =	simm.s32 $0x11;
	s18 =	simm.s32 $0x6;
	[sflag:s11] =	ssyncset.done @!p1 $0x0  }
0x70: {  	s19 =	simm.s32 $0x2000;
	s3 =	simm.s32 @!p1 $0x2B00;
	[sflag:s11] =	ssyncadd.s32 @!p1 $0xFFFFE000  }
0x71: {  	[spmem:s17] =	stream.indirect.scatter.add.f32 @!p1 [tilespmem:s0], [sflag:$0xF], $0x40, s3, s1, $0xb8;
	[tilespmem:$0x1EE00] =	vst v63  }
0x72: {  	s21 =	simm.s32 $0xF;
	p3 =	sle.u32 s5, $0xD;
	_ =	swait.ge [sflag:s31], $0x2000  }
0x73: {  	s12 =	simm.s32 $0x14;
	s11 =	simm.s32 @!p3 $0xF000;
	[sflag:s31] =	ssyncset.done $0x0  }
0x74: {  	s0 =	simm.s32 @!p3 $0x680;
	s1 =	simm.s32 @!p3 $0x80;
	[sflag:s31] =	ssyncadd.s32 $0xFFFFE000  }
0x75: {  	[tilespmem:s11], [sflag:$0x6] =	stream.indirect.gather @!p3 [hbm4b:s4+s1], $0x40, s0, s1, $0xb8;
	[tilespmem:$0x1EE00] =	vst v63  }
0x76: {  	s25 =	simm.s32 @!p2 $0x2B80;
	s9 =	simm.s32 $0x10;
	s0 =	simm.s32 @!p2 $0x8  }
0x77: {  	s6 =	simm.s32 $0x13;
	s3 =	simm.s32 $0x12;
	_ =	swait.ge @!p2 [sflag:s0], $0x2000  }
.LBB2_2:
0x78: {  	p3 =	por p1, p1;
	s1 =	simm.s32 @!p1 $0xF;
	[sflag:s0] =	ssyncset.done @!p2 $0x0  }
0x79: {  	s18 =	sadd.s32 $0x8, s18;
	s7 =	simm.s32 $0x1;
	[sflag:s0] =	ssyncadd.s32 @!p2 $0xFFFFE000  }
0x7a: {  	s8 =	simm.s32 $0x2;
	p1 =	sge.u32 s18, s5;
	s11 =	rddreg [dreg:$0x1]  }
0x7b: {  	[spmem:s11] =	stream.indirect.scatter.add.f32 @!p2 [tilespmem:s15], [sflag:$0x10], $0x40, s25, s13, $0xb8;
	[tilespmem:$0x1EE00] =	vst v63  }
0x7c: {  	s0 =	sshra.s32 @!p1 s10, $0x2;
	s2 =	simm.s32 @!p1 $0x11000;
	_ =	swait.ge @!p3 [sflag:s1], $0x2000  }
0x7d: {  	s30 =	simm.s32 @!p1 $0x80;
	s13 =	sadd.s32 @!p1 $0x300, s0;
	[sflag:s1] =	ssyncset.done @!p3 $0x0  }
0x7e: {  	s31 =	sadd.s32 @!p1 $0x2B00, s0;
	s0 =	sshra.s32 s10, $0x2;
	[sflag:s1] =	ssyncadd.s32 @!p3 $0xFFFFE000  }
0x7f: {  	[tilespmem:s2], [sflag:$0x7] =	stream.indirect.gather @!p1 [hbm4b:s4+s30], $0x40, s13, s30, $0xb8;
	[tilespmem:$0x1EE00] =	vst v63  }
0x80: {  	s15 =	simm.s32 $0x5000;
	s13 =	sadd.s32 $0x1, s28;
	_ =	swait.ge [sflag:s7], $0x2000  }
0x81: {  	s14 =	sadd.s32 $0x2800, s0;
	p3 =	sge.u32 s13, s5;
	[sflag:s7] =	ssyncset.done $0x0  }
0x82: {  	s2 =	simm.s32 $0x80;
	s1 =	simm.s32 @!p3 $0x10;
	[sflag:s7] =	ssyncadd.s32 $0xFFFFE000  }
0x83: {  	[spmem:s11] =	stream.indirect.scatter.add.f32 [tilespmem:s15], [sflag:$0x9], $0x40, s14, s2, $0xb8;
	[tilespmem:$0x1EE00] =	vst v63  }
0x84: {  	s17 =	simm.s32 $0x7000;
	p2 =	sge.u32 s21, s5;
	_ =	swait.ge @!p3 [sflag:s1], $0x2000  }
0x85: {  	s13 =	simm.s32 @!p2 $0x80;
	s14 =	sshra.s32 @!p2 s10, $0x2;
	[sflag:s1] =	ssyncset.done @!p3 $0x0  }
0x86: {  	s15 =	simm.s32 @!p2 $0x13000;
	s20 =	sadd.s32 @!p2 $0x380, s14;
	[sflag:s1] =	ssyncadd.s32 @!p3 $0xFFFFE000  }
0x87: {  	[tilespmem:s15], [sflag:$0x8] =	stream.indirect.gather @!p2 [hbm4b:s4+s13], $0x40, s20, s13, $0xb8;
	[tilespmem:$0x1EE00] =	vst v63  }
0x88: {  	p4 =	sge.u32 s16, s5;
	s22 =	sadd.s32 $0x9, s18;
	_ =	swait.ge [sflag:s8], $0x2000  }
0x89: {  	s24 =	sadd.s32 $0xA, s18;
	s21 =	sadd.s32 $0x2880, s0;
	[sflag:s8] =	ssyncset.done $0x0  }
0x8a: {  	s28 =	simm.s32 $0x9;
	p3 =	sge.u32 s9, s5;
	[sflag:s8] =	ssyncadd.s32 $0xFFFFE000  }
0x8b: {  	[spmem:s11] =	stream.indirect.scatter.add.f32 [tilespmem:s17], [sflag:$0xA], $0x40, s21, s2, $0xb8;
	[tilespmem:$0x1EE00] =	vst v63  }
0x8c: {  	s26 =	sadd.s32 $0xB, s18;
	s9 =	sshra.s32 @!p3 s10, $0x2;
	_ =	swait.ge [sflag:s28], $0x2000  }
0x8d: {  	s9 =	sadd.s32 @!p3 $0x400, s9;
	s8 =	simm.s32 @!p3 $0x80;
	[sflag:s28] =	ssyncset.done $0x0  }
0x8e: {  	s21 =	simm.s32 @!p3 $0x5000;
	s17 =	simm.s32 $0x3;
	[sflag:s28] =	ssyncadd.s32 $0xFFFFE000  }
0x8f: {  	[tilespmem:s21], [sflag:$0x1] =	stream.indirect.gather @!p3 [hbm4b:s4+s8], $0x40, s9, s8, $0xb8;
	[tilespmem:$0x1EE00] =	vst v63  }
0x90: {  	s16 =	smov.u32 s26;
	s26 =	simm.s32 $0xA;
	_ =	swait.ge [sflag:s17], $0x2000  }
0x91: {  	s21 =	smov.u32 s22;
	s22 =	sadd.s32 $0x2900, s0;
	[sflag:s17] =	ssyncset.done $0x0  }
0x92: {  	s9 =	smov.u32 s24;
	s24 =	simm.s32 $0x9000;
	[sflag:s17] =	ssyncadd.s32 $0xFFFFE000  }
0x93: {  	[spmem:s11] =	stream.indirect.scatter.add.f32 [tilespmem:s24], [sflag:$0xB], $0x40, s22, s2, $0xb8;
	[tilespmem:$0x1EE00] =	vst v63  }
0x94: {  	s8 =	sshra.s32 @!p4 s10, $0x2;
	_ =	swait.ge [sflag:s26], $0x2000  }
0x95: {  	s8 =	sadd.s32 @!p4 $0x480, s8;
	[sflag:s26] =	ssyncset.done $0x0  }
0x96: {  	s22 =	simm.s32 @!p4 $0x7000;
	s24 =	simm.s32 @!p4 $0x80;
	[sflag:s26] =	ssyncadd.s32 $0xFFFFE000  }
0x97: {  	[tilespmem:s22], [sflag:$0x2] =	stream.indirect.gather @!p4 [hbm4b:s4+s24], $0x40, s8, s24, $0xb8;
	[tilespmem:$0x1EE00] =	vst v63  }
0x98: {  	s8 =	simm.s32 $0x4  }
0x99: {  	s7 =	sadd.s32 $0xC, s18;
	_ =	swait.ge [sflag:s8], $0x2000  }
0x9a: {  	s26 =	simm.s32 $0xB;
	s22 =	sadd.s32 $0x2980, s0;
	[sflag:s8] =	ssyncset.done $0x0  }
0x9b: {  	p4 =	sge.u32 s3, s5;
	s24 =	simm.s32 $0xB000;
	[sflag:s8] =	ssyncadd.s32 $0xFFFFE000  }
0x9c: {  	[spmem:s11] =	stream.indirect.scatter.add.f32 [tilespmem:s24], [sflag:$0xC], $0x40, s22, s2, $0xb8;
	[tilespmem:$0x1EE00] =	vst v63  }
0x9d: {  	s3 =	smov.u32 s7;
	s7 =	sshra.s32 @!p4 s10, $0x2;
	_ =	swait.ge [sflag:s26], $0x2000  }
0x9e: {  	s17 =	simm.s32 $0x5;
	s7 =	sadd.s32 @!p4 $0x500, s7;
	[sflag:s26] =	ssyncset.done $0x0  }
0x9f: {  	s8 =	simm.s32 @!p4 $0x9000;
	s22 =	simm.s32 @!p4 $0x80;
	[sflag:s26] =	ssyncadd.s32 $0xFFFFE000  }
0xa0: {  	[tilespmem:s8], [sflag:$0x3] =	stream.indirect.gather @!p4 [hbm4b:s4+s22], $0x40, s7, s22, $0xb8;
	[tilespmem:$0x1EE00] =	vst v63  }
0xa1: {  	s20 =	sadd.s32 $0xD, s18;
	_ =	swait.ge [sflag:s17], $0x2000  }
0xa2: {  	s24 =	simm.s32 $0xD000;
	s26 =	simm.s32 $0xC;
	[sflag:s17] =	ssyncset.done $0x0  }
0xa3: {  	s22 =	sadd.s32 $0x2A00, s0;
	p4 =	sge.u32 s6, s5;
	[sflag:s17] =	ssyncadd.s32 $0xFFFFE000  }
0xa4: {  	[spmem:s11] =	stream.indirect.scatter.add.f32 [tilespmem:s24], [sflag:$0xD], $0x40, s22, s2, $0xb8;
	[tilespmem:$0x1EE00] =	vst v63  }
0xa5: {  	s6 =	smov.u32 s20;
	s7 =	sshra.s32 @!p4 s10, $0x2;
	_ =	swait.ge [sflag:s26], $0x2000  }
0xa6: {  	s8 =	simm.s32 @!p4 $0xB000;
	s20 =	simm.s32 @!p4 $0x80;
	[sflag:s26] =	ssyncset.done $0x0  }
0xa7: {  	s7 =	sadd.s32 @!p4 $0x580, s7;
	s22 =	simm.s32 $0x6;
	[sflag:s26] =	ssyncadd.s32 $0xFFFFE000  }
0xa8: {  	[tilespmem:s8], [sflag:$0x4] =	stream.indirect.gather @!p4 [hbm4b:s4+s20], $0x40, s7, s20, $0xb8;
	[tilespmem:$0x1EE00] =	vst v63  }
0xa9: {  	s25 =	sadd.s32 @!p2 $0x2B80, s14;
	s14 =	sadd.s32 $0xE, s18;
	_ =	swait.ge [sflag:s22], $0x2000  }
0xaa: {  	s0 =	sadd.s32 $0x2A80, s0;
	s24 =	simm.s32 $0xF000;
	[sflag:s22] =	ssyncset.done $0x0  }
0xab: {  	s26 =	simm.s32 $0xD;
	p4 =	sge.u32 s12, s5;
	[sflag:s22] =	ssyncadd.s32 $0xFFFFE000  }
0xac: {  	[spmem:s11] =	stream.indirect.scatter.add.f32 [tilespmem:s24], [sflag:$0xE], $0x40, s0, s2, $0xb8;
	[tilespmem:$0x1EE00] =	vst v63  }
0xad: {  	s12 =	smov.u32 s14;
	s14 =	simm.s32 @!p1 $0x7;
	_ =	swait.ge [sflag:s26], $0x2000  }
0xae: {  	s7 =	simm.s32 @!p4 $0xD000;
	s0 =	sshra.s32 @!p4 s10, $0x2;
	[sflag:s26] =	ssyncset.done $0x0  }
0xaf: {  	s8 =	simm.s32 @!p4 $0x80;
	s0 =	sadd.s32 @!p4 $0x600, s0;
	[sflag:s26] =	ssyncadd.s32 $0xFFFFE000  }
0xb0: {  	[tilespmem:s7], [sflag:$0x5] =	stream.indirect.gather @!p4 [hbm4b:s4+s8], $0x40, s0, s8, $0xb8;
	[tilespmem:$0x1EE00] =	vst v63  }
0xb1: {  	s23 =	smov.u32 s19;
	_ =	swait.ge @!p1 [sflag:s14], $0x2000  }
0xb2: {  	s19 =	sadd.s32 $0x1000, s19;
	s1 =	sadd.s32 $0xF, s18;
	[sflag:s14] =	ssyncset.done @!p1 $0x0  }
0xb3: {  	p3 =	sne.s32 s19, $0xA000;
	s0 =	simm.s32 @!p1 $0x11000;
	[sflag:s14] =	ssyncadd.s32 @!p1 $0xFFFFE000  }
0xb4: {  	[spmem:s11] =	stream.indirect.scatter.add.f32 @!p1 [tilespmem:s0], [sflag:$0xF], $0x40, s31, s30, $0xb8;
	[tilespmem:$0x1EE00] =	vst v63  }
0xb5: {  	p4 =	sge.u32 s29, s5;
	s29 =	smov.u32 s1;
	s31 =	simm.s32 $0xE  }
.Ltmp0:
0xb6: {  	s7 =	simm.s32 @!p4 $0x80;
	_ =	swait.ge [sflag:s31], $0x2000;
	(pc) =	sbr.rel @p3 .LBB2_2-.Ltmp0, $4  }
0xb7: {  	s8 =	simm.s32 @!p4 $0xF000;
	s0 =	sshra.s32 @!p4 s10, $0x2;
	[sflag:s31] =	ssyncset.done $0x0  }
0xb8: {  	s1 =	sadd.s32 @!p4 $0x680, s0;
	s0 =	simm.s32 @!p2 $0x8;
	[sflag:s31] =	ssyncadd.s32 $0xFFFFE000  }
0xb9: {  	[tilespmem:s8], [sflag:$0x6] =	stream.indirect.gather @!p4 [hbm4b:s4+s7], $0x40, s1, s7, $0xb8;
	[tilespmem:$0x1EE00] =	vst v63  }
0xba: {  	s28 =	smov.u32 s18;
	s10 =	smov.u32 s23;
	_ =	swait.ge @!p2 [sflag:s0], $0x2000  }
0xbb: {  	[sflag:s0] =	ssyncset.done @!p2 $0x0  }
0xbc: {  	s7 =	simm.s32 @!p1 $0xF;
	[sflag:s0] =	ssyncadd.s32 @!p2 $0xFFFFE000  }
0xbd: {  	s1 =	sadd.s32 $0x8, s18;
	s17 =	simm.s32 $0x1;
	s11 =	rddreg [dreg:$0x1]  }
0xbe: {  	[spmem:s11] =	stream.indirect.scatter.add.f32 @!p2 [tilespmem:s15], [sflag:$0x10], $0x40, s25, s13, $0xb8;
	[tilespmem:$0x1EE00] =	vst v63  }
0xbf: {  	s18 =	sadd.s32 $0x1, s28;
	p2 =	sge.u32 s1, s5;
	_ =	swait.ge @!p1 [sflag:s7], $0x2000  }
0xc0: {  	s0 =	sshra.s32 @!p2 s10, $0x2;
	s1 =	simm.s32 @!p2 $0x11000;
	[sflag:s7] =	ssyncset.done @!p1 $0x0  }
0xc1: {  	s13 =	simm.s32 @!p2 $0x80;
	s8 =	sadd.s32 @!p2 $0x300, s0;
	[sflag:s7] =	ssyncadd.s32 @!p1 $0xFFFFE000  }
0xc2: {  	[tilespmem:s1], [sflag:$0x7] =	stream.indirect.gather @!p2 [hbm4b:s4+s13], $0x40, s8, s13, $0xb8;
	[tilespmem:$0x1EE00] =	vst v63  }
0xc3: {  	s19 =	sshra.s32 s10, $0x2;
	s14 =	simm.s32 $0x5000;
	_ =	swait.ge [sflag:s17], $0x2000  }
0xc4: {  	s2 =	simm.s32 $0x80;
	p3 =	sge.u32 s18, s5;
	[sflag:s17] =	ssyncset.done $0x0  }
0xc5: {  	s20 =	sadd.s32 $0x2800, s19;
	s8 =	simm.s32 @!p3 $0x10;
	[sflag:s17] =	ssyncadd.s32 $0xFFFFE000  }
0xc6: {  	[spmem:s11] =	stream.indirect.scatter.add.f32 [tilespmem:s14], [sflag:$0x9], $0x40, s20, s2, $0xb8;
	[tilespmem:$0x1EE00] =	vst v63  }
0xc7: {  	p1 =	sge.u32 s21, s5;
	s21 =	simm.s32 $0x2;
	_ =	swait.ge @!p3 [sflag:s8], $0x2000  }
0xc8: {  	s15 =	simm.s32 @!p1 $0x13000;
	s14 =	sshra.s32 @!p1 s10, $0x2;
	[sflag:s8] =	ssyncset.done @!p3 $0x0  }
0xc9: {  	s18 =	simm.s32 @!p1 $0x80;
	s7 =	sadd.s32 @!p1 $0x380, s14;
	[sflag:s8] =	ssyncadd.s32 @!p3 $0xFFFFE000  }
0xca: {  	[tilespmem:s15], [sflag:$0x8] =	stream.indirect.gather @!p1 [hbm4b:s4+s18], $0x40, s7, s18, $0xb8;
	[tilespmem:$0x1EE00] =	vst v63  }
0xcb: {  	_ =	swait.ge [sflag:s21], $0x2000  }
0xcc: {  	s23 =	simm.s32 $0x7000;
	[sflag:s21] =	ssyncset.done $0x0  }
0xcd: {  	s22 =	sadd.s32 $0x2880, s19;
	s20 =	simm.s32 $0x9;
	[sflag:s21] =	ssyncadd.s32 $0xFFFFE000  }
0xce: {  	[spmem:s11] =	stream.indirect.scatter.add.f32 [tilespmem:s23], [sflag:$0xA], $0x40, s22, s2, $0xb8;
	[tilespmem:$0x1EE00] =	vst v63  }
0xcf: {  	s24 =	simm.s32 $0x3;
	p3 =	sge.u32 s9, s5;
	_ =	swait.ge [sflag:s20], $0x2000  }
0xd0: {  	s7 =	sshra.s32 @!p3 s10, $0x2;
	s8 =	simm.s32 @!p3 $0x5000;
	[sflag:s20] =	ssyncset.done $0x0  }
0xd1: {  	s9 =	simm.s32 @!p3 $0x80;
	s7 =	sadd.s32 @!p3 $0x400, s7;
	[sflag:s20] =	ssyncadd.s32 $0xFFFFE000  }
0xd2: {  	[tilespmem:s8], [sflag:$0x1] =	stream.indirect.gather @!p3 [hbm4b:s4+s9], $0x40, s7, s9, $0xb8;
	[tilespmem:$0x1EE00] =	vst v63  }
0xd3: {  	_ =	swait.ge [sflag:s24], $0x2000  }
0xd4: {  	s26 =	simm.s32 $0x9000;
	[sflag:s24] =	ssyncset.done $0x0  }
0xd5: {  	s28 =	simm.s32 $0xA;
	s25 =	sadd.s32 $0x2900, s19;
	[sflag:s24] =	ssyncadd.s32 $0xFFFFE000  }
0xd6: {  	[spmem:s11] =	stream.indirect.scatter.add.f32 [tilespmem:s26], [sflag:$0xB], $0x40, s25, s2, $0xb8;
	[tilespmem:$0x1EE00] =	vst v63  }
0xd7: {  	s30 =	simm.s32 $0x4;
	p3 =	sge.u32 s16, s5;
	_ =	swait.ge [sflag:s28], $0x2000  }
0xd8: {  	s7 =	sshra.s32 @!p3 s10, $0x2;
	s8 =	simm.s32 @!p3 $0x7000;
	[sflag:s28] =	ssyncset.done $0x0  }
0xd9: {  	s9 =	simm.s32 @!p3 $0x80;
	s7 =	sadd.s32 @!p3 $0x480, s7;
	[sflag:s28] =	ssyncadd.s32 $0xFFFFE000  }
0xda: {  	[tilespmem:s8], [sflag:$0x2] =	stream.indirect.gather @!p3 [hbm4b:s4+s9], $0x40, s7, s9, $0xb8;
	[tilespmem:$0x1EE00] =	vst v63  }
0xdb: {  	_ =	swait.ge [sflag:s30], $0x2000  }
0xdc: {  	s31 =	sadd.s32 $0x2980, s19;
	[sflag:s30] =	ssyncset.done $0x0  }
0xdd: {  	s16 =	simm.s32 $0xB;
	s9 =	simm.s32 $0xB000;
	[sflag:s30] =	ssyncadd.s32 $0xFFFFE000  }
0xde: {  	[spmem:s11] =	stream.indirect.scatter.add.f32 [tilespmem:s9], [sflag:$0xC], $0x40, s31, s2, $0xb8;
	[tilespmem:$0x1EE00] =	vst v63  }
0xdf: {  	s17 =	simm.s32 $0x5;
	p3 =	sge.u32 s3, s5;
	_ =	swait.ge [sflag:s16], $0x2000  }
0xe0: {  	s3 =	sshra.s32 @!p3 s10, $0x2;
	s7 =	simm.s32 @!p3 $0x9000;
	[sflag:s16] =	ssyncset.done $0x0  }
0xe1: {  	s8 =	simm.s32 @!p3 $0x80;
	s3 =	sadd.s32 @!p3 $0x500, s3;
	[sflag:s16] =	ssyncadd.s32 $0xFFFFE000  }
0xe2: {  	[tilespmem:s7], [sflag:$0x3] =	stream.indirect.gather @!p3 [hbm4b:s4+s8], $0x40, s3, s8, $0xb8;
	[tilespmem:$0x1EE00] =	vst v63  }
0xe3: {  	_ =	swait.ge [sflag:s17], $0x2000  }
0xe4: {  	s21 =	simm.s32 $0xD000;
	[sflag:s17] =	ssyncset.done $0x0  }
0xe5: {  	s22 =	simm.s32 $0xC;
	s20 =	sadd.s32 $0x2A00, s19;
	[sflag:s17] =	ssyncadd.s32 $0xFFFFE000  }
0xe6: {  	[spmem:s11] =	stream.indirect.scatter.add.f32 [tilespmem:s21], [sflag:$0xD], $0x40, s20, s2, $0xb8;
	[tilespmem:$0x1EE00] =	vst v63  }
0xe7: {  	s23 =	simm.s32 $0x6;
	p3 =	sge.u32 s6, s5;
	_ =	swait.ge [sflag:s22], $0x2000  }
0xe8: {  	s3 =	sshra.s32 @!p3 s10, $0x2;
	s6 =	simm.s32 @!p3 $0xB000;
	[sflag:s22] =	ssyncset.done $0x0  }
0xe9: {  	s7 =	simm.s32 @!p3 $0x80;
	s3 =	sadd.s32 @!p3 $0x580, s3;
	[sflag:s22] =	ssyncadd.s32 $0xFFFFE000  }
0xea: {  	[tilespmem:s6], [sflag:$0x4] =	stream.indirect.gather @!p3 [hbm4b:s4+s7], $0x40, s3, s7, $0xb8;
	[tilespmem:$0x1EE00] =	vst v63  }
0xeb: {  	_ =	swait.ge [sflag:s23], $0x2000  }
0xec: {  	s24 =	sadd.s32 $0x2A80, s19;
	[sflag:s23] =	ssyncset.done $0x0  }
0xed: {  	s25 =	simm.s32 $0xF000;
	s26 =	simm.s32 $0xD;
	[sflag:s23] =	ssyncadd.s32 $0xFFFFE000  }
0xee: {  	[spmem:s11] =	stream.indirect.scatter.add.f32 [tilespmem:s25], [sflag:$0xE], $0x40, s24, s2, $0xb8;
	[tilespmem:$0x1EE00] =	vst v63  }
0xef: {  	p3 =	sge.u32 s12, s5;
	_ =	swait.ge [sflag:s26], $0x2000  }
0xf0: {  	s3 =	sshra.s32 @!p3 s10, $0x2;
	s6 =	simm.s32 @!p3 $0xD000;
	[sflag:s26] =	ssyncset.done $0x0  }
0xf1: {  	s7 =	simm.s32 @!p3 $0x80;
	s3 =	sadd.s32 @!p3 $0x600, s3;
	[sflag:s26] =	ssyncadd.s32 $0xFFFFE000  }
0xf2: {  	[tilespmem:s6], [sflag:$0x5] =	stream.indirect.gather @!p3 [hbm4b:s4+s7], $0x40, s3, s7, $0xb8;
	[tilespmem:$0x1EE00] =	vst v63  }
0xf3: {  	s3 =	simm.s32 @!p2 $0x7  }
0xf4: {  	_ =	swait.ge @!p2 [sflag:s3], $0x2000  }
0xf5: {  	[sflag:s3] =	ssyncset.done @!p2 $0x0  }
0xf6: {  	s0 =	sadd.s32 @!p2 $0x2B00, s0;
	s28 =	simm.s32 $0xE;
	[sflag:s3] =	ssyncadd.s32 @!p2 $0xFFFFE000  }
0xf7: {  	[spmem:s11] =	stream.indirect.scatter.add.f32 @!p2 [tilespmem:s1], [sflag:$0xF], $0x40, s0, s13, $0xb8;
	[tilespmem:$0x1EE00] =	vst v63  }
0xf8: {  	p2 =	sge.u32 s29, s5;
	_ =	swait.ge [sflag:s28], $0x2000  }
0xf9: {  	s0 =	sshra.s32 @!p2 s10, $0x2;
	s1 =	simm.s32 @!p2 $0x80;
	[sflag:s28] =	ssyncset.done $0x0  }
0xfa: {  	s3 =	simm.s32 @!p2 $0xF000;
	s0 =	sadd.s32 @!p2 $0x680, s0;
	[sflag:s28] =	ssyncadd.s32 $0xFFFFE000  }
0xfb: {  	[tilespmem:s3], [sflag:$0x6] =	stream.indirect.gather @!p2 [hbm4b:s4+s1], $0x40, s0, s1, $0xb8;
	[tilespmem:$0x1EE00] =	vst v63  }
0xfc: {  	s0 =	simm.s32 @!p1 $0x8  }
0xfd: {  	_ =	swait.ge @!p1 [sflag:s0], $0x2000  }
0xfe: {  	[sflag:s0] =	ssyncset.done @!p1 $0x0  }
0xff: {  	[sflag:s0] =	ssyncadd.s32 @!p1 $0xFFFFE000;
	s0 =	sadd.s32 @!p1 $0x2B80, s14  }
0x100: {  	[spmem:s11] =	stream.indirect.scatter.add.f32 @!p1 [tilespmem:s15], [sflag:$0x10], $0x40, s0, s18, $0xb8;
	[tilespmem:$0x1EE00] =	vst v63  }
0x101: {  	s0 =	simm.s32 @!p0 $0xF  }
0x102: {  	_ =	swait.ge @!p0 [sflag:s0], $0x2000  }
0x103: {  	[sflag:s0] =	ssyncset.done @!p0 $0x0  }
0x104: {  	[sflag:s0] =	ssyncadd.s32 @!p0 $0xFFFFE000  }
0x105: {  	[bflag:$0x0] =	sbarrier.arrive $0xFFFF  }
0x106: {  	s29 =	rddreg [dreg:$0x8]  }
0x107: {  	s9 =	rddreg [dreg:$0xa]  }
0x108: {  	s8 =	simm.s32 $0x11;
	s10 =	rddreg [dreg:$0xb]  }
0x109: {  	[hbm:s29], [sflag:s9] =	dma.local [spmem:s10], $0x13C0  }
0x10a: {  	_ =	swait.ge [sflag:s8], $0x13C0  }
0x10b: {  	s30 =	rddreg [dreg:$0xc]  }
0x10c: {  	s31 =	rddreg [dreg:$0x9];
	s1 =	sadd.s32 $0x1, s30  }
0x10d: {  	p1 =	sne.s32 s1, s31  }
.Ltmp1:
0x10e: {  	_ = 	snop;
	(pc) =	sbr.rel @p1 .LBB2_1-.Ltmp1, $3  }
0x10f: {  	_ =	sdelay $0x1  }
0x110: {  	[sflag:s8] =	ssyncset.done $0x0  }
0x111: {  	[sflag:s8] =	ssyncadd.s32 $0xFFFFEC40  }
0x112: {  	_ =	sfence.sel $0x180000  }
0x113: {  	[bflag:$0x0] =	sbarrier.arrive $0xFFFF  }
0x114: {  	_ =	strace $0x9000004D  }
0x115: {  	s0 =	stileid.u32;
	[bflag:$0x2] =	sbarrier.arrive $0xFFFF  }
0x116: {  	p0 =	sne.s32 s0, $0x0;
	s0 =	rddreg [dreg:$0x2]  }
0x117: {  	s0 =	sadd.s32 @!p0 $0x100000, s0  }
0x118: {  	[sflag:s0] =	ssyncadd.tile.s32 @!p0 $0x1;
	_ =	shalt  }
.Lfunc_end2:
_tile_overlayer_lowered:
.L_overlay_start_2:
0x119: {  	(tag) =	ssettag $0x2  }
0x11a: {  	s0 =	rddreg [dreg:$0x0];
	s2 =	stileid.u32  }
0x11b: {  	s1 =	rddreg [dreg:$0x1];
	p0 =	sne.s32 s2, $0x0  }
0x11c: {  	s3 =	rddreg [dreg:$0x2];
	[bflag:$0x3] =	sbarrier.arrive $0xFFFF;
	s2 =	simm.s32 @!p0 $0x1C11  }
0x11d: {  	[timem:s3], [sflag:s2] =	dma.local @!p0 [hbm:s0], s1  }
0x11e: {  	s0 =	simm.s32 @!p0 $0x11  }
0x11f: {  	_ =	swait.ge @!p0 [sflag:s0], s1  }
0x120: {  	s1 =	ssub.s32 @!p0 $0x0, s1;
	[sflag:s0] =	ssyncset.done @!p0 $0x0  }
0x121: {  	[sflag:s0] =	ssyncadd.s32 @!p0 s1  }
0x122: {  	[bflag:$0x3] =	sbarrier.arrive $0xFFFF  }
0x123: {  	_ =	shalt  }

// kernel: kernel.8.cloned.1.call-start
scs
__scs_entry_jumppad:
0x0: {  	(pc) =	sbr.rel $0x88, $3  }
0x1: {  	(tag) =	ssettag $0x0;
	lr =	simm.s32 $0x1  }
0x2: {  	[smem:$0x3F95] =	sst lr;
	_ =	strace $0xD0000000  }
0x3: {  	_ = 	snop  }
0x4: {  	_ = 	snop  }
0x5: {  	_ = 	snop  }
0x6: {  	_ = 	snop  }
0x7: {  	_ = 	snop  }
__scs_overlays_trampoline_lowered:
0x8: {  	[smem:$0x3FA4] =	sst s0  }
0x9: {  	[smem:$0x3FA5] =	sst s1  }
0xa: {  	[smem:$0x3FA6] =	sst s2  }
0xb: {  	[smem:$0x3FA7] =	sst s3  }
0xc: {  	[smem:$0x3FA8] =	sst s4  }
0xd: {  	[smem:$0x3FA9] =	sst s5  }
0xe: {  	[smem:$0x3FAA] =	sst s6  }
0xf: {  	[smem:$0x3FAB] =	sst s7  }
0x10: {  	[smem:$0x3FAC] =	sst s8  }
0x11: {  	[smem:$0x3FAD] =	sst s9;
	s0 =	simm.s32 @!p0 $0x0  }
0x12: {  	s1 =	sld [smem:$0x3F93];
	s0 =	simm.s32 @p0 $0x1  }
0x13: {  	[smem:$0x3FAE] =	sst s0;
	s0 =	simm.s32 @!p1 $0x0  }
0x14: {  	s2 =	sld [smem:$0x3F92];
	s0 =	simm.s32 @p1 $0x1  }
0x15: {  	[smem:$0x3FAF] =	sst s0;
	s0 =	simm.s32 @!p2 $0x0  }
0x16: {  	s3 =	sld [smem:$0x3FDB];
	s0 =	simm.s32 @p2 $0x1  }
0x17: {  	s4 =	simm.s32 $0x1BF5;
	[smem:$0x3FB1] =	sst s0  }
0x18: {  	s0 =	sld [smem:$0x3F94];
	_ =	swait.ge [sflag:s4], $0x0  }
0x19: {  	s7 =	sld [smem:$0x3F95]  }
0x1a: {  	s8 =	sadd.s32 $0xFFFFE003, lr  }
0x1b: {  	s9 =	sadd.s32 $0xFFFFFEF7, lr;
	s5 =	simm.s32 $0xFFFFFFFF;
	p2 =	slt.u32 s8, $0xFFFFF086  }
0x1c: {  	p1 =	slt.u32 s9, $0xF7A;
	s5 =	simm.s32 @!p2 $0x0  }
0x1d: {  	s5 =	simm.s32 @p1 $0x1;
	p0 =	seq.s32 s7, s2  }
0x1e: {  	s7 =	smul.u32 @!p0 $0xF7A, s2;
	p2 =	seq.s32 @!p0 s5, $0x0  }
0x1f: {  	s9 =	smul.u32 $0xF7A, s1;
	s8 =	simm.s32 @!p0 $0x1BF5;
	p2 =	por !p2, p0  }
0x20: {  	[sflag:s8] =	ssyncset.s32 @!p0 $0xFFFFF086;
	s6 =	sadd.s32 @!p0 s3, s7;
	s7 =	simm.s32 @!p0 $0x108  }
0x21: {  	s3 =	sadd.s32 s3, s9;
	s6 =	sadd.s32 @!p0 $0x88, s6;
	s7 =	simm.s32 @p2 $0x1082  }
0x22: {  	[simem:s7], [sflag:s8] =	dma.local @!p0 [hbm:s6], $0xF7A  }
0x23: {  	s9 =	sor.u32 $0xD0000000, s2;
	s6 =	simm.s32 $0x108;
	_ =	swait.ge @!p0 [sflag:s8], $0x0  }
0x24: {  	s3 =	sadd.s32 $0x88, s3;
	s6 =	simm.s32 @!p1 $0x1082;
	[sflag:s4] =	ssyncset.s32 $0xFFFFF086  }
0x25: {  	[simem:s6], [sflag:s4] =	dma.local [hbm:s3], $0xF7A  }
0x26: {  	[smem:$0x3F95] =	sst s1;
	(tag) =	ssettag s2;
	_ =	strace s9  }
0x27: {  	s1 =	sld [smem:$0x3FA5]  }
0x28: {  	s2 =	sld [smem:$0x3FA6]  }
0x29: {  	s4 =	sld [smem:$0x3FA8]  }
0x2a: {  	p0 =	seq.s32 s5, $0x0;
	s5 =	sld [smem:$0x3FA9]  }
0x2b: {  	s6 =	sld [smem:$0x3FAA]  }
0x2c: {  	s7 =	sld [smem:$0x3FAB]  }
0x2d: {  	s3 =	simm.s32 $0x108;
	s8 =	sld [smem:$0x3FAC]  }
0x2e: {  	s3 =	simm.s32 @!p0 $0x1082;
	s9 =	sld [smem:$0x3FAD]  }
0x2f: {  	lr =	sadd.s32 s0, s3;
	s0 =	sld [smem:$0x3FA4]  }
0x30: {  	s3 =	sld [smem:$0x3FA7]  }
0x31: {  	[smem:$0x3FB0] =	sst s10  }
0x32: {  	s10 =	sld [smem:$0x3FAE];
	_ =	sdelay $0x3  }
0x33: {  	p0 =	seq.s32 s10, $0x1;
	s10 =	sld [smem:$0x3FB0];
	_ =	sdelay $0x3  }
0x34: {  	[smem:$0x3FB0] =	sst s10  }
0x35: {  	s10 =	sld [smem:$0x3FAF];
	_ =	sdelay $0x3  }
0x36: {  	p1 =	seq.s32 s10, $0x1;
	s10 =	sld [smem:$0x3FB0];
	_ =	sdelay $0x3  }
0x37: {  	[smem:$0x3FB0] =	sst s10  }
0x38: {  	s10 =	sld [smem:$0x3FB1]  }
0x39: {  	_ = 	snop;
	(pc) =	sbr.ind lr, $3  }
0x3a: {  	_ = 	snop  }
0x3b: {  	_ = 	snop  }
0x3c: {  	p2 =	seq.s32 s10, $0x1;
	s10 =	sld [smem:$0x3FB0]  }
0x3d: {  	_ =	shalt  }
0x3e: {  	_ =	shalt  }
0x3f: {  	_ =	shalt  }
0x40: {  	_ =	shalt  }
0x41: {  	_ =	shalt  }
0x42: {  	_ =	shalt  }
0x43: {  	_ =	shalt  }
0x44: {  	_ =	shalt  }
0x45: {  	_ =	shalt  }
0x46: {  	_ =	shalt  }
0x47: {  	_ =	shalt  }
0x48: {  	_ =	shalt  }
0x49: {  	_ =	shalt  }
0x4a: {  	_ =	shalt  }
0x4b: {  	_ =	shalt  }
0x4c: {  	_ =	shalt  }
0x4d: {  	_ =	shalt  }
0x4e: {  	_ =	shalt  }
0x4f: {  	_ =	shalt  }
0x50: {  	_ =	shalt  }
0x51: {  	_ =	shalt  }
0x52: {  	_ =	shalt  }
0x53: {  	_ =	shalt  }
0x54: {  	_ =	shalt  }
0x55: {  	_ =	shalt  }
0x56: {  	_ =	shalt  }
0x57: {  	_ =	shalt  }
0x58: {  	_ =	shalt  }
0x59: {  	_ =	shalt  }
0x5a: {  	_ =	shalt  }
0x5b: {  	_ =	shalt  }
0x5c: {  	_ =	shalt  }
0x5d: {  	_ =	shalt  }
0x5e: {  	_ =	shalt  }
0x5f: {  	_ =	shalt  }
0x60: {  	_ =	shalt  }
0x61: {  	_ =	shalt  }
0x62: {  	_ =	shalt  }
0x63: {  	_ =	shalt  }
0x64: {  	_ =	shalt  }
0x65: {  	_ =	shalt  }
0x66: {  	_ =	shalt  }
0x67: {  	_ =	shalt  }
0x68: {  	_ =	shalt  }
0x69: {  	_ =	shalt  }
0x6a: {  	_ =	shalt  }
0x6b: {  	_ =	shalt  }
0x6c: {  	_ =	shalt  }
0x6d: {  	_ =	shalt  }
0x6e: {  	_ =	shalt  }
0x6f: {  	_ =	shalt  }
0x70: {  	_ =	shalt  }
0x71: {  	_ =	shalt  }
0x72: {  	_ =	shalt  }
0x73: {  	_ =	shalt  }
0x74: {  	_ =	shalt  }
0x75: {  	_ =	shalt  }
0x76: {  	_ =	shalt  }
0x77: {  	_ =	shalt  }
0x78: {  	_ =	shalt  }
0x79: {  	_ =	shalt  }
0x7a: {  	_ =	shalt  }
0x7b: {  	_ =	shalt  }
0x7c: {  	_ =	shalt  }
0x7d: {  	_ =	shalt  }
0x7e: {  	_ =	shalt  }
0x7f: {  	_ =	shalt  }
0x80: {  	_ =	shalt  }
0x81: {  	_ =	shalt  }
0x82: {  	_ =	shalt  }
0x83: {  	_ =	shalt  }
0x84: {  	_ =	shalt  }
0x85: {  	_ =	shalt  }
0x86: {  	_ =	shalt  }
0x87: {  	_ =	shalt  }
.Lfunc_end0:
.L_simem_size_0:
called_computation_lowered:
.L_overlay_start_0:
0x88: {  	s2 =	sld [smem:$0x3FD9]  }
0x89: {  	s3 =	sld [smem:$0x3FFE];
	_ =	sdelay $0x1  }
0x8a: {  	s1 =	srdreg.scid  }
0x8b: {  	s0 =	sand.u32 $0x1, s1  }
0x8c: {  	s17 =	sshll.u32 s0, $0xA;
	s2 =	sadd.s32 s3, s2  }
0x8d: {  	s2 =	sadd.s32 s2, s17  }
0x8e: {  	[smem:$0x3FBC] =	sst s2  }
0x8f: {  	_ = 	snop  }
0x90: {  	s2 =	sld [smem:$0x3FD0];
	(tm) =	ssettm $0x1  }
0x91: {  	s18 =	sld [smem:$0x3FFB];
	_ =	sdelay $0x3  }
0x92: {  	_ =	strace s18  }
0x93: {  	s3 =	sld [smem:$0x3FFC];
	_ =	sdelay $0x3  }
0x94: {  	_ =	strace s3  }
0x95: {  	s3 =	sld [smem:$0x3FFD];
	_ =	sdelay $0x3  }
0x96: {  	_ =	strace s3  }
0x97: {  	_ =	strace $0x8FFFFFFF  }
0x98: {  	s19 =	sld [smem:$0x3FDB];
	_ =	sdelay $0x1  }
0x99: {  	s4 =	simm.s32 $_scs_section_size  }
0x9a: {  	s5 =	simm.s32 $_size__tile_overlayer_lowered;
	s6 =	simm.s32 $_tile_overlayer_lowered  }
0x9b: {  	s22 =	simm.s32 $0x1BFF;
	s21 =	sshll.u32 s6, $0x1;
	s3 =	sadd.s32 s4, s19  }
0x9c: {  	s7 =	simm.s32 $0x0;
	s20 =	sshll.u32 s5, $0x1;
	s5 =	sadd.s32 s21, s3  }
0x9d: {  	[timem:s7], [sflag:s22] =	dma.local [hbm:s5], s20  }
0x9e: {  	_ =	swait.ge [sflag:s22], s20  }
0x9f: {  	s4 =	ssub.s32 $0x0, s20;
	[sflag:s22] =	ssyncset.done $0x0  }
0xa0: {  	[sflag:s22] =	ssyncadd.s32 s4;
	_ =	sdelay $0x1  }
0xa1: {  	s23 =	simm.s32 $0x1B8B  }
0xa2: {  	_ =	swait.ge [sflag:s23], $0x1  }
0xa3: {  	[sflag:s23] =	ssyncset.done $0x0  }
0xa4: {  	s25 =	simm.s32 $0x1B8E;
	s24 =	sld [smem:$0x3FFE];
	[sflag:s23] =	ssyncadd.s32 $0xFFFFFFFF  }
0xa5: {  	s26 =	simm.s32 $execute0_lowered;
	[smem:$0x3FD2] =	sst s25  }
0xa6: {  	s5 =	sshll.u32 s26, $0x1;
	_ =	strace $0x80000046;
	[dreg:$0x1] =	wrdreg $0xFFFFFFFF  }
0xa7: {  	s28 =	simm.s32 $_size_execute0_lowered;
	s3 =	sadd.s32 s3, s5;
	[dreg:$0x0] =	wrdreg $0x0  }
0xa8: {  	s5 =	sshll.u32 s28, $0x1;
	[dreg:$0x2] =	wrdreg s3  }
0xa9: {  	[dreg:$0x3] =	wrdreg s5  }
0xaa: {  	[dreg:$0x4] =	wrdreg $0xC0  }
0xab: {  	_ =	task [dreg:s7], $0x5FFFF  }
0xac: {  	[dreg:$0x1] =	wrdreg $0xFFFFFFFF  }
0xad: {  	[dreg:$0x0] =	wrdreg $0x60  }
0xae: {  	[dreg:$0x2] =	wrdreg s24  }
0xaf: {  	[dreg:$0x3] =	wrdreg s2  }
0xb0: {  	[dreg:$0x4] =	wrdreg $0x30000  }
0xb1: {  	[dreg:$0x5] =	wrdreg $0x9  }
0xb2: {  	_ =	task.clear_ibuf [dreg:s7], $0x6FFFF;
	_ =	strace $0x90000046  }
0xb3: {  	s29 =	simm.s32 $0x9;
	_ =	strace $0x80000048  }
0xb4: {  	_ =	swait.ge [sflag:s29], $0x1  }
0xb5: {  	[sflag:s29] =	ssyncadd.s32 $0xFFFFFFFF  }
0xb6: {  	_ =	strace $0x90000048  }
0xb7: {  	_ =	sfence  }
0xb8: {  	s30 =	sld [smem:$0x0];
	_ =	sdelay $0x2  }
0xb9: {  	s31 =	sshll.u32 s1, $0xD;
	s1 =	sshrl.u32 s1, $0x2  }
0xba: {  	s3 =	sand.u32 $0x4000, s31;
	s1 =	sadd.s32 s1, s30  }
0xbb: {  	s0 =	sor.u32 s3, s0;
	s1 =	sshll.u32 s1, $0x11  }
0xbc: {  	s0 =	sor.u32 s1, s0  }
0xbd: {  	s0 =	sadd.s32 $0x8F2B, s0  }
0xbe: {  	[sflag:s0] =	ssyncadd.remote.s32 $0x1  }
0xbf: {  	_ =	sfence.sel $0xFFFF  }
0xc0: {  	[dreg:$0x0] =	wrdreg $0xFFFFFFFF;
	(pc) =	sbr.abs _section_cstart, $3  }
0xc1: {  	[dreg:$0x1] =	wrdreg $0xFFFFFFFF  }
0xc2: {  	_ =	task.clear_ibuf [dreg:s7], $0x2FFFF;
	_ =	strace $0x9FFFFFFF  }
0xc3: {  	(tm) =	ssettm $0x7FFFFFFF  }
tec
execute0_lowered:
.L_overlay_start_1:
0x0: {  	(tag) =	ssettag $0x1  }
0x1: {  	s5 =	rddreg [dreg:$0x0]  }
0x2: {  	s8 =	rddreg [dreg:$0x1]  }
0x3: {  	s2 =	rddreg [dreg:$0x2]  }
0x4: {  	s0 =	rddreg [dreg:$0x3]  }
0x5: {  	s4 =	srdreg.scid;
	s3 =	simm.s32 $0x0;
	s1 =	stileid.u32  }
0x6: {  	s15 =	simm.s32 $0x1;
	s16 =	simm.s32 $0x0;
	s6 =	sand.u32 $0x1, s4  }
0x7: {  	[smem:$0x7FF] =	sst s3;
	s7 =	smul.u32 $0x2780, s1;
	s9 =	sadd.s32 $0x2600, s5  }
0x8: {  	s28 =	sshll.u32 s1, $0x4;
	s31 =	sshll.u32 s1, $0x6;
	s4 =	sshll.u32 s6, $0x4  }
0x9: {  	_ =	strace $0x80000047;
	s25 =	ssub.s32 $0x2, s6;
	s6 =	smul.u32 $0x27800, s6  }
0xa: {  	s10 =	sor.u32 s1, s4;
	s11 =	sshrl.u32 s7, $0x3;
	s4 =	sadd.s32 $0x16000, s5  }
0xb: {  	s13 =	sshrl.u32 s25, $0x1;
	s14 =	sadd.s32 s7, s2;
	s12 =	smul.u32 $0x2700, s10  }
0xc: {  	s11 =	sadd.s32 s11, s5;
	s13 =	ssub.s32 s25, s13;
	s29 =	sadd.s32 s7, s6  }
0xd: {  	p0 =	sgt.u32 s10, $0x3;
	s10 =	simm.s32 $0x2;
	s30 =	sshrl.u32 s29, $0x3  }
0xe: {  	s7 =	sadd.s32 $0x16200, s11;
	s11 =	simm.s32 $0x2800;
	s12 =	sshrl.u32 s12, $0x3  }
0xf: {  	s8 =	sadd.s32 s8, s30;
	s26 =	sadd.s32 s9, s12;
	s9 =	sadd.s32 s28, s9  }
0x10: {  	s12 =	sor.u32 $0x1C02, s31;
	s5 =	sadd.s32 $0x9C40, s26;
	s6 =	sadd.s32 $0x13840, s9  }
0x11: {  	s9 =	smax.u32 s13, $0x1;
	s13 =	sshrl.u32 s14, $0x3;
	s14 =	simm.s32 $0x80  }
.LBB2_1:
0x12: {  	[tilespmem:s3], [sflag:$0x2] =	stream.linear.gather [hbm4b:s5+s3], $0x2700, $0x38;
	[tilespmem:$0x5780] =	vst v63  }
0x13: {  	_ =	swait.ge [sflag:s10], $0x2700  }
0x14: {  	[sflag:s10] =	ssyncset.done $0x0  }
0x15: {  	s17 =	simm.s32 @!p0 $0x0;
	s18 =	simm.s32 @!p0 $0x2700;
	[sflag:s10] =	ssyncadd.s32 $0xFFFFD900  }
0x16: {  	[tilespmem:s18], [sflag:$0x2] =	stream.linear.gather @!p0 [hbm4b:s6+s17], $0x80, $0x38;
	[tilespmem:$0x5780] =	vst v63  }
0x17: {  	s17 =	simm.s32 @!p0 $0x2  }
0x18: {  	_ =	swait.ge @!p0 [sflag:s17], $0x80  }
0x19: {  	[sflag:s17] =	ssyncset.done @!p0 $0x0  }
0x1a: {  	[sflag:s17] =	ssyncadd.s32 @!p0 $0xFFFFFF80  }
0x1b: {  	[tilespmem:s11], [sflag:$0x2] =	stream.linear.gather [hbm4b:s4+s3], $0x800, $0x38;
	[tilespmem:$0x5780] =	vst v63  }
0x1c: {  	_ =	swait.ge [sflag:s10], $0x800  }
0x1d: {  	[sflag:s10] =	ssyncset.done $0x0  }
0x1e: {  	[sflag:s10] =	ssyncadd.s32 $0xFFFFF800  }
0x1f: {  	[spmem:s13], [sflag:s12] =	dma.local [hbm:s7], $0x4F0  }
0x20: {  	_ =	swait.ge [sflag:s10], $0x4F0  }
0x21: {  	[sflag:s10] =	ssyncset.done $0x0  }
0x22: {  	[sflag:s10] =	ssyncadd.s32 $0xFFFFFB10  }
0x23: {  	s18 =	simm.s32 $0x0;
	s17 =	simm.s32 $0x200;
	[bflag:$0x0] =	sbarrier.arrive $0xFFFF  }
.LBB2_2:
0x24: {  	[spmem:s2] =	stream.indirect.scatter.add.f32 [tilespmem:s11], [sflag:$0x1], $0x10, s18, s14, $0xb8;
	[tilespmem:$0x5780] =	vst v63  }
0x25: {  	s18 =	smov.u32 s17;
	p1 =	sne.s32 s17, $0x9A00  }
.Ltmp0:
0x26: {  	s17 =	sadd.s32 $0x200, s17;
	(pc) =	sbr.rel @p1 .LBB2_2-.Ltmp0, $2  }
0x27: {  	_ =	sdelay $0x2  }
0x28: {  	s18 =	sshra.s32 s18, $0x2  }
0x29: {  	[spmem:s2] =	stream.indirect.scatter.add.f32 [tilespmem:s11], [sflag:$0x1], $0x10, s18, s14, $0xb8;
	[tilespmem:$0x5780] =	vst v63  }
0x2a: {  	s17 =	simm.s32 @!p0 $0x80;
	s18 =	simm.s32 @!p0 $0x2700;
	s19 =	simm.s32 @!p0 $0x2800  }
0x2b: {  	[spmem:s2] =	stream.indirect.scatter.add.f32 @!p0 [tilespmem:s19], [sflag:$0x1], $0x10, s18, s17, $0xb8;
	[tilespmem:$0x5780] =	vst v63  }
0x2c: {  	_ =	swait.ge [sflag:s15], $0x800  }
0x2d: {  	s17 =	simm.s32 $0x4D;
	[sflag:s15] =	ssyncset.done $0x0  }
.LBB2_4:
0x2e: {  	p1 =	sne.s32 s17, $0x1;
	s17 =	sadd.s32 $0xFFFFFFFF, s17;
	[sflag:s15] =	ssyncadd.s32 $0xFFFFF800  }
.Ltmp1:
0x2f: {  	(pc) =	sbr.rel @p1 .LBB2_4-.Ltmp1, $3  }
0x30: {  	_ =	sdelay $0x1  }
0x31: {  	_ =	swait.ge [sflag:s15], $0x800  }
0x32: {  	[sflag:s15] =	ssyncset.done $0x0  }
0x33: {  	[sflag:s15] =	ssyncadd.s32 $0xFFFFF800;
	s17 =	simm.s32 @!p0 $0x1  }
0x34: {  	_ =	swait.ge @!p0 [sflag:s17], $0x800  }
0x35: {  	s16 =	sadd.s32 $0x1, s16;
	[sflag:s17] =	ssyncset.done @!p0 $0x0  }
0x36: {  	p1 =	sne.s32 s16, s9;
	[sflag:s17] =	ssyncadd.s32 @!p0 $0xFFFFF800  }
.Ltmp2:
0x37: {  	[bflag:$0x0] =	sbarrier.arrive $0xFFFF;
	(pc) =	sbr.rel @p1 .LBB2_1-.Ltmp2, $4  }
0x38: {  	[hbm:s8], [sflag:s12] =	dma.local [spmem:s13], $0x4F0  }
0x39: {  	_ =	swait.ge [sflag:s10], $0x4F0  }
0x3a: {  	[sflag:s10] =	ssyncset.done $0x0  }
0x3b: {  	[sflag:s10] =	ssyncadd.s32 $0xFFFFFB10  }
0x3c: {  	_ =	sfence.sel $0x180000  }
0x3d: {  	[bflag:$0x0] =	sbarrier.arrive $0xFFFF  }
0x3e: {  	p0 =	sne.s32 s1, $0x0;
	_ =	strace $0x90000047  }
0x3f: {  	s0 =	sadd.s32 @!p0 $0x100000, s0;
	[bflag:$0x2] =	sbarrier.arrive $0xFFFF  }
0x40: {  	[sflag:s0] =	ssyncadd.tile.s32 @!p0 $0x1;
	_ =	shalt  }
.Lfunc_end2:
_tile_overlayer_lowered:
.L_overlay_start_2:
0x41: {  	(tag) =	ssettag $0x2  }
0x42: {  	s0 =	rddreg [dreg:$0x0];
	s2 =	stileid.u32  }
0x43: {  	s1 =	rddreg [dreg:$0x1];
	p0 =	sne.s32 s2, $0x0  }
0x44: {  	s3 =	rddreg [dreg:$0x2];
	[bflag:$0x3] =	sbarrier.arrive $0xFFFF;
	s2 =	simm.s32 @!p0 $0x1C02  }
0x45: {  	[timem:s3], [sflag:s2] =	dma.local @!p0 [hbm:s0], s1  }
0x46: {  	s0 =	simm.s32 @!p0 $0x2  }
0x47: {  	_ =	swait.ge @!p0 [sflag:s0], s1  }
0x48: {  	s1 =	ssub.s32 @!p0 $0x0, s1;
	[sflag:s0] =	ssyncset.done @!p0 $0x0  }
0x49: {  	[sflag:s0] =	ssyncadd.s32 @!p0 s1  }
0x4a: {  	[bflag:$0x3] =	sbarrier.arrive $0xFFFF  }
0x4b: {  	_ =	shalt  }

</sc_bundles>
